<compile_context>
chip_gen: v7x
topology: tpu7x:2x2x1
jax: 0.10.2.dev20260603
libtpu: 0.0.44.dev20260713+nightly
codegen_flags: <defaults>
</compile_context>

<pallas_src>
import jax
import jax.numpy as jnp
from jax import lax
from jax.experimental import pallas as pl
from jax.experimental.pallas import tpu as pltpu
from jax.experimental.pallas import tpu_sc as plsc

T_TOK = 4096
D = 256
N_SPANS = 20000
N_PAD = 20480
WMAX = 32
FFNN = 1024
M_SEL = 256
K_ANT = 64
NEG_INF = float("-inf")

_RB = 512
_CH = 128
_BPW = N_PAD // 32


def _tbl_body(cur_ref, nxt_ref, w0a_ref, w0b_ref, b0_ref, wout_ref, bout_ref,
              out_ref):
    cur = cur_ref[:]
    win = jnp.concatenate([cur, nxt_ref[:WMAX]], axis=0)
    a = jnp.dot(cur, w0a_ref[:], preferred_element_type=jnp.float32)
    b = jnp.dot(win, w0b_ref[:], preferred_element_type=jnp.float32)
    for w in range(WMAX):
        h = jnp.maximum(a + b[w:_RB + w] + b0_ref[:], 0.0)
        c = jnp.dot(h, wout_ref[:], preferred_element_type=jnp.float32)
        out_ref[:, w] = c[:, 0] + bout_ref[0]


def _score_table(tokens_embed, w0, b0, wout, bout):
    tokpad = jnp.concatenate(
        [tokens_embed, jnp.zeros((_RB, D), jnp.float32)], axis=0)
    return pl.pallas_call(
        _tbl_body,
        grid=(T_TOK // _RB,),
        in_specs=[
            pl.BlockSpec((_RB, D), lambda j: (j, 0)),
            pl.BlockSpec((_RB, D), lambda j: (j + 1, 0)),
            pl.BlockSpec((D, FFNN), lambda j: (0, 0)),
            pl.BlockSpec((D, FFNN), lambda j: (0, 0)),
            pl.BlockSpec((1, FFNN), lambda j: (0, 0)),
            pl.BlockSpec((FFNN, 1), lambda j: (0, 0)),
            pl.BlockSpec(memory_space=pltpu.SMEM),
        ],
        out_specs=pl.BlockSpec((_RB, WMAX), lambda j: (j, 0)),
        out_shape=jax.ShapeDtypeStruct((T_TOK, WMAX), jnp.float32),
        compiler_params=pltpu.CompilerParams(
            vmem_limit_bytes=50 * 1024 * 1024),
    )(tokpad, tokpad, w0[:D], w0[D:], b0.reshape(1, FFNN), wout, bout)


def _sc_score_body(s_hbm, w_hbm, tbl_hbm, out_hbm, sv, wv, fidx, ov, gsem):
    nc = plsc.get_sparse_core_info().num_cores
    wid = lax.axis_index("s") * nc + lax.axis_index("c")
    base = wid * _BPW
    pltpu.sync_copy(s_hbm.at[pl.ds(base, _BPW)], sv)
    pltpu.sync_copy(w_hbm.at[pl.ds(base, _BPW)], wv)
    for ii in range(_BPW // 16):
        sl = pl.ds(ii * 16, 16)
        fidx[sl] = sv[sl] * WMAX + wv[sl]
    cops = [
        pltpu.async_copy(
            tbl_hbm.at[fidx.at[pl.ds(c * _CH, _CH)]],
            ov.at[pl.ds(c * _CH, _CH)], gsem)
        for c in range(_BPW // _CH)
    ]
    for cp in cops:
        cp.wait()
    pltpu.sync_copy(ov, out_hbm.at[pl.ds(base, _BPW)])


def _sc_scores(starts_pad, widths_pad, tbl_flat):
    mesh = plsc.VectorSubcoreMesh(core_axis_name="c", subcore_axis_name="s")
    f = pl.kernel(
        _sc_score_body,
        out_type=jax.ShapeDtypeStruct((N_PAD,), jnp.float32),
        mesh=mesh,
        scratch_types=[pltpu.VMEM((_BPW,), jnp.int32),
                       pltpu.VMEM((_BPW,), jnp.int32),
                       pltpu.VMEM((_BPW,), jnp.int32),
                       pltpu.VMEM((_BPW,), jnp.float32),
                       pltpu.SemaphoreType.DMA],
    )
    return f(starts_pad, widths_pad, tbl_flat)


def _nms_body(s_ref, e_ref, idx_ref, sc_ref, m_ref,
              ids_out, s_out, e_out, sc_out):
    m = m_ref[0]
    lane = lax.broadcasted_iota(jnp.int32, (1, M_SEL), 1)

    def put(vec, t, x, on):
        return jnp.where(on & (lane == t), x, vec)

    def cond1(c):
        i, t = c[0], c[1]
        return (i < N_SPANS) & (t < m)

    def body1(c):
        i, t, ts, te, pos, ids, os_, oe, osc = c
        s = s_ref[i]
        e = e_ref[i]
        cross = (((s < ts) & (e < te) & (e >= ts))
                 | ((s > ts) & (s <= te) & (e > te)))
        ok = jnp.logical_not(jnp.any(cross))
        ts = put(ts, t, s, ok)
        te = put(te, t, e, ok)
        pos = put(pos, t, i, ok)
        ids = put(ids, t, idx_ref[i], ok)
        os_ = put(os_, t, s, ok)
        oe = put(oe, t, e, ok)
        osc = put(osc, t, sc_ref[i], ok)
        return i + 1, t + ok.astype(jnp.int32), ts, te, pos, ids, os_, oe, osc

    zi = jnp.zeros((1, M_SEL), jnp.int32)
    zf = jnp.zeros((1, M_SEL), jnp.float32)
    c = (jnp.int32(0), jnp.int32(0), zi, zi, zi - 1, zi, zi, zi, zf)
    c = lax.while_loop(cond1, body1, c)
    _, t, ts, te, pos, ids, os_, oe, osc = c

    def cond2(c):
        j, t = c[0], c[1]
        return (j < N_SPANS) & (t < m)

    def body2(c):
        j, t, ids, os_, oe, osc = c
        take = jnp.logical_not(jnp.any(pos == j))
        ids = put(ids, t, idx_ref[j], take)
        os_ = put(os_, t, s_ref[j], take)
        oe = put(oe, t, e_ref[j], take)
        osc = put(osc, t, sc_ref[j], take)
        return j + 1, t + take.astype(jnp.int32), ids, os_, oe, osc

    c2 = lax.while_loop(cond2, body2,
                        (jnp.int32(0), t, ids, os_, oe, osc))
    _, _, ids, os_, oe, osc = c2
    ids_out[:] = ids
    s_out[:] = os_
    e_out[:] = oe
    sc_out[:] = osc


def _nms(sorted_s, sorted_e, sorted_idx, sorted_sc, m):
    smem = pl.BlockSpec(memory_space=pltpu.SMEM)
    oshape = jax.ShapeDtypeStruct((1, M_SEL), jnp.int32)
    return pl.pallas_call(
        _nms_body,
        in_specs=[smem] * 5,
        out_specs=[pl.BlockSpec((1, M_SEL), lambda: (0, 0))] * 4,
        out_shape=[oshape, oshape, oshape,
                   jax.ShapeDtypeStruct((1, M_SEL), jnp.float32)],
    )(sorted_s, sorted_e, sorted_idx, sorted_sc,
      jnp.full((1,), m, jnp.int32))


def _c2f_body(ea_ref, eb_ref, w_ref, cb_ref, sc_ref, k_ref,
              val_out, idx_out, off_out):
    emb = jnp.concatenate([ea_ref[:], eb_ref[:]], axis=1)
    src = (jnp.dot(emb, w_ref[:], preferred_element_type=jnp.float32)
           + cb_ref[:])
    g = lax.dot_general(src, emb, (((1,), (1,)), ((), ())),
                        preferred_element_type=jnp.float32)
    row = lax.broadcasted_iota(jnp.int32, (M_SEL, M_SEL), 0)
    col = lax.broadcasted_iota(jnp.int32, (M_SEL, M_SEL), 1)
    allv = jnp.where(col < row, g, NEG_INF)

    lane_k = lax.broadcasted_iota(jnp.int32, (M_SEL, K_ANT), 1)
    vals = jnp.zeros((M_SEL, K_ANT), jnp.float32)
    idxs = jnp.zeros((M_SEL, K_ANT), jnp.int32)
    used = jnp.zeros((M_SEL, M_SEL), jnp.bool_)
    for kk in range(50):
        cand = jnp.where(used, NEG_INF, allv)
        mx = jnp.max(cand, axis=1, keepdims=True)
        hit = (cand == mx) & jnp.logical_not(used)
        idxj = jnp.min(jnp.where(hit, col, 1 << 30), axis=1, keepdims=True)
        used = used | (col == idxj)
        vals = jnp.where(lane_k == kk, mx, vals)
        idxs = jnp.where(lane_k == kk, idxj, idxs)

    ts = sc_ref[:]
    vals = jnp.where(vals == NEG_INF, NEG_INF, vals + ts)
    vals = jnp.where(lane_k < k_ref[0], vals, NEG_INF)
    rowk = lax.broadcasted_iota(jnp.int32, (M_SEL, K_ANT), 0)
    val_out[:] = vals
    idx_out[:] = idxs
    off_out[:] = rowk - idxs


def _c2f_topk(emb_a, emb_b, w, cb, top_score_col, k):
    return pl.pallas_call(
        _c2f_body,
        in_specs=[pl.BlockSpec((M_SEL, D), lambda: (0, 0)),
                  pl.BlockSpec((M_SEL, D), lambda: (0, 0)),
                  pl.BlockSpec((2 * D, 2 * D), lambda: (0, 0)),
                  pl.BlockSpec((1, 2 * D), lambda: (0, 0)),
                  pl.BlockSpec((M_SEL, 1), lambda: (0, 0)),
                  pl.BlockSpec(memory_space=pltpu.SMEM)],
        out_shape=[
            jax.ShapeDtypeStruct((M_SEL, K_ANT), jnp.float32),
            jax.ShapeDtypeStruct((M_SEL, K_ANT), jnp.int32),
            jax.ShapeDtypeStruct((M_SEL, K_ANT), jnp.int32),
        ],
    )(emb_a, emb_b, w, cb, top_score_col,
      jnp.full((1,), k, jnp.int32))


def kernel(tokens_embed, spans_start, spans_width, m, k,
           Sm_W0, Sm_b0, Sm_Wout, Sm_bout, c2f_W, c2f_b):
    spans_start = spans_start.astype(jnp.int32)
    spans_width = spans_width.astype(jnp.int32)
    spans_end = spans_start + spans_width
    starts_pad = jnp.pad(spans_start, (0, N_PAD - N_SPANS))
    widths_pad = jnp.pad(spans_width, (0, N_PAD - N_SPANS))

    tbl = _score_table(tokens_embed, Sm_W0, Sm_b0, Sm_Wout, Sm_bout)
    scores = _sc_scores(starts_pad, widths_pad,
                        tbl.reshape(T_TOK * WMAX))[:N_SPANS]

    iota = lax.iota(jnp.int32, N_SPANS)
    _, order, sorted_s, sorted_e, sorted_sc = lax.sort(
        (-scores, iota, spans_start, spans_end, scores),
        dimension=0, is_stable=True, num_keys=1)

    ids, sel_s, sel_e, sel_sc = _nms(sorted_s, sorted_e, order, sorted_sc, m)

    emb_a = jnp.take(tokens_embed, sel_s.reshape(-1), axis=0)
    emb_b = jnp.take(tokens_embed, sel_e.reshape(-1), axis=0)

    vals, idxs, offs = _c2f_topk(
        emb_a, emb_b, c2f_W, c2f_b.reshape(1, 2 * D),
        sel_sc.reshape(M_SEL, 1), k)
    return vals[:, :50], idxs[:, :50], offs[:, :50]

# --- scband reference (transcript-rebuilt; emitter-appended) ---
"""Pipeline reference for scband-coref-model-30597347016853 (READ-ONLY COPY).

The authoritative reference and input builder live on the scoring server;
editing this copy changes nothing except your own understanding.
"""

import jax, jax.numpy as jnp
import numpy as np


def _extract_spans(scores, starts, ends, m, M):
    # Greedy NMS-style selection of top-M non-crossing spans (CorefModel.extract_spans)
    n = scores.shape[0]
    order = jnp.argsort(-scores)
    top_starts0 = jnp.zeros((M,), dtype=starts.dtype)
    top_ends0 = jnp.zeros((M,), dtype=starts.dtype)
    sel0 = jnp.zeros((M,), dtype=jnp.int32)
    selected0 = jnp.zeros((n,), dtype=bool)
    t0 = jnp.zeros((), dtype=jnp.int32)

    def body1(i, carry):
        t, ts, te, sel, selm = carry
        si = order[i]
        s = starts[si]
        e = ends[si]
        cross = ((s < ts) & (e < te) & (e >= ts)) | ((s > ts) & (s <= te) & (e > te))
        accept = (~jnp.any(cross)) & (t < m)
        idx = jnp.minimum(t, M - 1)
        ts = ts.at[idx].set(jnp.where(accept, s, ts[idx]))
        te = te.at[idx].set(jnp.where(accept, e, te[idx]))
        sel = sel.at[idx].set(jnp.where(accept, si.astype(sel.dtype), sel[idx]))
        selm = selm.at[si].set(selm[si] | accept)
        t = t + accept.astype(t.dtype)
        return t, ts, te, sel, selm

    t, ts, te, sel, selm = jax.lax.fori_loop(
        0, n, body1, (t0, top_starts0, top_ends0, sel0, selected0))

    def body2(j, carry):
        t, sel, selm = carry
        si = order[j % n]
        take = (t < m) & (~selm[si])
        idx = jnp.minimum(t, M - 1)
        sel = sel.at[idx].set(jnp.where(take, si.astype(sel.dtype), sel[idx]))
        selm = selm.at[si].set(selm[si] | take)
        t = t + take.astype(t.dtype)
        return t, sel, selm

    t, sel, selm = jax.lax.fori_loop(0, n, body2, (t, sel, selm))
    return sel


def setup_inputs(seed: int = 0):
    key = jax.random.key(seed)
    ks = jax.random.split(key, 8)
    T, D, N = 4096, 256, 20000
    ffnn = 1024
    span_dim = 2 * D
    tokens_embed = jax.random.normal(ks[0], (T, D), dtype=jnp.float32)
    spans_start = jax.random.randint(ks[1], (N,), 0, 4065)
    spans_width = jax.random.randint(ks[2], (N,), 0, 30)
    Sm_W0 = jax.random.normal(ks[3], (span_dim, ffnn), dtype=jnp.float32) * 0.02
    Sm_b0 = jnp.zeros((ffnn,), dtype=jnp.float32)
    Sm_Wout = jax.random.normal(ks[4], (ffnn, 1), dtype=jnp.float32) * 0.02
    Sm_bout = jnp.zeros((1,), dtype=jnp.float32)
    c2f_W = jax.random.normal(ks[5], (span_dim, span_dim), dtype=jnp.float32) * 0.02
    c2f_b = jnp.zeros((span_dim,), dtype=jnp.float32)
    return {"tokens_embed": tokens_embed, "spans_start": spans_start, "spans_width": spans_width, "m": 256, "k": 50, "Sm_W0": Sm_W0, "Sm_b0": Sm_b0, "Sm_Wout": Sm_Wout, "Sm_bout": Sm_bout, "c2f_W": c2f_W, "c2f_b": c2f_b}


def reference(tokens_embed, spans_start, spans_width, m, k, Sm_W0, Sm_b0, Sm_Wout, Sm_bout, c2f_W, c2f_b):
    M = 256  # static value always passed as m; m itself stays consumed in the selection loops
    K = 50   # static value always passed as k; k itself stays consumed in the keep mask below
    spans_end = spans_start + spans_width
    # get_span_embed (use_features=False, model_heads=False): concat of start/end token embeds
    start_embed = jnp.take(tokens_embed, spans_start, axis=0)
    end_embed = jnp.take(tokens_embed, spans_end, axis=0)
    spans_embed = jnp.concatenate([start_embed, end_embed], axis=1)
    # mention score FFNN Sm (depth 1, eval mode so dropout is identity)
    h = jax.nn.relu(spans_embed @ Sm_W0 + Sm_b0)
    spans_score = (h @ Sm_Wout + Sm_bout).reshape(-1)
    # extract_spans: greedy NMS over crossing spans
    top_idx = _extract_spans(spans_score, spans_start, spans_end, m, M)
    top_embed = jnp.take(spans_embed, top_idx, axis=0)
    top_score = jnp.take(spans_score, top_idx).reshape(-1, 1)
    # coarse_to_fine_pruning: antecedent mask (strictly earlier spans visible)
    mask = jnp.tril(jnp.ones((M, M), dtype=bool), -1)
    all_score = jnp.where(mask, 0.0, -jnp.inf) + top_score
    src = top_embed @ c2f_W + c2f_b
    all_score = all_score + src @ top_embed.T
    top_ant_score, top_ant_idx = jax.lax.top_k(all_score, K)
    keep = jnp.arange(K) < k
    top_ant_score = jnp.where(keep, top_ant_score, -jnp.inf)
    offsets = jnp.arange(M)[:, None] - jnp.arange(M)[None, :]
    top_ant_offset = jnp.take_along_axis(offsets, top_ant_idx, axis=1)
    return top_ant_score, top_ant_idx, top_ant_offset

if __name__ == "__main__":
    import jax
    _d = setup_inputs()
    print(jax.jit(kernel)(*tuple(_d.values())))

</pallas_src>

<mosaic_0001>
#map = affine_map<(d0, d1) -> (0)>
module attributes {stable_mosaic.version = 14 : i64} {
  func.func @_sc_score_body(%arg0: i32, %arg1: i32, %arg2: memref<20480xi32, #tpu.memory_space<hbm>>, %arg3: memref<20480xi32, #tpu.memory_space<hbm>>, %arg4: memref<131072xf32, #tpu.memory_space<hbm>>, %arg5: memref<20480xf32, #tpu.memory_space<hbm>>, %arg6: memref<640xi32, #tpu.memory_space<vmem>>, %arg7: memref<640xi32, #tpu.memory_space<vmem>>, %arg8: memref<640xi32, #tpu.memory_space<vmem>>, %arg9: memref<640xf32, #tpu.memory_space<vmem>>, %arg10: memref<!tpu.dma_semaphore, #tpu.memory_space<semaphore_mem>>) attributes {dimension_semantics = [#tpu.dimension_semantics<core_parallel>, #tpu.dimension_semantics<subcore_parallel>], iteration_bounds = array<i64: 2, 16>, scalar_prefetch = 0 : i64, scratch_operands = 5 : i64, tpu.core_type = #tpu.core_type<sc_vector_subcore>, window_params = [{transform_indices = #map}, {transform_indices = #map}, {transform_indices = #map}, {transform_indices = #map}]} {
    %mul3A = arith.constant 2 : i32
    %mul3A_0 = arith.muli %arg1, %mul3A : i32
    %add3A = arith.addi %mul3A_0, %arg0 : i32
    %mul3A_1 = arith.constant 640 : i32
    %mul3A_2 = arith.muli %add3A, %mul3A_1 : i32
    "tpu.region"() ({
      %run_scoped3A = tpu.sem_alloc : memref<!tpu.dma_semaphore, #tpu.memory_space<semaphore_mem>>
      %dma_start3A_619 = tpu.memref_slice %arg2[%mul3A_2] : memref<20480xi32, #tpu.memory_space<hbm>> -> memref<640xi32, #tpu.memory_space<hbm>>
      %dma_start3A_620 = tpu.memref_slice %arg2[%mul3A_2] : memref<20480xi32, #tpu.memory_space<hbm>> -> memref<640xi32, #tpu.memory_space<hbm>>
      tpu.enqueue_dma source(%dma_start3A_620 : memref<640xi32, #tpu.memory_space<hbm>>) target(%arg6 : memref<640xi32, #tpu.memory_space<vmem>>) target_semaphore(%run_scoped3A : memref<!tpu.dma_semaphore, #tpu.memory_space<semaphore_mem>>)
      %dma_wait3A_621 = tpu.memref_slice %arg2[%mul3A_2] : memref<20480xi32, #tpu.memory_space<hbm>> -> memref<640xi32, #tpu.memory_space<hbm>>
      %dma_wait3A_622 = tpu.memref_slice %arg2[%mul3A_2] : memref<20480xi32, #tpu.memory_space<hbm>> -> memref<640xi32, #tpu.memory_space<hbm>>
      tpu.wait_dma2 semaphore(%run_scoped3A : memref<!tpu.dma_semaphore, #tpu.memory_space<semaphore_mem>>) src(%dma_wait3A_622 : memref<640xi32, #tpu.memory_space<hbm>>) dst(%arg6 : memref<640xi32, #tpu.memory_space<vmem>>)
      tpu.yield
    }) : () -> ()
    "tpu.region"() ({
      %run_scoped3A = tpu.sem_alloc : memref<!tpu.dma_semaphore, #tpu.memory_space<semaphore_mem>>
      %dma_start3A_619 = tpu.memref_slice %arg3[%mul3A_2] : memref<20480xi32, #tpu.memory_space<hbm>> -> memref<640xi32, #tpu.memory_space<hbm>>
      %dma_start3A_620 = tpu.memref_slice %arg3[%mul3A_2] : memref<20480xi32, #tpu.memory_space<hbm>> -> memref<640xi32, #tpu.memory_space<hbm>>
      tpu.enqueue_dma source(%dma_start3A_620 : memref<640xi32, #tpu.memory_space<hbm>>) target(%arg7 : memref<640xi32, #tpu.memory_space<vmem>>) target_semaphore(%run_scoped3A : memref<!tpu.dma_semaphore, #tpu.memory_space<semaphore_mem>>)
      %dma_wait3A_621 = tpu.memref_slice %arg3[%mul3A_2] : memref<20480xi32, #tpu.memory_space<hbm>> -> memref<640xi32, #tpu.memory_space<hbm>>
      %dma_wait3A_622 = tpu.memref_slice %arg3[%mul3A_2] : memref<20480xi32, #tpu.memory_space<hbm>> -> memref<640xi32, #tpu.memory_space<hbm>>
      tpu.wait_dma2 semaphore(%run_scoped3A : memref<!tpu.dma_semaphore, #tpu.memory_space<semaphore_mem>>) src(%dma_wait3A_622 : memref<640xi32, #tpu.memory_space<hbm>>) dst(%arg7 : memref<640xi32, #tpu.memory_space<vmem>>)
      tpu.yield
    }) : () -> ()
    %get3A = arith.constant 0 : index
    %get3A_3 = tpu.vector_load %arg6[%get3A] {strides = array<i32>} : memref<640xi32, #tpu.memory_space<vmem>>, vector<16xi32>,
    %get3A_4 = vector.shape_cast %get3A_3 : vector<16xi32> to vector<16xi32>
    %mul3A_5 = arith.constant 32 : i32
    %mul3A_6 = vector.broadcast %mul3A_5 : i32 to vector<16xi32>
    %mul3A_7 = arith.muli %get3A_4, %mul3A_6 : vector<16xi32>
    %get3A_8 = arith.constant 0 : index
    %get3A_9 = tpu.vector_load %arg7[%get3A_8] {strides = array<i32>} : memref<640xi32, #tpu.memory_space<vmem>>, vector<16xi32>,
    %get3A_10 = vector.shape_cast %get3A_9 : vector<16xi32> to vector<16xi32>
    %add3A_11 = arith.addi %mul3A_7, %get3A_10 : vector<16xi32>
    %swap3A = arith.constant 0 : index
    %swap3A_12 = tpu.vector_load %arg8[%swap3A] {strides = array<i32>} : memref<640xi32, #tpu.memory_space<vmem>>, vector<16xi32>,
    %swap3A_13 = vector.shape_cast %swap3A_12 : vector<16xi32> to vector<16xi32>
    %swap3A_14 = vector.shape_cast %add3A_11 : vector<16xi32> to vector<16xi32>
    tpu.vector_store %arg8[%swap3A], %swap3A_14 {strides = array<i32>} : memref<640xi32, #tpu.memory_space<vmem>>, vector<16xi32>,
    %get3A_15 = arith.constant 16 : index
    %get3A_16 = tpu.vector_load %arg6[%get3A_15] {strides = array<i32>} : memref<640xi32, #tpu.memory_space<vmem>>, vector<16xi32>,
    %get3A_17 = vector.shape_cast %get3A_16 : vector<16xi32> to vector<16xi32>
    %mul3A_18 = arith.constant 32 : i32
    %mul3A_19 = vector.broadcast %mul3A_18 : i32 to vector<16xi32>
    %mul3A_20 = arith.muli %get3A_17, %mul3A_19 : vector<16xi32>
    %get3A_21 = arith.constant 16 : index
    %get3A_22 = tpu.vector_load %arg7[%get3A_21] {strides = array<i32>} : memref<640xi32, #tpu.memory_space<vmem>>, vector<16xi32>,
    %get3A_23 = vector.shape_cast %get3A_22 : vector<16xi32> to vector<16xi32>
    %add3A_24 = arith.addi %mul3A_20, %get3A_23 : vector<16xi32>
    %swap3A_25 = arith.constant 16 : index
    %swap3A_26 = tpu.vector_load %arg8[%swap3A_25] {strides = array<i32>} : memref<640xi32, #tpu.memory_space<vmem>>, vector<16xi32>,
    %swap3A_27 = vector.shape_cast %swap3A_26 : vector<16xi32> to vector<16xi32>
    %swap3A_28 = vector.shape_cast %add3A_24 : vector<16xi32> to vector<16xi32>
    tpu.vector_store %arg8[%swap3A_25], %swap3A_28 {strides = array<i32>} : memref<640xi32, #tpu.memory_space<vmem>>, vector<16xi32>,
    %get3A_29 = arith.constant 32 : index
    %get3A_30 = tpu.vector_load %arg6[%get3A_29] {strides = array<i32>} : memref<640xi32, #tpu.memory_space<vmem>>, vector<16xi32>,
    %get3A_31 = vector.shape_cast %get3A_30 : vector<16xi32> to vector<16xi32>
    %mul3A_32 = arith.constant 32 : i32
    %mul3A_33 = vector.broadcast %mul3A_32 : i32 to vector<16xi32>
    %mul3A_34 = arith.muli %get3A_31, %mul3A_33 : vector<16xi32>
    %get3A_35 = arith.constant 32 : index
    %get3A_36 = tpu.vector_load %arg7[%get3A_35] {strides = array<i32>} : memref<640xi32, #tpu.memory_space<vmem>>, vector<16xi32>,
    %get3A_37 = vector.shape_cast %get3A_36 : vector<16xi32> to vector<16xi32>
    %add3A_38 = arith.addi %mul3A_34, %get3A_37 : vector<16xi32>
    %swap3A_39 = arith.constant 32 : index
    %swap3A_40 = tpu.vector_load %arg8[%swap3A_39] {strides = array<i32>} : memref<640xi32, #tpu.memory_space<vmem>>, vector<16xi32>,
    %swap3A_41 = vector.shape_cast %swap3A_40 : vector<16xi32> to vector<16xi32>
    %swap3A_42 = vector.shape_cast %add3A_38 : vector<16xi32> to vector<16xi32>
    tpu.vector_store %arg8[%swap3A_39], %swap3A_42 {strides = array<i32>} : memref<640xi32, #tpu.memory_space<vmem>>, vector<16xi32>,
    %get3A_43 = arith.constant 48 : index
    %get3A_44 = tpu.vector_load %arg6[%get3A_43] {strides = array<i32>} : memref<640xi32, #tpu.memory_space<vmem>>, vector<16xi32>,
    %get3A_45 = vector.shape_cast %get3A_44 : vector<16xi32> to vector<16xi32>
    %mul3A_46 = arith.constant 32 : i32
    %mul3A_47 = vector.broadcast %mul3A_46 : i32 to vector<16xi32>
    %mul3A_48 = arith.muli %get3A_45, %mul3A_47 : vector<16xi32>
    %get3A_49 = arith.constant 48 : index
    %get3A_50 = tpu.vector_load %arg7[%get3A_49] {strides = array<i32>} : memref<640xi32, #tpu.memory_space<vmem>>, vector<16xi32>,
    %get3A_51 = vector.shape_cast %get3A_50 : vector<16xi32> to vector<16xi32>
    %add3A_52 = arith.addi %mul3A_48, %get3A_51 : vector<16xi32>
    %swap3A_53 = arith.constant 48 : index
    %swap3A_54 = tpu.vector_load %arg8[%swap3A_53] {strides = array<i32>} : memref<640xi32, #tpu.memory_space<vmem>>, vector<16xi32>,
    %swap3A_55 = vector.shape_cast %swap3A_54 : vector<16xi32> to vector<16xi32>
    %swap3A_56 = vector.shape_cast %add3A_52 : vector<16xi32> to vector<16xi32>
    tpu.vector_store %arg8[%swap3A_53], %swap3A_56 {strides = array<i32>} : memref<640xi32, #tpu.memory_space<vmem>>, vector<16xi32>,
    %get3A_57 = arith.constant 64 : index
    %get3A_58 = tpu.vector_load %arg6[%get3A_57] {strides = array<i32>} : memref<640xi32, #tpu.memory_space<vmem>>, vector<16xi32>,
    %get3A_59 = vector.shape_cast %get3A_58 : vector<16xi32> to vector<16xi32>
    %mul3A_60 = arith.constant 32 : i32
    %mul3A_61 = vector.broadcast %mul3A_60 : i32 to vector<16xi32>
    %mul3A_62 = arith.muli %get3A_59, %mul3A_61 : vector<16xi32>
    %get3A_63 = arith.constant 64 : index
    %get3A_64 = tpu.vector_load %arg7[%get3A_63] {strides = array<i32>} : memref<640xi32, #tpu.memory_space<vmem>>, vector<16xi32>,
    %get3A_65 = vector.shape_cast %get3A_64 : vector<16xi32> to vector<16xi32>
    %add3A_66 = arith.addi %mul3A_62, %get3A_65 : vector<16xi32>
    %swap3A_67 = arith.constant 64 : index
    %swap3A_68 = tpu.vector_load %arg8[%swap3A_67] {strides = array<i32>} : memref<640xi32, #tpu.memory_space<vmem>>, vector<16xi32>,
    %swap3A_69 = vector.shape_cast %swap3A_68 : vector<16xi32> to vector<16xi32>
    %swap3A_70 = vector.shape_cast %add3A_66 : vector<16xi32> to vector<16xi32>
    tpu.vector_store %arg8[%swap3A_67], %swap3A_70 {strides = array<i32>} : memref<640xi32, #tpu.memory_space<vmem>>, vector<16xi32>,
    %get3A_71 = arith.constant 80 : index
    %get3A_72 = tpu.vector_load %arg6[%get3A_71] {strides = array<i32>} : memref<640xi32, #tpu.memory_space<vmem>>, vector<16xi32>,
    %get3A_73 = vector.shape_cast %get3A_72 : vector<16xi32> to vector<16xi32>
    %mul3A_74 = arith.constant 32 : i32
    %mul3A_75 = vector.broadcast %mul3A_74 : i32 to vector<16xi32>
    %mul3A_76 = arith.muli %get3A_73, %mul3A_75 : vector<16xi32>
    %get3A_77 = arith.constant 80 : index
    %get3A_78 = tpu.vector_load %arg7[%get3A_77] {strides = array<i32>} : memref<640xi32, #tpu.memory_space<vmem>>, vector<16xi32>,
    %get3A_79 = vector.shape_cast %get3A_78 : vector<16xi32> to vector<16xi32>
    %add3A_80 = arith.addi %mul3A_76, %get3A_79 : vector<16xi32>
    %swap3A_81 = arith.constant 80 : index
    %swap3A_82 = tpu.vector_load %arg8[%swap3A_81] {strides = array<i32>} : memref<640xi32, #tpu.memory_space<vmem>>, vector<16xi32>,
    %swap3A_83 = vector.shape_cast %swap3A_82 : vector<16xi32> to vector<16xi32>
    %swap3A_84 = vector.shape_cast %add3A_80 : vector<16xi32> to vector<16xi32>
    tpu.vector_store %arg8[%swap3A_81], %swap3A_84 {strides = array<i32>} : memref<640xi32, #tpu.memory_space<vmem>>, vector<16xi32>,
    %get3A_85 = arith.constant 96 : index
    %get3A_86 = tpu.vector_load %arg6[%get3A_85] {strides = array<i32>} : memref<640xi32, #tpu.memory_space<vmem>>, vector<16xi32>,
    %get3A_87 = vector.shape_cast %get3A_86 : vector<16xi32> to vector<16xi32>
    %mul3A_88 = arith.constant 32 : i32
    %mul3A_89 = vector.broadcast %mul3A_88 : i32 to vector<16xi32>
    %mul3A_90 = arith.muli %get3A_87, %mul3A_89 : vector<16xi32>
    %get3A_91 = arith.constant 96 : index
    %get3A_92 = tpu.vector_load %arg7[%get3A_91] {strides = array<i32>} : memref<640xi32, #tpu.memory_space<vmem>>, vector<16xi32>,
    %get3A_93 = vector.shape_cast %get3A_92 : vector<16xi32> to vector<16xi32>
    %add3A_94 = arith.addi %mul3A_90, %get3A_93 : vector<16xi32>
    %swap3A_95 = arith.constant 96 : index
    %swap3A_96 = tpu.vector_load %arg8[%swap3A_95] {strides = array<i32>} : memref<640xi32, #tpu.memory_space<vmem>>, vector<16xi32>,
    %swap3A_97 = vector.shape_cast %swap3A_96 : vector<16xi32> to vector<16xi32>
    %swap3A_98 = vector.shape_cast %add3A_94 : vector<16xi32> to vector<16xi32>
    tpu.vector_store %arg8[%swap3A_95], %swap3A_98 {strides = array<i32>} : memref<640xi32, #tpu.memory_space<vmem>>, vector<16xi32>,
    %get3A_99 = arith.constant 112 : index
    %get3A_100 = tpu.vector_load %arg6[%get3A_99] {strides = array<i32>} : memref<640xi32, #tpu.memory_space<vmem>>, vector<16xi32>,
    %get3A_101 = vector.shape_cast %get3A_100 : vector<16xi32> to vector<16xi32>
    %mul3A_102 = arith.constant 32 : i32
    %mul3A_103 = vector.broadcast %mul3A_102 : i32 to vector<16xi32>
    %mul3A_104 = arith.muli %get3A_101, %mul3A_103 : vector<16xi32>
    %get3A_105 = arith.constant 112 : index
    %get3A_106 = tpu.vector_load %arg7[%get3A_105] {strides = array<i32>} : memref<640xi32, #tpu.memory_space<vmem>>, vector<16xi32>,
    %get3A_107 = vector.shape_cast %get3A_106 : vector<16xi32> to vector<16xi32>
    %add3A_108 = arith.addi %mul3A_104, %get3A_107 : vector<16xi32>
    %swap3A_109 = arith.constant 112 : index
    %swap3A_110 = tpu.vector_load %arg8[%swap3A_109] {strides = array<i32>} : memref<640xi32, #tpu.memory_space<vmem>>, vector<16xi32>,
    %swap3A_111 = vector.shape_cast %swap3A_110 : vector<16xi32> to vector<16xi32>
    %swap3A_112 = vector.shape_cast %add3A_108 : vector<16xi32> to vector<16xi32>
    tpu.vector_store %arg8[%swap3A_109], %swap3A_112 {strides = array<i32>} : memref<640xi32, #tpu.memory_space<vmem>>, vector<16xi32>,
    %get3A_113 = arith.constant 128 : index
    %get3A_114 = tpu.vector_load %arg6[%get3A_113] {strides = array<i32>} : memref<640xi32, #tpu.memory_space<vmem>>, vector<16xi32>,
    %get3A_115 = vector.shape_cast %get3A_114 : vector<16xi32> to vector<16xi32>
    %mul3A_116 = arith.constant 32 : i32
    %mul3A_117 = vector.broadcast %mul3A_116 : i32 to vector<16xi32>
    %mul3A_118 = arith.muli %get3A_115, %mul3A_117 : vector<16xi32>
    %get3A_119 = arith.constant 128 : index
    %get3A_120 = tpu.vector_load %arg7[%get3A_119] {strides = array<i32>} : memref<640xi32, #tpu.memory_space<vmem>>, vector<16xi32>,
    %get3A_121 = vector.shape_cast %get3A_120 : vector<16xi32> to vector<16xi32>
    %add3A_122 = arith.addi %mul3A_118, %get3A_121 : vector<16xi32>
    %swap3A_123 = arith.constant 128 : index
    %swap3A_124 = tpu.vector_load %arg8[%swap3A_123] {strides = array<i32>} : memref<640xi32, #tpu.memory_space<vmem>>, vector<16xi32>,
    %swap3A_125 = vector.shape_cast %swap3A_124 : vector<16xi32> to vector<16xi32>
    %swap3A_126 = vector.shape_cast %add3A_122 : vector<16xi32> to vector<16xi32>
    tpu.vector_store %arg8[%swap3A_123], %swap3A_126 {strides = array<i32>} : memref<640xi32, #tpu.memory_space<vmem>>, vector<16xi32>,
    %get3A_127 = arith.constant 144 : index
    %get3A_128 = tpu.vector_load %arg6[%get3A_127] {strides = array<i32>} : memref<640xi32, #tpu.memory_space<vmem>>, vector<16xi32>,
    %get3A_129 = vector.shape_cast %get3A_128 : vector<16xi32> to vector<16xi32>
    %mul3A_130 = arith.constant 32 : i32
    %mul3A_131 = vector.broadcast %mul3A_130 : i32 to vector<16xi32>
    %mul3A_132 = arith.muli %get3A_129, %mul3A_131 : vector<16xi32>
    %get3A_133 = arith.constant 144 : index
    %get3A_134 = tpu.vector_load %arg7[%get3A_133] {strides = array<i32>} : memref<640xi32, #tpu.memory_space<vmem>>, vector<16xi32>,
    %get3A_135 = vector.shape_cast %get3A_134 : vector<16xi32> to vector<16xi32>
    %add3A_136 = arith.addi %mul3A_132, %get3A_135 : vector<16xi32>
    %swap3A_137 = arith.constant 144 : index
    %swap3A_138 = tpu.vector_load %arg8[%swap3A_137] {strides = array<i32>} : memref<640xi32, #tpu.memory_space<vmem>>, vector<16xi32>,
    %swap3A_139 = vector.shape_cast %swap3A_138 : vector<16xi32> to vector<16xi32>
    %swap3A_140 = vector.shape_cast %add3A_136 : vector<16xi32> to vector<16xi32>
    tpu.vector_store %arg8[%swap3A_137], %swap3A_140 {strides = array<i32>} : memref<640xi32, #tpu.memory_space<vmem>>, vector<16xi32>,
    %get3A_141 = arith.constant 160 : index
    %get3A_142 = tpu.vector_load %arg6[%get3A_141] {strides = array<i32>} : memref<640xi32, #tpu.memory_space<vmem>>, vector<16xi32>,
    %get3A_143 = vector.shape_cast %get3A_142 : vector<16xi32> to vector<16xi32>
    %mul3A_144 = arith.constant 32 : i32
    %mul3A_145 = vector.broadcast %mul3A_144 : i32 to vector<16xi32>
    %mul3A_146 = arith.muli %get3A_143, %mul3A_145 : vector<16xi32>
    %get3A_147 = arith.constant 160 : index
    %get3A_148 = tpu.vector_load %arg7[%get3A_147] {strides = array<i32>} : memref<640xi32, #tpu.memory_space<vmem>>, vector<16xi32>,
    %get3A_149 = vector.shape_cast %get3A_148 : vector<16xi32> to vector<16xi32>
    %add3A_150 = arith.addi %mul3A_146, %get3A_149 : vector<16xi32>
    %swap3A_151 = arith.constant 160 : index
    %swap3A_152 = tpu.vector_load %arg8[%swap3A_151] {strides = array<i32>} : memref<640xi32, #tpu.memory_space<vmem>>, vector<16xi32>,
    %swap3A_153 = vector.shape_cast %swap3A_152 : vector<16xi32> to vector<16xi32>
    %swap3A_154 = vector.shape_cast %add3A_150 : vector<16xi32> to vector<16xi32>
    tpu.vector_store %arg8[%swap3A_151], %swap3A_154 {strides = array<i32>} : memref<640xi32, #tpu.memory_space<vmem>>, vector<16xi32>,
    %get3A_155 = arith.constant 176 : index
    %get3A_156 = tpu.vector_load %arg6[%get3A_155] {strides = array<i32>} : memref<640xi32, #tpu.memory_space<vmem>>, vector<16xi32>,
    %get3A_157 = vector.shape_cast %get3A_156 : vector<16xi32> to vector<16xi32>
    %mul3A_158 = arith.constant 32 : i32
    %mul3A_159 = vector.broadcast %mul3A_158 : i32 to vector<16xi32>
    %mul3A_160 = arith.muli %get3A_157, %mul3A_159 : vector<16xi32>
    %get3A_161 = arith.constant 176 : index
    %get3A_162 = tpu.vector_load %arg7[%get3A_161] {strides = array<i32>} : memref<640xi32, #tpu.memory_space<vmem>>, vector<16xi32>,
    %get3A_163 = vector.shape_cast %get3A_162 : vector<16xi32> to vector<16xi32>
    %add3A_164 = arith.addi %mul3A_160, %get3A_163 : vector<16xi32>
    %swap3A_165 = arith.constant 176 : index
    %swap3A_166 = tpu.vector_load %arg8[%swap3A_165] {strides = array<i32>} : memref<640xi32, #tpu.memory_space<vmem>>, vector<16xi32>,
    %swap3A_167 = vector.shape_cast %swap3A_166 : vector<16xi32> to vector<16xi32>
    %swap3A_168 = vector.shape_cast %add3A_164 : vector<16xi32> to vector<16xi32>
    tpu.vector_store %arg8[%swap3A_165], %swap3A_168 {strides = array<i32>} : memref<640xi32, #tpu.memory_space<vmem>>, vector<16xi32>,
    %get3A_169 = arith.constant 192 : index
    %get3A_170 = tpu.vector_load %arg6[%get3A_169] {strides = array<i32>} : memref<640xi32, #tpu.memory_space<vmem>>, vector<16xi32>,
    %get3A_171 = vector.shape_cast %get3A_170 : vector<16xi32> to vector<16xi32>
    %mul3A_172 = arith.constant 32 : i32
    %mul3A_173 = vector.broadcast %mul3A_172 : i32 to vector<16xi32>
    %mul3A_174 = arith.muli %get3A_171, %mul3A_173 : vector<16xi32>
    %get3A_175 = arith.constant 192 : index
    %get3A_176 = tpu.vector_load %arg7[%get3A_175] {strides = array<i32>} : memref<640xi32, #tpu.memory_space<vmem>>, vector<16xi32>,
    %get3A_177 = vector.shape_cast %get3A_176 : vector<16xi32> to vector<16xi32>
    %add3A_178 = arith.addi %mul3A_174, %get3A_177 : vector<16xi32>
    %swap3A_179 = arith.constant 192 : index
    %swap3A_180 = tpu.vector_load %arg8[%swap3A_179] {strides = array<i32>} : memref<640xi32, #tpu.memory_space<vmem>>, vector<16xi32>,
    %swap3A_181 = vector.shape_cast %swap3A_180 : vector<16xi32> to vector<16xi32>
    %swap3A_182 = vector.shape_cast %add3A_178 : vector<16xi32> to vector<16xi32>
    tpu.vector_store %arg8[%swap3A_179], %swap3A_182 {strides = array<i32>} : memref<640xi32, #tpu.memory_space<vmem>>, vector<16xi32>,
    %get3A_183 = arith.constant 208 : index
    %get3A_184 = tpu.vector_load %arg6[%get3A_183] {strides = array<i32>} : memref<640xi32, #tpu.memory_space<vmem>>, vector<16xi32>,
    %get3A_185 = vector.shape_cast %get3A_184 : vector<16xi32> to vector<16xi32>
    %mul3A_186 = arith.constant 32 : i32
    %mul3A_187 = vector.broadcast %mul3A_186 : i32 to vector<16xi32>
    %mul3A_188 = arith.muli %get3A_185, %mul3A_187 : vector<16xi32>
    %get3A_189 = arith.constant 208 : index
    %get3A_190 = tpu.vector_load %arg7[%get3A_189] {strides = array<i32>} : memref<640xi32, #tpu.memory_space<vmem>>, vector<16xi32>,
    %get3A_191 = vector.shape_cast %get3A_190 : vector<16xi32> to vector<16xi32>
    %add3A_192 = arith.addi %mul3A_188, %get3A_191 : vector<16xi32>
    %swap3A_193 = arith.constant 208 : index
    %swap3A_194 = tpu.vector_load %arg8[%swap3A_193] {strides = array<i32>} : memref<640xi32, #tpu.memory_space<vmem>>, vector<16xi32>,
    %swap3A_195 = vector.shape_cast %swap3A_194 : vector<16xi32> to vector<16xi32>
    %swap3A_196 = vector.shape_cast %add3A_192 : vector<16xi32> to vector<16xi32>
    tpu.vector_store %arg8[%swap3A_193], %swap3A_196 {strides = array<i32>} : memref<640xi32, #tpu.memory_space<vmem>>, vector<16xi32>,
    %get3A_197 = arith.constant 224 : index
    %get3A_198 = tpu.vector_load %arg6[%get3A_197] {strides = array<i32>} : memref<640xi32, #tpu.memory_space<vmem>>, vector<16xi32>,
    %get3A_199 = vector.shape_cast %get3A_198 : vector<16xi32> to vector<16xi32>
    %mul3A_200 = arith.constant 32 : i32
    %mul3A_201 = vector.broadcast %mul3A_200 : i32 to vector<16xi32>
    %mul3A_202 = arith.muli %get3A_199, %mul3A_201 : vector<16xi32>
    %get3A_203 = arith.constant 224 : index
    %get3A_204 = tpu.vector_load %arg7[%get3A_203] {strides = array<i32>} : memref<640xi32, #tpu.memory_space<vmem>>, vector<16xi32>,
    %get3A_205 = vector.shape_cast %get3A_204 : vector<16xi32> to vector<16xi32>
    %add3A_206 = arith.addi %mul3A_202, %get3A_205 : vector<16xi32>
    %swap3A_207 = arith.constant 224 : index
    %swap3A_208 = tpu.vector_load %arg8[%swap3A_207] {strides = array<i32>} : memref<640xi32, #tpu.memory_space<vmem>>, vector<16xi32>,
    %swap3A_209 = vector.shape_cast %swap3A_208 : vector<16xi32> to vector<16xi32>
    %swap3A_210 = vector.shape_cast %add3A_206 : vector<16xi32> to vector<16xi32>
    tpu.vector_store %arg8[%swap3A_207], %swap3A_210 {strides = array<i32>} : memref<640xi32, #tpu.memory_space<vmem>>, vector<16xi32>,
    %get3A_211 = arith.constant 240 : index
    %get3A_212 = tpu.vector_load %arg6[%get3A_211] {strides = array<i32>} : memref<640xi32, #tpu.memory_space<vmem>>, vector<16xi32>,
    %get3A_213 = vector.shape_cast %get3A_212 : vector<16xi32> to vector<16xi32>
    %mul3A_214 = arith.constant 32 : i32
    %mul3A_215 = vector.broadcast %mul3A_214 : i32 to vector<16xi32>
    %mul3A_216 = arith.muli %get3A_213, %mul3A_215 : vector<16xi32>
    %get3A_217 = arith.constant 240 : index
    %get3A_218 = tpu.vector_load %arg7[%get3A_217] {strides = array<i32>} : memref<640xi32, #tpu.memory_space<vmem>>, vector<16xi32>,
    %get3A_219 = vector.shape_cast %get3A_218 : vector<16xi32> to vector<16xi32>
    %add3A_220 = arith.addi %mul3A_216, %get3A_219 : vector<16xi32>
    %swap3A_221 = arith.constant 240 : index
    %swap3A_222 = tpu.vector_load %arg8[%swap3A_221] {strides = array<i32>} : memref<640xi32, #tpu.memory_space<vmem>>, vector<16xi32>,
    %swap3A_223 = vector.shape_cast %swap3A_222 : vector<16xi32> to vector<16xi32>
    %swap3A_224 = vector.shape_cast %add3A_220 : vector<16xi32> to vector<16xi32>
    tpu.vector_store %arg8[%swap3A_221], %swap3A_224 {strides = array<i32>} : memref<640xi32, #tpu.memory_space<vmem>>, vector<16xi32>,
    %get3A_225 = arith.constant 256 : index
    %get3A_226 = tpu.vector_load %arg6[%get3A_225] {strides = array<i32>} : memref<640xi32, #tpu.memory_space<vmem>>, vector<16xi32>,
    %get3A_227 = vector.shape_cast %get3A_226 : vector<16xi32> to vector<16xi32>
    %mul3A_228 = arith.constant 32 : i32
    %mul3A_229 = vector.broadcast %mul3A_228 : i32 to vector<16xi32>
    %mul3A_230 = arith.muli %get3A_227, %mul3A_229 : vector<16xi32>
    %get3A_231 = arith.constant 256 : index
    %get3A_232 = tpu.vector_load %arg7[%get3A_231] {strides = array<i32>} : memref<640xi32, #tpu.memory_space<vmem>>, vector<16xi32>,
    %get3A_233 = vector.shape_cast %get3A_232 : vector<16xi32> to vector<16xi32>
    %add3A_234 = arith.addi %mul3A_230, %get3A_233 : vector<16xi32>
    %swap3A_235 = arith.constant 256 : index
    %swap3A_236 = tpu.vector_load %arg8[%swap3A_235] {strides = array<i32>} : memref<640xi32, #tpu.memory_space<vmem>>, vector<16xi32>,
    %swap3A_237 = vector.shape_cast %swap3A_236 : vector<16xi32> to vector<16xi32>
    %swap3A_238 = vector.shape_cast %add3A_234 : vector<16xi32> to vector<16xi32>
    tpu.vector_store %arg8[%swap3A_235], %swap3A_238 {strides = array<i32>} : memref<640xi32, #tpu.memory_space<vmem>>, vector<16xi32>,
    %get3A_239 = arith.constant 272 : index
    %get3A_240 = tpu.vector_load %arg6[%get3A_239] {strides = array<i32>} : memref<640xi32, #tpu.memory_space<vmem>>, vector<16xi32>,
    %get3A_241 = vector.shape_cast %get3A_240 : vector<16xi32> to vector<16xi32>
    %mul3A_242 = arith.constant 32 : i32
    %mul3A_243 = vector.broadcast %mul3A_242 : i32 to vector<16xi32>
    %mul3A_244 = arith.muli %get3A_241, %mul3A_243 : vector<16xi32>
    %get3A_245 = arith.constant 272 : index
    %get3A_246 = tpu.vector_load %arg7[%get3A_245] {strides = array<i32>} : memref<640xi32, #tpu.memory_space<vmem>>, vector<16xi32>,
    %get3A_247 = vector.shape_cast %get3A_246 : vector<16xi32> to vector<16xi32>
    %add3A_248 = arith.addi %mul3A_244, %get3A_247 : vector<16xi32>
    %swap3A_249 = arith.constant 272 : index
    %swap3A_250 = tpu.vector_load %arg8[%swap3A_249] {strides = array<i32>} : memref<640xi32, #tpu.memory_space<vmem>>, vector<16xi32>,
    %swap3A_251 = vector.shape_cast %swap3A_250 : vector<16xi32> to vector<16xi32>
    %swap3A_252 = vector.shape_cast %add3A_248 : vector<16xi32> to vector<16xi32>
    tpu.vector_store %arg8[%swap3A_249], %swap3A_252 {strides = array<i32>} : memref<640xi32, #tpu.memory_space<vmem>>, vector<16xi32>,
    %get3A_253 = arith.constant 288 : index
    %get3A_254 = tpu.vector_load %arg6[%get3A_253] {strides = array<i32>} : memref<640xi32, #tpu.memory_space<vmem>>, vector<16xi32>,
    %get3A_255 = vector.shape_cast %get3A_254 : vector<16xi32> to vector<16xi32>
    %mul3A_256 = arith.constant 32 : i32
    %mul3A_257 = vector.broadcast %mul3A_256 : i32 to vector<16xi32>
    %mul3A_258 = arith.muli %get3A_255, %mul3A_257 : vector<16xi32>
    %get3A_259 = arith.constant 288 : index
    %get3A_260 = tpu.vector_load %arg7[%get3A_259] {strides = array<i32>} : memref<640xi32, #tpu.memory_space<vmem>>, vector<16xi32>,
    %get3A_261 = vector.shape_cast %get3A_260 : vector<16xi32> to vector<16xi32>
    %add3A_262 = arith.addi %mul3A_258, %get3A_261 : vector<16xi32>
    %swap3A_263 = arith.constant 288 : index
    %swap3A_264 = tpu.vector_load %arg8[%swap3A_263] {strides = array<i32>} : memref<640xi32, #tpu.memory_space<vmem>>, vector<16xi32>,
    %swap3A_265 = vector.shape_cast %swap3A_264 : vector<16xi32> to vector<16xi32>
    %swap3A_266 = vector.shape_cast %add3A_262 : vector<16xi32> to vector<16xi32>
    tpu.vector_store %arg8[%swap3A_263], %swap3A_266 {strides = array<i32>} : memref<640xi32, #tpu.memory_space<vmem>>, vector<16xi32>,
    %get3A_267 = arith.constant 304 : index
    %get3A_268 = tpu.vector_load %arg6[%get3A_267] {strides = array<i32>} : memref<640xi32, #tpu.memory_space<vmem>>, vector<16xi32>,
    %get3A_269 = vector.shape_cast %get3A_268 : vector<16xi32> to vector<16xi32>
    %mul3A_270 = arith.constant 32 : i32
    %mul3A_271 = vector.broadcast %mul3A_270 : i32 to vector<16xi32>
    %mul3A_272 = arith.muli %get3A_269, %mul3A_271 : vector<16xi32>
    %get3A_273 = arith.constant 304 : index
    %get3A_274 = tpu.vector_load %arg7[%get3A_273] {strides = array<i32>} : memref<640xi32, #tpu.memory_space<vmem>>, vector<16xi32>,
    %get3A_275 = vector.shape_cast %get3A_274 : vector<16xi32> to vector<16xi32>
    %add3A_276 = arith.addi %mul3A_272, %get3A_275 : vector<16xi32>
    %swap3A_277 = arith.constant 304 : index
    %swap3A_278 = tpu.vector_load %arg8[%swap3A_277] {strides = array<i32>} : memref<640xi32, #tpu.memory_space<vmem>>, vector<16xi32>,
    %swap3A_279 = vector.shape_cast %swap3A_278 : vector<16xi32> to vector<16xi32>
    %swap3A_280 = vector.shape_cast %add3A_276 : vector<16xi32> to vector<16xi32>
    tpu.vector_store %arg8[%swap3A_277], %swap3A_280 {strides = array<i32>} : memref<640xi32, #tpu.memory_space<vmem>>, vector<16xi32>,
    %get3A_281 = arith.constant 320 : index
    %get3A_282 = tpu.vector_load %arg6[%get3A_281] {strides = array<i32>} : memref<640xi32, #tpu.memory_space<vmem>>, vector<16xi32>,
    %get3A_283 = vector.shape_cast %get3A_282 : vector<16xi32> to vector<16xi32>
    %mul3A_284 = arith.constant 32 : i32
    %mul3A_285 = vector.broadcast %mul3A_284 : i32 to vector<16xi32>
    %mul3A_286 = arith.muli %get3A_283, %mul3A_285 : vector<16xi32>
    %get3A_287 = arith.constant 320 : index
    %get3A_288 = tpu.vector_load %arg7[%get3A_287] {strides = array<i32>} : memref<640xi32, #tpu.memory_space<vmem>>, vector<16xi32>,
    %get3A_289 = vector.shape_cast %get3A_288 : vector<16xi32> to vector<16xi32>
    %add3A_290 = arith.addi %mul3A_286, %get3A_289 : vector<16xi32>
    %swap3A_291 = arith.constant 320 : index
    %swap3A_292 = tpu.vector_load %arg8[%swap3A_291] {strides = array<i32>} : memref<640xi32, #tpu.memory_space<vmem>>, vector<16xi32>,
    %swap3A_293 = vector.shape_cast %swap3A_292 : vector<16xi32> to vector<16xi32>
    %swap3A_294 = vector.shape_cast %add3A_290 : vector<16xi32> to vector<16xi32>
    tpu.vector_store %arg8[%swap3A_291], %swap3A_294 {strides = array<i32>} : memref<640xi32, #tpu.memory_space<vmem>>, vector<16xi32>,
    %get3A_295 = arith.constant 336 : index
    %get3A_296 = tpu.vector_load %arg6[%get3A_295] {strides = array<i32>} : memref<640xi32, #tpu.memory_space<vmem>>, vector<16xi32>,
    %get3A_297 = vector.shape_cast %get3A_296 : vector<16xi32> to vector<16xi32>
    %mul3A_298 = arith.constant 32 : i32
    %mul3A_299 = vector.broadcast %mul3A_298 : i32 to vector<16xi32>
    %mul3A_300 = arith.muli %get3A_297, %mul3A_299 : vector<16xi32>
    %get3A_301 = arith.constant 336 : index
    %get3A_302 = tpu.vector_load %arg7[%get3A_301] {strides = array<i32>} : memref<640xi32, #tpu.memory_space<vmem>>, vector<16xi32>,
    %get3A_303 = vector.shape_cast %get3A_302 : vector<16xi32> to vector<16xi32>
    %add3A_304 = arith.addi %mul3A_300, %get3A_303 : vector<16xi32>
    %swap3A_305 = arith.constant 336 : index
    %swap3A_306 = tpu.vector_load %arg8[%swap3A_305] {strides = array<i32>} : memref<640xi32, #tpu.memory_space<vmem>>, vector<16xi32>,
    %swap3A_307 = vector.shape_cast %swap3A_306 : vector<16xi32> to vector<16xi32>
    %swap3A_308 = vector.shape_cast %add3A_304 : vector<16xi32> to vector<16xi32>
    tpu.vector_store %arg8[%swap3A_305], %swap3A_308 {strides = array<i32>} : memref<640xi32, #tpu.memory_space<vmem>>, vector<16xi32>,
    %get3A_309 = arith.constant 352 : index
    %get3A_310 = tpu.vector_load %arg6[%get3A_309] {strides = array<i32>} : memref<640xi32, #tpu.memory_space<vmem>>, vector<16xi32>,
    %get3A_311 = vector.shape_cast %get3A_310 : vector<16xi32> to vector<16xi32>
    %mul3A_312 = arith.constant 32 : i32
    %mul3A_313 = vector.broadcast %mul3A_312 : i32 to vector<16xi32>
    %mul3A_314 = arith.muli %get3A_311, %mul3A_313 : vector<16xi32>
    %get3A_315 = arith.constant 352 : index
    %get3A_316 = tpu.vector_load %arg7[%get3A_315] {strides = array<i32>} : memref<640xi32, #tpu.memory_space<vmem>>, vector<16xi32>,
    %get3A_317 = vector.shape_cast %get3A_316 : vector<16xi32> to vector<16xi32>
    %add3A_318 = arith.addi %mul3A_314, %get3A_317 : vector<16xi32>
    %swap3A_319 = arith.constant 352 : index
    %swap3A_320 = tpu.vector_load %arg8[%swap3A_319] {strides = array<i32>} : memref<640xi32, #tpu.memory_space<vmem>>, vector<16xi32>,
    %swap3A_321 = vector.shape_cast %swap3A_320 : vector<16xi32> to vector<16xi32>
    %swap3A_322 = vector.shape_cast %add3A_318 : vector<16xi32> to vector<16xi32>
    tpu.vector_store %arg8[%swap3A_319], %swap3A_322 {strides = array<i32>} : memref<640xi32, #tpu.memory_space<vmem>>, vector<16xi32>,
    %get3A_323 = arith.constant 368 : index
    %get3A_324 = tpu.vector_load %arg6[%get3A_323] {strides = array<i32>} : memref<640xi32, #tpu.memory_space<vmem>>, vector<16xi32>,
    %get3A_325 = vector.shape_cast %get3A_324 : vector<16xi32> to vector<16xi32>
    %mul3A_326 = arith.constant 32 : i32
    %mul3A_327 = vector.broadcast %mul3A_326 : i32 to vector<16xi32>
    %mul3A_328 = arith.muli %get3A_325, %mul3A_327 : vector<16xi32>
    %get3A_329 = arith.constant 368 : index
    %get3A_330 = tpu.vector_load %arg7[%get3A_329] {strides = array<i32>} : memref<640xi32, #tpu.memory_space<vmem>>, vector<16xi32>,
    %get3A_331 = vector.shape_cast %get3A_330 : vector<16xi32> to vector<16xi32>
    %add3A_332 = arith.addi %mul3A_328, %get3A_331 : vector<16xi32>
    %swap3A_333 = arith.constant 368 : index
    %swap3A_334 = tpu.vector_load %arg8[%swap3A_333] {strides = array<i32>} : memref<640xi32, #tpu.memory_space<vmem>>, vector<16xi32>,
    %swap3A_335 = vector.shape_cast %swap3A_334 : vector<16xi32> to vector<16xi32>
    %swap3A_336 = vector.shape_cast %add3A_332 : vector<16xi32> to vector<16xi32>
    tpu.vector_store %arg8[%swap3A_333], %swap3A_336 {strides = array<i32>} : memref<640xi32, #tpu.memory_space<vmem>>, vector<16xi32>,
    %get3A_337 = arith.constant 384 : index
    %get3A_338 = tpu.vector_load %arg6[%get3A_337] {strides = array<i32>} : memref<640xi32, #tpu.memory_space<vmem>>, vector<16xi32>,
    %get3A_339 = vector.shape_cast %get3A_338 : vector<16xi32> to vector<16xi32>
    %mul3A_340 = arith.constant 32 : i32
    %mul3A_341 = vector.broadcast %mul3A_340 : i32 to vector<16xi32>
    %mul3A_342 = arith.muli %get3A_339, %mul3A_341 : vector<16xi32>
    %get3A_343 = arith.constant 384 : index
    %get3A_344 = tpu.vector_load %arg7[%get3A_343] {strides = array<i32>} : memref<640xi32, #tpu.memory_space<vmem>>, vector<16xi32>,
    %get3A_345 = vector.shape_cast %get3A_344 : vector<16xi32> to vector<16xi32>
    %add3A_346 = arith.addi %mul3A_342, %get3A_345 : vector<16xi32>
    %swap3A_347 = arith.constant 384 : index
    %swap3A_348 = tpu.vector_load %arg8[%swap3A_347] {strides = array<i32>} : memref<640xi32, #tpu.memory_space<vmem>>, vector<16xi32>,
    %swap3A_349 = vector.shape_cast %swap3A_348 : vector<16xi32> to vector<16xi32>
    %swap3A_350 = vector.shape_cast %add3A_346 : vector<16xi32> to vector<16xi32>
    tpu.vector_store %arg8[%swap3A_347], %swap3A_350 {strides = array<i32>} : memref<640xi32, #tpu.memory_space<vmem>>, vector<16xi32>,
    %get3A_351 = arith.constant 400 : index
    %get3A_352 = tpu.vector_load %arg6[%get3A_351] {strides = array<i32>} : memref<640xi32, #tpu.memory_space<vmem>>, vector<16xi32>,
    %get3A_353 = vector.shape_cast %get3A_352 : vector<16xi32> to vector<16xi32>
    %mul3A_354 = arith.constant 32 : i32
    %mul3A_355 = vector.broadcast %mul3A_354 : i32 to vector<16xi32>
    %mul3A_356 = arith.muli %get3A_353, %mul3A_355 : vector<16xi32>
    %get3A_357 = arith.constant 400 : index
    %get3A_358 = tpu.vector_load %arg7[%get3A_357] {strides = array<i32>} : memref<640xi32, #tpu.memory_space<vmem>>, vector<16xi32>,
    %get3A_359 = vector.shape_cast %get3A_358 : vector<16xi32> to vector<16xi32>
    %add3A_360 = arith.addi %mul3A_356, %get3A_359 : vector<16xi32>
    %swap3A_361 = arith.constant 400 : index
    %swap3A_362 = tpu.vector_load %arg8[%swap3A_361] {strides = array<i32>} : memref<640xi32, #tpu.memory_space<vmem>>, vector<16xi32>,
    %swap3A_363 = vector.shape_cast %swap3A_362 : vector<16xi32> to vector<16xi32>
    %swap3A_364 = vector.shape_cast %add3A_360 : vector<16xi32> to vector<16xi32>
    tpu.vector_store %arg8[%swap3A_361], %swap3A_364 {strides = array<i32>} : memref<640xi32, #tpu.memory_space<vmem>>, vector<16xi32>,
    %get3A_365 = arith.constant 416 : index
    %get3A_366 = tpu.vector_load %arg6[%get3A_365] {strides = array<i32>} : memref<640xi32, #tpu.memory_space<vmem>>, vector<16xi32>,
    %get3A_367 = vector.shape_cast %get3A_366 : vector<16xi32> to vector<16xi32>
    %mul3A_368 = arith.constant 32 : i32
    %mul3A_369 = vector.broadcast %mul3A_368 : i32 to vector<16xi32>
    %mul3A_370 = arith.muli %get3A_367, %mul3A_369 : vector<16xi32>
    %get3A_371 = arith.constant 416 : index
    %get3A_372 = tpu.vector_load %arg7[%get3A_371] {strides = array<i32>} : memref<640xi32, #tpu.memory_space<vmem>>, vector<16xi32>,
    %get3A_373 = vector.shape_cast %get3A_372 : vector<16xi32> to vector<16xi32>
    %add3A_374 = arith.addi %mul3A_370, %get3A_373 : vector<16xi32>
    %swap3A_375 = arith.constant 416 : index
    %swap3A_376 = tpu.vector_load %arg8[%swap3A_375] {strides = array<i32>} : memref<640xi32, #tpu.memory_space<vmem>>, vector<16xi32>,
    %swap3A_377 = vector.shape_cast %swap3A_376 : vector<16xi32> to vector<16xi32>
    %swap3A_378 = vector.shape_cast %add3A_374 : vector<16xi32> to vector<16xi32>
    tpu.vector_store %arg8[%swap3A_375], %swap3A_378 {strides = array<i32>} : memref<640xi32, #tpu.memory_space<vmem>>, vector<16xi32>,
    %get3A_379 = arith.constant 432 : index
    %get3A_380 = tpu.vector_load %arg6[%get3A_379] {strides = array<i32>} : memref<640xi32, #tpu.memory_space<vmem>>, vector<16xi32>,
    %get3A_381 = vector.shape_cast %get3A_380 : vector<16xi32> to vector<16xi32>
    %mul3A_382 = arith.constant 32 : i32
    %mul3A_383 = vector.broadcast %mul3A_382 : i32 to vector<16xi32>
    %mul3A_384 = arith.muli %get3A_381, %mul3A_383 : vector<16xi32>
    %get3A_385 = arith.constant 432 : index
    %get3A_386 = tpu.vector_load %arg7[%get3A_385] {strides = array<i32>} : memref<640xi32, #tpu.memory_space<vmem>>, vector<16xi32>,
    %get3A_387 = vector.shape_cast %get3A_386 : vector<16xi32> to vector<16xi32>
    %add3A_388 = arith.addi %mul3A_384, %get3A_387 : vector<16xi32>
    %swap3A_389 = arith.constant 432 : index
    %swap3A_390 = tpu.vector_load %arg8[%swap3A_389] {strides = array<i32>} : memref<640xi32, #tpu.memory_space<vmem>>, vector<16xi32>,
    %swap3A_391 = vector.shape_cast %swap3A_390 : vector<16xi32> to vector<16xi32>
    %swap3A_392 = vector.shape_cast %add3A_388 : vector<16xi32> to vector<16xi32>
    tpu.vector_store %arg8[%swap3A_389], %swap3A_392 {strides = array<i32>} : memref<640xi32, #tpu.memory_space<vmem>>, vector<16xi32>,
    %get3A_393 = arith.constant 448 : index
    %get3A_394 = tpu.vector_load %arg6[%get3A_393] {strides = array<i32>} : memref<640xi32, #tpu.memory_space<vmem>>, vector<16xi32>,
    %get3A_395 = vector.shape_cast %get3A_394 : vector<16xi32> to vector<16xi32>
    %mul3A_396 = arith.constant 32 : i32
    %mul3A_397 = vector.broadcast %mul3A_396 : i32 to vector<16xi32>
    %mul3A_398 = arith.muli %get3A_395, %mul3A_397 : vector<16xi32>
    %get3A_399 = arith.constant 448 : index
    %get3A_400 = tpu.vector_load %arg7[%get3A_399] {strides = array<i32>} : memref<640xi32, #tpu.memory_space<vmem>>, vector<16xi32>,
    %get3A_401 = vector.shape_cast %get3A_400 : vector<16xi32> to vector<16xi32>
    %add3A_402 = arith.addi %mul3A_398, %get3A_401 : vector<16xi32>
    %swap3A_403 = arith.constant 448 : index
    %swap3A_404 = tpu.vector_load %arg8[%swap3A_403] {strides = array<i32>} : memref<640xi32, #tpu.memory_space<vmem>>, vector<16xi32>,
    %swap3A_405 = vector.shape_cast %swap3A_404 : vector<16xi32> to vector<16xi32>
    %swap3A_406 = vector.shape_cast %add3A_402 : vector<16xi32> to vector<16xi32>
    tpu.vector_store %arg8[%swap3A_403], %swap3A_406 {strides = array<i32>} : memref<640xi32, #tpu.memory_space<vmem>>, vector<16xi32>,
    %get3A_407 = arith.constant 464 : index
    %get3A_408 = tpu.vector_load %arg6[%get3A_407] {strides = array<i32>} : memref<640xi32, #tpu.memory_space<vmem>>, vector<16xi32>,
    %get3A_409 = vector.shape_cast %get3A_408 : vector<16xi32> to vector<16xi32>
    %mul3A_410 = arith.constant 32 : i32
    %mul3A_411 = vector.broadcast %mul3A_410 : i32 to vector<16xi32>
    %mul3A_412 = arith.muli %get3A_409, %mul3A_411 : vector<16xi32>
    %get3A_413 = arith.constant 464 : index
    %get3A_414 = tpu.vector_load %arg7[%get3A_413] {strides = array<i32>} : memref<640xi32, #tpu.memory_space<vmem>>, vector<16xi32>,
    %get3A_415 = vector.shape_cast %get3A_414 : vector<16xi32> to vector<16xi32>
    %add3A_416 = arith.addi %mul3A_412, %get3A_415 : vector<16xi32>
    %swap3A_417 = arith.constant 464 : index
    %swap3A_418 = tpu.vector_load %arg8[%swap3A_417] {strides = array<i32>} : memref<640xi32, #tpu.memory_space<vmem>>, vector<16xi32>,
    %swap3A_419 = vector.shape_cast %swap3A_418 : vector<16xi32> to vector<16xi32>
    %swap3A_420 = vector.shape_cast %add3A_416 : vector<16xi32> to vector<16xi32>
    tpu.vector_store %arg8[%swap3A_417], %swap3A_420 {strides = array<i32>} : memref<640xi32, #tpu.memory_space<vmem>>, vector<16xi32>,
    %get3A_421 = arith.constant 480 : index
    %get3A_422 = tpu.vector_load %arg6[%get3A_421] {strides = array<i32>} : memref<640xi32, #tpu.memory_space<vmem>>, vector<16xi32>,
    %get3A_423 = vector.shape_cast %get3A_422 : vector<16xi32> to vector<16xi32>
    %mul3A_424 = arith.constant 32 : i32
    %mul3A_425 = vector.broadcast %mul3A_424 : i32 to vector<16xi32>
    %mul3A_426 = arith.muli %get3A_423, %mul3A_425 : vector<16xi32>
    %get3A_427 = arith.constant 480 : index
    %get3A_428 = tpu.vector_load %arg7[%get3A_427] {strides = array<i32>} : memref<640xi32, #tpu.memory_space<vmem>>, vector<16xi32>,
    %get3A_429 = vector.shape_cast %get3A_428 : vector<16xi32> to vector<16xi32>
    %add3A_430 = arith.addi %mul3A_426, %get3A_429 : vector<16xi32>
    %swap3A_431 = arith.constant 480 : index
    %swap3A_432 = tpu.vector_load %arg8[%swap3A_431] {strides = array<i32>} : memref<640xi32, #tpu.memory_space<vmem>>, vector<16xi32>,
    %swap3A_433 = vector.shape_cast %swap3A_432 : vector<16xi32> to vector<16xi32>
    %swap3A_434 = vector.shape_cast %add3A_430 : vector<16xi32> to vector<16xi32>
    tpu.vector_store %arg8[%swap3A_431], %swap3A_434 {strides = array<i32>} : memref<640xi32, #tpu.memory_space<vmem>>, vector<16xi32>,
    %get3A_435 = arith.constant 496 : index
    %get3A_436 = tpu.vector_load %arg6[%get3A_435] {strides = array<i32>} : memref<640xi32, #tpu.memory_space<vmem>>, vector<16xi32>,
    %get3A_437 = vector.shape_cast %get3A_436 : vector<16xi32> to vector<16xi32>
    %mul3A_438 = arith.constant 32 : i32
    %mul3A_439 = vector.broadcast %mul3A_438 : i32 to vector<16xi32>
    %mul3A_440 = arith.muli %get3A_437, %mul3A_439 : vector<16xi32>
    %get3A_441 = arith.constant 496 : index
    %get3A_442 = tpu.vector_load %arg7[%get3A_441] {strides = array<i32>} : memref<640xi32, #tpu.memory_space<vmem>>, vector<16xi32>,
    %get3A_443 = vector.shape_cast %get3A_442 : vector<16xi32> to vector<16xi32>
    %add3A_444 = arith.addi %mul3A_440, %get3A_443 : vector<16xi32>
    %swap3A_445 = arith.constant 496 : index
    %swap3A_446 = tpu.vector_load %arg8[%swap3A_445] {strides = array<i32>} : memref<640xi32, #tpu.memory_space<vmem>>, vector<16xi32>,
    %swap3A_447 = vector.shape_cast %swap3A_446 : vector<16xi32> to vector<16xi32>
    %swap3A_448 = vector.shape_cast %add3A_444 : vector<16xi32> to vector<16xi32>
    tpu.vector_store %arg8[%swap3A_445], %swap3A_448 {strides = array<i32>} : memref<640xi32, #tpu.memory_space<vmem>>, vector<16xi32>,
    %get3A_449 = arith.constant 512 : index
    %get3A_450 = tpu.vector_load %arg6[%get3A_449] {strides = array<i32>} : memref<640xi32, #tpu.memory_space<vmem>>, vector<16xi32>,
    %get3A_451 = vector.shape_cast %get3A_450 : vector<16xi32> to vector<16xi32>
    %mul3A_452 = arith.constant 32 : i32
    %mul3A_453 = vector.broadcast %mul3A_452 : i32 to vector<16xi32>
    %mul3A_454 = arith.muli %get3A_451, %mul3A_453 : vector<16xi32>
    %get3A_455 = arith.constant 512 : index
    %get3A_456 = tpu.vector_load %arg7[%get3A_455] {strides = array<i32>} : memref<640xi32, #tpu.memory_space<vmem>>, vector<16xi32>,
    %get3A_457 = vector.shape_cast %get3A_456 : vector<16xi32> to vector<16xi32>
    %add3A_458 = arith.addi %mul3A_454, %get3A_457 : vector<16xi32>
    %swap3A_459 = arith.constant 512 : index
    %swap3A_460 = tpu.vector_load %arg8[%swap3A_459] {strides = array<i32>} : memref<640xi32, #tpu.memory_space<vmem>>, vector<16xi32>,
    %swap3A_461 = vector.shape_cast %swap3A_460 : vector<16xi32> to vector<16xi32>
    %swap3A_462 = vector.shape_cast %add3A_458 : vector<16xi32> to vector<16xi32>
    tpu.vector_store %arg8[%swap3A_459], %swap3A_462 {strides = array<i32>} : memref<640xi32, #tpu.memory_space<vmem>>, vector<16xi32>,
    %get3A_463 = arith.constant 528 : index
    %get3A_464 = tpu.vector_load %arg6[%get3A_463] {strides = array<i32>} : memref<640xi32, #tpu.memory_space<vmem>>, vector<16xi32>,
    %get3A_465 = vector.shape_cast %get3A_464 : vector<16xi32> to vector<16xi32>
    %mul3A_466 = arith.constant 32 : i32
    %mul3A_467 = vector.broadcast %mul3A_466 : i32 to vector<16xi32>
    %mul3A_468 = arith.muli %get3A_465, %mul3A_467 : vector<16xi32>
    %get3A_469 = arith.constant 528 : index
    %get3A_470 = tpu.vector_load %arg7[%get3A_469] {strides = array<i32>} : memref<640xi32, #tpu.memory_space<vmem>>, vector<16xi32>,
    %get3A_471 = vector.shape_cast %get3A_470 : vector<16xi32> to vector<16xi32>
    %add3A_472 = arith.addi %mul3A_468, %get3A_471 : vector<16xi32>
    %swap3A_473 = arith.constant 528 : index
    %swap3A_474 = tpu.vector_load %arg8[%swap3A_473] {strides = array<i32>} : memref<640xi32, #tpu.memory_space<vmem>>, vector<16xi32>,
    %swap3A_475 = vector.shape_cast %swap3A_474 : vector<16xi32> to vector<16xi32>
    %swap3A_476 = vector.shape_cast %add3A_472 : vector<16xi32> to vector<16xi32>
    tpu.vector_store %arg8[%swap3A_473], %swap3A_476 {strides = array<i32>} : memref<640xi32, #tpu.memory_space<vmem>>, vector<16xi32>,
    %get3A_477 = arith.constant 544 : index
    %get3A_478 = tpu.vector_load %arg6[%get3A_477] {strides = array<i32>} : memref<640xi32, #tpu.memory_space<vmem>>, vector<16xi32>,
    %get3A_479 = vector.shape_cast %get3A_478 : vector<16xi32> to vector<16xi32>
    %mul3A_480 = arith.constant 32 : i32
    %mul3A_481 = vector.broadcast %mul3A_480 : i32 to vector<16xi32>
    %mul3A_482 = arith.muli %get3A_479, %mul3A_481 : vector<16xi32>
    %get3A_483 = arith.constant 544 : index
    %get3A_484 = tpu.vector_load %arg7[%get3A_483] {strides = array<i32>} : memref<640xi32, #tpu.memory_space<vmem>>, vector<16xi32>,
    %get3A_485 = vector.shape_cast %get3A_484 : vector<16xi32> to vector<16xi32>
    %add3A_486 = arith.addi %mul3A_482, %get3A_485 : vector<16xi32>
    %swap3A_487 = arith.constant 544 : index
    %swap3A_488 = tpu.vector_load %arg8[%swap3A_487] {strides = array<i32>} : memref<640xi32, #tpu.memory_space<vmem>>, vector<16xi32>,
    %swap3A_489 = vector.shape_cast %swap3A_488 : vector<16xi32> to vector<16xi32>
    %swap3A_490 = vector.shape_cast %add3A_486 : vector<16xi32> to vector<16xi32>
    tpu.vector_store %arg8[%swap3A_487], %swap3A_490 {strides = array<i32>} : memref<640xi32, #tpu.memory_space<vmem>>, vector<16xi32>,
    %get3A_491 = arith.constant 560 : index
    %get3A_492 = tpu.vector_load %arg6[%get3A_491] {strides = array<i32>} : memref<640xi32, #tpu.memory_space<vmem>>, vector<16xi32>,
    %get3A_493 = vector.shape_cast %get3A_492 : vector<16xi32> to vector<16xi32>
    %mul3A_494 = arith.constant 32 : i32
    %mul3A_495 = vector.broadcast %mul3A_494 : i32 to vector<16xi32>
    %mul3A_496 = arith.muli %get3A_493, %mul3A_495 : vector<16xi32>
    %get3A_497 = arith.constant 560 : index
    %get3A_498 = tpu.vector_load %arg7[%get3A_497] {strides = array<i32>} : memref<640xi32, #tpu.memory_space<vmem>>, vector<16xi32>,
    %get3A_499 = vector.shape_cast %get3A_498 : vector<16xi32> to vector<16xi32>
    %add3A_500 = arith.addi %mul3A_496, %get3A_499 : vector<16xi32>
    %swap3A_501 = arith.constant 560 : index
    %swap3A_502 = tpu.vector_load %arg8[%swap3A_501] {strides = array<i32>} : memref<640xi32, #tpu.memory_space<vmem>>, vector<16xi32>,
    %swap3A_503 = vector.shape_cast %swap3A_502 : vector<16xi32> to vector<16xi32>
    %swap3A_504 = vector.shape_cast %add3A_500 : vector<16xi32> to vector<16xi32>
    tpu.vector_store %arg8[%swap3A_501], %swap3A_504 {strides = array<i32>} : memref<640xi32, #tpu.memory_space<vmem>>, vector<16xi32>,
    %get3A_505 = arith.constant 576 : index
    %get3A_506 = tpu.vector_load %arg6[%get3A_505] {strides = array<i32>} : memref<640xi32, #tpu.memory_space<vmem>>, vector<16xi32>,
    %get3A_507 = vector.shape_cast %get3A_506 : vector<16xi32> to vector<16xi32>
    %mul3A_508 = arith.constant 32 : i32
    %mul3A_509 = vector.broadcast %mul3A_508 : i32 to vector<16xi32>
    %mul3A_510 = arith.muli %get3A_507, %mul3A_509 : vector<16xi32>
    %get3A_511 = arith.constant 576 : index
    %get3A_512 = tpu.vector_load %arg7[%get3A_511] {strides = array<i32>} : memref<640xi32, #tpu.memory_space<vmem>>, vector<16xi32>,
    %get3A_513 = vector.shape_cast %get3A_512 : vector<16xi32> to vector<16xi32>
    %add3A_514 = arith.addi %mul3A_510, %get3A_513 : vector<16xi32>
    %swap3A_515 = arith.constant 576 : index
    %swap3A_516 = tpu.vector_load %arg8[%swap3A_515] {strides = array<i32>} : memref<640xi32, #tpu.memory_space<vmem>>, vector<16xi32>,
    %swap3A_517 = vector.shape_cast %swap3A_516 : vector<16xi32> to vector<16xi32>
    %swap3A_518 = vector.shape_cast %add3A_514 : vector<16xi32> to vector<16xi32>
    tpu.vector_store %arg8[%swap3A_515], %swap3A_518 {strides = array<i32>} : memref<640xi32, #tpu.memory_space<vmem>>, vector<16xi32>,
    %get3A_519 = arith.constant 592 : index
    %get3A_520 = tpu.vector_load %arg6[%get3A_519] {strides = array<i32>} : memref<640xi32, #tpu.memory_space<vmem>>, vector<16xi32>,
    %get3A_521 = vector.shape_cast %get3A_520 : vector<16xi32> to vector<16xi32>
    %mul3A_522 = arith.constant 32 : i32
    %mul3A_523 = vector.broadcast %mul3A_522 : i32 to vector<16xi32>
    %mul3A_524 = arith.muli %get3A_521, %mul3A_523 : vector<16xi32>
    %get3A_525 = arith.constant 592 : index
    %get3A_526 = tpu.vector_load %arg7[%get3A_525] {strides = array<i32>} : memref<640xi32, #tpu.memory_space<vmem>>, vector<16xi32>,
    %get3A_527 = vector.shape_cast %get3A_526 : vector<16xi32> to vector<16xi32>
    %add3A_528 = arith.addi %mul3A_524, %get3A_527 : vector<16xi32>
    %swap3A_529 = arith.constant 592 : index
    %swap3A_530 = tpu.vector_load %arg8[%swap3A_529] {strides = array<i32>} : memref<640xi32, #tpu.memory_space<vmem>>, vector<16xi32>,
    %swap3A_531 = vector.shape_cast %swap3A_530 : vector<16xi32> to vector<16xi32>
    %swap3A_532 = vector.shape_cast %add3A_528 : vector<16xi32> to vector<16xi32>
    tpu.vector_store %arg8[%swap3A_529], %swap3A_532 {strides = array<i32>} : memref<640xi32, #tpu.memory_space<vmem>>, vector<16xi32>,
    %get3A_533 = arith.constant 608 : index
    %get3A_534 = tpu.vector_load %arg6[%get3A_533] {strides = array<i32>} : memref<640xi32, #tpu.memory_space<vmem>>, vector<16xi32>,
    %get3A_535 = vector.shape_cast %get3A_534 : vector<16xi32> to vector<16xi32>
    %mul3A_536 = arith.constant 32 : i32
    %mul3A_537 = vector.broadcast %mul3A_536 : i32 to vector<16xi32>
    %mul3A_538 = arith.muli %get3A_535, %mul3A_537 : vector<16xi32>
    %get3A_539 = arith.constant 608 : index
    %get3A_540 = tpu.vector_load %arg7[%get3A_539] {strides = array<i32>} : memref<640xi32, #tpu.memory_space<vmem>>, vector<16xi32>,
    %get3A_541 = vector.shape_cast %get3A_540 : vector<16xi32> to vector<16xi32>
    %add3A_542 = arith.addi %mul3A_538, %get3A_541 : vector<16xi32>
    %swap3A_543 = arith.constant 608 : index
    %swap3A_544 = tpu.vector_load %arg8[%swap3A_543] {strides = array<i32>} : memref<640xi32, #tpu.memory_space<vmem>>, vector<16xi32>,
    %swap3A_545 = vector.shape_cast %swap3A_544 : vector<16xi32> to vector<16xi32>
    %swap3A_546 = vector.shape_cast %add3A_542 : vector<16xi32> to vector<16xi32>
    tpu.vector_store %arg8[%swap3A_543], %swap3A_546 {strides = array<i32>} : memref<640xi32, #tpu.memory_space<vmem>>, vector<16xi32>,
    %get3A_547 = arith.constant 624 : index
    %get3A_548 = tpu.vector_load %arg6[%get3A_547] {strides = array<i32>} : memref<640xi32, #tpu.memory_space<vmem>>, vector<16xi32>,
    %get3A_549 = vector.shape_cast %get3A_548 : vector<16xi32> to vector<16xi32>
    %mul3A_550 = arith.constant 32 : i32
    %mul3A_551 = vector.broadcast %mul3A_550 : i32 to vector<16xi32>
    %mul3A_552 = arith.muli %get3A_549, %mul3A_551 : vector<16xi32>
    %get3A_553 = arith.constant 624 : index
    %get3A_554 = tpu.vector_load %arg7[%get3A_553] {strides = array<i32>} : memref<640xi32, #tpu.memory_space<vmem>>, vector<16xi32>,
    %get3A_555 = vector.shape_cast %get3A_554 : vector<16xi32> to vector<16xi32>
    %add3A_556 = arith.addi %mul3A_552, %get3A_555 : vector<16xi32>
    %swap3A_557 = arith.constant 624 : index
    %swap3A_558 = tpu.vector_load %arg8[%swap3A_557] {strides = array<i32>} : memref<640xi32, #tpu.memory_space<vmem>>, vector<16xi32>,
    %swap3A_559 = vector.shape_cast %swap3A_558 : vector<16xi32> to vector<16xi32>
    %swap3A_560 = vector.shape_cast %add3A_556 : vector<16xi32> to vector<16xi32>
    tpu.vector_store %arg8[%swap3A_557], %swap3A_560 {strides = array<i32>} : memref<640xi32, #tpu.memory_space<vmem>>, vector<16xi32>,
    %dma_start3A = arith.constant 0 : i32
    %dma_start3A_561 = tpu.memref_slice %arg9[%dma_start3A] : memref<640xf32, #tpu.memory_space<vmem>> -> memref<128xf32, #tpu.memory_space<vmem>>
    %dma_start3A_562 = arith.constant 0 : i32
    %dma_start3A_563 = tpu.memref_slice %arg8[%dma_start3A_562] : memref<640xi32, #tpu.memory_space<vmem>> -> memref<128xi32, #tpu.memory_space<vmem>>
    %dma_start3A_564 = arith.constant 0 : i32
    %dma_start3A_565 = tpu.memref_slice %arg4[%dma_start3A_564] : memref<131072xf32, #tpu.memory_space<hbm>> -> memref<131072xf32, #tpu.memory_space<hbm>>
    tpu.enqueue_indirect_dma source(%dma_start3A_565 : memref<131072xf32, #tpu.memory_space<hbm>>) target(%dma_start3A_561 : memref<128xf32, #tpu.memory_space<vmem>>) offsets(%dma_start3A_563 : memref<128xi32, #tpu.memory_space<vmem>>) semaphore(%arg10 : memref<!tpu.dma_semaphore, #tpu.memory_space<semaphore_mem>>)
    %dma_start3A_566 = arith.constant 128 : i32
    %dma_start3A_567 = tpu.memref_slice %arg9[%dma_start3A_566] : memref<640xf32, #tpu.memory_space<vmem>> -> memref<128xf32, #tpu.memory_space<vmem>>
    %dma_start3A_568 = arith.constant 128 : i32
    %dma_start3A_569 = tpu.memref_slice %arg8[%dma_start3A_568] : memref<640xi32, #tpu.memory_space<vmem>> -> memref<128xi32, #tpu.memory_space<vmem>>
    %dma_start3A_570 = arith.constant 0 : i32
    %dma_start3A_571 = tpu.memref_slice %arg4[%dma_start3A_570] : memref<131072xf32, #tpu.memory_space<hbm>> -> memref<131072xf32, #tpu.memory_space<hbm>>
    tpu.enqueue_indirect_dma source(%dma_start3A_571 : memref<131072xf32, #tpu.memory_space<hbm>>) target(%dma_start3A_567 : memref<128xf32, #tpu.memory_space<vmem>>) offsets(%dma_start3A_569 : memref<128xi32, #tpu.memory_space<vmem>>) semaphore(%arg10 : memref<!tpu.dma_semaphore, #tpu.memory_space<semaphore_mem>>)
    %dma_start3A_572 = arith.constant 256 : i32
    %dma_start3A_573 = tpu.memref_slice %arg9[%dma_start3A_572] : memref<640xf32, #tpu.memory_space<vmem>> -> memref<128xf32, #tpu.memory_space<vmem>>
    %dma_start3A_574 = arith.constant 256 : i32
    %dma_start3A_575 = tpu.memref_slice %arg8[%dma_start3A_574] : memref<640xi32, #tpu.memory_space<vmem>> -> memref<128xi32, #tpu.memory_space<vmem>>
    %dma_start3A_576 = arith.constant 0 : i32
    %dma_start3A_577 = tpu.memref_slice %arg4[%dma_start3A_576] : memref<131072xf32, #tpu.memory_space<hbm>> -> memref<131072xf32, #tpu.memory_space<hbm>>
    tpu.enqueue_indirect_dma source(%dma_start3A_577 : memref<131072xf32, #tpu.memory_space<hbm>>) target(%dma_start3A_573 : memref<128xf32, #tpu.memory_space<vmem>>) offsets(%dma_start3A_575 : memref<128xi32, #tpu.memory_space<vmem>>) semaphore(%arg10 : memref<!tpu.dma_semaphore, #tpu.memory_space<semaphore_mem>>)
    %dma_start3A_578 = arith.constant 384 : i32
    %dma_start3A_579 = tpu.memref_slice %arg9[%dma_start3A_578] : memref<640xf32, #tpu.memory_space<vmem>> -> memref<128xf32, #tpu.memory_space<vmem>>
    %dma_start3A_580 = arith.constant 384 : i32
    %dma_start3A_581 = tpu.memref_slice %arg8[%dma_start3A_580] : memref<640xi32, #tpu.memory_space<vmem>> -> memref<128xi32, #tpu.memory_space<vmem>>
    %dma_start3A_582 = arith.constant 0 : i32
    %dma_start3A_583 = tpu.memref_slice %arg4[%dma_start3A_582] : memref<131072xf32, #tpu.memory_space<hbm>> -> memref<131072xf32, #tpu.memory_space<hbm>>
    tpu.enqueue_indirect_dma source(%dma_start3A_583 : memref<131072xf32, #tpu.memory_space<hbm>>) target(%dma_start3A_579 : memref<128xf32, #tpu.memory_space<vmem>>) offsets(%dma_start3A_581 : memref<128xi32, #tpu.memory_space<vmem>>) semaphore(%arg10 : memref<!tpu.dma_semaphore, #tpu.memory_space<semaphore_mem>>)
    %dma_start3A_584 = arith.constant 512 : i32
    %dma_start3A_585 = tpu.memref_slice %arg9[%dma_start3A_584] : memref<640xf32, #tpu.memory_space<vmem>> -> memref<128xf32, #tpu.memory_space<vmem>>
    %dma_start3A_586 = arith.constant 512 : i32
    %dma_start3A_587 = tpu.memref_slice %arg8[%dma_start3A_586] : memref<640xi32, #tpu.memory_space<vmem>> -> memref<128xi32, #tpu.memory_space<vmem>>
    %dma_start3A_588 = arith.constant 0 : i32
    %dma_start3A_589 = tpu.memref_slice %arg4[%dma_start3A_588] : memref<131072xf32, #tpu.memory_space<hbm>> -> memref<131072xf32, #tpu.memory_space<hbm>>
    tpu.enqueue_indirect_dma source(%dma_start3A_589 : memref<131072xf32, #tpu.memory_space<hbm>>) target(%dma_start3A_585 : memref<128xf32, #tpu.memory_space<vmem>>) offsets(%dma_start3A_587 : memref<128xi32, #tpu.memory_space<vmem>>) semaphore(%arg10 : memref<!tpu.dma_semaphore, #tpu.memory_space<semaphore_mem>>)
    %dma_wait3A = arith.constant 0 : i32
    %dma_wait3A_590 = tpu.memref_slice %arg9[%dma_wait3A] : memref<640xf32, #tpu.memory_space<vmem>> -> memref<128xf32, #tpu.memory_space<vmem>>
    %dma_wait3A_591 = arith.constant 0 : i32
    %dma_wait3A_592 = tpu.memref_slice %arg8[%dma_wait3A_591] : memref<640xi32, #tpu.memory_space<vmem>> -> memref<128xi32, #tpu.memory_space<vmem>>
    %dma_wait3A_593 = arith.constant 0 : i32
    %dma_wait3A_594 = tpu.memref_slice %arg4[%dma_wait3A_593] : memref<131072xf32, #tpu.memory_space<hbm>> -> memref<131072xf32, #tpu.memory_space<hbm>>
    tpu.wait_indirect_dma semaphore(%arg10 : memref<!tpu.dma_semaphore, #tpu.memory_space<semaphore_mem>>) src(%dma_wait3A_594 : memref<131072xf32, #tpu.memory_space<hbm>>) dst(%dma_wait3A_590 : memref<128xf32, #tpu.memory_space<vmem>>)
    %dma_wait3A_595 = arith.constant 128 : i32
    %dma_wait3A_596 = tpu.memref_slice %arg9[%dma_wait3A_595] : memref<640xf32, #tpu.memory_space<vmem>> -> memref<128xf32, #tpu.memory_space<vmem>>
    %dma_wait3A_597 = arith.constant 128 : i32
    %dma_wait3A_598 = tpu.memref_slice %arg8[%dma_wait3A_597] : memref<640xi32, #tpu.memory_space<vmem>> -> memref<128xi32, #tpu.memory_space<vmem>>
    %dma_wait3A_599 = arith.constant 0 : i32
    %dma_wait3A_600 = tpu.memref_slice %arg4[%dma_wait3A_599] : memref<131072xf32, #tpu.memory_space<hbm>> -> memref<131072xf32, #tpu.memory_space<hbm>>
    tpu.wait_indirect_dma semaphore(%arg10 : memref<!tpu.dma_semaphore, #tpu.memory_space<semaphore_mem>>) src(%dma_wait3A_600 : memref<131072xf32, #tpu.memory_space<hbm>>) dst(%dma_wait3A_596 : memref<128xf32, #tpu.memory_space<vmem>>)
    %dma_wait3A_601 = arith.constant 256 : i32
    %dma_wait3A_602 = tpu.memref_slice %arg9[%dma_wait3A_601] : memref<640xf32, #tpu.memory_space<vmem>> -> memref<128xf32, #tpu.memory_space<vmem>>
    %dma_wait3A_603 = arith.constant 256 : i32
    %dma_wait3A_604 = tpu.memref_slice %arg8[%dma_wait3A_603] : memref<640xi32, #tpu.memory_space<vmem>> -> memref<128xi32, #tpu.memory_space<vmem>>
    %dma_wait3A_605 = arith.constant 0 : i32
    %dma_wait3A_606 = tpu.memref_slice %arg4[%dma_wait3A_605] : memref<131072xf32, #tpu.memory_space<hbm>> -> memref<131072xf32, #tpu.memory_space<hbm>>
    tpu.wait_indirect_dma semaphore(%arg10 : memref<!tpu.dma_semaphore, #tpu.memory_space<semaphore_mem>>) src(%dma_wait3A_606 : memref<131072xf32, #tpu.memory_space<hbm>>) dst(%dma_wait3A_602 : memref<128xf32, #tpu.memory_space<vmem>>)
    %dma_wait3A_607 = arith.constant 384 : i32
    %dma_wait3A_608 = tpu.memref_slice %arg9[%dma_wait3A_607] : memref<640xf32, #tpu.memory_space<vmem>> -> memref<128xf32, #tpu.memory_space<vmem>>
    %dma_wait3A_609 = arith.constant 384 : i32
    %dma_wait3A_610 = tpu.memref_slice %arg8[%dma_wait3A_609] : memref<640xi32, #tpu.memory_space<vmem>> -> memref<128xi32, #tpu.memory_space<vmem>>
    %dma_wait3A_611 = arith.constant 0 : i32
    %dma_wait3A_612 = tpu.memref_slice %arg4[%dma_wait3A_611] : memref<131072xf32, #tpu.memory_space<hbm>> -> memref<131072xf32, #tpu.memory_space<hbm>>
    tpu.wait_indirect_dma semaphore(%arg10 : memref<!tpu.dma_semaphore, #tpu.memory_space<semaphore_mem>>) src(%dma_wait3A_612 : memref<131072xf32, #tpu.memory_space<hbm>>) dst(%dma_wait3A_608 : memref<128xf32, #tpu.memory_space<vmem>>)
    %dma_wait3A_613 = arith.constant 512 : i32
    %dma_wait3A_614 = tpu.memref_slice %arg9[%dma_wait3A_613] : memref<640xf32, #tpu.memory_space<vmem>> -> memref<128xf32, #tpu.memory_space<vmem>>
    %dma_wait3A_615 = arith.constant 512 : i32
    %dma_wait3A_616 = tpu.memref_slice %arg8[%dma_wait3A_615] : memref<640xi32, #tpu.memory_space<vmem>> -> memref<128xi32, #tpu.memory_space<vmem>>
    %dma_wait3A_617 = arith.constant 0 : i32
    %dma_wait3A_618 = tpu.memref_slice %arg4[%dma_wait3A_617] : memref<131072xf32, #tpu.memory_space<hbm>> -> memref<131072xf32, #tpu.memory_space<hbm>>
    tpu.wait_indirect_dma semaphore(%arg10 : memref<!tpu.dma_semaphore, #tpu.memory_space<semaphore_mem>>) src(%dma_wait3A_618 : memref<131072xf32, #tpu.memory_space<hbm>>) dst(%dma_wait3A_614 : memref<128xf32, #tpu.memory_space<vmem>>)
    "tpu.region"() ({
      %run_scoped3A = tpu.sem_alloc : memref<!tpu.dma_semaphore, #tpu.memory_space<semaphore_mem>>
      %dma_start3A_619 = tpu.memref_slice %arg5[%mul3A_2] : memref<20480xf32, #tpu.memory_space<hbm>> -> memref<640xf32, #tpu.memory_space<hbm>>
      %dma_start3A_620 = tpu.memref_slice %arg5[%mul3A_2] : memref<20480xf32, #tpu.memory_space<hbm>> -> memref<640xf32, #tpu.memory_space<hbm>>
      tpu.enqueue_dma source(%arg9 : memref<640xf32, #tpu.memory_space<vmem>>) target(%dma_start3A_620 : memref<640xf32, #tpu.memory_space<hbm>>) target_semaphore(%run_scoped3A : memref<!tpu.dma_semaphore, #tpu.memory_space<semaphore_mem>>)
      %dma_wait3A_621 = tpu.memref_slice %arg5[%mul3A_2] : memref<20480xf32, #tpu.memory_space<hbm>> -> memref<640xf32, #tpu.memory_space<hbm>>
      %dma_wait3A_622 = tpu.memref_slice %arg5[%mul3A_2] : memref<20480xf32, #tpu.memory_space<hbm>> -> memref<640xf32, #tpu.memory_space<hbm>>
      tpu.wait_dma2 semaphore(%run_scoped3A : memref<!tpu.dma_semaphore, #tpu.memory_space<semaphore_mem>>) src(%arg9 : memref<640xf32, #tpu.memory_space<vmem>>) dst(%dma_wait3A_622 : memref<640xf32, #tpu.memory_space<hbm>>)
      tpu.yield
    }) : () -> ()
    return
  }
}

module attributes {stable_mosaic.version = 14 : i64} {
  func.func @_tbl_body(%arg0: i32, %arg1: memref<512x256xf32, #tpu.memory_space<vmem>>, %arg2: memref<512x256xf32, #tpu.memory_space<vmem>>, %arg3: memref<256x1024xf32, #tpu.memory_space<vmem>>, %arg4: memref<256x1024xf32, #tpu.memory_space<vmem>>, %arg5: memref<1x1024xf32, #tpu.memory_space<vmem>>, %arg6: memref<1024x1xf32, #tpu.memory_space<vmem>>, %arg7: memref<1xf32, #tpu.memory_space<smem>>, %arg8: memref<512x32xf32, #tpu.memory_space<vmem>>) attributes {dimension_semantics = [#tpu.dimension_semantics<arbitrary>], iteration_bounds = array<i64: 8>, scalar_prefetch = 0 : i64, scratch_operands = 0 : i64, tpu.core_type = #tpu.core_type<tc>, window_params = [{transform_indices = @transform_0, window_bounds = array<i64: 512, 256>}, {transform_indices = @transform_1, window_bounds = array<i64: 512, 256>}, {pipeline_mode = #tpu.pipeline_mode<synchronous>, transform_indices = @transform_2, window_bounds = array<i64: 256, 1024>}, {pipeline_mode = #tpu.pipeline_mode<synchronous>, transform_indices = @transform_3, window_bounds = array<i64: 256, 1024>}, {pipeline_mode = #tpu.pipeline_mode<synchronous>, transform_indices = @transform_4, window_bounds = array<i64: 1, 1024>}, {pipeline_mode = #tpu.pipeline_mode<synchronous>, transform_indices = @transform_5, window_bounds = array<i64: 1024, 1>}, {transform_indices = @transform_6, window_bounds = array<i64: 1>}, {transform_indices = @transform_7, window_bounds = array<i64: 512, 32>}]} {
    %get3A = arith.constant 0 : index
    %get3A_0 = arith.constant 0 : index
    %get3A_1 = vector.load %arg1[%get3A, %get3A_0] : memref<512x256xf32, #tpu.memory_space<vmem>>, vector<512x256xf32>
    %get3A_2 = arith.constant 0 : index
    %get3A_3 = arith.constant 0 : index
    %get3A_4 = vector.load %arg2[%get3A_2, %get3A_3] : memref<512x256xf32, #tpu.memory_space<vmem>>, vector<32x256xf32>
    %concatenate3A = tpu.concatenate %get3A_1, %get3A_4 in 0 : vector<512x256xf32>, vector<32x256xf32> -> vector<544x256xf32>
    %get3A_5 = arith.constant 0 : index
    %get3A_6 = arith.constant 0 : index
    %get3A_7 = vector.load %arg3[%get3A_5, %get3A_6] : memref<256x1024xf32, #tpu.memory_space<vmem>>, vector<256x1024xf32>
    %dot_general3A = arith.constant dense<0.000000e+00> : vector<512x1024xf32>
    %dot_general3A_8 = tpu.matmul %get3A_1, %get3A_7, %dot_general3A {dimension_numbers = #tpu.dot_dimension_numbers<[1], [0], [0], [1], [0, 0, 1, 1], [], []>, transpose_lhs_hint = false} : vector<512x256xf32>, vector<256x1024xf32>, vector<512x1024xf32> -> vector<512x1024xf32>
    %get3A_9 = arith.constant 0 : index
    %get3A_10 = arith.constant 0 : index
    %get3A_11 = vector.load %arg4[%get3A_9, %get3A_10] : memref<256x1024xf32, #tpu.memory_space<vmem>>, vector<256x1024xf32>
    %dot_general3A_12 = arith.constant dense<0.000000e+00> : vector<544x1024xf32>
    %dot_general3A_13 = tpu.matmul %concatenate3A, %get3A_11, %dot_general3A_12 {dimension_numbers = #tpu.dot_dimension_numbers<[1], [0], [0], [1], [0, 0, 1, 1], [], []>, transpose_lhs_hint = false} : vector<544x256xf32>, vector<256x1024xf32>, vector<544x1024xf32> -> vector<544x1024xf32>
    %slice3A = vector.extract_strided_slice %dot_general3A_13 {offsets = [0, 0], sizes = [512, 1024], strides = [1, 1]} : vector<544x1024xf32> to vector<512x1024xf32>
    %add3A = arith.addf %dot_general3A_8, %slice3A : vector<512x1024xf32>
    %get3A_14 = arith.constant 0 : index
    %get3A_15 = arith.constant 0 : index
    %get3A_16 = vector.load %arg5[%get3A_14, %get3A_15] : memref<1x1024xf32, #tpu.memory_space<vmem>>, vector<1x1024xf32>
    %add3A_17 = vector.broadcast %get3A_16 : vector<1x1024xf32> to vector<512x1024xf32>
    %add3A_18 = arith.addf %add3A, %add3A_17 : vector<512x1024xf32>
    %max3A = arith.constant 0.000000e+00 : f32
    %max3A_19 = vector.broadcast %max3A : f32 to vector<512x1024xf32>
    %max3A_20 = arith.maximumf %add3A_18, %max3A_19 : vector<512x1024xf32>
    %get3A_21 = arith.constant 0 : index
    %get3A_22 = arith.constant 0 : index
    %get3A_23 = vector.load %arg6[%get3A_21, %get3A_22] : memref<1024x1xf32, #tpu.memory_space<vmem>>, vector<1024x1xf32>
    %dot_general3A_24 = arith.constant dense<0.000000e+00> : vector<512x1xf32>
    %dot_general3A_25 = tpu.matmul %max3A_20, %get3A_23, %dot_general3A_24 {dimension_numbers = #tpu.dot_dimension_numbers<[1], [0], [0], [1], [0, 0, 1, 1], [], []>, transpose_lhs_hint = false} : vector<512x1024xf32>, vector<1024x1xf32>, vector<512x1xf32> -> vector<512x1xf32>
    %squeeze3A = vector.shape_cast %dot_general3A_25 : vector<512x1xf32> to vector<512xf32>
    %get3A_26 = arith.constant 0 : index
    %get3A_27 = memref.load %arg7[%get3A_26] : memref<1xf32, #tpu.memory_space<smem>>
    %add3A_28 = vector.broadcast %get3A_27 : f32 to vector<512xf32>
    %add3A_29 = arith.addf %squeeze3A, %add3A_28 : vector<512xf32>
    %swap3A = arith.constant 0 : index
    %swap3A_30 = arith.constant 0 : index
    %swap3A_31 = vector.load %arg8[%swap3A, %swap3A_30] : memref<512x32xf32, #tpu.memory_space<vmem>>, vector<512x1xf32>
    %swap3A_32 = vector.shape_cast %swap3A_31 : vector<512x1xf32> to vector<512xf32>
    %swap3A_33 = vector.shape_cast %add3A_29 : vector<512xf32> to vector<512x1xf32>
    tpu.vector_store %arg8[%swap3A, %swap3A_30], %swap3A_33 {strides = array<i32>} : memref<512x32xf32, #tpu.memory_space<vmem>>, vector<512x1xf32>,
    %slice3A_34 = vector.extract_strided_slice %dot_general3A_13 {offsets = [1, 0], sizes = [512, 1024], strides = [1, 1]} : vector<544x1024xf32> to vector<512x1024xf32>
    %add3A_35 = arith.addf %dot_general3A_8, %slice3A_34 : vector<512x1024xf32>
    %get3A_36 = arith.constant 0 : index
    %get3A_37 = arith.constant 0 : index
    %get3A_38 = vector.load %arg5[%get3A_36, %get3A_37] : memref<1x1024xf32, #tpu.memory_space<vmem>>, vector<1x1024xf32>
    %add3A_39 = vector.broadcast %get3A_38 : vector<1x1024xf32> to vector<512x1024xf32>
    %add3A_40 = arith.addf %add3A_35, %add3A_39 : vector<512x1024xf32>
    %max3A_41 = arith.constant 0.000000e+00 : f32
    %max3A_42 = vector.broadcast %max3A_41 : f32 to vector<512x1024xf32>
    %max3A_43 = arith.maximumf %add3A_40, %max3A_42 : vector<512x1024xf32>
    %get3A_44 = arith.constant 0 : index
    %get3A_45 = arith.constant 0 : index
    %get3A_46 = vector.load %arg6[%get3A_44, %get3A_45] : memref<1024x1xf32, #tpu.memory_space<vmem>>, vector<1024x1xf32>
    %dot_general3A_47 = arith.constant dense<0.000000e+00> : vector<512x1xf32>
    %dot_general3A_48 = tpu.matmul %max3A_43, %get3A_46, %dot_general3A_47 {dimension_numbers = #tpu.dot_dimension_numbers<[1], [0], [0], [1], [0, 0, 1, 1], [], []>, transpose_lhs_hint = false} : vector<512x1024xf32>, vector<1024x1xf32>, vector<512x1xf32> -> vector<512x1xf32>
    %squeeze3A_49 = vector.shape_cast %dot_general3A_48 : vector<512x1xf32> to vector<512xf32>
    %get3A_50 = arith.constant 0 : index
    %get3A_51 = memref.load %arg7[%get3A_50] : memref<1xf32, #tpu.memory_space<smem>>
    %add3A_52 = vector.broadcast %get3A_51 : f32 to vector<512xf32>
    %add3A_53 = arith.addf %squeeze3A_49, %add3A_52 : vector<512xf32>
    %swap3A_54 = arith.constant 0 : index
    %swap3A_55 = arith.constant 1 : index
    %swap3A_56 = vector.load %arg8[%swap3A_54, %swap3A_55] : memref<512x32xf32, #tpu.memory_space<vmem>>, vector<512x1xf32>
    %swap3A_57 = vector.shape_cast %swap3A_56 : vector<512x1xf32> to vector<512xf32>
    %swap3A_58 = vector.shape_cast %add3A_53 : vector<512xf32> to vector<512x1xf32>
    tpu.vector_store %arg8[%swap3A_54, %swap3A_55], %swap3A_58 {strides = array<i32>} : memref<512x32xf32, #tpu.memory_space<vmem>>, vector<512x1xf32>,
    %slice3A_59 = vector.extract_strided_slice %dot_general3A_13 {offsets = [2, 0], sizes = [512, 1024], strides = [1, 1]} : vector<544x1024xf32> to vector<512x1024xf32>
    %add3A_60 = arith.addf %dot_general3A_8, %slice3A_59 : vector<512x1024xf32>
    %get3A_61 = arith.constant 0 : index
    %get3A_62 = arith.constant 0 : index
    %get3A_63 = vector.load %arg5[%get3A_61, %get3A_62] : memref<1x1024xf32, #tpu.memory_space<vmem>>, vector<1x1024xf32>
    %add3A_64 = vector.broadcast %get3A_63 : vector<1x1024xf32> to vector<512x1024xf32>
    %add3A_65 = arith.addf %add3A_60, %add3A_64 : vector<512x1024xf32>
    %max3A_66 = arith.constant 0.000000e+00 : f32
    %max3A_67 = vector.broadcast %max3A_66 : f32 to vector<512x1024xf32>
    %max3A_68 = arith.maximumf %add3A_65, %max3A_67 : vector<512x1024xf32>
    %get3A_69 = arith.constant 0 : index
    %get3A_70 = arith.constant 0 : index
    %get3A_71 = vector.load %arg6[%get3A_69, %get3A_70] : memref<1024x1xf32, #tpu.memory_space<vmem>>, vector<1024x1xf32>
    %dot_general3A_72 = arith.constant dense<0.000000e+00> : vector<512x1xf32>
    %dot_general3A_73 = tpu.matmul %max3A_68, %get3A_71, %dot_general3A_72 {dimension_numbers = #tpu.dot_dimension_numbers<[1], [0], [0], [1], [0, 0, 1, 1], [], []>, transpose_lhs_hint = false} : vector<512x1024xf32>, vector<1024x1xf32>, vector<512x1xf32> -> vector<512x1xf32>
    %squeeze3A_74 = vector.shape_cast %dot_general3A_73 : vector<512x1xf32> to vector<512xf32>
    %get3A_75 = arith.constant 0 : index
    %get3A_76 = memref.load %arg7[%get3A_75] : memref<1xf32, #tpu.memory_space<smem>>
    %add3A_77 = vector.broadcast %get3A_76 : f32 to vector<512xf32>
    %add3A_78 = arith.addf %squeeze3A_74, %add3A_77 : vector<512xf32>
    %swap3A_79 = arith.constant 0 : index
    %swap3A_80 = arith.constant 2 : index
    %swap3A_81 = vector.load %arg8[%swap3A_79, %swap3A_80] : memref<512x32xf32, #tpu.memory_space<vmem>>, vector<512x1xf32>
    %swap3A_82 = vector.shape_cast %swap3A_81 : vector<512x1xf32> to vector<512xf32>
    %swap3A_83 = vector.shape_cast %add3A_78 : vector<512xf32> to vector<512x1xf32>
    tpu.vector_store %arg8[%swap3A_79, %swap3A_80], %swap3A_83 {strides = array<i32>} : memref<512x32xf32, #tpu.memory_space<vmem>>, vector<512x1xf32>,
    %slice3A_84 = vector.extract_strided_slice %dot_general3A_13 {offsets = [3, 0], sizes = [512, 1024], strides = [1, 1]} : vector<544x1024xf32> to vector<512x1024xf32>
    %add3A_85 = arith.addf %dot_general3A_8, %slice3A_84 : vector<512x1024xf32>
    %get3A_86 = arith.constant 0 : index
    %get3A_87 = arith.constant 0 : index
    %get3A_88 = vector.load %arg5[%get3A_86, %get3A_87] : memref<1x1024xf32, #tpu.memory_space<vmem>>, vector<1x1024xf32>
    %add3A_89 = vector.broadcast %get3A_88 : vector<1x1024xf32> to vector<512x1024xf32>
    %add3A_90 = arith.addf %add3A_85, %add3A_89 : vector<512x1024xf32>
    %max3A_91 = arith.constant 0.000000e+00 : f32
    %max3A_92 = vector.broadcast %max3A_91 : f32 to vector<512x1024xf32>
    %max3A_93 = arith.maximumf %add3A_90, %max3A_92 : vector<512x1024xf32>
    %get3A_94 = arith.constant 0 : index
    %get3A_95 = arith.constant 0 : index
    %get3A_96 = vector.load %arg6[%get3A_94, %get3A_95] : memref<1024x1xf32, #tpu.memory_space<vmem>>, vector<1024x1xf32>
    %dot_general3A_97 = arith.constant dense<0.000000e+00> : vector<512x1xf32>
    %dot_general3A_98 = tpu.matmul %max3A_93, %get3A_96, %dot_general3A_97 {dimension_numbers = #tpu.dot_dimension_numbers<[1], [0], [0], [1], [0, 0, 1, 1], [], []>, transpose_lhs_hint = false} : vector<512x1024xf32>, vector<1024x1xf32>, vector<512x1xf32> -> vector<512x1xf32>
    %squeeze3A_99 = vector.shape_cast %dot_general3A_98 : vector<512x1xf32> to vector<512xf32>
    %get3A_100 = arith.constant 0 : index
    %get3A_101 = memref.load %arg7[%get3A_100] : memref<1xf32, #tpu.memory_space<smem>>
    %add3A_102 = vector.broadcast %get3A_101 : f32 to vector<512xf32>
    %add3A_103 = arith.addf %squeeze3A_99, %add3A_102 : vector<512xf32>
    %swap3A_104 = arith.constant 0 : index
    %swap3A_105 = arith.constant 3 : index
    %swap3A_106 = vector.load %arg8[%swap3A_104, %swap3A_105] : memref<512x32xf32, #tpu.memory_space<vmem>>, vector<512x1xf32>
    %swap3A_107 = vector.shape_cast %swap3A_106 : vector<512x1xf32> to vector<512xf32>
    %swap3A_108 = vector.shape_cast %add3A_103 : vector<512xf32> to vector<512x1xf32>
    tpu.vector_store %arg8[%swap3A_104, %swap3A_105], %swap3A_108 {strides = array<i32>} : memref<512x32xf32, #tpu.memory_space<vmem>>, vector<512x1xf32>,
    %slice3A_109 = vector.extract_strided_slice %dot_general3A_13 {offsets = [4, 0], sizes = [512, 1024], strides = [1, 1]} : vector<544x1024xf32> to vector<512x1024xf32>
    %add3A_110 = arith.addf %dot_general3A_8, %slice3A_109 : vector<512x1024xf32>
    %get3A_111 = arith.constant 0 : index
    %get3A_112 = arith.constant 0 : index
    %get3A_113 = vector.load %arg5[%get3A_111, %get3A_112] : memref<1x1024xf32, #tpu.memory_space<vmem>>, vector<1x1024xf32>
    %add3A_114 = vector.broadcast %get3A_113 : vector<1x1024xf32> to vector<512x1024xf32>
    %add3A_115 = arith.addf %add3A_110, %add3A_114 : vector<512x1024xf32>
    %max3A_116 = arith.constant 0.000000e+00 : f32
    %max3A_117 = vector.broadcast %max3A_116 : f32 to vector<512x1024xf32>
    %max3A_118 = arith.maximumf %add3A_115, %max3A_117 : vector<512x1024xf32>
    %get3A_119 = arith.constant 0 : index
    %get3A_120 = arith.constant 0 : index
    %get3A_121 = vector.load %arg6[%get3A_119, %get3A_120] : memref<1024x1xf32, #tpu.memory_space<vmem>>, vector<1024x1xf32>
    %dot_general3A_122 = arith.constant dense<0.000000e+00> : vector<512x1xf32>
    %dot_general3A_123 = tpu.matmul %max3A_118, %get3A_121, %dot_general3A_122 {dimension_numbers = #tpu.dot_dimension_numbers<[1], [0], [0], [1], [0, 0, 1, 1], [], []>, transpose_lhs_hint = false} : vector<512x1024xf32>, vector<1024x1xf32>, vector<512x1xf32> -> vector<512x1xf32>
    %squeeze3A_124 = vector.shape_cast %dot_general3A_123 : vector<512x1xf32> to vector<512xf32>
    %get3A_125 = arith.constant 0 : index
    %get3A_126 = memref.load %arg7[%get3A_125] : memref<1xf32, #tpu.memory_space<smem>>
    %add3A_127 = vector.broadcast %get3A_126 : f32 to vector<512xf32>
    %add3A_128 = arith.addf %squeeze3A_124, %add3A_127 : vector<512xf32>
    %swap3A_129 = arith.constant 0 : index
    %swap3A_130 = arith.constant 4 : index
    %swap3A_131 = vector.load %arg8[%swap3A_129, %swap3A_130] : memref<512x32xf32, #tpu.memory_space<vmem>>, vector<512x1xf32>
    %swap3A_132 = vector.shape_cast %swap3A_131 : vector<512x1xf32> to vector<512xf32>
    %swap3A_133 = vector.shape_cast %add3A_128 : vector<512xf32> to vector<512x1xf32>
    tpu.vector_store %arg8[%swap3A_129, %swap3A_130], %swap3A_133 {strides = array<i32>} : memref<512x32xf32, #tpu.memory_space<vmem>>, vector<512x1xf32>,
    %slice3A_134 = vector.extract_strided_slice %dot_general3A_13 {offsets = [5, 0], sizes = [512, 1024], strides = [1, 1]} : vector<544x1024xf32> to vector<512x1024xf32>
    %add3A_135 = arith.addf %dot_general3A_8, %slice3A_134 : vector<512x1024xf32>
    %get3A_136 = arith.constant 0 : index
    %get3A_137 = arith.constant 0 : index
    %get3A_138 = vector.load %arg5[%get3A_136, %get3A_137] : memref<1x1024xf32, #tpu.memory_space<vmem>>, vector<1x1024xf32>
    %add3A_139 = vector.broadcast %get3A_138 : vector<1x1024xf32> to vector<512x1024xf32>
    %add3A_140 = arith.addf %add3A_135, %add3A_139 : vector<512x1024xf32>
    %max3A_141 = arith.constant 0.000000e+00 : f32
    %max3A_142 = vector.broadcast %max3A_141 : f32 to vector<512x1024xf32>
    %max3A_143 = arith.maximumf %add3A_140, %max3A_142 : vector<512x1024xf32>
    %get3A_144 = arith.constant 0 : index
    %get3A_145 = arith.constant 0 : index
    %get3A_146 = vector.load %arg6[%get3A_144, %get3A_145] : memref<1024x1xf32, #tpu.memory_space<vmem>>, vector<1024x1xf32>
    %dot_general3A_147 = arith.constant dense<0.000000e+00> : vector<512x1xf32>
    %dot_general3A_148 = tpu.matmul %max3A_143, %get3A_146, %dot_general3A_147 {dimension_numbers = #tpu.dot_dimension_numbers<[1], [0], [0], [1], [0, 0, 1, 1], [], []>, transpose_lhs_hint = false} : vector<512x1024xf32>, vector<1024x1xf32>, vector<512x1xf32> -> vector<512x1xf32>
    %squeeze3A_149 = vector.shape_cast %dot_general3A_148 : vector<512x1xf32> to vector<512xf32>
    %get3A_150 = arith.constant 0 : index
    %get3A_151 = memref.load %arg7[%get3A_150] : memref<1xf32, #tpu.memory_space<smem>>
    %add3A_152 = vector.broadcast %get3A_151 : f32 to vector<512xf32>
    %add3A_153 = arith.addf %squeeze3A_149, %add3A_152 : vector<512xf32>
    %swap3A_154 = arith.constant 0 : index
    %swap3A_155 = arith.constant 5 : index
    %swap3A_156 = vector.load %arg8[%swap3A_154, %swap3A_155] : memref<512x32xf32, #tpu.memory_space<vmem>>, vector<512x1xf32>
    %swap3A_157 = vector.shape_cast %swap3A_156 : vector<512x1xf32> to vector<512xf32>
    %swap3A_158 = vector.shape_cast %add3A_153 : vector<512xf32> to vector<512x1xf32>
    tpu.vector_store %arg8[%swap3A_154, %swap3A_155], %swap3A_158 {strides = array<i32>} : memref<512x32xf32, #tpu.memory_space<vmem>>, vector<512x1xf32>,
    %slice3A_159 = vector.extract_strided_slice %dot_general3A_13 {offsets = [6, 0], sizes = [512, 1024], strides = [1, 1]} : vector<544x1024xf32> to vector<512x1024xf32>
    %add3A_160 = arith.addf %dot_general3A_8, %slice3A_159 : vector<512x1024xf32>
    %get3A_161 = arith.constant 0 : index
    %get3A_162 = arith.constant 0 : index
    %get3A_163 = vector.load %arg5[%get3A_161, %get3A_162] : memref<1x1024xf32, #tpu.memory_space<vmem>>, vector<1x1024xf32>
    %add3A_164 = vector.broadcast %get3A_163 : vector<1x1024xf32> to vector<512x1024xf32>
    %add3A_165 = arith.addf %add3A_160, %add3A_164 : vector<512x1024xf32>
    %max3A_166 = arith.constant 0.000000e+00 : f32
    %max3A_167 = vector.broadcast %max3A_166 : f32 to vector<512x1024xf32>
    %max3A_168 = arith.maximumf %add3A_165, %max3A_167 : vector<512x1024xf32>
    %get3A_169 = arith.constant 0 : index
    %get3A_170 = arith.constant 0 : index
    %get3A_171 = vector.load %arg6[%get3A_169, %get3A_170] : memref<1024x1xf32, #tpu.memory_space<vmem>>, vector<1024x1xf32>
    %dot_general3A_172 = arith.constant dense<0.000000e+00> : vector<512x1xf32>
    %dot_general3A_173 = tpu.matmul %max3A_168, %get3A_171, %dot_general3A_172 {dimension_numbers = #tpu.dot_dimension_numbers<[1], [0], [0], [1], [0, 0, 1, 1], [], []>, transpose_lhs_hint = false} : vector<512x1024xf32>, vector<1024x1xf32>, vector<512x1xf32> -> vector<512x1xf32>
    %squeeze3A_174 = vector.shape_cast %dot_general3A_173 : vector<512x1xf32> to vector<512xf32>
    %get3A_175 = arith.constant 0 : index
    %get3A_176 = memref.load %arg7[%get3A_175] : memref<1xf32, #tpu.memory_space<smem>>
    %add3A_177 = vector.broadcast %get3A_176 : f32 to vector<512xf32>
    %add3A_178 = arith.addf %squeeze3A_174, %add3A_177 : vector<512xf32>
    %swap3A_179 = arith.constant 0 : index
    %swap3A_180 = arith.constant 6 : index
    %swap3A_181 = vector.load %arg8[%swap3A_179, %swap3A_180] : memref<512x32xf32, #tpu.memory_space<vmem>>, vector<512x1xf32>
    %swap3A_182 = vector.shape_cast %swap3A_181 : vector<512x1xf32> to vector<512xf32>
    %swap3A_183 = vector.shape_cast %add3A_178 : vector<512xf32> to vector<512x1xf32>
    tpu.vector_store %arg8[%swap3A_179, %swap3A_180], %swap3A_183 {strides = array<i32>} : memref<512x32xf32, #tpu.memory_space<vmem>>, vector<512x1xf32>,
    %slice3A_184 = vector.extract_strided_slice %dot_general3A_13 {offsets = [7, 0], sizes = [512, 1024], strides = [1, 1]} : vector<544x1024xf32> to vector<512x1024xf32>
    %add3A_185 = arith.addf %dot_general3A_8, %slice3A_184 : vector<512x1024xf32>
    %get3A_186 = arith.constant 0 : index
    %get3A_187 = arith.constant 0 : index
    %get3A_188 = vector.load %arg5[%get3A_186, %get3A_187] : memref<1x1024xf32, #tpu.memory_space<vmem>>, vector<1x1024xf32>
    %add3A_189 = vector.broadcast %get3A_188 : vector<1x1024xf32> to vector<512x1024xf32>
    %add3A_190 = arith.addf %add3A_185, %add3A_189 : vector<512x1024xf32>
    %max3A_191 = arith.constant 0.000000e+00 : f32
    %max3A_192 = vector.broadcast %max3A_191 : f32 to vector<512x1024xf32>
    %max3A_193 = arith.maximumf %add3A_190, %max3A_192 : vector<512x1024xf32>
    %get3A_194 = arith.constant 0 : index
    %get3A_195 = arith.constant 0 : index
    %get3A_196 = vector.load %arg6[%get3A_194, %get3A_195] : memref<1024x1xf32, #tpu.memory_space<vmem>>, vector<1024x1xf32>
    %dot_general3A_197 = arith.constant dense<0.000000e+00> : vector<512x1xf32>
    %dot_general3A_198 = tpu.matmul %max3A_193, %get3A_196, %dot_general3A_197 {dimension_numbers = #tpu.dot_dimension_numbers<[1], [0], [0], [1], [0, 0, 1, 1], [], []>, transpose_lhs_hint = false} : vector<512x1024xf32>, vector<1024x1xf32>, vector<512x1xf32> -> vector<512x1xf32>
    %squeeze3A_199 = vector.shape_cast %dot_general3A_198 : vector<512x1xf32> to vector<512xf32>
    %get3A_200 = arith.constant 0 : index
    %get3A_201 = memref.load %arg7[%get3A_200] : memref<1xf32, #tpu.memory_space<smem>>
    %add3A_202 = vector.broadcast %get3A_201 : f32 to vector<512xf32>
    %add3A_203 = arith.addf %squeeze3A_199, %add3A_202 : vector<512xf32>
    %swap3A_204 = arith.constant 0 : index
    %swap3A_205 = arith.constant 7 : index
    %swap3A_206 = vector.load %arg8[%swap3A_204, %swap3A_205] : memref<512x32xf32, #tpu.memory_space<vmem>>, vector<512x1xf32>
    %swap3A_207 = vector.shape_cast %swap3A_206 : vector<512x1xf32> to vector<512xf32>
    %swap3A_208 = vector.shape_cast %add3A_203 : vector<512xf32> to vector<512x1xf32>
    tpu.vector_store %arg8[%swap3A_204, %swap3A_205], %swap3A_208 {strides = array<i32>} : memref<512x32xf32, #tpu.memory_space<vmem>>, vector<512x1xf32>,
    %slice3A_209 = vector.extract_strided_slice %dot_general3A_13 {offsets = [8, 0], sizes = [512, 1024], strides = [1, 1]} : vector<544x1024xf32> to vector<512x1024xf32>
    %add3A_210 = arith.addf %dot_general3A_8, %slice3A_209 : vector<512x1024xf32>
    %get3A_211 = arith.constant 0 : index
    %get3A_212 = arith.constant 0 : index
    %get3A_213 = vector.load %arg5[%get3A_211, %get3A_212] : memref<1x1024xf32, #tpu.memory_space<vmem>>, vector<1x1024xf32>
    %add3A_214 = vector.broadcast %get3A_213 : vector<1x1024xf32> to vector<512x1024xf32>
    %add3A_215 = arith.addf %add3A_210, %add3A_214 : vector<512x1024xf32>
    %max3A_216 = arith.constant 0.000000e+00 : f32
    %max3A_217 = vector.broadcast %max3A_216 : f32 to vector<512x1024xf32>
    %max3A_218 = arith.maximumf %add3A_215, %max3A_217 : vector<512x1024xf32>
    %get3A_219 = arith.constant 0 : index
    %get3A_220 = arith.constant 0 : index
    %get3A_221 = vector.load %arg6[%get3A_219, %get3A_220] : memref<1024x1xf32, #tpu.memory_space<vmem>>, vector<1024x1xf32>
    %dot_general3A_222 = arith.constant dense<0.000000e+00> : vector<512x1xf32>
    %dot_general3A_223 = tpu.matmul %max3A_218, %get3A_221, %dot_general3A_222 {dimension_numbers = #tpu.dot_dimension_numbers<[1], [0], [0], [1], [0, 0, 1, 1], [], []>, transpose_lhs_hint = false} : vector<512x1024xf32>, vector<1024x1xf32>, vector<512x1xf32> -> vector<512x1xf32>
    %squeeze3A_224 = vector.shape_cast %dot_general3A_223 : vector<512x1xf32> to vector<512xf32>
    %get3A_225 = arith.constant 0 : index
    %get3A_226 = memref.load %arg7[%get3A_225] : memref<1xf32, #tpu.memory_space<smem>>
    %add3A_227 = vector.broadcast %get3A_226 : f32 to vector<512xf32>
    %add3A_228 = arith.addf %squeeze3A_224, %add3A_227 : vector<512xf32>
    %swap3A_229 = arith.constant 0 : index
    %swap3A_230 = arith.constant 8 : index
    %swap3A_231 = vector.load %arg8[%swap3A_229, %swap3A_230] : memref<512x32xf32, #tpu.memory_space<vmem>>, vector<512x1xf32>
    %swap3A_232 = vector.shape_cast %swap3A_231 : vector<512x1xf32> to vector<512xf32>
    %swap3A_233 = vector.shape_cast %add3A_228 : vector<512xf32> to vector<512x1xf32>
    tpu.vector_store %arg8[%swap3A_229, %swap3A_230], %swap3A_233 {strides = array<i32>} : memref<512x32xf32, #tpu.memory_space<vmem>>, vector<512x1xf32>,
    %slice3A_234 = vector.extract_strided_slice %dot_general3A_13 {offsets = [9, 0], sizes = [512, 1024], strides = [1, 1]} : vector<544x1024xf32> to vector<512x1024xf32>
    %add3A_235 = arith.addf %dot_general3A_8, %slice3A_234 : vector<512x1024xf32>
    %get3A_236 = arith.constant 0 : index
    %get3A_237 = arith.constant 0 : index
    %get3A_238 = vector.load %arg5[%get3A_236, %get3A_237] : memref<1x1024xf32, #tpu.memory_space<vmem>>, vector<1x1024xf32>
    %add3A_239 = vector.broadcast %get3A_238 : vector<1x1024xf32> to vector<512x1024xf32>
    %add3A_240 = arith.addf %add3A_235, %add3A_239 : vector<512x1024xf32>
    %max3A_241 = arith.constant 0.000000e+00 : f32
    %max3A_242 = vector.broadcast %max3A_241 : f32 to vector<512x1024xf32>
    %max3A_243 = arith.maximumf %add3A_240, %max3A_242 : vector<512x1024xf32>
    %get3A_244 = arith.constant 0 : index
    %get3A_245 = arith.constant 0 : index
    %get3A_246 = vector.load %arg6[%get3A_244, %get3A_245] : memref<1024x1xf32, #tpu.memory_space<vmem>>, vector<1024x1xf32>
    %dot_general3A_247 = arith.constant dense<0.000000e+00> : vector<512x1xf32>
    %dot_general3A_248 = tpu.matmul %max3A_243, %get3A_246, %dot_general3A_247 {dimension_numbers = #tpu.dot_dimension_numbers<[1], [0], [0], [1], [0, 0, 1, 1], [], []>, transpose_lhs_hint = false} : vector<512x1024xf32>, vector<1024x1xf32>, vector<512x1xf32> -> vector<512x1xf32>
    %squeeze3A_249 = vector.shape_cast %dot_general3A_248 : vector<512x1xf32> to vector<512xf32>
    %get3A_250 = arith.constant 0 : index
    %get3A_251 = memref.load %arg7[%get3A_250] : memref<1xf32, #tpu.memory_space<smem>>
    %add3A_252 = vector.broadcast %get3A_251 : f32 to vector<512xf32>
    %add3A_253 = arith.addf %squeeze3A_249, %add3A_252 : vector<512xf32>
    %swap3A_254 = arith.constant 0 : index
    %swap3A_255 = arith.constant 9 : index
    %swap3A_256 = vector.load %arg8[%swap3A_254, %swap3A_255] : memref<512x32xf32, #tpu.memory_space<vmem>>, vector<512x1xf32>
    %swap3A_257 = vector.shape_cast %swap3A_256 : vector<512x1xf32> to vector<512xf32>
    %swap3A_258 = vector.shape_cast %add3A_253 : vector<512xf32> to vector<512x1xf32>
    tpu.vector_store %arg8[%swap3A_254, %swap3A_255], %swap3A_258 {strides = array<i32>} : memref<512x32xf32, #tpu.memory_space<vmem>>, vector<512x1xf32>,
    %slice3A_259 = vector.extract_strided_slice %dot_general3A_13 {offsets = [10, 0], sizes = [512, 1024], strides = [1, 1]} : vector<544x1024xf32> to vector<512x1024xf32>
    %add3A_260 = arith.addf %dot_general3A_8, %slice3A_259 : vector<512x1024xf32>
    %get3A_261 = arith.constant 0 : index
    %get3A_262 = arith.constant 0 : index
    %get3A_263 = vector.load %arg5[%get3A_261, %get3A_262] : memref<1x1024xf32, #tpu.memory_space<vmem>>, vector<1x1024xf32>
    %add3A_264 = vector.broadcast %get3A_263 : vector<1x1024xf32> to vector<512x1024xf32>
    %add3A_265 = arith.addf %add3A_260, %add3A_264 : vector<512x1024xf32>
    %max3A_266 = arith.constant 0.000000e+00 : f32
    %max3A_267 = vector.broadcast %max3A_266 : f32 to vector<512x1024xf32>
    %max3A_268 = arith.maximumf %add3A_265, %max3A_267 : vector<512x1024xf32>
    %get3A_269 = arith.constant 0 : index
    %get3A_270 = arith.constant 0 : index
    %get3A_271 = vector.load %arg6[%get3A_269, %get3A_270] : memref<1024x1xf32, #tpu.memory_space<vmem>>, vector<1024x1xf32>
    %dot_general3A_272 = arith.constant dense<0.000000e+00> : vector<512x1xf32>
    %dot_general3A_273 = tpu.matmul %max3A_268, %get3A_271, %dot_general3A_272 {dimension_numbers = #tpu.dot_dimension_numbers<[1], [0], [0], [1], [0, 0, 1, 1], [], []>, transpose_lhs_hint = false} : vector<512x1024xf32>, vector<1024x1xf32>, vector<512x1xf32> -> vector<512x1xf32>
    %squeeze3A_274 = vector.shape_cast %dot_general3A_273 : vector<512x1xf32> to vector<512xf32>
    %get3A_275 = arith.constant 0 : index
    %get3A_276 = memref.load %arg7[%get3A_275] : memref<1xf32, #tpu.memory_space<smem>>
    %add3A_277 = vector.broadcast %get3A_276 : f32 to vector<512xf32>
    %add3A_278 = arith.addf %squeeze3A_274, %add3A_277 : vector<512xf32>
    %swap3A_279 = arith.constant 0 : index
    %swap3A_280 = arith.constant 10 : index
    %swap3A_281 = vector.load %arg8[%swap3A_279, %swap3A_280] : memref<512x32xf32, #tpu.memory_space<vmem>>, vector<512x1xf32>
    %swap3A_282 = vector.shape_cast %swap3A_281 : vector<512x1xf32> to vector<512xf32>
    %swap3A_283 = vector.shape_cast %add3A_278 : vector<512xf32> to vector<512x1xf32>
    tpu.vector_store %arg8[%swap3A_279, %swap3A_280], %swap3A_283 {strides = array<i32>} : memref<512x32xf32, #tpu.memory_space<vmem>>, vector<512x1xf32>,
    %slice3A_284 = vector.extract_strided_slice %dot_general3A_13 {offsets = [11, 0], sizes = [512, 1024], strides = [1, 1]} : vector<544x1024xf32> to vector<512x1024xf32>
    %add3A_285 = arith.addf %dot_general3A_8, %slice3A_284 : vector<512x1024xf32>
    %get3A_286 = arith.constant 0 : index
    %get3A_287 = arith.constant 0 : index
    %get3A_288 = vector.load %arg5[%get3A_286, %get3A_287] : memref<1x1024xf32, #tpu.memory_space<vmem>>, vector<1x1024xf32>
    %add3A_289 = vector.broadcast %get3A_288 : vector<1x1024xf32> to vector<512x1024xf32>
    %add3A_290 = arith.addf %add3A_285, %add3A_289 : vector<512x1024xf32>
    %max3A_291 = arith.constant 0.000000e+00 : f32
    %max3A_292 = vector.broadcast %max3A_291 : f32 to vector<512x1024xf32>
    %max3A_293 = arith.maximumf %add3A_290, %max3A_292 : vector<512x1024xf32>
    %get3A_294 = arith.constant 0 : index
    %get3A_295 = arith.constant 0 : index
    %get3A_296 = vector.load %arg6[%get3A_294, %get3A_295] : memref<1024x1xf32, #tpu.memory_space<vmem>>, vector<1024x1xf32>
    %dot_general3A_297 = arith.constant dense<0.000000e+00> : vector<512x1xf32>
    %dot_general3A_298 = tpu.matmul %max3A_293, %get3A_296, %dot_general3A_297 {dimension_numbers = #tpu.dot_dimension_numbers<[1], [0], [0], [1], [0, 0, 1, 1], [], []>, transpose_lhs_hint = false} : vector<512x1024xf32>, vector<1024x1xf32>, vector<512x1xf32> -> vector<512x1xf32>
    %squeeze3A_299 = vector.shape_cast %dot_general3A_298 : vector<512x1xf32> to vector<512xf32>
    %get3A_300 = arith.constant 0 : index
    %get3A_301 = memref.load %arg7[%get3A_300] : memref<1xf32, #tpu.memory_space<smem>>
    %add3A_302 = vector.broadcast %get3A_301 : f32 to vector<512xf32>
    %add3A_303 = arith.addf %squeeze3A_299, %add3A_302 : vector<512xf32>
    %swap3A_304 = arith.constant 0 : index
    %swap3A_305 = arith.constant 11 : index
    %swap3A_306 = vector.load %arg8[%swap3A_304, %swap3A_305] : memref<512x32xf32, #tpu.memory_space<vmem>>, vector<512x1xf32>
    %swap3A_307 = vector.shape_cast %swap3A_306 : vector<512x1xf32> to vector<512xf32>
    %swap3A_308 = vector.shape_cast %add3A_303 : vector<512xf32> to vector<512x1xf32>
    tpu.vector_store %arg8[%swap3A_304, %swap3A_305], %swap3A_308 {strides = array<i32>} : memref<512x32xf32, #tpu.memory_space<vmem>>, vector<512x1xf32>,
    %slice3A_309 = vector.extract_strided_slice %dot_general3A_13 {offsets = [12, 0], sizes = [512, 1024], strides = [1, 1]} : vector<544x1024xf32> to vector<512x1024xf32>
    %add3A_310 = arith.addf %dot_general3A_8, %slice3A_309 : vector<512x1024xf32>
    %get3A_311 = arith.constant 0 : index
    %get3A_312 = arith.constant 0 : index
    %get3A_313 = vector.load %arg5[%get3A_311, %get3A_312] : memref<1x1024xf32, #tpu.memory_space<vmem>>, vector<1x1024xf32>
    %add3A_314 = vector.broadcast %get3A_313 : vector<1x1024xf32> to vector<512x1024xf32>
    %add3A_315 = arith.addf %add3A_310, %add3A_314 : vector<512x1024xf32>
    %max3A_316 = arith.constant 0.000000e+00 : f32
    %max3A_317 = vector.broadcast %max3A_316 : f32 to vector<512x1024xf32>
    %max3A_318 = arith.maximumf %add3A_315, %max3A_317 : vector<512x1024xf32>
    %get3A_319 = arith.constant 0 : index
    %get3A_320 = arith.constant 0 : index
    %get3A_321 = vector.load %arg6[%get3A_319, %get3A_320] : memref<1024x1xf32, #tpu.memory_space<vmem>>, vector<1024x1xf32>
    %dot_general3A_322 = arith.constant dense<0.000000e+00> : vector<512x1xf32>
    %dot_general3A_323 = tpu.matmul %max3A_318, %get3A_321, %dot_general3A_322 {dimension_numbers = #tpu.dot_dimension_numbers<[1], [0], [0], [1], [0, 0, 1, 1], [], []>, transpose_lhs_hint = false} : vector<512x1024xf32>, vector<1024x1xf32>, vector<512x1xf32> -> vector<512x1xf32>
    %squeeze3A_324 = vector.shape_cast %dot_general3A_323 : vector<512x1xf32> to vector<512xf32>
    %get3A_325 = arith.constant 0 : index
    %get3A_326 = memref.load %arg7[%get3A_325] : memref<1xf32, #tpu.memory_space<smem>>
    %add3A_327 = vector.broadcast %get3A_326 : f32 to vector<512xf32>
    %add3A_328 = arith.addf %squeeze3A_324, %add3A_327 : vector<512xf32>
    %swap3A_329 = arith.constant 0 : index
    %swap3A_330 = arith.constant 12 : index
    %swap3A_331 = vector.load %arg8[%swap3A_329, %swap3A_330] : memref<512x32xf32, #tpu.memory_space<vmem>>, vector<512x1xf32>
    %swap3A_332 = vector.shape_cast %swap3A_331 : vector<512x1xf32> to vector<512xf32>
    %swap3A_333 = vector.shape_cast %add3A_328 : vector<512xf32> to vector<512x1xf32>
    tpu.vector_store %arg8[%swap3A_329, %swap3A_330], %swap3A_333 {strides = array<i32>} : memref<512x32xf32, #tpu.memory_space<vmem>>, vector<512x1xf32>,
    %slice3A_334 = vector.extract_strided_slice %dot_general3A_13 {offsets = [13, 0], sizes = [512, 1024], strides = [1, 1]} : vector<544x1024xf32> to vector<512x1024xf32>
    %add3A_335 = arith.addf %dot_general3A_8, %slice3A_334 : vector<512x1024xf32>
    %get3A_336 = arith.constant 0 : index
    %get3A_337 = arith.constant 0 : index
    %get3A_338 = vector.load %arg5[%get3A_336, %get3A_337] : memref<1x1024xf32, #tpu.memory_space<vmem>>, vector<1x1024xf32>
    %add3A_339 = vector.broadcast %get3A_338 : vector<1x1024xf32> to vector<512x1024xf32>
    %add3A_340 = arith.addf %add3A_335, %add3A_339 : vector<512x1024xf32>
    %max3A_341 = arith.constant 0.000000e+00 : f32
    %max3A_342 = vector.broadcast %max3A_341 : f32 to vector<512x1024xf32>
    %max3A_343 = arith.maximumf %add3A_340, %max3A_342 : vector<512x1024xf32>
    %get3A_344 = arith.constant 0 : index
    %get3A_345 = arith.constant 0 : index
    %get3A_346 = vector.load %arg6[%get3A_344, %get3A_345] : memref<1024x1xf32, #tpu.memory_space<vmem>>, vector<1024x1xf32>
    %dot_general3A_347 = arith.constant dense<0.000000e+00> : vector<512x1xf32>
    %dot_general3A_348 = tpu.matmul %max3A_343, %get3A_346, %dot_general3A_347 {dimension_numbers = #tpu.dot_dimension_numbers<[1], [0], [0], [1], [0, 0, 1, 1], [], []>, transpose_lhs_hint = false} : vector<512x1024xf32>, vector<1024x1xf32>, vector<512x1xf32> -> vector<512x1xf32>
    %squeeze3A_349 = vector.shape_cast %dot_general3A_348 : vector<512x1xf32> to vector<512xf32>
    %get3A_350 = arith.constant 0 : index
    %get3A_351 = memref.load %arg7[%get3A_350] : memref<1xf32, #tpu.memory_space<smem>>
    %add3A_352 = vector.broadcast %get3A_351 : f32 to vector<512xf32>
    %add3A_353 = arith.addf %squeeze3A_349, %add3A_352 : vector<512xf32>
    %swap3A_354 = arith.constant 0 : index
    %swap3A_355 = arith.constant 13 : index
    %swap3A_356 = vector.load %arg8[%swap3A_354, %swap3A_355] : memref<512x32xf32, #tpu.memory_space<vmem>>, vector<512x1xf32>
    %swap3A_357 = vector.shape_cast %swap3A_356 : vector<512x1xf32> to vector<512xf32>
    %swap3A_358 = vector.shape_cast %add3A_353 : vector<512xf32> to vector<512x1xf32>
    tpu.vector_store %arg8[%swap3A_354, %swap3A_355], %swap3A_358 {strides = array<i32>} : memref<512x32xf32, #tpu.memory_space<vmem>>, vector<512x1xf32>,
    %slice3A_359 = vector.extract_strided_slice %dot_general3A_13 {offsets = [14, 0], sizes = [512, 1024], strides = [1, 1]} : vector<544x1024xf32> to vector<512x1024xf32>
    %add3A_360 = arith.addf %dot_general3A_8, %slice3A_359 : vector<512x1024xf32>
    %get3A_361 = arith.constant 0 : index
    %get3A_362 = arith.constant 0 : index
    %get3A_363 = vector.load %arg5[%get3A_361, %get3A_362] : memref<1x1024xf32, #tpu.memory_space<vmem>>, vector<1x1024xf32>
    %add3A_364 = vector.broadcast %get3A_363 : vector<1x1024xf32> to vector<512x1024xf32>
    %add3A_365 = arith.addf %add3A_360, %add3A_364 : vector<512x1024xf32>
    %max3A_366 = arith.constant 0.000000e+00 : f32
    %max3A_367 = vector.broadcast %max3A_366 : f32 to vector<512x1024xf32>
    %max3A_368 = arith.maximumf %add3A_365, %max3A_367 : vector<512x1024xf32>
    %get3A_369 = arith.constant 0 : index
    %get3A_370 = arith.constant 0 : index
    %get3A_371 = vector.load %arg6[%get3A_369, %get3A_370] : memref<1024x1xf32, #tpu.memory_space<vmem>>, vector<1024x1xf32>
    %dot_general3A_372 = arith.constant dense<0.000000e+00> : vector<512x1xf32>
    %dot_general3A_373 = tpu.matmul %max3A_368, %get3A_371, %dot_general3A_372 {dimension_numbers = #tpu.dot_dimension_numbers<[1], [0], [0], [1], [0, 0, 1, 1], [], []>, transpose_lhs_hint = false} : vector<512x1024xf32>, vector<1024x1xf32>, vector<512x1xf32> -> vector<512x1xf32>
    %squeeze3A_374 = vector.shape_cast %dot_general3A_373 : vector<512x1xf32> to vector<512xf32>
    %get3A_375 = arith.constant 0 : index
    %get3A_376 = memref.load %arg7[%get3A_375] : memref<1xf32, #tpu.memory_space<smem>>
    %add3A_377 = vector.broadcast %get3A_376 : f32 to vector<512xf32>
    %add3A_378 = arith.addf %squeeze3A_374, %add3A_377 : vector<512xf32>
    %swap3A_379 = arith.constant 0 : index
    %swap3A_380 = arith.constant 14 : index
    %swap3A_381 = vector.load %arg8[%swap3A_379, %swap3A_380] : memref<512x32xf32, #tpu.memory_space<vmem>>, vector<512x1xf32>
    %swap3A_382 = vector.shape_cast %swap3A_381 : vector<512x1xf32> to vector<512xf32>
    %swap3A_383 = vector.shape_cast %add3A_378 : vector<512xf32> to vector<512x1xf32>
    tpu.vector_store %arg8[%swap3A_379, %swap3A_380], %swap3A_383 {strides = array<i32>} : memref<512x32xf32, #tpu.memory_space<vmem>>, vector<512x1xf32>,
    %slice3A_384 = vector.extract_strided_slice %dot_general3A_13 {offsets = [15, 0], sizes = [512, 1024], strides = [1, 1]} : vector<544x1024xf32> to vector<512x1024xf32>
    %add3A_385 = arith.addf %dot_general3A_8, %slice3A_384 : vector<512x1024xf32>
    %get3A_386 = arith.constant 0 : index
    %get3A_387 = arith.constant 0 : index
    %get3A_388 = vector.load %arg5[%get3A_386, %get3A_387] : memref<1x1024xf32, #tpu.memory_space<vmem>>, vector<1x1024xf32>
    %add3A_389 = vector.broadcast %get3A_388 : vector<1x1024xf32> to vector<512x1024xf32>
    %add3A_390 = arith.addf %add3A_385, %add3A_389 : vector<512x1024xf32>
    %max3A_391 = arith.constant 0.000000e+00 : f32
    %max3A_392 = vector.broadcast %max3A_391 : f32 to vector<512x1024xf32>
    %max3A_393 = arith.maximumf %add3A_390, %max3A_392 : vector<512x1024xf32>
    %get3A_394 = arith.constant 0 : index
    %get3A_395 = arith.constant 0 : index
    %get3A_396 = vector.load %arg6[%get3A_394, %get3A_395] : memref<1024x1xf32, #tpu.memory_space<vmem>>, vector<1024x1xf32>
    %dot_general3A_397 = arith.constant dense<0.000000e+00> : vector<512x1xf32>
    %dot_general3A_398 = tpu.matmul %max3A_393, %get3A_396, %dot_general3A_397 {dimension_numbers = #tpu.dot_dimension_numbers<[1], [0], [0], [1], [0, 0, 1, 1], [], []>, transpose_lhs_hint = false} : vector<512x1024xf32>, vector<1024x1xf32>, vector<512x1xf32> -> vector<512x1xf32>
    %squeeze3A_399 = vector.shape_cast %dot_general3A_398 : vector<512x1xf32> to vector<512xf32>
    %get3A_400 = arith.constant 0 : index
    %get3A_401 = memref.load %arg7[%get3A_400] : memref<1xf32, #tpu.memory_space<smem>>
    %add3A_402 = vector.broadcast %get3A_401 : f32 to vector<512xf32>
    %add3A_403 = arith.addf %squeeze3A_399, %add3A_402 : vector<512xf32>
    %swap3A_404 = arith.constant 0 : index
    %swap3A_405 = arith.constant 15 : index
    %swap3A_406 = vector.load %arg8[%swap3A_404, %swap3A_405] : memref<512x32xf32, #tpu.memory_space<vmem>>, vector<512x1xf32>
    %swap3A_407 = vector.shape_cast %swap3A_406 : vector<512x1xf32> to vector<512xf32>
    %swap3A_408 = vector.shape_cast %add3A_403 : vector<512xf32> to vector<512x1xf32>
    tpu.vector_store %arg8[%swap3A_404, %swap3A_405], %swap3A_408 {strides = array<i32>} : memref<512x32xf32, #tpu.memory_space<vmem>>, vector<512x1xf32>,
    %slice3A_409 = vector.extract_strided_slice %dot_general3A_13 {offsets = [16, 0], sizes = [512, 1024], strides = [1, 1]} : vector<544x1024xf32> to vector<512x1024xf32>
    %add3A_410 = arith.addf %dot_general3A_8, %slice3A_409 : vector<512x1024xf32>
    %get3A_411 = arith.constant 0 : index
    %get3A_412 = arith.constant 0 : index
    %get3A_413 = vector.load %arg5[%get3A_411, %get3A_412] : memref<1x1024xf32, #tpu.memory_space<vmem>>, vector<1x1024xf32>
    %add3A_414 = vector.broadcast %get3A_413 : vector<1x1024xf32> to vector<512x1024xf32>
    %add3A_415 = arith.addf %add3A_410, %add3A_414 : vector<512x1024xf32>
    %max3A_416 = arith.constant 0.000000e+00 : f32
    %max3A_417 = vector.broadcast %max3A_416 : f32 to vector<512x1024xf32>
    %max3A_418 = arith.maximumf %add3A_415, %max3A_417 : vector<512x1024xf32>
    %get3A_419 = arith.constant 0 : index
    %get3A_420 = arith.constant 0 : index
    %get3A_421 = vector.load %arg6[%get3A_419, %get3A_420] : memref<1024x1xf32, #tpu.memory_space<vmem>>, vector<1024x1xf32>
    %dot_general3A_422 = arith.constant dense<0.000000e+00> : vector<512x1xf32>
    %dot_general3A_423 = tpu.matmul %max3A_418, %get3A_421, %dot_general3A_422 {dimension_numbers = #tpu.dot_dimension_numbers<[1], [0], [0], [1], [0, 0, 1, 1], [], []>, transpose_lhs_hint = false} : vector<512x1024xf32>, vector<1024x1xf32>, vector<512x1xf32> -> vector<512x1xf32>
    %squeeze3A_424 = vector.shape_cast %dot_general3A_423 : vector<512x1xf32> to vector<512xf32>
    %get3A_425 = arith.constant 0 : index
    %get3A_426 = memref.load %arg7[%get3A_425] : memref<1xf32, #tpu.memory_space<smem>>
    %add3A_427 = vector.broadcast %get3A_426 : f32 to vector<512xf32>
    %add3A_428 = arith.addf %squeeze3A_424, %add3A_427 : vector<512xf32>
    %swap3A_429 = arith.constant 0 : index
    %swap3A_430 = arith.constant 16 : index
    %swap3A_431 = vector.load %arg8[%swap3A_429, %swap3A_430] : memref<512x32xf32, #tpu.memory_space<vmem>>, vector<512x1xf32>
    %swap3A_432 = vector.shape_cast %swap3A_431 : vector<512x1xf32> to vector<512xf32>
    %swap3A_433 = vector.shape_cast %add3A_428 : vector<512xf32> to vector<512x1xf32>
    tpu.vector_store %arg8[%swap3A_429, %swap3A_430], %swap3A_433 {strides = array<i32>} : memref<512x32xf32, #tpu.memory_space<vmem>>, vector<512x1xf32>,
    %slice3A_434 = vector.extract_strided_slice %dot_general3A_13 {offsets = [17, 0], sizes = [512, 1024], strides = [1, 1]} : vector<544x1024xf32> to vector<512x1024xf32>
    %add3A_435 = arith.addf %dot_general3A_8, %slice3A_434 : vector<512x1024xf32>
    %get3A_436 = arith.constant 0 : index
    %get3A_437 = arith.constant 0 : index
    %get3A_438 = vector.load %arg5[%get3A_436, %get3A_437] : memref<1x1024xf32, #tpu.memory_space<vmem>>, vector<1x1024xf32>
    %add3A_439 = vector.broadcast %get3A_438 : vector<1x1024xf32> to vector<512x1024xf32>
    %add3A_440 = arith.addf %add3A_435, %add3A_439 : vector<512x1024xf32>
    %max3A_441 = arith.constant 0.000000e+00 : f32
    %max3A_442 = vector.broadcast %max3A_441 : f32 to vector<512x1024xf32>
    %max3A_443 = arith.maximumf %add3A_440, %max3A_442 : vector<512x1024xf32>
    %get3A_444 = arith.constant 0 : index
    %get3A_445 = arith.constant 0 : index
    %get3A_446 = vector.load %arg6[%get3A_444, %get3A_445] : memref<1024x1xf32, #tpu.memory_space<vmem>>, vector<1024x1xf32>
    %dot_general3A_447 = arith.constant dense<0.000000e+00> : vector<512x1xf32>
    %dot_general3A_448 = tpu.matmul %max3A_443, %get3A_446, %dot_general3A_447 {dimension_numbers = #tpu.dot_dimension_numbers<[1], [0], [0], [1], [0, 0, 1, 1], [], []>, transpose_lhs_hint = false} : vector<512x1024xf32>, vector<1024x1xf32>, vector<512x1xf32> -> vector<512x1xf32>
    %squeeze3A_449 = vector.shape_cast %dot_general3A_448 : vector<512x1xf32> to vector<512xf32>
    %get3A_450 = arith.constant 0 : index
    %get3A_451 = memref.load %arg7[%get3A_450] : memref<1xf32, #tpu.memory_space<smem>>
    %add3A_452 = vector.broadcast %get3A_451 : f32 to vector<512xf32>
    %add3A_453 = arith.addf %squeeze3A_449, %add3A_452 : vector<512xf32>
    %swap3A_454 = arith.constant 0 : index
    %swap3A_455 = arith.constant 17 : index
    %swap3A_456 = vector.load %arg8[%swap3A_454, %swap3A_455] : memref<512x32xf32, #tpu.memory_space<vmem>>, vector<512x1xf32>
    %swap3A_457 = vector.shape_cast %swap3A_456 : vector<512x1xf32> to vector<512xf32>
    %swap3A_458 = vector.shape_cast %add3A_453 : vector<512xf32> to vector<512x1xf32>
    tpu.vector_store %arg8[%swap3A_454, %swap3A_455], %swap3A_458 {strides = array<i32>} : memref<512x32xf32, #tpu.memory_space<vmem>>, vector<512x1xf32>,
    %slice3A_459 = vector.extract_strided_slice %dot_general3A_13 {offsets = [18, 0], sizes = [512, 1024], strides = [1, 1]} : vector<544x1024xf32> to vector<512x1024xf32>
    %add3A_460 = arith.addf %dot_general3A_8, %slice3A_459 : vector<512x1024xf32>
    %get3A_461 = arith.constant 0 : index
    %get3A_462 = arith.constant 0 : index
    %get3A_463 = vector.load %arg5[%get3A_461, %get3A_462] : memref<1x1024xf32, #tpu.memory_space<vmem>>, vector<1x1024xf32>
    %add3A_464 = vector.broadcast %get3A_463 : vector<1x1024xf32> to vector<512x1024xf32>
    %add3A_465 = arith.addf %add3A_460, %add3A_464 : vector<512x1024xf32>
    %max3A_466 = arith.constant 0.000000e+00 : f32
    %max3A_467 = vector.broadcast %max3A_466 : f32 to vector<512x1024xf32>
    %max3A_468 = arith.maximumf %add3A_465, %max3A_467 : vector<512x1024xf32>
    %get3A_469 = arith.constant 0 : index
    %get3A_470 = arith.constant 0 : index
    %get3A_471 = vector.load %arg6[%get3A_469, %get3A_470] : memref<1024x1xf32, #tpu.memory_space<vmem>>, vector<1024x1xf32>
    %dot_general3A_472 = arith.constant dense<0.000000e+00> : vector<512x1xf32>
    %dot_general3A_473 = tpu.matmul %max3A_468, %get3A_471, %dot_general3A_472 {dimension_numbers = #tpu.dot_dimension_numbers<[1], [0], [0], [1], [0, 0, 1, 1], [], []>, transpose_lhs_hint = false} : vector<512x1024xf32>, vector<1024x1xf32>, vector<512x1xf32> -> vector<512x1xf32>
    %squeeze3A_474 = vector.shape_cast %dot_general3A_473 : vector<512x1xf32> to vector<512xf32>
    %get3A_475 = arith.constant 0 : index
    %get3A_476 = memref.load %arg7[%get3A_475] : memref<1xf32, #tpu.memory_space<smem>>
    %add3A_477 = vector.broadcast %get3A_476 : f32 to vector<512xf32>
    %add3A_478 = arith.addf %squeeze3A_474, %add3A_477 : vector<512xf32>
    %swap3A_479 = arith.constant 0 : index
    %swap3A_480 = arith.constant 18 : index
    %swap3A_481 = vector.load %arg8[%swap3A_479, %swap3A_480] : memref<512x32xf32, #tpu.memory_space<vmem>>, vector<512x1xf32>
    %swap3A_482 = vector.shape_cast %swap3A_481 : vector<512x1xf32> to vector<512xf32>
    %swap3A_483 = vector.shape_cast %add3A_478 : vector<512xf32> to vector<512x1xf32>
    tpu.vector_store %arg8[%swap3A_479, %swap3A_480], %swap3A_483 {strides = array<i32>} : memref<512x32xf32, #tpu.memory_space<vmem>>, vector<512x1xf32>,
    %slice3A_484 = vector.extract_strided_slice %dot_general3A_13 {offsets = [19, 0], sizes = [512, 1024], strides = [1, 1]} : vector<544x1024xf32> to vector<512x1024xf32>
    %add3A_485 = arith.addf %dot_general3A_8, %slice3A_484 : vector<512x1024xf32>
    %get3A_486 = arith.constant 0 : index
    %get3A_487 = arith.constant 0 : index
    %get3A_488 = vector.load %arg5[%get3A_486, %get3A_487] : memref<1x1024xf32, #tpu.memory_space<vmem>>, vector<1x1024xf32>
    %add3A_489 = vector.broadcast %get3A_488 : vector<1x1024xf32> to vector<512x1024xf32>
    %add3A_490 = arith.addf %add3A_485, %add3A_489 : vector<512x1024xf32>
    %max3A_491 = arith.constant 0.000000e+00 : f32
    %max3A_492 = vector.broadcast %max3A_491 : f32 to vector<512x1024xf32>
    %max3A_493 = arith.maximumf %add3A_490, %max3A_492 : vector<512x1024xf32>
    %get3A_494 = arith.constant 0 : index
    %get3A_495 = arith.constant 0 : index
    %get3A_496 = vector.load %arg6[%get3A_494, %get3A_495] : memref<1024x1xf32, #tpu.memory_space<vmem>>, vector<1024x1xf32>
    %dot_general3A_497 = arith.constant dense<0.000000e+00> : vector<512x1xf32>
    %dot_general3A_498 = tpu.matmul %max3A_493, %get3A_496, %dot_general3A_497 {dimension_numbers = #tpu.dot_dimension_numbers<[1], [0], [0], [1], [0, 0, 1, 1], [], []>, transpose_lhs_hint = false} : vector<512x1024xf32>, vector<1024x1xf32>, vector<512x1xf32> -> vector<512x1xf32>
    %squeeze3A_499 = vector.shape_cast %dot_general3A_498 : vector<512x1xf32> to vector<512xf32>
    %get3A_500 = arith.constant 0 : index
    %get3A_501 = memref.load %arg7[%get3A_500] : memref<1xf32, #tpu.memory_space<smem>>
    %add3A_502 = vector.broadcast %get3A_501 : f32 to vector<512xf32>
    %add3A_503 = arith.addf %squeeze3A_499, %add3A_502 : vector<512xf32>
    %swap3A_504 = arith.constant 0 : index
    %swap3A_505 = arith.constant 19 : index
    %swap3A_506 = vector.load %arg8[%swap3A_504, %swap3A_505] : memref<512x32xf32, #tpu.memory_space<vmem>>, vector<512x1xf32>
    %swap3A_507 = vector.shape_cast %swap3A_506 : vector<512x1xf32> to vector<512xf32>
    %swap3A_508 = vector.shape_cast %add3A_503 : vector<512xf32> to vector<512x1xf32>
    tpu.vector_store %arg8[%swap3A_504, %swap3A_505], %swap3A_508 {strides = array<i32>} : memref<512x32xf32, #tpu.memory_space<vmem>>, vector<512x1xf32>,
    %slice3A_509 = vector.extract_strided_slice %dot_general3A_13 {offsets = [20, 0], sizes = [512, 1024], strides = [1, 1]} : vector<544x1024xf32> to vector<512x1024xf32>
    %add3A_510 = arith.addf %dot_general3A_8, %slice3A_509 : vector<512x1024xf32>
    %get3A_511 = arith.constant 0 : index
    %get3A_512 = arith.constant 0 : index
    %get3A_513 = vector.load %arg5[%get3A_511, %get3A_512] : memref<1x1024xf32, #tpu.memory_space<vmem>>, vector<1x1024xf32>
    %add3A_514 = vector.broadcast %get3A_513 : vector<1x1024xf32> to vector<512x1024xf32>
    %add3A_515 = arith.addf %add3A_510, %add3A_514 : vector<512x1024xf32>
    %max3A_516 = arith.constant 0.000000e+00 : f32
    %max3A_517 = vector.broadcast %max3A_516 : f32 to vector<512x1024xf32>
    %max3A_518 = arith.maximumf %add3A_515, %max3A_517 : vector<512x1024xf32>
    %get3A_519 = arith.constant 0 : index
    %get3A_520 = arith.constant 0 : index
    %get3A_521 = vector.load %arg6[%get3A_519, %get3A_520] : memref<1024x1xf32, #tpu.memory_space<vmem>>, vector<1024x1xf32>
    %dot_general3A_522 = arith.constant dense<0.000000e+00> : vector<512x1xf32>
    %dot_general3A_523 = tpu.matmul %max3A_518, %get3A_521, %dot_general3A_522 {dimension_numbers = #tpu.dot_dimension_numbers<[1], [0], [0], [1], [0, 0, 1, 1], [], []>, transpose_lhs_hint = false} : vector<512x1024xf32>, vector<1024x1xf32>, vector<512x1xf32> -> vector<512x1xf32>
    %squeeze3A_524 = vector.shape_cast %dot_general3A_523 : vector<512x1xf32> to vector<512xf32>
    %get3A_525 = arith.constant 0 : index
    %get3A_526 = memref.load %arg7[%get3A_525] : memref<1xf32, #tpu.memory_space<smem>>
    %add3A_527 = vector.broadcast %get3A_526 : f32 to vector<512xf32>
    %add3A_528 = arith.addf %squeeze3A_524, %add3A_527 : vector<512xf32>
    %swap3A_529 = arith.constant 0 : index
    %swap3A_530 = arith.constant 20 : index
    %swap3A_531 = vector.load %arg8[%swap3A_529, %swap3A_530] : memref<512x32xf32, #tpu.memory_space<vmem>>, vector<512x1xf32>
    %swap3A_532 = vector.shape_cast %swap3A_531 : vector<512x1xf32> to vector<512xf32>
    %swap3A_533 = vector.shape_cast %add3A_528 : vector<512xf32> to vector<512x1xf32>
    tpu.vector_store %arg8[%swap3A_529, %swap3A_530], %swap3A_533 {strides = array<i32>} : memref<512x32xf32, #tpu.memory_space<vmem>>, vector<512x1xf32>,
    %slice3A_534 = vector.extract_strided_slice %dot_general3A_13 {offsets = [21, 0], sizes = [512, 1024], strides = [1, 1]} : vector<544x1024xf32> to vector<512x1024xf32>
    %add3A_535 = arith.addf %dot_general3A_8, %slice3A_534 : vector<512x1024xf32>
    %get3A_536 = arith.constant 0 : index
    %get3A_537 = arith.constant 0 : index
    %get3A_538 = vector.load %arg5[%get3A_536, %get3A_537] : memref<1x1024xf32, #tpu.memory_space<vmem>>, vector<1x1024xf32>
    %add3A_539 = vector.broadcast %get3A_538 : vector<1x1024xf32> to vector<512x1024xf32>
    %add3A_540 = arith.addf %add3A_535, %add3A_539 : vector<512x1024xf32>
    %max3A_541 = arith.constant 0.000000e+00 : f32
    %max3A_542 = vector.broadcast %max3A_541 : f32 to vector<512x1024xf32>
    %max3A_543 = arith.maximumf %add3A_540, %max3A_542 : vector<512x1024xf32>
    %get3A_544 = arith.constant 0 : index
    %get3A_545 = arith.constant 0 : index
    %get3A_546 = vector.load %arg6[%get3A_544, %get3A_545] : memref<1024x1xf32, #tpu.memory_space<vmem>>, vector<1024x1xf32>
    %dot_general3A_547 = arith.constant dense<0.000000e+00> : vector<512x1xf32>
    %dot_general3A_548 = tpu.matmul %max3A_543, %get3A_546, %dot_general3A_547 {dimension_numbers = #tpu.dot_dimension_numbers<[1], [0], [0], [1], [0, 0, 1, 1], [], []>, transpose_lhs_hint = false} : vector<512x1024xf32>, vector<1024x1xf32>, vector<512x1xf32> -> vector<512x1xf32>
    %squeeze3A_549 = vector.shape_cast %dot_general3A_548 : vector<512x1xf32> to vector<512xf32>
    %get3A_550 = arith.constant 0 : index
    %get3A_551 = memref.load %arg7[%get3A_550] : memref<1xf32, #tpu.memory_space<smem>>
    %add3A_552 = vector.broadcast %get3A_551 : f32 to vector<512xf32>
    %add3A_553 = arith.addf %squeeze3A_549, %add3A_552 : vector<512xf32>
    %swap3A_554 = arith.constant 0 : index
    %swap3A_555 = arith.constant 21 : index
    %swap3A_556 = vector.load %arg8[%swap3A_554, %swap3A_555] : memref<512x32xf32, #tpu.memory_space<vmem>>, vector<512x1xf32>
    %swap3A_557 = vector.shape_cast %swap3A_556 : vector<512x1xf32> to vector<512xf32>
    %swap3A_558 = vector.shape_cast %add3A_553 : vector<512xf32> to vector<512x1xf32>
    tpu.vector_store %arg8[%swap3A_554, %swap3A_555], %swap3A_558 {strides = array<i32>} : memref<512x32xf32, #tpu.memory_space<vmem>>, vector<512x1xf32>,
    %slice3A_559 = vector.extract_strided_slice %dot_general3A_13 {offsets = [22, 0], sizes = [512, 1024], strides = [1, 1]} : vector<544x1024xf32> to vector<512x1024xf32>
    %add3A_560 = arith.addf %dot_general3A_8, %slice3A_559 : vector<512x1024xf32>
    %get3A_561 = arith.constant 0 : index
    %get3A_562 = arith.constant 0 : index
    %get3A_563 = vector.load %arg5[%get3A_561, %get3A_562] : memref<1x1024xf32, #tpu.memory_space<vmem>>, vector<1x1024xf32>
    %add3A_564 = vector.broadcast %get3A_563 : vector<1x1024xf32> to vector<512x1024xf32>
    %add3A_565 = arith.addf %add3A_560, %add3A_564 : vector<512x1024xf32>
    %max3A_566 = arith.constant 0.000000e+00 : f32
    %max3A_567 = vector.broadcast %max3A_566 : f32 to vector<512x1024xf32>
    %max3A_568 = arith.maximumf %add3A_565, %max3A_567 : vector<512x1024xf32>
    %get3A_569 = arith.constant 0 : index
    %get3A_570 = arith.constant 0 : index
    %get3A_571 = vector.load %arg6[%get3A_569, %get3A_570] : memref<1024x1xf32, #tpu.memory_space<vmem>>, vector<1024x1xf32>
    %dot_general3A_572 = arith.constant dense<0.000000e+00> : vector<512x1xf32>
    %dot_general3A_573 = tpu.matmul %max3A_568, %get3A_571, %dot_general3A_572 {dimension_numbers = #tpu.dot_dimension_numbers<[1], [0], [0], [1], [0, 0, 1, 1], [], []>, transpose_lhs_hint = false} : vector<512x1024xf32>, vector<1024x1xf32>, vector<512x1xf32> -> vector<512x1xf32>
    %squeeze3A_574 = vector.shape_cast %dot_general3A_573 : vector<512x1xf32> to vector<512xf32>
    %get3A_575 = arith.constant 0 : index
    %get3A_576 = memref.load %arg7[%get3A_575] : memref<1xf32, #tpu.memory_space<smem>>
    %add3A_577 = vector.broadcast %get3A_576 : f32 to vector<512xf32>
    %add3A_578 = arith.addf %squeeze3A_574, %add3A_577 : vector<512xf32>
    %swap3A_579 = arith.constant 0 : index
    %swap3A_580 = arith.constant 22 : index
    %swap3A_581 = vector.load %arg8[%swap3A_579, %swap3A_580] : memref<512x32xf32, #tpu.memory_space<vmem>>, vector<512x1xf32>
    %swap3A_582 = vector.shape_cast %swap3A_581 : vector<512x1xf32> to vector<512xf32>
    %swap3A_583 = vector.shape_cast %add3A_578 : vector<512xf32> to vector<512x1xf32>
    tpu.vector_store %arg8[%swap3A_579, %swap3A_580], %swap3A_583 {strides = array<i32>} : memref<512x32xf32, #tpu.memory_space<vmem>>, vector<512x1xf32>,
    %slice3A_584 = vector.extract_strided_slice %dot_general3A_13 {offsets = [23, 0], sizes = [512, 1024], strides = [1, 1]} : vector<544x1024xf32> to vector<512x1024xf32>
    %add3A_585 = arith.addf %dot_general3A_8, %slice3A_584 : vector<512x1024xf32>
    %get3A_586 = arith.constant 0 : index
    %get3A_587 = arith.constant 0 : index
    %get3A_588 = vector.load %arg5[%get3A_586, %get3A_587] : memref<1x1024xf32, #tpu.memory_space<vmem>>, vector<1x1024xf32>
    %add3A_589 = vector.broadcast %get3A_588 : vector<1x1024xf32> to vector<512x1024xf32>
    %add3A_590 = arith.addf %add3A_585, %add3A_589 : vector<512x1024xf32>
    %max3A_591 = arith.constant 0.000000e+00 : f32
    %max3A_592 = vector.broadcast %max3A_591 : f32 to vector<512x1024xf32>
    %max3A_593 = arith.maximumf %add3A_590, %max3A_592 : vector<512x1024xf32>
    %get3A_594 = arith.constant 0 : index
    %get3A_595 = arith.constant 0 : index
    %get3A_596 = vector.load %arg6[%get3A_594, %get3A_595] : memref<1024x1xf32, #tpu.memory_space<vmem>>, vector<1024x1xf32>
    %dot_general3A_597 = arith.constant dense<0.000000e+00> : vector<512x1xf32>
    %dot_general3A_598 = tpu.matmul %max3A_593, %get3A_596, %dot_general3A_597 {dimension_numbers = #tpu.dot_dimension_numbers<[1], [0], [0], [1], [0, 0, 1, 1], [], []>, transpose_lhs_hint = false} : vector<512x1024xf32>, vector<1024x1xf32>, vector<512x1xf32> -> vector<512x1xf32>
    %squeeze3A_599 = vector.shape_cast %dot_general3A_598 : vector<512x1xf32> to vector<512xf32>
    %get3A_600 = arith.constant 0 : index
    %get3A_601 = memref.load %arg7[%get3A_600] : memref<1xf32, #tpu.memory_space<smem>>
    %add3A_602 = vector.broadcast %get3A_601 : f32 to vector<512xf32>
    %add3A_603 = arith.addf %squeeze3A_599, %add3A_602 : vector<512xf32>
    %swap3A_604 = arith.constant 0 : index
    %swap3A_605 = arith.constant 23 : index
    %swap3A_606 = vector.load %arg8[%swap3A_604, %swap3A_605] : memref<512x32xf32, #tpu.memory_space<vmem>>, vector<512x1xf32>
    %swap3A_607 = vector.shape_cast %swap3A_606 : vector<512x1xf32> to vector<512xf32>
    %swap3A_608 = vector.shape_cast %add3A_603 : vector<512xf32> to vector<512x1xf32>
    tpu.vector_store %arg8[%swap3A_604, %swap3A_605], %swap3A_608 {strides = array<i32>} : memref<512x32xf32, #tpu.memory_space<vmem>>, vector<512x1xf32>,
    %slice3A_609 = vector.extract_strided_slice %dot_general3A_13 {offsets = [24, 0], sizes = [512, 1024], strides = [1, 1]} : vector<544x1024xf32> to vector<512x1024xf32>
    %add3A_610 = arith.addf %dot_general3A_8, %slice3A_609 : vector<512x1024xf32>
    %get3A_611 = arith.constant 0 : index
    %get3A_612 = arith.constant 0 : index
    %get3A_613 = vector.load %arg5[%get3A_611, %get3A_612] : memref<1x1024xf32, #tpu.memory_space<vmem>>, vector<1x1024xf32>
    %add3A_614 = vector.broadcast %get3A_613 : vector<1x1024xf32> to vector<512x1024xf32>
    %add3A_615 = arith.addf %add3A_610, %add3A_614 : vector<512x1024xf32>
    %max3A_616 = arith.constant 0.000000e+00 : f32
    %max3A_617 = vector.broadcast %max3A_616 : f32 to vector<512x1024xf32>
    %max3A_618 = arith.maximumf %add3A_615, %max3A_617 : vector<512x1024xf32>
    %get3A_619 = arith.constant 0 : index
    %get3A_620 = arith.constant 0 : index
    %get3A_621 = vector.load %arg6[%get3A_619, %get3A_620] : memref<1024x1xf32, #tpu.memory_space<vmem>>, vector<1024x1xf32>
    %dot_general3A_622 = arith.constant dense<0.000000e+00> : vector<512x1xf32>
    %dot_general3A_623 = tpu.matmul %max3A_618, %get3A_621, %dot_general3A_622 {dimension_numbers = #tpu.dot_dimension_numbers<[1], [0], [0], [1], [0, 0, 1, 1], [], []>, transpose_lhs_hint = false} : vector<512x1024xf32>, vector<1024x1xf32>, vector<512x1xf32> -> vector<512x1xf32>
    %squeeze3A_624 = vector.shape_cast %dot_general3A_623 : vector<512x1xf32> to vector<512xf32>
    %get3A_625 = arith.constant 0 : index
    %get3A_626 = memref.load %arg7[%get3A_625] : memref<1xf32, #tpu.memory_space<smem>>
    %add3A_627 = vector.broadcast %get3A_626 : f32 to vector<512xf32>
    %add3A_628 = arith.addf %squeeze3A_624, %add3A_627 : vector<512xf32>
    %swap3A_629 = arith.constant 0 : index
    %swap3A_630 = arith.constant 24 : index
    %swap3A_631 = vector.load %arg8[%swap3A_629, %swap3A_630] : memref<512x32xf32, #tpu.memory_space<vmem>>, vector<512x1xf32>
    %swap3A_632 = vector.shape_cast %swap3A_631 : vector<512x1xf32> to vector<512xf32>
    %swap3A_633 = vector.shape_cast %add3A_628 : vector<512xf32> to vector<512x1xf32>
    tpu.vector_store %arg8[%swap3A_629, %swap3A_630], %swap3A_633 {strides = array<i32>} : memref<512x32xf32, #tpu.memory_space<vmem>>, vector<512x1xf32>,
    %slice3A_634 = vector.extract_strided_slice %dot_general3A_13 {offsets = [25, 0], sizes = [512, 1024], strides = [1, 1]} : vector<544x1024xf32> to vector<512x1024xf32>
    %add3A_635 = arith.addf %dot_general3A_8, %slice3A_634 : vector<512x1024xf32>
    %get3A_636 = arith.constant 0 : index
    %get3A_637 = arith.constant 0 : index
    %get3A_638 = vector.load %arg5[%get3A_636, %get3A_637] : memref<1x1024xf32, #tpu.memory_space<vmem>>, vector<1x1024xf32>
    %add3A_639 = vector.broadcast %get3A_638 : vector<1x1024xf32> to vector<512x1024xf32>
    %add3A_640 = arith.addf %add3A_635, %add3A_639 : vector<512x1024xf32>
    %max3A_641 = arith.constant 0.000000e+00 : f32
    %max3A_642 = vector.broadcast %max3A_641 : f32 to vector<512x1024xf32>
    %max3A_643 = arith.maximumf %add3A_640, %max3A_642 : vector<512x1024xf32>
    %get3A_644 = arith.constant 0 : index
    %get3A_645 = arith.constant 0 : index
    %get3A_646 = vector.load %arg6[%get3A_644, %get3A_645] : memref<1024x1xf32, #tpu.memory_space<vmem>>, vector<1024x1xf32>
    %dot_general3A_647 = arith.constant dense<0.000000e+00> : vector<512x1xf32>
    %dot_general3A_648 = tpu.matmul %max3A_643, %get3A_646, %dot_general3A_647 {dimension_numbers = #tpu.dot_dimension_numbers<[1], [0], [0], [1], [0, 0, 1, 1], [], []>, transpose_lhs_hint = false} : vector<512x1024xf32>, vector<1024x1xf32>, vector<512x1xf32> -> vector<512x1xf32>
    %squeeze3A_649 = vector.shape_cast %dot_general3A_648 : vector<512x1xf32> to vector<512xf32>
    %get3A_650 = arith.constant 0 : index
    %get3A_651 = memref.load %arg7[%get3A_650] : memref<1xf32, #tpu.memory_space<smem>>
    %add3A_652 = vector.broadcast %get3A_651 : f32 to vector<512xf32>
    %add3A_653 = arith.addf %squeeze3A_649, %add3A_652 : vector<512xf32>
    %swap3A_654 = arith.constant 0 : index
    %swap3A_655 = arith.constant 25 : index
    %swap3A_656 = vector.load %arg8[%swap3A_654, %swap3A_655] : memref<512x32xf32, #tpu.memory_space<vmem>>, vector<512x1xf32>
    %swap3A_657 = vector.shape_cast %swap3A_656 : vector<512x1xf32> to vector<512xf32>
    %swap3A_658 = vector.shape_cast %add3A_653 : vector<512xf32> to vector<512x1xf32>
    tpu.vector_store %arg8[%swap3A_654, %swap3A_655], %swap3A_658 {strides = array<i32>} : memref<512x32xf32, #tpu.memory_space<vmem>>, vector<512x1xf32>,
    %slice3A_659 = vector.extract_strided_slice %dot_general3A_13 {offsets = [26, 0], sizes = [512, 1024], strides = [1, 1]} : vector<544x1024xf32> to vector<512x1024xf32>
    %add3A_660 = arith.addf %dot_general3A_8, %slice3A_659 : vector<512x1024xf32>
    %get3A_661 = arith.constant 0 : index
    %get3A_662 = arith.constant 0 : index
    %get3A_663 = vector.load %arg5[%get3A_661, %get3A_662] : memref<1x1024xf32, #tpu.memory_space<vmem>>, vector<1x1024xf32>
    %add3A_664 = vector.broadcast %get3A_663 : vector<1x1024xf32> to vector<512x1024xf32>
    %add3A_665 = arith.addf %add3A_660, %add3A_664 : vector<512x1024xf32>
    %max3A_666 = arith.constant 0.000000e+00 : f32
    %max3A_667 = vector.broadcast %max3A_666 : f32 to vector<512x1024xf32>
    %max3A_668 = arith.maximumf %add3A_665, %max3A_667 : vector<512x1024xf32>
    %get3A_669 = arith.constant 0 : index
    %get3A_670 = arith.constant 0 : index
    %get3A_671 = vector.load %arg6[%get3A_669, %get3A_670] : memref<1024x1xf32, #tpu.memory_space<vmem>>, vector<1024x1xf32>
    %dot_general3A_672 = arith.constant dense<0.000000e+00> : vector<512x1xf32>
    %dot_general3A_673 = tpu.matmul %max3A_668, %get3A_671, %dot_general3A_672 {dimension_numbers = #tpu.dot_dimension_numbers<[1], [0], [0], [1], [0, 0, 1, 1], [], []>, transpose_lhs_hint = false} : vector<512x1024xf32>, vector<1024x1xf32>, vector<512x1xf32> -> vector<512x1xf32>
    %squeeze3A_674 = vector.shape_cast %dot_general3A_673 : vector<512x1xf32> to vector<512xf32>
    %get3A_675 = arith.constant 0 : index
    %get3A_676 = memref.load %arg7[%get3A_675] : memref<1xf32, #tpu.memory_space<smem>>
    %add3A_677 = vector.broadcast %get3A_676 : f32 to vector<512xf32>
    %add3A_678 = arith.addf %squeeze3A_674, %add3A_677 : vector<512xf32>
    %swap3A_679 = arith.constant 0 : index
    %swap3A_680 = arith.constant 26 : index
    %swap3A_681 = vector.load %arg8[%swap3A_679, %swap3A_680] : memref<512x32xf32, #tpu.memory_space<vmem>>, vector<512x1xf32>
    %swap3A_682 = vector.shape_cast %swap3A_681 : vector<512x1xf32> to vector<512xf32>
    %swap3A_683 = vector.shape_cast %add3A_678 : vector<512xf32> to vector<512x1xf32>
    tpu.vector_store %arg8[%swap3A_679, %swap3A_680], %swap3A_683 {strides = array<i32>} : memref<512x32xf32, #tpu.memory_space<vmem>>, vector<512x1xf32>,
    %slice3A_684 = vector.extract_strided_slice %dot_general3A_13 {offsets = [27, 0], sizes = [512, 1024], strides = [1, 1]} : vector<544x1024xf32> to vector<512x1024xf32>
    %add3A_685 = arith.addf %dot_general3A_8, %slice3A_684 : vector<512x1024xf32>
    %get3A_686 = arith.constant 0 : index
    %get3A_687 = arith.constant 0 : index
    %get3A_688 = vector.load %arg5[%get3A_686, %get3A_687] : memref<1x1024xf32, #tpu.memory_space<vmem>>, vector<1x1024xf32>
    %add3A_689 = vector.broadcast %get3A_688 : vector<1x1024xf32> to vector<512x1024xf32>
    %add3A_690 = arith.addf %add3A_685, %add3A_689 : vector<512x1024xf32>
    %max3A_691 = arith.constant 0.000000e+00 : f32
    %max3A_692 = vector.broadcast %max3A_691 : f32 to vector<512x1024xf32>
    %max3A_693 = arith.maximumf %add3A_690, %max3A_692 : vector<512x1024xf32>
    %get3A_694 = arith.constant 0 : index
    %get3A_695 = arith.constant 0 : index
    %get3A_696 = vector.load %arg6[%get3A_694, %get3A_695] : memref<1024x1xf32, #tpu.memory_space<vmem>>, vector<1024x1xf32>
    %dot_general3A_697 = arith.constant dense<0.000000e+00> : vector<512x1xf32>
    %dot_general3A_698 = tpu.matmul %max3A_693, %get3A_696, %dot_general3A_697 {dimension_numbers = #tpu.dot_dimension_numbers<[1], [0], [0], [1], [0, 0, 1, 1], [], []>, transpose_lhs_hint = false} : vector<512x1024xf32>, vector<1024x1xf32>, vector<512x1xf32> -> vector<512x1xf32>
    %squeeze3A_699 = vector.shape_cast %dot_general3A_698 : vector<512x1xf32> to vector<512xf32>
    %get3A_700 = arith.constant 0 : index
    %get3A_701 = memref.load %arg7[%get3A_700] : memref<1xf32, #tpu.memory_space<smem>>
    %add3A_702 = vector.broadcast %get3A_701 : f32 to vector<512xf32>
    %add3A_703 = arith.addf %squeeze3A_699, %add3A_702 : vector<512xf32>
    %swap3A_704 = arith.constant 0 : index
    %swap3A_705 = arith.constant 27 : index
    %swap3A_706 = vector.load %arg8[%swap3A_704, %swap3A_705] : memref<512x32xf32, #tpu.memory_space<vmem>>, vector<512x1xf32>
    %swap3A_707 = vector.shape_cast %swap3A_706 : vector<512x1xf32> to vector<512xf32>
    %swap3A_708 = vector.shape_cast %add3A_703 : vector<512xf32> to vector<512x1xf32>
    tpu.vector_store %arg8[%swap3A_704, %swap3A_705], %swap3A_708 {strides = array<i32>} : memref<512x32xf32, #tpu.memory_space<vmem>>, vector<512x1xf32>,
    %slice3A_709 = vector.extract_strided_slice %dot_general3A_13 {offsets = [28, 0], sizes = [512, 1024], strides = [1, 1]} : vector<544x1024xf32> to vector<512x1024xf32>
    %add3A_710 = arith.addf %dot_general3A_8, %slice3A_709 : vector<512x1024xf32>
    %get3A_711 = arith.constant 0 : index
    %get3A_712 = arith.constant 0 : index
    %get3A_713 = vector.load %arg5[%get3A_711, %get3A_712] : memref<1x1024xf32, #tpu.memory_space<vmem>>, vector<1x1024xf32>
    %add3A_714 = vector.broadcast %get3A_713 : vector<1x1024xf32> to vector<512x1024xf32>
    %add3A_715 = arith.addf %add3A_710, %add3A_714 : vector<512x1024xf32>
    %max3A_716 = arith.constant 0.000000e+00 : f32
    %max3A_717 = vector.broadcast %max3A_716 : f32 to vector<512x1024xf32>
    %max3A_718 = arith.maximumf %add3A_715, %max3A_717 : vector<512x1024xf32>
    %get3A_719 = arith.constant 0 : index
    %get3A_720 = arith.constant 0 : index
    %get3A_721 = vector.load %arg6[%get3A_719, %get3A_720] : memref<1024x1xf32, #tpu.memory_space<vmem>>, vector<1024x1xf32>
    %dot_general3A_722 = arith.constant dense<0.000000e+00> : vector<512x1xf32>
    %dot_general3A_723 = tpu.matmul %max3A_718, %get3A_721, %dot_general3A_722 {dimension_numbers = #tpu.dot_dimension_numbers<[1], [0], [0], [1], [0, 0, 1, 1], [], []>, transpose_lhs_hint = false} : vector<512x1024xf32>, vector<1024x1xf32>, vector<512x1xf32> -> vector<512x1xf32>
    %squeeze3A_724 = vector.shape_cast %dot_general3A_723 : vector<512x1xf32> to vector<512xf32>
    %get3A_725 = arith.constant 0 : index
    %get3A_726 = memref.load %arg7[%get3A_725] : memref<1xf32, #tpu.memory_space<smem>>
    %add3A_727 = vector.broadcast %get3A_726 : f32 to vector<512xf32>
    %add3A_728 = arith.addf %squeeze3A_724, %add3A_727 : vector<512xf32>
    %swap3A_729 = arith.constant 0 : index
    %swap3A_730 = arith.constant 28 : index
    %swap3A_731 = vector.load %arg8[%swap3A_729, %swap3A_730] : memref<512x32xf32, #tpu.memory_space<vmem>>, vector<512x1xf32>
    %swap3A_732 = vector.shape_cast %swap3A_731 : vector<512x1xf32> to vector<512xf32>
    %swap3A_733 = vector.shape_cast %add3A_728 : vector<512xf32> to vector<512x1xf32>
    tpu.vector_store %arg8[%swap3A_729, %swap3A_730], %swap3A_733 {strides = array<i32>} : memref<512x32xf32, #tpu.memory_space<vmem>>, vector<512x1xf32>,
    %slice3A_734 = vector.extract_strided_slice %dot_general3A_13 {offsets = [29, 0], sizes = [512, 1024], strides = [1, 1]} : vector<544x1024xf32> to vector<512x1024xf32>
    %add3A_735 = arith.addf %dot_general3A_8, %slice3A_734 : vector<512x1024xf32>
    %get3A_736 = arith.constant 0 : index
    %get3A_737 = arith.constant 0 : index
    %get3A_738 = vector.load %arg5[%get3A_736, %get3A_737] : memref<1x1024xf32, #tpu.memory_space<vmem>>, vector<1x1024xf32>
    %add3A_739 = vector.broadcast %get3A_738 : vector<1x1024xf32> to vector<512x1024xf32>
    %add3A_740 = arith.addf %add3A_735, %add3A_739 : vector<512x1024xf32>
    %max3A_741 = arith.constant 0.000000e+00 : f32
    %max3A_742 = vector.broadcast %max3A_741 : f32 to vector<512x1024xf32>
    %max3A_743 = arith.maximumf %add3A_740, %max3A_742 : vector<512x1024xf32>
    %get3A_744 = arith.constant 0 : index
    %get3A_745 = arith.constant 0 : index
    %get3A_746 = vector.load %arg6[%get3A_744, %get3A_745] : memref<1024x1xf32, #tpu.memory_space<vmem>>, vector<1024x1xf32>
    %dot_general3A_747 = arith.constant dense<0.000000e+00> : vector<512x1xf32>
    %dot_general3A_748 = tpu.matmul %max3A_743, %get3A_746, %dot_general3A_747 {dimension_numbers = #tpu.dot_dimension_numbers<[1], [0], [0], [1], [0, 0, 1, 1], [], []>, transpose_lhs_hint = false} : vector<512x1024xf32>, vector<1024x1xf32>, vector<512x1xf32> -> vector<512x1xf32>
    %squeeze3A_749 = vector.shape_cast %dot_general3A_748 : vector<512x1xf32> to vector<512xf32>
    %get3A_750 = arith.constant 0 : index
    %get3A_751 = memref.load %arg7[%get3A_750] : memref<1xf32, #tpu.memory_space<smem>>
    %add3A_752 = vector.broadcast %get3A_751 : f32 to vector<512xf32>
    %add3A_753 = arith.addf %squeeze3A_749, %add3A_752 : vector<512xf32>
    %swap3A_754 = arith.constant 0 : index
    %swap3A_755 = arith.constant 29 : index
    %swap3A_756 = vector.load %arg8[%swap3A_754, %swap3A_755] : memref<512x32xf32, #tpu.memory_space<vmem>>, vector<512x1xf32>
    %swap3A_757 = vector.shape_cast %swap3A_756 : vector<512x1xf32> to vector<512xf32>
    %swap3A_758 = vector.shape_cast %add3A_753 : vector<512xf32> to vector<512x1xf32>
    tpu.vector_store %arg8[%swap3A_754, %swap3A_755], %swap3A_758 {strides = array<i32>} : memref<512x32xf32, #tpu.memory_space<vmem>>, vector<512x1xf32>,
    %slice3A_759 = vector.extract_strided_slice %dot_general3A_13 {offsets = [30, 0], sizes = [512, 1024], strides = [1, 1]} : vector<544x1024xf32> to vector<512x1024xf32>
    %add3A_760 = arith.addf %dot_general3A_8, %slice3A_759 : vector<512x1024xf32>
    %get3A_761 = arith.constant 0 : index
    %get3A_762 = arith.constant 0 : index
    %get3A_763 = vector.load %arg5[%get3A_761, %get3A_762] : memref<1x1024xf32, #tpu.memory_space<vmem>>, vector<1x1024xf32>
    %add3A_764 = vector.broadcast %get3A_763 : vector<1x1024xf32> to vector<512x1024xf32>
    %add3A_765 = arith.addf %add3A_760, %add3A_764 : vector<512x1024xf32>
    %max3A_766 = arith.constant 0.000000e+00 : f32
    %max3A_767 = vector.broadcast %max3A_766 : f32 to vector<512x1024xf32>
    %max3A_768 = arith.maximumf %add3A_765, %max3A_767 : vector<512x1024xf32>
    %get3A_769 = arith.constant 0 : index
    %get3A_770 = arith.constant 0 : index
    %get3A_771 = vector.load %arg6[%get3A_769, %get3A_770] : memref<1024x1xf32, #tpu.memory_space<vmem>>, vector<1024x1xf32>
    %dot_general3A_772 = arith.constant dense<0.000000e+00> : vector<512x1xf32>
    %dot_general3A_773 = tpu.matmul %max3A_768, %get3A_771, %dot_general3A_772 {dimension_numbers = #tpu.dot_dimension_numbers<[1], [0], [0], [1], [0, 0, 1, 1], [], []>, transpose_lhs_hint = false} : vector<512x1024xf32>, vector<1024x1xf32>, vector<512x1xf32> -> vector<512x1xf32>
    %squeeze3A_774 = vector.shape_cast %dot_general3A_773 : vector<512x1xf32> to vector<512xf32>
    %get3A_775 = arith.constant 0 : index
    %get3A_776 = memref.load %arg7[%get3A_775] : memref<1xf32, #tpu.memory_space<smem>>
    %add3A_777 = vector.broadcast %get3A_776 : f32 to vector<512xf32>
    %add3A_778 = arith.addf %squeeze3A_774, %add3A_777 : vector<512xf32>
    %swap3A_779 = arith.constant 0 : index
    %swap3A_780 = arith.constant 30 : index
    %swap3A_781 = vector.load %arg8[%swap3A_779, %swap3A_780] : memref<512x32xf32, #tpu.memory_space<vmem>>, vector<512x1xf32>
    %swap3A_782 = vector.shape_cast %swap3A_781 : vector<512x1xf32> to vector<512xf32>
    %swap3A_783 = vector.shape_cast %add3A_778 : vector<512xf32> to vector<512x1xf32>
    tpu.vector_store %arg8[%swap3A_779, %swap3A_780], %swap3A_783 {strides = array<i32>} : memref<512x32xf32, #tpu.memory_space<vmem>>, vector<512x1xf32>,
    %slice3A_784 = vector.extract_strided_slice %dot_general3A_13 {offsets = [31, 0], sizes = [512, 1024], strides = [1, 1]} : vector<544x1024xf32> to vector<512x1024xf32>
    %add3A_785 = arith.addf %dot_general3A_8, %slice3A_784 : vector<512x1024xf32>
    %get3A_786 = arith.constant 0 : index
    %get3A_787 = arith.constant 0 : index
    %get3A_788 = vector.load %arg5[%get3A_786, %get3A_787] : memref<1x1024xf32, #tpu.memory_space<vmem>>, vector<1x1024xf32>
    %add3A_789 = vector.broadcast %get3A_788 : vector<1x1024xf32> to vector<512x1024xf32>
    %add3A_790 = arith.addf %add3A_785, %add3A_789 : vector<512x1024xf32>
    %max3A_791 = arith.constant 0.000000e+00 : f32
    %max3A_792 = vector.broadcast %max3A_791 : f32 to vector<512x1024xf32>
    %max3A_793 = arith.maximumf %add3A_790, %max3A_792 : vector<512x1024xf32>
    %get3A_794 = arith.constant 0 : index
    %get3A_795 = arith.constant 0 : index
    %get3A_796 = vector.load %arg6[%get3A_794, %get3A_795] : memref<1024x1xf32, #tpu.memory_space<vmem>>, vector<1024x1xf32>
    %dot_general3A_797 = arith.constant dense<0.000000e+00> : vector<512x1xf32>
    %dot_general3A_798 = tpu.matmul %max3A_793, %get3A_796, %dot_general3A_797 {dimension_numbers = #tpu.dot_dimension_numbers<[1], [0], [0], [1], [0, 0, 1, 1], [], []>, transpose_lhs_hint = false} : vector<512x1024xf32>, vector<1024x1xf32>, vector<512x1xf32> -> vector<512x1xf32>
    %squeeze3A_799 = vector.shape_cast %dot_general3A_798 : vector<512x1xf32> to vector<512xf32>
    %get3A_800 = arith.constant 0 : index
    %get3A_801 = memref.load %arg7[%get3A_800] : memref<1xf32, #tpu.memory_space<smem>>
    %add3A_802 = vector.broadcast %get3A_801 : f32 to vector<512xf32>
    %add3A_803 = arith.addf %squeeze3A_799, %add3A_802 : vector<512xf32>
    %swap3A_804 = arith.constant 0 : index
    %swap3A_805 = arith.constant 31 : index
    %swap3A_806 = vector.load %arg8[%swap3A_804, %swap3A_805] : memref<512x32xf32, #tpu.memory_space<vmem>>, vector<512x1xf32>
    %swap3A_807 = vector.shape_cast %swap3A_806 : vector<512x1xf32> to vector<512xf32>
    %swap3A_808 = vector.shape_cast %add3A_803 : vector<512xf32> to vector<512x1xf32>
    tpu.vector_store %arg8[%swap3A_804, %swap3A_805], %swap3A_808 {strides = array<i32>} : memref<512x32xf32, #tpu.memory_space<vmem>>, vector<512x1xf32>,
    return
  }
  func.func @transform_0(%arg0: i32) -> (i32, i32) {
    %c0_i32 = arith.constant 0 : i32
    %c0_i32_0 = arith.constant 0 : i32
    return %arg0, %c0_i32 : i32, i32
  }
  func.func @transform_1(%arg0: i32) -> (i32, i32) {
    %add3A = arith.constant 1 : i32
    %add3A_0 = arith.addi %arg0, %add3A : i32
    %c0_i32 = arith.constant 0 : i32
    %c0_i32_1 = arith.constant 0 : i32
    return %add3A_0, %c0_i32 : i32, i32
  }
  func.func @transform_2(%arg0: i32) -> (i32, i32) {
    %c0_i32 = arith.constant 0 : i32
    %c0_i32_0 = arith.constant 0 : i32
    %c0_i32_1 = arith.constant 0 : i32
    return %c0_i32, %c0_i32_0 : i32, i32
  }
  func.func @transform_3(%arg0: i32) -> (i32, i32) {
    %c0_i32 = arith.constant 0 : i32
    %c0_i32_0 = arith.constant 0 : i32
    %c0_i32_1 = arith.constant 0 : i32
    return %c0_i32, %c0_i32_0 : i32, i32
  }
  func.func @transform_4(%arg0: i32) -> (i32, i32) {
    %c0_i32 = arith.constant 0 : i32
    %c0_i32_0 = arith.constant 0 : i32
    %c0_i32_1 = arith.constant 0 : i32
    return %c0_i32, %c0_i32_0 : i32, i32
  }
  func.func @transform_5(%arg0: i32) -> (i32, i32) {
    %c0_i32 = arith.constant 0 : i32
    %c0_i32_0 = arith.constant 0 : i32
    %c0_i32_1 = arith.constant 0 : i32
    return %c0_i32, %c0_i32_0 : i32, i32
  }
  func.func @transform_6(%arg0: i32) -> i32 {
    %c0_i32 = arith.constant 0 : i32
    %c0_i32_0 = arith.constant 0 : i32
    return %c0_i32 : i32
  }
  func.func @transform_7(%arg0: i32) -> (i32, i32) {
    %c0_i32 = arith.constant 0 : i32
    %c0_i32_0 = arith.constant 0 : i32
    return %arg0, %c0_i32 : i32, i32
  }
}

module attributes {stable_mosaic.version = 14 : i64} {
  func.func @_nms_body(%arg0: memref<20000xi32, #tpu.memory_space<smem>>, %arg1: memref<20000xi32, #tpu.memory_space<smem>>, %arg2: memref<20000xi32, #tpu.memory_space<smem>>, %arg3: memref<20000xf32, #tpu.memory_space<smem>>, %arg4: memref<1xi32, #tpu.memory_space<smem>>, %arg5: memref<1x256xi32, #tpu.memory_space<vmem>>, %arg6: memref<1x256xi32, #tpu.memory_space<vmem>>, %arg7: memref<1x256xi32, #tpu.memory_space<vmem>>, %arg8: memref<1x256xf32, #tpu.memory_space<vmem>>) attributes {dimension_semantics = [], scalar_prefetch = 0 : i64, scratch_operands = 0 : i64, tpu.core_type = #tpu.core_type<tc>} {
    %get3A = arith.constant 0 : index
    %get3A_0 = memref.load %arg4[%get3A] : memref<1xi32, #tpu.memory_space<smem>>
    %iota3A = tpu.iota {dimensions = array<i32: 1>} : vector<1x256xi32>
    %broadcast_in_dim3A = arith.constant 0 : i32
    %broadcast_in_dim3A_1 = vector.broadcast %broadcast_in_dim3A : i32 to vector<1x256xi32>
    %broadcast_in_dim3A_2 = arith.constant 0.000000e+00 : f32
    %broadcast_in_dim3A_3 = vector.broadcast %broadcast_in_dim3A_2 : f32 to vector<1x256xf32>
    %sub3A = arith.constant 1 : i32
    %sub3A_4 = vector.broadcast %sub3A : i32 to vector<1x256xi32>
    %sub3A_5 = arith.subi %broadcast_in_dim3A_1, %sub3A_4 : vector<1x256xi32>
    %while3A = arith.constant 0 : i32
    %while3A_6 = arith.constant 0 : i32
    %while3A_7:9 = scf.while (%while3A_21 = %while3A, %while3A_22 = %while3A_6, %while3A_23 = %broadcast_in_dim3A_1, %while3A_24 = %broadcast_in_dim3A_1, %while3A_25 = %sub3A_5, %while3A_26 = %broadcast_in_dim3A_1, %while3A_27 = %broadcast_in_dim3A_1, %while3A_28 = %broadcast_in_dim3A_1, %while3A_29 = %broadcast_in_dim3A_3) : (i32, i32, vector<1x256xi32>, vector<1x256xi32>, vector<1x256xi32>, vector<1x256xi32>, vector<1x256xi32>, vector<1x256xi32>, vector<1x256xf32>) -> (i32, i32, vector<1x256xi32>, vector<1x256xi32>, vector<1x256xi32>, vector<1x256xi32>, vector<1x256xi32>, vector<1x256xi32>, vector<1x256xf32>) {
      %lt3A = arith.constant 20000 : i32
      %lt3A_30 = arith.cmpi slt, %while3A_21, %lt3A : i32
      %lt3A_31 = arith.cmpi slt, %while3A_22, %get3A_0 : i32
      %and3A = arith.andi %lt3A_30, %lt3A_31 : i1
      scf.condition(%and3A) %while3A_21, %while3A_22, %while3A_23, %while3A_24, %while3A_25, %while3A_26, %while3A_27, %while3A_28, %while3A_29 : i32, i32, vector<1x256xi32>, vector<1x256xi32>, vector<1x256xi32>, vector<1x256xi32>, vector<1x256xi32>, vector<1x256xi32>, vector<1x256xf32>
    } do {
    ^bb0(%while3A_21: i32, %while3A_22: i32, %while3A_23: vector<1x256xi32>, %while3A_24: vector<1x256xi32>, %while3A_25: vector<1x256xi32>, %while3A_26: vector<1x256xi32>, %while3A_27: vector<1x256xi32>, %while3A_28: vector<1x256xi32>, %while3A_29: vector<1x256xf32>):
      %get3A_30 = arith.index_cast %while3A_21 : i32 to index
      %get3A_31 = memref.load %arg0[%get3A_30] : memref<20000xi32, #tpu.memory_space<smem>>
      %get3A_32 = arith.index_cast %while3A_21 : i32 to index
      %get3A_33 = memref.load %arg1[%get3A_32] : memref<20000xi32, #tpu.memory_space<smem>>
      %lt3A = vector.broadcast %get3A_31 : i32 to vector<1x256xi32>
      %lt3A_34 = arith.cmpi slt, %lt3A, %while3A_23 : vector<1x256xi32>
      %lt3A_35 = vector.broadcast %get3A_33 : i32 to vector<1x256xi32>
      %lt3A_36 = arith.cmpi slt, %lt3A_35, %while3A_24 : vector<1x256xi32>
      %and3A = arith.andi %lt3A_34, %lt3A_36 : vector<1x256xi1>
      %ge3A = vector.broadcast %get3A_33 : i32 to vector<1x256xi32>
      %ge3A_37 = arith.cmpi sge, %ge3A, %while3A_23 : vector<1x256xi32>
      %and3A_38 = arith.andi %and3A, %ge3A_37 : vector<1x256xi1>
      %gt3A = vector.broadcast %get3A_31 : i32 to vector<1x256xi32>
      %gt3A_39 = arith.cmpi sgt, %gt3A, %while3A_23 : vector<1x256xi32>
      %le3A = vector.broadcast %get3A_31 : i32 to vector<1x256xi32>
      %le3A_40 = arith.cmpi sle, %le3A, %while3A_24 : vector<1x256xi32>
      %and3A_41 = arith.andi %gt3A_39, %le3A_40 : vector<1x256xi1>
      %gt3A_42 = vector.broadcast %get3A_33 : i32 to vector<1x256xi32>
      %gt3A_43 = arith.cmpi sgt, %gt3A_42, %while3A_24 : vector<1x256xi32>
      %and3A_44 = arith.andi %and3A_41, %gt3A_43 : vector<1x256xi1>
      %or3A = arith.ori %and3A_38, %and3A_44 : vector<1x256xi1>
      %reduce_or3A = arith.constant 1.000000e+00 : f32
      %reduce_or3A_45 = arith.constant 0.000000e+00 : f32
      %reduce_or3A_46 = vector.broadcast %reduce_or3A : f32 to vector<1x256xf32>
      %reduce_or3A_47 = vector.broadcast %reduce_or3A_45 : f32 to vector<1x256xf32>
      %reduce_or3A_48 = arith.select %or3A, %reduce_or3A_46, %reduce_or3A_47 : vector<1x256xi1>, vector<1x256xf32>
      %reduce_or3A_49 = vector.shape_cast %reduce_or3A_48 : vector<1x256xf32> to vector<1x1x256xf32>
      %reduce_or3A_50 = arith.constant dense<0xFF800000> : vector<1xf32>
      %reduce_or3A_51 = vector.multi_reduction <maximumf>, %reduce_or3A_49, %reduce_or3A_50 [1, 2] : vector<1x1x256xf32> to vector<1xf32>
      %reduce_or3A_52 = vector.shape_cast %reduce_or3A_51 : vector<1xf32> to vector<1x1x1xf32>
      %reduce_or3A_53 = vector.extract %reduce_or3A_52[0, 0, 0] : f32 from vector<1x1x1xf32>
      %reduce_or3A_54 = arith.constant 0.000000e+00 : f32
      %reduce_or3A_55 = arith.cmpf ogt, %reduce_or3A_53, %reduce_or3A_54 : f32
      %not3A = arith.constant true
      %not3A_56 = arith.xori %reduce_or3A_55, %not3A : i1
      %eq3A = vector.broadcast %while3A_22 : i32 to vector<1x256xi32>
      %eq3A_57 = arith.cmpi eq, %iota3A, %eq3A : vector<1x256xi32>
      %and3A_58 = vector.broadcast %not3A_56 : i1 to vector<1x256xi1>
      %and3A_59 = arith.andi %and3A_58, %eq3A_57 : vector<1x256xi1>
      %broadcast_in_dim3A_60 = vector.broadcast %get3A_31 : i32 to vector<1x256xi32>
      %select_n3A = arith.select %and3A_59, %broadcast_in_dim3A_60, %while3A_23 : vector<1x256xi1>, vector<1x256xi32>
      %eq3A_61 = vector.broadcast %while3A_22 : i32 to vector<1x256xi32>
      %eq3A_62 = arith.cmpi eq, %iota3A, %eq3A_61 : vector<1x256xi32>
      %and3A_63 = vector.broadcast %not3A_56 : i1 to vector<1x256xi1>
      %and3A_64 = arith.andi %and3A_63, %eq3A_62 : vector<1x256xi1>
      %broadcast_in_dim3A_65 = vector.broadcast %get3A_33 : i32 to vector<1x256xi32>
      %select_n3A_66 = arith.select %and3A_64, %broadcast_in_dim3A_65, %while3A_24 : vector<1x256xi1>, vector<1x256xi32>
      %eq3A_67 = vector.broadcast %while3A_22 : i32 to vector<1x256xi32>
      %eq3A_68 = arith.cmpi eq, %iota3A, %eq3A_67 : vector<1x256xi32>
      %and3A_69 = vector.broadcast %not3A_56 : i1 to vector<1x256xi1>
      %and3A_70 = arith.andi %and3A_69, %eq3A_68 : vector<1x256xi1>
      %broadcast_in_dim3A_71 = vector.broadcast %while3A_21 : i32 to vector<1x256xi32>
      %select_n3A_72 = arith.select %and3A_70, %broadcast_in_dim3A_71, %while3A_25 : vector<1x256xi1>, vector<1x256xi32>
      %get3A_73 = arith.index_cast %while3A_21 : i32 to index
      %get3A_74 = memref.load %arg2[%get3A_73] : memref<20000xi32, #tpu.memory_space<smem>>
      %eq3A_75 = vector.broadcast %while3A_22 : i32 to vector<1x256xi32>
      %eq3A_76 = arith.cmpi eq, %iota3A, %eq3A_75 : vector<1x256xi32>
      %and3A_77 = vector.broadcast %not3A_56 : i1 to vector<1x256xi1>
      %and3A_78 = arith.andi %and3A_77, %eq3A_76 : vector<1x256xi1>
      %broadcast_in_dim3A_79 = vector.broadcast %get3A_74 : i32 to vector<1x256xi32>
      %select_n3A_80 = arith.select %and3A_78, %broadcast_in_dim3A_79, %while3A_26 : vector<1x256xi1>, vector<1x256xi32>
      %eq3A_81 = vector.broadcast %while3A_22 : i32 to vector<1x256xi32>
      %eq3A_82 = arith.cmpi eq, %iota3A, %eq3A_81 : vector<1x256xi32>
      %and3A_83 = vector.broadcast %not3A_56 : i1 to vector<1x256xi1>
      %and3A_84 = arith.andi %and3A_83, %eq3A_82 : vector<1x256xi1>
      %broadcast_in_dim3A_85 = vector.broadcast %get3A_31 : i32 to vector<1x256xi32>
      %select_n3A_86 = arith.select %and3A_84, %broadcast_in_dim3A_85, %while3A_27 : vector<1x256xi1>, vector<1x256xi32>
      %eq3A_87 = vector.broadcast %while3A_22 : i32 to vector<1x256xi32>
      %eq3A_88 = arith.cmpi eq, %iota3A, %eq3A_87 : vector<1x256xi32>
      %and3A_89 = vector.broadcast %not3A_56 : i1 to vector<1x256xi1>
      %and3A_90 = arith.andi %and3A_89, %eq3A_88 : vector<1x256xi1>
      %broadcast_in_dim3A_91 = vector.broadcast %get3A_33 : i32 to vector<1x256xi32>
      %select_n3A_92 = arith.select %and3A_90, %broadcast_in_dim3A_91, %while3A_28 : vector<1x256xi1>, vector<1x256xi32>
      %get3A_93 = arith.index_cast %while3A_21 : i32 to index
      %get3A_94 = memref.load %arg3[%get3A_93] : memref<20000xf32, #tpu.memory_space<smem>>
      %eq3A_95 = vector.broadcast %while3A_22 : i32 to vector<1x256xi32>
      %eq3A_96 = arith.cmpi eq, %iota3A, %eq3A_95 : vector<1x256xi32>
      %and3A_97 = vector.broadcast %not3A_56 : i1 to vector<1x256xi1>
      %and3A_98 = arith.andi %and3A_97, %eq3A_96 : vector<1x256xi1>
      %broadcast_in_dim3A_99 = vector.broadcast %get3A_94 : f32 to vector<1x256xf32>
      %select_n3A_100 = arith.select %and3A_98, %broadcast_in_dim3A_99, %while3A_29 : vector<1x256xi1>, vector<1x256xf32>
      %add3A = arith.constant 1 : i32
      %add3A_101 = arith.addi %while3A_21, %add3A : i32
      %convert_element_type3A = arith.extui %not3A_56 : i1 to i32
      %add3A_102 = arith.addi %while3A_22, %convert_element_type3A : i32
      scf.yield %add3A_101, %add3A_102, %select_n3A, %select_n3A_66, %select_n3A_72, %select_n3A_80, %select_n3A_86, %select_n3A_92, %select_n3A_100 : i32, i32, vector<1x256xi32>, vector<1x256xi32>, vector<1x256xi32>, vector<1x256xi32>, vector<1x256xi32>, vector<1x256xi32>, vector<1x256xf32>
    }
    %while3A_8 = arith.constant 0 : i32
    %while3A_9:6 = scf.while (%while3A_21 = %while3A_8, %while3A_22 = %while3A_7#1, %while3A_23 = %while3A_7#5, %while3A_24 = %while3A_7#6, %while3A_25 = %while3A_7#7, %while3A_26 = %while3A_7#8) : (i32, i32, vector<1x256xi32>, vector<1x256xi32>, vector<1x256xi32>, vector<1x256xf32>) -> (i32, i32, vector<1x256xi32>, vector<1x256xi32>, vector<1x256xi32>, vector<1x256xf32>) {
      %lt3A = arith.constant 20000 : i32
      %lt3A_27 = arith.cmpi slt, %while3A_21, %lt3A : i32
      %lt3A_28 = arith.cmpi slt, %while3A_22, %get3A_0 : i32
      %and3A = arith.andi %lt3A_27, %lt3A_28 : i1
      scf.condition(%and3A) %while3A_21, %while3A_22, %while3A_23, %while3A_24, %while3A_25, %while3A_26 : i32, i32, vector<1x256xi32>, vector<1x256xi32>, vector<1x256xi32>, vector<1x256xf32>
    } do {
    ^bb0(%while3A_21: i32, %while3A_22: i32, %while3A_23: vector<1x256xi32>, %while3A_24: vector<1x256xi32>, %while3A_25: vector<1x256xi32>, %while3A_26: vector<1x256xf32>):
      %eq3A = vector.broadcast %while3A_21 : i32 to vector<1x256xi32>
      %eq3A_27 = arith.cmpi eq, %while3A_7#4, %eq3A : vector<1x256xi32>
      %reduce_or3A = arith.constant 1.000000e+00 : f32
      %reduce_or3A_28 = arith.constant 0.000000e+00 : f32
      %reduce_or3A_29 = vector.broadcast %reduce_or3A : f32 to vector<1x256xf32>
      %reduce_or3A_30 = vector.broadcast %reduce_or3A_28 : f32 to vector<1x256xf32>
      %reduce_or3A_31 = arith.select %eq3A_27, %reduce_or3A_29, %reduce_or3A_30 : vector<1x256xi1>, vector<1x256xf32>
      %reduce_or3A_32 = vector.shape_cast %reduce_or3A_31 : vector<1x256xf32> to vector<1x1x256xf32>
      %reduce_or3A_33 = arith.constant dense<0xFF800000> : vector<1xf32>
      %reduce_or3A_34 = vector.multi_reduction <maximumf>, %reduce_or3A_32, %reduce_or3A_33 [1, 2] : vector<1x1x256xf32> to vector<1xf32>
      %reduce_or3A_35 = vector.shape_cast %reduce_or3A_34 : vector<1xf32> to vector<1x1x1xf32>
      %reduce_or3A_36 = vector.extract %reduce_or3A_35[0, 0, 0] : f32 from vector<1x1x1xf32>
      %reduce_or3A_37 = arith.constant 0.000000e+00 : f32
      %reduce_or3A_38 = arith.cmpf ogt, %reduce_or3A_36, %reduce_or3A_37 : f32
      %not3A = arith.constant true
      %not3A_39 = arith.xori %reduce_or3A_38, %not3A : i1
      %get3A_40 = arith.index_cast %while3A_21 : i32 to index
      %get3A_41 = memref.load %arg2[%get3A_40] : memref<20000xi32, #tpu.memory_space<smem>>
      %eq3A_42 = vector.broadcast %while3A_22 : i32 to vector<1x256xi32>
      %eq3A_43 = arith.cmpi eq, %iota3A, %eq3A_42 : vector<1x256xi32>
      %and3A = vector.broadcast %not3A_39 : i1 to vector<1x256xi1>
      %and3A_44 = arith.andi %and3A, %eq3A_43 : vector<1x256xi1>
      %broadcast_in_dim3A_45 = vector.broadcast %get3A_41 : i32 to vector<1x256xi32>
      %select_n3A = arith.select %and3A_44, %broadcast_in_dim3A_45, %while3A_23 : vector<1x256xi1>, vector<1x256xi32>
      %get3A_46 = arith.index_cast %while3A_21 : i32 to index
      %get3A_47 = memref.load %arg0[%get3A_46] : memref<20000xi32, #tpu.memory_space<smem>>
      %eq3A_48 = vector.broadcast %while3A_22 : i32 to vector<1x256xi32>
      %eq3A_49 = arith.cmpi eq, %iota3A, %eq3A_48 : vector<1x256xi32>
      %and3A_50 = vector.broadcast %not3A_39 : i1 to vector<1x256xi1>
      %and3A_51 = arith.andi %and3A_50, %eq3A_49 : vector<1x256xi1>
      %broadcast_in_dim3A_52 = vector.broadcast %get3A_47 : i32 to vector<1x256xi32>
      %select_n3A_53 = arith.select %and3A_51, %broadcast_in_dim3A_52, %while3A_24 : vector<1x256xi1>, vector<1x256xi32>
      %get3A_54 = arith.index_cast %while3A_21 : i32 to index
      %get3A_55 = memref.load %arg1[%get3A_54] : memref<20000xi32, #tpu.memory_space<smem>>
      %eq3A_56 = vector.broadcast %while3A_22 : i32 to vector<1x256xi32>
      %eq3A_57 = arith.cmpi eq, %iota3A, %eq3A_56 : vector<1x256xi32>
      %and3A_58 = vector.broadcast %not3A_39 : i1 to vector<1x256xi1>
      %and3A_59 = arith.andi %and3A_58, %eq3A_57 : vector<1x256xi1>
      %broadcast_in_dim3A_60 = vector.broadcast %get3A_55 : i32 to vector<1x256xi32>
      %select_n3A_61 = arith.select %and3A_59, %broadcast_in_dim3A_60, %while3A_25 : vector<1x256xi1>, vector<1x256xi32>
      %get3A_62 = arith.index_cast %while3A_21 : i32 to index
      %get3A_63 = memref.load %arg3[%get3A_62] : memref<20000xf32, #tpu.memory_space<smem>>
      %eq3A_64 = vector.broadcast %while3A_22 : i32 to vector<1x256xi32>
      %eq3A_65 = arith.cmpi eq, %iota3A, %eq3A_64 : vector<1x256xi32>
      %and3A_66 = vector.broadcast %not3A_39 : i1 to vector<1x256xi1>
      %and3A_67 = arith.andi %and3A_66, %eq3A_65 : vector<1x256xi1>
      %broadcast_in_dim3A_68 = vector.broadcast %get3A_63 : f32 to vector<1x256xf32>
      %select_n3A_69 = arith.select %and3A_67, %broadcast_in_dim3A_68, %while3A_26 : vector<1x256xi1>, vector<1x256xf32>
      %add3A = arith.constant 1 : i32
      %add3A_70 = arith.addi %while3A_21, %add3A : i32
      %convert_element_type3A = arith.extui %not3A_39 : i1 to i32
      %add3A_71 = arith.addi %while3A_22, %convert_element_type3A : i32
      scf.yield %add3A_70, %add3A_71, %select_n3A, %select_n3A_53, %select_n3A_61, %select_n3A_69 : i32, i32, vector<1x256xi32>, vector<1x256xi32>, vector<1x256xi32>, vector<1x256xf32>
    }
    %swap3A = arith.constant 0 : index
    %swap3A_10 = arith.constant 0 : index
    %swap3A_11 = vector.load %arg5[%swap3A, %swap3A_10] : memref<1x256xi32, #tpu.memory_space<vmem>>, vector<1x256xi32>
    tpu.vector_store %arg5[%swap3A, %swap3A_10], %while3A_9#2 {strides = array<i32>} : memref<1x256xi32, #tpu.memory_space<vmem>>, vector<1x256xi32>,
    %swap3A_12 = arith.constant 0 : index
    %swap3A_13 = arith.constant 0 : index
    %swap3A_14 = vector.load %arg6[%swap3A_12, %swap3A_13] : memref<1x256xi32, #tpu.memory_space<vmem>>, vector<1x256xi32>
    tpu.vector_store %arg6[%swap3A_12, %swap3A_13], %while3A_9#3 {strides = array<i32>} : memref<1x256xi32, #tpu.memory_space<vmem>>, vector<1x256xi32>,
    %swap3A_15 = arith.constant 0 : index
    %swap3A_16 = arith.constant 0 : index
    %swap3A_17 = vector.load %arg7[%swap3A_15, %swap3A_16] : memref<1x256xi32, #tpu.memory_space<vmem>>, vector<1x256xi32>
    tpu.vector_store %arg7[%swap3A_15, %swap3A_16], %while3A_9#4 {strides = array<i32>} : memref<1x256xi32, #tpu.memory_space<vmem>>, vector<1x256xi32>,
    %swap3A_18 = arith.constant 0 : index
    %swap3A_19 = arith.constant 0 : index
    %swap3A_20 = vector.load %arg8[%swap3A_18, %swap3A_19] : memref<1x256xf32, #tpu.memory_space<vmem>>, vector<1x256xf32>
    tpu.vector_store %arg8[%swap3A_18, %swap3A_19], %while3A_9#5 {strides = array<i32>} : memref<1x256xf32, #tpu.memory_space<vmem>>, vector<1x256xf32>,
    return
  }
}

module attributes {stable_mosaic.version = 14 : i64} {
  func.func @_c2f_body(%arg0: memref<256x256xf32, #tpu.memory_space<vmem>>, %arg1: memref<256x256xf32, #tpu.memory_space<vmem>>, %arg2: memref<512x512xf32, #tpu.memory_space<vmem>>, %arg3: memref<1x512xf32, #tpu.memory_space<vmem>>, %arg4: memref<256x1xf32, #tpu.memory_space<vmem>>, %arg5: memref<1xi32, #tpu.memory_space<smem>>, %arg6: memref<256x64xf32, #tpu.memory_space<vmem>>, %arg7: memref<256x64xi32, #tpu.memory_space<vmem>>, %arg8: memref<256x64xi32, #tpu.memory_space<vmem>>) attributes {dimension_semantics = [], scalar_prefetch = 0 : i64, scratch_operands = 0 : i64, tpu.core_type = #tpu.core_type<tc>} {
    %get3A = arith.constant 0 : index
    %get3A_0 = arith.constant 0 : index
    %get3A_1 = vector.load %arg0[%get3A, %get3A_0] : memref<256x256xf32, #tpu.memory_space<vmem>>, vector<256x256xf32>
    %get3A_2 = arith.constant 0 : index
    %get3A_3 = arith.constant 0 : index
    %get3A_4 = vector.load %arg1[%get3A_2, %get3A_3] : memref<256x256xf32, #tpu.memory_space<vmem>>, vector<256x256xf32>
    %concatenate3A = tpu.concatenate %get3A_1, %get3A_4 in 1 : vector<256x256xf32>, vector<256x256xf32> -> vector<256x512xf32>
    %get3A_5 = arith.constant 0 : index
    %get3A_6 = arith.constant 0 : index
    %get3A_7 = vector.load %arg2[%get3A_5, %get3A_6] : memref<512x512xf32, #tpu.memory_space<vmem>>, vector<512x512xf32>
    %dot_general3A = arith.constant dense<0.000000e+00> : vector<256x512xf32>
    %dot_general3A_8 = tpu.matmul %concatenate3A, %get3A_7, %dot_general3A {dimension_numbers = #tpu.dot_dimension_numbers<[1], [0], [0], [1], [0, 0, 1, 1], [], []>, transpose_lhs_hint = false} : vector<256x512xf32>, vector<512x512xf32>, vector<256x512xf32> -> vector<256x512xf32>
    %get3A_9 = arith.constant 0 : index
    %get3A_10 = arith.constant 0 : index
    %get3A_11 = vector.load %arg3[%get3A_9, %get3A_10] : memref<1x512xf32, #tpu.memory_space<vmem>>, vector<1x512xf32>
    %add3A = vector.broadcast %get3A_11 : vector<1x512xf32> to vector<256x512xf32>
    %add3A_12 = arith.addf %dot_general3A_8, %add3A : vector<256x512xf32>
    %dot_general3A_13 = arith.constant dense<0.000000e+00> : vector<256x256xf32>
    %dot_general3A_14 = tpu.matmul %add3A_12, %concatenate3A, %dot_general3A_13 {dimension_numbers = #tpu.dot_dimension_numbers<[1], [1], [0], [0], [0, 0, 1, 0], [], []>, transpose_lhs_hint = false} : vector<256x512xf32>, vector<256x512xf32>, vector<256x256xf32> -> vector<256x256xf32>
    %iota3A = tpu.iota {dimensions = array<i32: 0>} : vector<256x256xi32>
    %iota3A_15 = tpu.iota {dimensions = array<i32: 1>} : vector<256x256xi32>
    %lt3A = arith.cmpi slt, %iota3A_15, %iota3A : vector<256x256xi32>
    %jit3A = arith.constant 0xFF800000 : f32
    %broadcast_in_dim3A = vector.broadcast %jit3A : f32 to vector<256x256xf32>
    %select_n3A = arith.select %lt3A, %dot_general3A_14, %broadcast_in_dim3A : vector<256x256xi1>, vector<256x256xf32>
    %iota3A_16 = tpu.iota {dimensions = array<i32: 1>} : vector<256x64xi32>
    %broadcast_in_dim3A_17 = arith.constant 0.000000e+00 : f32
    %broadcast_in_dim3A_18 = vector.broadcast %broadcast_in_dim3A_17 : f32 to vector<256x64xf32>
    %broadcast_in_dim3A_19 = arith.constant 0 : i32
    %broadcast_in_dim3A_20 = vector.broadcast %broadcast_in_dim3A_19 : i32 to vector<256x64xi32>
    %broadcast_in_dim3A_21 = arith.constant false
    %broadcast_in_dim3A_22 = vector.broadcast %broadcast_in_dim3A_21 : i1 to vector<256x256xi1>
    %jit3A_23 = arith.constant 0xFF800000 : f32
    %broadcast_in_dim3A_24 = vector.broadcast %jit3A_23 : f32 to vector<256x256xf32>
    %select_n3A_25 = arith.select %broadcast_in_dim3A_22, %broadcast_in_dim3A_24, %select_n3A : vector<256x256xi1>, vector<256x256xf32>
    %reduce_max3A = arith.constant dense<0xFF800000> : vector<256xf32>
    %reduce_max3A_26 = vector.multi_reduction <maximumf>, %select_n3A_25, %reduce_max3A [1] : vector<256x256xf32> to vector<256xf32>
    %broadcast_in_dim3A_27 = vector.shape_cast %reduce_max3A_26 : vector<256xf32> to vector<256x1xf32>
    %eq3A = vector.broadcast %broadcast_in_dim3A_27 : vector<256x1xf32> to vector<256x256xf32>
    %eq3A_28 = arith.cmpf oeq, %select_n3A_25, %eq3A : vector<256x256xf32>
    %not3A = arith.constant dense<true> : vector<256x256xi1>
    %not3A_29 = arith.xori %broadcast_in_dim3A_22, %not3A : vector<256x256xi1>
    %and3A = arith.andi %eq3A_28, %not3A_29 : vector<256x256xi1>
    %jit3A_30 = arith.constant 1073741824 : i32
    %broadcast_in_dim3A_31 = vector.broadcast %jit3A_30 : i32 to vector<256x256xi32>
    %select_n3A_32 = arith.select %and3A, %iota3A_15, %broadcast_in_dim3A_31 : vector<256x256xi1>, vector<256x256xi32>
    %reduce_min3A = arith.constant dense<2147483647> : vector<256xi32>
    %reduce_min3A_33 = vector.multi_reduction <minsi>, %select_n3A_32, %reduce_min3A [1] : vector<256x256xi32> to vector<256xi32>
    %broadcast_in_dim3A_34 = vector.shape_cast %reduce_min3A_33 : vector<256xi32> to vector<256x1xi32>
    %eq3A_35 = vector.broadcast %broadcast_in_dim3A_34 : vector<256x1xi32> to vector<256x256xi32>
    %eq3A_36 = arith.cmpi eq, %iota3A_15, %eq3A_35 : vector<256x256xi32>
    %or3A = arith.ori %broadcast_in_dim3A_22, %eq3A_36 : vector<256x256xi1>
    %eq3A_37 = arith.constant 0 : i32
    %eq3A_38 = vector.broadcast %eq3A_37 : i32 to vector<256x64xi32>
    %eq3A_39 = arith.cmpi eq, %iota3A_16, %eq3A_38 : vector<256x64xi32>
    %broadcast_in_dim3A_40 = vector.shape_cast %broadcast_in_dim3A_27 : vector<256x1xf32> to vector<256x1xf32>
    %broadcast_in_dim3A_41 = vector.broadcast %broadcast_in_dim3A_40 : vector<256x1xf32> to vector<256x64xf32>
    %select_n3A_42 = arith.select %eq3A_39, %broadcast_in_dim3A_41, %broadcast_in_dim3A_18 : vector<256x64xi1>, vector<256x64xf32>
    %eq3A_43 = arith.constant 0 : i32
    %eq3A_44 = vector.broadcast %eq3A_43 : i32 to vector<256x64xi32>
    %eq3A_45 = arith.cmpi eq, %iota3A_16, %eq3A_44 : vector<256x64xi32>
    %broadcast_in_dim3A_46 = vector.shape_cast %broadcast_in_dim3A_34 : vector<256x1xi32> to vector<256x1xi32>
    %broadcast_in_dim3A_47 = vector.broadcast %broadcast_in_dim3A_46 : vector<256x1xi32> to vector<256x64xi32>
    %select_n3A_48 = arith.select %eq3A_45, %broadcast_in_dim3A_47, %broadcast_in_dim3A_20 : vector<256x64xi1>, vector<256x64xi32>
    %jit3A_49 = arith.constant 0xFF800000 : f32
    %broadcast_in_dim3A_50 = vector.broadcast %jit3A_49 : f32 to vector<256x256xf32>
    %select_n3A_51 = arith.select %or3A, %broadcast_in_dim3A_50, %select_n3A : vector<256x256xi1>, vector<256x256xf32>
    %reduce_max3A_52 = arith.constant dense<0xFF800000> : vector<256xf32>
    %reduce_max3A_53 = vector.multi_reduction <maximumf>, %select_n3A_51, %reduce_max3A_52 [1] : vector<256x256xf32> to vector<256xf32>
    %broadcast_in_dim3A_54 = vector.shape_cast %reduce_max3A_53 : vector<256xf32> to vector<256x1xf32>
    %eq3A_55 = vector.broadcast %broadcast_in_dim3A_54 : vector<256x1xf32> to vector<256x256xf32>
    %eq3A_56 = arith.cmpf oeq, %select_n3A_51, %eq3A_55 : vector<256x256xf32>
    %not3A_57 = arith.constant dense<true> : vector<256x256xi1>
    %not3A_58 = arith.xori %or3A, %not3A_57 : vector<256x256xi1>
    %and3A_59 = arith.andi %eq3A_56, %not3A_58 : vector<256x256xi1>
    %jit3A_60 = arith.constant 1073741824 : i32
    %broadcast_in_dim3A_61 = vector.broadcast %jit3A_60 : i32 to vector<256x256xi32>
    %select_n3A_62 = arith.select %and3A_59, %iota3A_15, %broadcast_in_dim3A_61 : vector<256x256xi1>, vector<256x256xi32>
    %reduce_min3A_63 = arith.constant dense<2147483647> : vector<256xi32>
    %reduce_min3A_64 = vector.multi_reduction <minsi>, %select_n3A_62, %reduce_min3A_63 [1] : vector<256x256xi32> to vector<256xi32>
    %broadcast_in_dim3A_65 = vector.shape_cast %reduce_min3A_64 : vector<256xi32> to vector<256x1xi32>
    %eq3A_66 = vector.broadcast %broadcast_in_dim3A_65 : vector<256x1xi32> to vector<256x256xi32>
    %eq3A_67 = arith.cmpi eq, %iota3A_15, %eq3A_66 : vector<256x256xi32>
    %or3A_68 = arith.ori %or3A, %eq3A_67 : vector<256x256xi1>
    %eq3A_69 = arith.constant 1 : i32
    %eq3A_70 = vector.broadcast %eq3A_69 : i32 to vector<256x64xi32>
    %eq3A_71 = arith.cmpi eq, %iota3A_16, %eq3A_70 : vector<256x64xi32>
    %broadcast_in_dim3A_72 = vector.shape_cast %broadcast_in_dim3A_54 : vector<256x1xf32> to vector<256x1xf32>
    %broadcast_in_dim3A_73 = vector.broadcast %broadcast_in_dim3A_72 : vector<256x1xf32> to vector<256x64xf32>
    %select_n3A_74 = arith.select %eq3A_71, %broadcast_in_dim3A_73, %select_n3A_42 : vector<256x64xi1>, vector<256x64xf32>
    %eq3A_75 = arith.constant 1 : i32
    %eq3A_76 = vector.broadcast %eq3A_75 : i32 to vector<256x64xi32>
    %eq3A_77 = arith.cmpi eq, %iota3A_16, %eq3A_76 : vector<256x64xi32>
    %broadcast_in_dim3A_78 = vector.shape_cast %broadcast_in_dim3A_65 : vector<256x1xi32> to vector<256x1xi32>
    %broadcast_in_dim3A_79 = vector.broadcast %broadcast_in_dim3A_78 : vector<256x1xi32> to vector<256x64xi32>
    %select_n3A_80 = arith.select %eq3A_77, %broadcast_in_dim3A_79, %select_n3A_48 : vector<256x64xi1>, vector<256x64xi32>
    %jit3A_81 = arith.constant 0xFF800000 : f32
    %broadcast_in_dim3A_82 = vector.broadcast %jit3A_81 : f32 to vector<256x256xf32>
    %select_n3A_83 = arith.select %or3A_68, %broadcast_in_dim3A_82, %select_n3A : vector<256x256xi1>, vector<256x256xf32>
    %reduce_max3A_84 = arith.constant dense<0xFF800000> : vector<256xf32>
    %reduce_max3A_85 = vector.multi_reduction <maximumf>, %select_n3A_83, %reduce_max3A_84 [1] : vector<256x256xf32> to vector<256xf32>
    %broadcast_in_dim3A_86 = vector.shape_cast %reduce_max3A_85 : vector<256xf32> to vector<256x1xf32>
    %eq3A_87 = vector.broadcast %broadcast_in_dim3A_86 : vector<256x1xf32> to vector<256x256xf32>
    %eq3A_88 = arith.cmpf oeq, %select_n3A_83, %eq3A_87 : vector<256x256xf32>
    %not3A_89 = arith.constant dense<true> : vector<256x256xi1>
    %not3A_90 = arith.xori %or3A_68, %not3A_89 : vector<256x256xi1>
    %and3A_91 = arith.andi %eq3A_88, %not3A_90 : vector<256x256xi1>
    %jit3A_92 = arith.constant 1073741824 : i32
    %broadcast_in_dim3A_93 = vector.broadcast %jit3A_92 : i32 to vector<256x256xi32>
    %select_n3A_94 = arith.select %and3A_91, %iota3A_15, %broadcast_in_dim3A_93 : vector<256x256xi1>, vector<256x256xi32>
    %reduce_min3A_95 = arith.constant dense<2147483647> : vector<256xi32>
    %reduce_min3A_96 = vector.multi_reduction <minsi>, %select_n3A_94, %reduce_min3A_95 [1] : vector<256x256xi32> to vector<256xi32>
    %broadcast_in_dim3A_97 = vector.shape_cast %reduce_min3A_96 : vector<256xi32> to vector<256x1xi32>
    %eq3A_98 = vector.broadcast %broadcast_in_dim3A_97 : vector<256x1xi32> to vector<256x256xi32>
    %eq3A_99 = arith.cmpi eq, %iota3A_15, %eq3A_98 : vector<256x256xi32>
    %or3A_100 = arith.ori %or3A_68, %eq3A_99 : vector<256x256xi1>
    %eq3A_101 = arith.constant 2 : i32
    %eq3A_102 = vector.broadcast %eq3A_101 : i32 to vector<256x64xi32>
    %eq3A_103 = arith.cmpi eq, %iota3A_16, %eq3A_102 : vector<256x64xi32>
    %broadcast_in_dim3A_104 = vector.shape_cast %broadcast_in_dim3A_86 : vector<256x1xf32> to vector<256x1xf32>
    %broadcast_in_dim3A_105 = vector.broadcast %broadcast_in_dim3A_104 : vector<256x1xf32> to vector<256x64xf32>
    %select_n3A_106 = arith.select %eq3A_103, %broadcast_in_dim3A_105, %select_n3A_74 : vector<256x64xi1>, vector<256x64xf32>
    %eq3A_107 = arith.constant 2 : i32
    %eq3A_108 = vector.broadcast %eq3A_107 : i32 to vector<256x64xi32>
    %eq3A_109 = arith.cmpi eq, %iota3A_16, %eq3A_108 : vector<256x64xi32>
    %broadcast_in_dim3A_110 = vector.shape_cast %broadcast_in_dim3A_97 : vector<256x1xi32> to vector<256x1xi32>
    %broadcast_in_dim3A_111 = vector.broadcast %broadcast_in_dim3A_110 : vector<256x1xi32> to vector<256x64xi32>
    %select_n3A_112 = arith.select %eq3A_109, %broadcast_in_dim3A_111, %select_n3A_80 : vector<256x64xi1>, vector<256x64xi32>
    %jit3A_113 = arith.constant 0xFF800000 : f32
    %broadcast_in_dim3A_114 = vector.broadcast %jit3A_113 : f32 to vector<256x256xf32>
    %select_n3A_115 = arith.select %or3A_100, %broadcast_in_dim3A_114, %select_n3A : vector<256x256xi1>, vector<256x256xf32>
    %reduce_max3A_116 = arith.constant dense<0xFF800000> : vector<256xf32>
    %reduce_max3A_117 = vector.multi_reduction <maximumf>, %select_n3A_115, %reduce_max3A_116 [1] : vector<256x256xf32> to vector<256xf32>
    %broadcast_in_dim3A_118 = vector.shape_cast %reduce_max3A_117 : vector<256xf32> to vector<256x1xf32>
    %eq3A_119 = vector.broadcast %broadcast_in_dim3A_118 : vector<256x1xf32> to vector<256x256xf32>
    %eq3A_120 = arith.cmpf oeq, %select_n3A_115, %eq3A_119 : vector<256x256xf32>
    %not3A_121 = arith.constant dense<true> : vector<256x256xi1>
    %not3A_122 = arith.xori %or3A_100, %not3A_121 : vector<256x256xi1>
    %and3A_123 = arith.andi %eq3A_120, %not3A_122 : vector<256x256xi1>
    %jit3A_124 = arith.constant 1073741824 : i32
    %broadcast_in_dim3A_125 = vector.broadcast %jit3A_124 : i32 to vector<256x256xi32>
    %select_n3A_126 = arith.select %and3A_123, %iota3A_15, %broadcast_in_dim3A_125 : vector<256x256xi1>, vector<256x256xi32>
    %reduce_min3A_127 = arith.constant dense<2147483647> : vector<256xi32>
    %reduce_min3A_128 = vector.multi_reduction <minsi>, %select_n3A_126, %reduce_min3A_127 [1] : vector<256x256xi32> to vector<256xi32>
    %broadcast_in_dim3A_129 = vector.shape_cast %reduce_min3A_128 : vector<256xi32> to vector<256x1xi32>
    %eq3A_130 = vector.broadcast %broadcast_in_dim3A_129 : vector<256x1xi32> to vector<256x256xi32>
    %eq3A_131 = arith.cmpi eq, %iota3A_15, %eq3A_130 : vector<256x256xi32>
    %or3A_132 = arith.ori %or3A_100, %eq3A_131 : vector<256x256xi1>
    %eq3A_133 = arith.constant 3 : i32
    %eq3A_134 = vector.broadcast %eq3A_133 : i32 to vector<256x64xi32>
    %eq3A_135 = arith.cmpi eq, %iota3A_16, %eq3A_134 : vector<256x64xi32>
    %broadcast_in_dim3A_136 = vector.shape_cast %broadcast_in_dim3A_118 : vector<256x1xf32> to vector<256x1xf32>
    %broadcast_in_dim3A_137 = vector.broadcast %broadcast_in_dim3A_136 : vector<256x1xf32> to vector<256x64xf32>
    %select_n3A_138 = arith.select %eq3A_135, %broadcast_in_dim3A_137, %select_n3A_106 : vector<256x64xi1>, vector<256x64xf32>
    %eq3A_139 = arith.constant 3 : i32
    %eq3A_140 = vector.broadcast %eq3A_139 : i32 to vector<256x64xi32>
    %eq3A_141 = arith.cmpi eq, %iota3A_16, %eq3A_140 : vector<256x64xi32>
    %broadcast_in_dim3A_142 = vector.shape_cast %broadcast_in_dim3A_129 : vector<256x1xi32> to vector<256x1xi32>
    %broadcast_in_dim3A_143 = vector.broadcast %broadcast_in_dim3A_142 : vector<256x1xi32> to vector<256x64xi32>
    %select_n3A_144 = arith.select %eq3A_141, %broadcast_in_dim3A_143, %select_n3A_112 : vector<256x64xi1>, vector<256x64xi32>
    %jit3A_145 = arith.constant 0xFF800000 : f32
    %broadcast_in_dim3A_146 = vector.broadcast %jit3A_145 : f32 to vector<256x256xf32>
    %select_n3A_147 = arith.select %or3A_132, %broadcast_in_dim3A_146, %select_n3A : vector<256x256xi1>, vector<256x256xf32>
    %reduce_max3A_148 = arith.constant dense<0xFF800000> : vector<256xf32>
    %reduce_max3A_149 = vector.multi_reduction <maximumf>, %select_n3A_147, %reduce_max3A_148 [1] : vector<256x256xf32> to vector<256xf32>
    %broadcast_in_dim3A_150 = vector.shape_cast %reduce_max3A_149 : vector<256xf32> to vector<256x1xf32>
    %eq3A_151 = vector.broadcast %broadcast_in_dim3A_150 : vector<256x1xf32> to vector<256x256xf32>
    %eq3A_152 = arith.cmpf oeq, %select_n3A_147, %eq3A_151 : vector<256x256xf32>
    %not3A_153 = arith.constant dense<true> : vector<256x256xi1>
    %not3A_154 = arith.xori %or3A_132, %not3A_153 : vector<256x256xi1>
    %and3A_155 = arith.andi %eq3A_152, %not3A_154 : vector<256x256xi1>
    %jit3A_156 = arith.constant 1073741824 : i32
    %broadcast_in_dim3A_157 = vector.broadcast %jit3A_156 : i32 to vector<256x256xi32>
    %select_n3A_158 = arith.select %and3A_155, %iota3A_15, %broadcast_in_dim3A_157 : vector<256x256xi1>, vector<256x256xi32>
    %reduce_min3A_159 = arith.constant dense<2147483647> : vector<256xi32>
    %reduce_min3A_160 = vector.multi_reduction <minsi>, %select_n3A_158, %reduce_min3A_159 [1] : vector<256x256xi32> to vector<256xi32>
    %broadcast_in_dim3A_161 = vector.shape_cast %reduce_min3A_160 : vector<256xi32> to vector<256x1xi32>
    %eq3A_162 = vector.broadcast %broadcast_in_dim3A_161 : vector<256x1xi32> to vector<256x256xi32>
    %eq3A_163 = arith.cmpi eq, %iota3A_15, %eq3A_162 : vector<256x256xi32>
    %or3A_164 = arith.ori %or3A_132, %eq3A_163 : vector<256x256xi1>
    %eq3A_165 = arith.constant 4 : i32
    %eq3A_166 = vector.broadcast %eq3A_165 : i32 to vector<256x64xi32>
    %eq3A_167 = arith.cmpi eq, %iota3A_16, %eq3A_166 : vector<256x64xi32>
    %broadcast_in_dim3A_168 = vector.shape_cast %broadcast_in_dim3A_150 : vector<256x1xf32> to vector<256x1xf32>
    %broadcast_in_dim3A_169 = vector.broadcast %broadcast_in_dim3A_168 : vector<256x1xf32> to vector<256x64xf32>
    %select_n3A_170 = arith.select %eq3A_167, %broadcast_in_dim3A_169, %select_n3A_138 : vector<256x64xi1>, vector<256x64xf32>
    %eq3A_171 = arith.constant 4 : i32
    %eq3A_172 = vector.broadcast %eq3A_171 : i32 to vector<256x64xi32>
    %eq3A_173 = arith.cmpi eq, %iota3A_16, %eq3A_172 : vector<256x64xi32>
    %broadcast_in_dim3A_174 = vector.shape_cast %broadcast_in_dim3A_161 : vector<256x1xi32> to vector<256x1xi32>
    %broadcast_in_dim3A_175 = vector.broadcast %broadcast_in_dim3A_174 : vector<256x1xi32> to vector<256x64xi32>
    %select_n3A_176 = arith.select %eq3A_173, %broadcast_in_dim3A_175, %select_n3A_144 : vector<256x64xi1>, vector<256x64xi32>
    %jit3A_177 = arith.constant 0xFF800000 : f32
    %broadcast_in_dim3A_178 = vector.broadcast %jit3A_177 : f32 to vector<256x256xf32>
    %select_n3A_179 = arith.select %or3A_164, %broadcast_in_dim3A_178, %select_n3A : vector<256x256xi1>, vector<256x256xf32>
    %reduce_max3A_180 = arith.constant dense<0xFF800000> : vector<256xf32>
    %reduce_max3A_181 = vector.multi_reduction <maximumf>, %select_n3A_179, %reduce_max3A_180 [1] : vector<256x256xf32> to vector<256xf32>
    %broadcast_in_dim3A_182 = vector.shape_cast %reduce_max3A_181 : vector<256xf32> to vector<256x1xf32>
    %eq3A_183 = vector.broadcast %broadcast_in_dim3A_182 : vector<256x1xf32> to vector<256x256xf32>
    %eq3A_184 = arith.cmpf oeq, %select_n3A_179, %eq3A_183 : vector<256x256xf32>
    %not3A_185 = arith.constant dense<true> : vector<256x256xi1>
    %not3A_186 = arith.xori %or3A_164, %not3A_185 : vector<256x256xi1>
    %and3A_187 = arith.andi %eq3A_184, %not3A_186 : vector<256x256xi1>
    %jit3A_188 = arith.constant 1073741824 : i32
    %broadcast_in_dim3A_189 = vector.broadcast %jit3A_188 : i32 to vector<256x256xi32>
    %select_n3A_190 = arith.select %and3A_187, %iota3A_15, %broadcast_in_dim3A_189 : vector<256x256xi1>, vector<256x256xi32>
    %reduce_min3A_191 = arith.constant dense<2147483647> : vector<256xi32>
    %reduce_min3A_192 = vector.multi_reduction <minsi>, %select_n3A_190, %reduce_min3A_191 [1] : vector<256x256xi32> to vector<256xi32>
    %broadcast_in_dim3A_193 = vector.shape_cast %reduce_min3A_192 : vector<256xi32> to vector<256x1xi32>
    %eq3A_194 = vector.broadcast %broadcast_in_dim3A_193 : vector<256x1xi32> to vector<256x256xi32>
    %eq3A_195 = arith.cmpi eq, %iota3A_15, %eq3A_194 : vector<256x256xi32>
    %or3A_196 = arith.ori %or3A_164, %eq3A_195 : vector<256x256xi1>
    %eq3A_197 = arith.constant 5 : i32
    %eq3A_198 = vector.broadcast %eq3A_197 : i32 to vector<256x64xi32>
    %eq3A_199 = arith.cmpi eq, %iota3A_16, %eq3A_198 : vector<256x64xi32>
    %broadcast_in_dim3A_200 = vector.shape_cast %broadcast_in_dim3A_182 : vector<256x1xf32> to vector<256x1xf32>
    %broadcast_in_dim3A_201 = vector.broadcast %broadcast_in_dim3A_200 : vector<256x1xf32> to vector<256x64xf32>
    %select_n3A_202 = arith.select %eq3A_199, %broadcast_in_dim3A_201, %select_n3A_170 : vector<256x64xi1>, vector<256x64xf32>
    %eq3A_203 = arith.constant 5 : i32
    %eq3A_204 = vector.broadcast %eq3A_203 : i32 to vector<256x64xi32>
    %eq3A_205 = arith.cmpi eq, %iota3A_16, %eq3A_204 : vector<256x64xi32>
    %broadcast_in_dim3A_206 = vector.shape_cast %broadcast_in_dim3A_193 : vector<256x1xi32> to vector<256x1xi32>
    %broadcast_in_dim3A_207 = vector.broadcast %broadcast_in_dim3A_206 : vector<256x1xi32> to vector<256x64xi32>
    %select_n3A_208 = arith.select %eq3A_205, %broadcast_in_dim3A_207, %select_n3A_176 : vector<256x64xi1>, vector<256x64xi32>
    %jit3A_209 = arith.constant 0xFF800000 : f32
    %broadcast_in_dim3A_210 = vector.broadcast %jit3A_209 : f32 to vector<256x256xf32>
    %select_n3A_211 = arith.select %or3A_196, %broadcast_in_dim3A_210, %select_n3A : vector<256x256xi1>, vector<256x256xf32>
    %reduce_max3A_212 = arith.constant dense<0xFF800000> : vector<256xf32>
    %reduce_max3A_213 = vector.multi_reduction <maximumf>, %select_n3A_211, %reduce_max3A_212 [1] : vector<256x256xf32> to vector<256xf32>
    %broadcast_in_dim3A_214 = vector.shape_cast %reduce_max3A_213 : vector<256xf32> to vector<256x1xf32>
    %eq3A_215 = vector.broadcast %broadcast_in_dim3A_214 : vector<256x1xf32> to vector<256x256xf32>
    %eq3A_216 = arith.cmpf oeq, %select_n3A_211, %eq3A_215 : vector<256x256xf32>
    %not3A_217 = arith.constant dense<true> : vector<256x256xi1>
    %not3A_218 = arith.xori %or3A_196, %not3A_217 : vector<256x256xi1>
    %and3A_219 = arith.andi %eq3A_216, %not3A_218 : vector<256x256xi1>
    %jit3A_220 = arith.constant 1073741824 : i32
    %broadcast_in_dim3A_221 = vector.broadcast %jit3A_220 : i32 to vector<256x256xi32>
    %select_n3A_222 = arith.select %and3A_219, %iota3A_15, %broadcast_in_dim3A_221 : vector<256x256xi1>, vector<256x256xi32>
    %reduce_min3A_223 = arith.constant dense<2147483647> : vector<256xi32>
    %reduce_min3A_224 = vector.multi_reduction <minsi>, %select_n3A_222, %reduce_min3A_223 [1] : vector<256x256xi32> to vector<256xi32>
    %broadcast_in_dim3A_225 = vector.shape_cast %reduce_min3A_224 : vector<256xi32> to vector<256x1xi32>
    %eq3A_226 = vector.broadcast %broadcast_in_dim3A_225 : vector<256x1xi32> to vector<256x256xi32>
    %eq3A_227 = arith.cmpi eq, %iota3A_15, %eq3A_226 : vector<256x256xi32>
    %or3A_228 = arith.ori %or3A_196, %eq3A_227 : vector<256x256xi1>
    %eq3A_229 = arith.constant 6 : i32
    %eq3A_230 = vector.broadcast %eq3A_229 : i32 to vector<256x64xi32>
    %eq3A_231 = arith.cmpi eq, %iota3A_16, %eq3A_230 : vector<256x64xi32>
    %broadcast_in_dim3A_232 = vector.shape_cast %broadcast_in_dim3A_214 : vector<256x1xf32> to vector<256x1xf32>
    %broadcast_in_dim3A_233 = vector.broadcast %broadcast_in_dim3A_232 : vector<256x1xf32> to vector<256x64xf32>
    %select_n3A_234 = arith.select %eq3A_231, %broadcast_in_dim3A_233, %select_n3A_202 : vector<256x64xi1>, vector<256x64xf32>
    %eq3A_235 = arith.constant 6 : i32
    %eq3A_236 = vector.broadcast %eq3A_235 : i32 to vector<256x64xi32>
    %eq3A_237 = arith.cmpi eq, %iota3A_16, %eq3A_236 : vector<256x64xi32>
    %broadcast_in_dim3A_238 = vector.shape_cast %broadcast_in_dim3A_225 : vector<256x1xi32> to vector<256x1xi32>
    %broadcast_in_dim3A_239 = vector.broadcast %broadcast_in_dim3A_238 : vector<256x1xi32> to vector<256x64xi32>
    %select_n3A_240 = arith.select %eq3A_237, %broadcast_in_dim3A_239, %select_n3A_208 : vector<256x64xi1>, vector<256x64xi32>
    %jit3A_241 = arith.constant 0xFF800000 : f32
    %broadcast_in_dim3A_242 = vector.broadcast %jit3A_241 : f32 to vector<256x256xf32>
    %select_n3A_243 = arith.select %or3A_228, %broadcast_in_dim3A_242, %select_n3A : vector<256x256xi1>, vector<256x256xf32>
    %reduce_max3A_244 = arith.constant dense<0xFF800000> : vector<256xf32>
    %reduce_max3A_245 = vector.multi_reduction <maximumf>, %select_n3A_243, %reduce_max3A_244 [1] : vector<256x256xf32> to vector<256xf32>
    %broadcast_in_dim3A_246 = vector.shape_cast %reduce_max3A_245 : vector<256xf32> to vector<256x1xf32>
    %eq3A_247 = vector.broadcast %broadcast_in_dim3A_246 : vector<256x1xf32> to vector<256x256xf32>
    %eq3A_248 = arith.cmpf oeq, %select_n3A_243, %eq3A_247 : vector<256x256xf32>
    %not3A_249 = arith.constant dense<true> : vector<256x256xi1>
    %not3A_250 = arith.xori %or3A_228, %not3A_249 : vector<256x256xi1>
    %and3A_251 = arith.andi %eq3A_248, %not3A_250 : vector<256x256xi1>
    %jit3A_252 = arith.constant 1073741824 : i32
    %broadcast_in_dim3A_253 = vector.broadcast %jit3A_252 : i32 to vector<256x256xi32>
    %select_n3A_254 = arith.select %and3A_251, %iota3A_15, %broadcast_in_dim3A_253 : vector<256x256xi1>, vector<256x256xi32>
    %reduce_min3A_255 = arith.constant dense<2147483647> : vector<256xi32>
    %reduce_min3A_256 = vector.multi_reduction <minsi>, %select_n3A_254, %reduce_min3A_255 [1] : vector<256x256xi32> to vector<256xi32>
    %broadcast_in_dim3A_257 = vector.shape_cast %reduce_min3A_256 : vector<256xi32> to vector<256x1xi32>
    %eq3A_258 = vector.broadcast %broadcast_in_dim3A_257 : vector<256x1xi32> to vector<256x256xi32>
    %eq3A_259 = arith.cmpi eq, %iota3A_15, %eq3A_258 : vector<256x256xi32>
    %or3A_260 = arith.ori %or3A_228, %eq3A_259 : vector<256x256xi1>
    %eq3A_261 = arith.constant 7 : i32
    %eq3A_262 = vector.broadcast %eq3A_261 : i32 to vector<256x64xi32>
    %eq3A_263 = arith.cmpi eq, %iota3A_16, %eq3A_262 : vector<256x64xi32>
    %broadcast_in_dim3A_264 = vector.shape_cast %broadcast_in_dim3A_246 : vector<256x1xf32> to vector<256x1xf32>
    %broadcast_in_dim3A_265 = vector.broadcast %broadcast_in_dim3A_264 : vector<256x1xf32> to vector<256x64xf32>
    %select_n3A_266 = arith.select %eq3A_263, %broadcast_in_dim3A_265, %select_n3A_234 : vector<256x64xi1>, vector<256x64xf32>
    %eq3A_267 = arith.constant 7 : i32
    %eq3A_268 = vector.broadcast %eq3A_267 : i32 to vector<256x64xi32>
    %eq3A_269 = arith.cmpi eq, %iota3A_16, %eq3A_268 : vector<256x64xi32>
    %broadcast_in_dim3A_270 = vector.shape_cast %broadcast_in_dim3A_257 : vector<256x1xi32> to vector<256x1xi32>
    %broadcast_in_dim3A_271 = vector.broadcast %broadcast_in_dim3A_270 : vector<256x1xi32> to vector<256x64xi32>
    %select_n3A_272 = arith.select %eq3A_269, %broadcast_in_dim3A_271, %select_n3A_240 : vector<256x64xi1>, vector<256x64xi32>
    %jit3A_273 = arith.constant 0xFF800000 : f32
    %broadcast_in_dim3A_274 = vector.broadcast %jit3A_273 : f32 to vector<256x256xf32>
    %select_n3A_275 = arith.select %or3A_260, %broadcast_in_dim3A_274, %select_n3A : vector<256x256xi1>, vector<256x256xf32>
    %reduce_max3A_276 = arith.constant dense<0xFF800000> : vector<256xf32>
    %reduce_max3A_277 = vector.multi_reduction <maximumf>, %select_n3A_275, %reduce_max3A_276 [1] : vector<256x256xf32> to vector<256xf32>
    %broadcast_in_dim3A_278 = vector.shape_cast %reduce_max3A_277 : vector<256xf32> to vector<256x1xf32>
    %eq3A_279 = vector.broadcast %broadcast_in_dim3A_278 : vector<256x1xf32> to vector<256x256xf32>
    %eq3A_280 = arith.cmpf oeq, %select_n3A_275, %eq3A_279 : vector<256x256xf32>
    %not3A_281 = arith.constant dense<true> : vector<256x256xi1>
    %not3A_282 = arith.xori %or3A_260, %not3A_281 : vector<256x256xi1>
    %and3A_283 = arith.andi %eq3A_280, %not3A_282 : vector<256x256xi1>
    %jit3A_284 = arith.constant 1073741824 : i32
    %broadcast_in_dim3A_285 = vector.broadcast %jit3A_284 : i32 to vector<256x256xi32>
    %select_n3A_286 = arith.select %and3A_283, %iota3A_15, %broadcast_in_dim3A_285 : vector<256x256xi1>, vector<256x256xi32>
    %reduce_min3A_287 = arith.constant dense<2147483647> : vector<256xi32>
    %reduce_min3A_288 = vector.multi_reduction <minsi>, %select_n3A_286, %reduce_min3A_287 [1] : vector<256x256xi32> to vector<256xi32>
    %broadcast_in_dim3A_289 = vector.shape_cast %reduce_min3A_288 : vector<256xi32> to vector<256x1xi32>
    %eq3A_290 = vector.broadcast %broadcast_in_dim3A_289 : vector<256x1xi32> to vector<256x256xi32>
    %eq3A_291 = arith.cmpi eq, %iota3A_15, %eq3A_290 : vector<256x256xi32>
    %or3A_292 = arith.ori %or3A_260, %eq3A_291 : vector<256x256xi1>
    %eq3A_293 = arith.constant 8 : i32
    %eq3A_294 = vector.broadcast %eq3A_293 : i32 to vector<256x64xi32>
    %eq3A_295 = arith.cmpi eq, %iota3A_16, %eq3A_294 : vector<256x64xi32>
    %broadcast_in_dim3A_296 = vector.shape_cast %broadcast_in_dim3A_278 : vector<256x1xf32> to vector<256x1xf32>
    %broadcast_in_dim3A_297 = vector.broadcast %broadcast_in_dim3A_296 : vector<256x1xf32> to vector<256x64xf32>
    %select_n3A_298 = arith.select %eq3A_295, %broadcast_in_dim3A_297, %select_n3A_266 : vector<256x64xi1>, vector<256x64xf32>
    %eq3A_299 = arith.constant 8 : i32
    %eq3A_300 = vector.broadcast %eq3A_299 : i32 to vector<256x64xi32>
    %eq3A_301 = arith.cmpi eq, %iota3A_16, %eq3A_300 : vector<256x64xi32>
    %broadcast_in_dim3A_302 = vector.shape_cast %broadcast_in_dim3A_289 : vector<256x1xi32> to vector<256x1xi32>
    %broadcast_in_dim3A_303 = vector.broadcast %broadcast_in_dim3A_302 : vector<256x1xi32> to vector<256x64xi32>
    %select_n3A_304 = arith.select %eq3A_301, %broadcast_in_dim3A_303, %select_n3A_272 : vector<256x64xi1>, vector<256x64xi32>
    %jit3A_305 = arith.constant 0xFF800000 : f32
    %broadcast_in_dim3A_306 = vector.broadcast %jit3A_305 : f32 to vector<256x256xf32>
    %select_n3A_307 = arith.select %or3A_292, %broadcast_in_dim3A_306, %select_n3A : vector<256x256xi1>, vector<256x256xf32>
    %reduce_max3A_308 = arith.constant dense<0xFF800000> : vector<256xf32>
    %reduce_max3A_309 = vector.multi_reduction <maximumf>, %select_n3A_307, %reduce_max3A_308 [1] : vector<256x256xf32> to vector<256xf32>
    %broadcast_in_dim3A_310 = vector.shape_cast %reduce_max3A_309 : vector<256xf32> to vector<256x1xf32>
    %eq3A_311 = vector.broadcast %broadcast_in_dim3A_310 : vector<256x1xf32> to vector<256x256xf32>
    %eq3A_312 = arith.cmpf oeq, %select_n3A_307, %eq3A_311 : vector<256x256xf32>
    %not3A_313 = arith.constant dense<true> : vector<256x256xi1>
    %not3A_314 = arith.xori %or3A_292, %not3A_313 : vector<256x256xi1>
    %and3A_315 = arith.andi %eq3A_312, %not3A_314 : vector<256x256xi1>
    %jit3A_316 = arith.constant 1073741824 : i32
    %broadcast_in_dim3A_317 = vector.broadcast %jit3A_316 : i32 to vector<256x256xi32>
    %select_n3A_318 = arith.select %and3A_315, %iota3A_15, %broadcast_in_dim3A_317 : vector<256x256xi1>, vector<256x256xi32>
    %reduce_min3A_319 = arith.constant dense<2147483647> : vector<256xi32>
    %reduce_min3A_320 = vector.multi_reduction <minsi>, %select_n3A_318, %reduce_min3A_319 [1] : vector<256x256xi32> to vector<256xi32>
    %broadcast_in_dim3A_321 = vector.shape_cast %reduce_min3A_320 : vector<256xi32> to vector<256x1xi32>
    %eq3A_322 = vector.broadcast %broadcast_in_dim3A_321 : vector<256x1xi32> to vector<256x256xi32>
    %eq3A_323 = arith.cmpi eq, %iota3A_15, %eq3A_322 : vector<256x256xi32>
    %or3A_324 = arith.ori %or3A_292, %eq3A_323 : vector<256x256xi1>
    %eq3A_325 = arith.constant 9 : i32
    %eq3A_326 = vector.broadcast %eq3A_325 : i32 to vector<256x64xi32>
    %eq3A_327 = arith.cmpi eq, %iota3A_16, %eq3A_326 : vector<256x64xi32>
    %broadcast_in_dim3A_328 = vector.shape_cast %broadcast_in_dim3A_310 : vector<256x1xf32> to vector<256x1xf32>
    %broadcast_in_dim3A_329 = vector.broadcast %broadcast_in_dim3A_328 : vector<256x1xf32> to vector<256x64xf32>
    %select_n3A_330 = arith.select %eq3A_327, %broadcast_in_dim3A_329, %select_n3A_298 : vector<256x64xi1>, vector<256x64xf32>
    %eq3A_331 = arith.constant 9 : i32
    %eq3A_332 = vector.broadcast %eq3A_331 : i32 to vector<256x64xi32>
    %eq3A_333 = arith.cmpi eq, %iota3A_16, %eq3A_332 : vector<256x64xi32>
    %broadcast_in_dim3A_334 = vector.shape_cast %broadcast_in_dim3A_321 : vector<256x1xi32> to vector<256x1xi32>
    %broadcast_in_dim3A_335 = vector.broadcast %broadcast_in_dim3A_334 : vector<256x1xi32> to vector<256x64xi32>
    %select_n3A_336 = arith.select %eq3A_333, %broadcast_in_dim3A_335, %select_n3A_304 : vector<256x64xi1>, vector<256x64xi32>
    %jit3A_337 = arith.constant 0xFF800000 : f32
    %broadcast_in_dim3A_338 = vector.broadcast %jit3A_337 : f32 to vector<256x256xf32>
    %select_n3A_339 = arith.select %or3A_324, %broadcast_in_dim3A_338, %select_n3A : vector<256x256xi1>, vector<256x256xf32>
    %reduce_max3A_340 = arith.constant dense<0xFF800000> : vector<256xf32>
    %reduce_max3A_341 = vector.multi_reduction <maximumf>, %select_n3A_339, %reduce_max3A_340 [1] : vector<256x256xf32> to vector<256xf32>
    %broadcast_in_dim3A_342 = vector.shape_cast %reduce_max3A_341 : vector<256xf32> to vector<256x1xf32>
    %eq3A_343 = vector.broadcast %broadcast_in_dim3A_342 : vector<256x1xf32> to vector<256x256xf32>
    %eq3A_344 = arith.cmpf oeq, %select_n3A_339, %eq3A_343 : vector<256x256xf32>
    %not3A_345 = arith.constant dense<true> : vector<256x256xi1>
    %not3A_346 = arith.xori %or3A_324, %not3A_345 : vector<256x256xi1>
    %and3A_347 = arith.andi %eq3A_344, %not3A_346 : vector<256x256xi1>
    %jit3A_348 = arith.constant 1073741824 : i32
    %broadcast_in_dim3A_349 = vector.broadcast %jit3A_348 : i32 to vector<256x256xi32>
    %select_n3A_350 = arith.select %and3A_347, %iota3A_15, %broadcast_in_dim3A_349 : vector<256x256xi1>, vector<256x256xi32>
    %reduce_min3A_351 = arith.constant dense<2147483647> : vector<256xi32>
    %reduce_min3A_352 = vector.multi_reduction <minsi>, %select_n3A_350, %reduce_min3A_351 [1] : vector<256x256xi32> to vector<256xi32>
    %broadcast_in_dim3A_353 = vector.shape_cast %reduce_min3A_352 : vector<256xi32> to vector<256x1xi32>
    %eq3A_354 = vector.broadcast %broadcast_in_dim3A_353 : vector<256x1xi32> to vector<256x256xi32>
    %eq3A_355 = arith.cmpi eq, %iota3A_15, %eq3A_354 : vector<256x256xi32>
    %or3A_356 = arith.ori %or3A_324, %eq3A_355 : vector<256x256xi1>
    %eq3A_357 = arith.constant 10 : i32
    %eq3A_358 = vector.broadcast %eq3A_357 : i32 to vector<256x64xi32>
    %eq3A_359 = arith.cmpi eq, %iota3A_16, %eq3A_358 : vector<256x64xi32>
    %broadcast_in_dim3A_360 = vector.shape_cast %broadcast_in_dim3A_342 : vector<256x1xf32> to vector<256x1xf32>
    %broadcast_in_dim3A_361 = vector.broadcast %broadcast_in_dim3A_360 : vector<256x1xf32> to vector<256x64xf32>
    %select_n3A_362 = arith.select %eq3A_359, %broadcast_in_dim3A_361, %select_n3A_330 : vector<256x64xi1>, vector<256x64xf32>
    %eq3A_363 = arith.constant 10 : i32
    %eq3A_364 = vector.broadcast %eq3A_363 : i32 to vector<256x64xi32>
    %eq3A_365 = arith.cmpi eq, %iota3A_16, %eq3A_364 : vector<256x64xi32>
    %broadcast_in_dim3A_366 = vector.shape_cast %broadcast_in_dim3A_353 : vector<256x1xi32> to vector<256x1xi32>
    %broadcast_in_dim3A_367 = vector.broadcast %broadcast_in_dim3A_366 : vector<256x1xi32> to vector<256x64xi32>
    %select_n3A_368 = arith.select %eq3A_365, %broadcast_in_dim3A_367, %select_n3A_336 : vector<256x64xi1>, vector<256x64xi32>
    %jit3A_369 = arith.constant 0xFF800000 : f32
    %broadcast_in_dim3A_370 = vector.broadcast %jit3A_369 : f32 to vector<256x256xf32>
    %select_n3A_371 = arith.select %or3A_356, %broadcast_in_dim3A_370, %select_n3A : vector<256x256xi1>, vector<256x256xf32>
    %reduce_max3A_372 = arith.constant dense<0xFF800000> : vector<256xf32>
    %reduce_max3A_373 = vector.multi_reduction <maximumf>, %select_n3A_371, %reduce_max3A_372 [1] : vector<256x256xf32> to vector<256xf32>
    %broadcast_in_dim3A_374 = vector.shape_cast %reduce_max3A_373 : vector<256xf32> to vector<256x1xf32>
    %eq3A_375 = vector.broadcast %broadcast_in_dim3A_374 : vector<256x1xf32> to vector<256x256xf32>
    %eq3A_376 = arith.cmpf oeq, %select_n3A_371, %eq3A_375 : vector<256x256xf32>
    %not3A_377 = arith.constant dense<true> : vector<256x256xi1>
    %not3A_378 = arith.xori %or3A_356, %not3A_377 : vector<256x256xi1>
    %and3A_379 = arith.andi %eq3A_376, %not3A_378 : vector<256x256xi1>
    %jit3A_380 = arith.constant 1073741824 : i32
    %broadcast_in_dim3A_381 = vector.broadcast %jit3A_380 : i32 to vector<256x256xi32>
    %select_n3A_382 = arith.select %and3A_379, %iota3A_15, %broadcast_in_dim3A_381 : vector<256x256xi1>, vector<256x256xi32>
    %reduce_min3A_383 = arith.constant dense<2147483647> : vector<256xi32>
    %reduce_min3A_384 = vector.multi_reduction <minsi>, %select_n3A_382, %reduce_min3A_383 [1] : vector<256x256xi32> to vector<256xi32>
    %broadcast_in_dim3A_385 = vector.shape_cast %reduce_min3A_384 : vector<256xi32> to vector<256x1xi32>
    %eq3A_386 = vector.broadcast %broadcast_in_dim3A_385 : vector<256x1xi32> to vector<256x256xi32>
    %eq3A_387 = arith.cmpi eq, %iota3A_15, %eq3A_386 : vector<256x256xi32>
    %or3A_388 = arith.ori %or3A_356, %eq3A_387 : vector<256x256xi1>
    %eq3A_389 = arith.constant 11 : i32
    %eq3A_390 = vector.broadcast %eq3A_389 : i32 to vector<256x64xi32>
    %eq3A_391 = arith.cmpi eq, %iota3A_16, %eq3A_390 : vector<256x64xi32>
    %broadcast_in_dim3A_392 = vector.shape_cast %broadcast_in_dim3A_374 : vector<256x1xf32> to vector<256x1xf32>
    %broadcast_in_dim3A_393 = vector.broadcast %broadcast_in_dim3A_392 : vector<256x1xf32> to vector<256x64xf32>
    %select_n3A_394 = arith.select %eq3A_391, %broadcast_in_dim3A_393, %select_n3A_362 : vector<256x64xi1>, vector<256x64xf32>
    %eq3A_395 = arith.constant 11 : i32
    %eq3A_396 = vector.broadcast %eq3A_395 : i32 to vector<256x64xi32>
    %eq3A_397 = arith.cmpi eq, %iota3A_16, %eq3A_396 : vector<256x64xi32>
    %broadcast_in_dim3A_398 = vector.shape_cast %broadcast_in_dim3A_385 : vector<256x1xi32> to vector<256x1xi32>
    %broadcast_in_dim3A_399 = vector.broadcast %broadcast_in_dim3A_398 : vector<256x1xi32> to vector<256x64xi32>
    %select_n3A_400 = arith.select %eq3A_397, %broadcast_in_dim3A_399, %select_n3A_368 : vector<256x64xi1>, vector<256x64xi32>
    %jit3A_401 = arith.constant 0xFF800000 : f32
    %broadcast_in_dim3A_402 = vector.broadcast %jit3A_401 : f32 to vector<256x256xf32>
    %select_n3A_403 = arith.select %or3A_388, %broadcast_in_dim3A_402, %select_n3A : vector<256x256xi1>, vector<256x256xf32>
    %reduce_max3A_404 = arith.constant dense<0xFF800000> : vector<256xf32>
    %reduce_max3A_405 = vector.multi_reduction <maximumf>, %select_n3A_403, %reduce_max3A_404 [1] : vector<256x256xf32> to vector<256xf32>
    %broadcast_in_dim3A_406 = vector.shape_cast %reduce_max3A_405 : vector<256xf32> to vector<256x1xf32>
    %eq3A_407 = vector.broadcast %broadcast_in_dim3A_406 : vector<256x1xf32> to vector<256x256xf32>
    %eq3A_408 = arith.cmpf oeq, %select_n3A_403, %eq3A_407 : vector<256x256xf32>
    %not3A_409 = arith.constant dense<true> : vector<256x256xi1>
    %not3A_410 = arith.xori %or3A_388, %not3A_409 : vector<256x256xi1>
    %and3A_411 = arith.andi %eq3A_408, %not3A_410 : vector<256x256xi1>
    %jit3A_412 = arith.constant 1073741824 : i32
    %broadcast_in_dim3A_413 = vector.broadcast %jit3A_412 : i32 to vector<256x256xi32>
    %select_n3A_414 = arith.select %and3A_411, %iota3A_15, %broadcast_in_dim3A_413 : vector<256x256xi1>, vector<256x256xi32>
    %reduce_min3A_415 = arith.constant dense<2147483647> : vector<256xi32>
    %reduce_min3A_416 = vector.multi_reduction <minsi>, %select_n3A_414, %reduce_min3A_415 [1] : vector<256x256xi32> to vector<256xi32>
    %broadcast_in_dim3A_417 = vector.shape_cast %reduce_min3A_416 : vector<256xi32> to vector<256x1xi32>
    %eq3A_418 = vector.broadcast %broadcast_in_dim3A_417 : vector<256x1xi32> to vector<256x256xi32>
    %eq3A_419 = arith.cmpi eq, %iota3A_15, %eq3A_418 : vector<256x256xi32>
    %or3A_420 = arith.ori %or3A_388, %eq3A_419 : vector<256x256xi1>
    %eq3A_421 = arith.constant 12 : i32
    %eq3A_422 = vector.broadcast %eq3A_421 : i32 to vector<256x64xi32>
    %eq3A_423 = arith.cmpi eq, %iota3A_16, %eq3A_422 : vector<256x64xi32>
    %broadcast_in_dim3A_424 = vector.shape_cast %broadcast_in_dim3A_406 : vector<256x1xf32> to vector<256x1xf32>
    %broadcast_in_dim3A_425 = vector.broadcast %broadcast_in_dim3A_424 : vector<256x1xf32> to vector<256x64xf32>
    %select_n3A_426 = arith.select %eq3A_423, %broadcast_in_dim3A_425, %select_n3A_394 : vector<256x64xi1>, vector<256x64xf32>
    %eq3A_427 = arith.constant 12 : i32
    %eq3A_428 = vector.broadcast %eq3A_427 : i32 to vector<256x64xi32>
    %eq3A_429 = arith.cmpi eq, %iota3A_16, %eq3A_428 : vector<256x64xi32>
    %broadcast_in_dim3A_430 = vector.shape_cast %broadcast_in_dim3A_417 : vector<256x1xi32> to vector<256x1xi32>
    %broadcast_in_dim3A_431 = vector.broadcast %broadcast_in_dim3A_430 : vector<256x1xi32> to vector<256x64xi32>
    %select_n3A_432 = arith.select %eq3A_429, %broadcast_in_dim3A_431, %select_n3A_400 : vector<256x64xi1>, vector<256x64xi32>
    %jit3A_433 = arith.constant 0xFF800000 : f32
    %broadcast_in_dim3A_434 = vector.broadcast %jit3A_433 : f32 to vector<256x256xf32>
    %select_n3A_435 = arith.select %or3A_420, %broadcast_in_dim3A_434, %select_n3A : vector<256x256xi1>, vector<256x256xf32>
    %reduce_max3A_436 = arith.constant dense<0xFF800000> : vector<256xf32>
    %reduce_max3A_437 = vector.multi_reduction <maximumf>, %select_n3A_435, %reduce_max3A_436 [1] : vector<256x256xf32> to vector<256xf32>
    %broadcast_in_dim3A_438 = vector.shape_cast %reduce_max3A_437 : vector<256xf32> to vector<256x1xf32>
    %eq3A_439 = vector.broadcast %broadcast_in_dim3A_438 : vector<256x1xf32> to vector<256x256xf32>
    %eq3A_440 = arith.cmpf oeq, %select_n3A_435, %eq3A_439 : vector<256x256xf32>
    %not3A_441 = arith.constant dense<true> : vector<256x256xi1>
    %not3A_442 = arith.xori %or3A_420, %not3A_441 : vector<256x256xi1>
    %and3A_443 = arith.andi %eq3A_440, %not3A_442 : vector<256x256xi1>
    %jit3A_444 = arith.constant 1073741824 : i32
    %broadcast_in_dim3A_445 = vector.broadcast %jit3A_444 : i32 to vector<256x256xi32>
    %select_n3A_446 = arith.select %and3A_443, %iota3A_15, %broadcast_in_dim3A_445 : vector<256x256xi1>, vector<256x256xi32>
    %reduce_min3A_447 = arith.constant dense<2147483647> : vector<256xi32>
    %reduce_min3A_448 = vector.multi_reduction <minsi>, %select_n3A_446, %reduce_min3A_447 [1] : vector<256x256xi32> to vector<256xi32>
    %broadcast_in_dim3A_449 = vector.shape_cast %reduce_min3A_448 : vector<256xi32> to vector<256x1xi32>
    %eq3A_450 = vector.broadcast %broadcast_in_dim3A_449 : vector<256x1xi32> to vector<256x256xi32>
    %eq3A_451 = arith.cmpi eq, %iota3A_15, %eq3A_450 : vector<256x256xi32>
    %or3A_452 = arith.ori %or3A_420, %eq3A_451 : vector<256x256xi1>
    %eq3A_453 = arith.constant 13 : i32
    %eq3A_454 = vector.broadcast %eq3A_453 : i32 to vector<256x64xi32>
    %eq3A_455 = arith.cmpi eq, %iota3A_16, %eq3A_454 : vector<256x64xi32>
    %broadcast_in_dim3A_456 = vector.shape_cast %broadcast_in_dim3A_438 : vector<256x1xf32> to vector<256x1xf32>
    %broadcast_in_dim3A_457 = vector.broadcast %broadcast_in_dim3A_456 : vector<256x1xf32> to vector<256x64xf32>
    %select_n3A_458 = arith.select %eq3A_455, %broadcast_in_dim3A_457, %select_n3A_426 : vector<256x64xi1>, vector<256x64xf32>
    %eq3A_459 = arith.constant 13 : i32
    %eq3A_460 = vector.broadcast %eq3A_459 : i32 to vector<256x64xi32>
    %eq3A_461 = arith.cmpi eq, %iota3A_16, %eq3A_460 : vector<256x64xi32>
    %broadcast_in_dim3A_462 = vector.shape_cast %broadcast_in_dim3A_449 : vector<256x1xi32> to vector<256x1xi32>
    %broadcast_in_dim3A_463 = vector.broadcast %broadcast_in_dim3A_462 : vector<256x1xi32> to vector<256x64xi32>
    %select_n3A_464 = arith.select %eq3A_461, %broadcast_in_dim3A_463, %select_n3A_432 : vector<256x64xi1>, vector<256x64xi32>
    %jit3A_465 = arith.constant 0xFF800000 : f32
    %broadcast_in_dim3A_466 = vector.broadcast %jit3A_465 : f32 to vector<256x256xf32>
    %select_n3A_467 = arith.select %or3A_452, %broadcast_in_dim3A_466, %select_n3A : vector<256x256xi1>, vector<256x256xf32>
    %reduce_max3A_468 = arith.constant dense<0xFF800000> : vector<256xf32>
    %reduce_max3A_469 = vector.multi_reduction <maximumf>, %select_n3A_467, %reduce_max3A_468 [1] : vector<256x256xf32> to vector<256xf32>
    %broadcast_in_dim3A_470 = vector.shape_cast %reduce_max3A_469 : vector<256xf32> to vector<256x1xf32>
    %eq3A_471 = vector.broadcast %broadcast_in_dim3A_470 : vector<256x1xf32> to vector<256x256xf32>
    %eq3A_472 = arith.cmpf oeq, %select_n3A_467, %eq3A_471 : vector<256x256xf32>
    %not3A_473 = arith.constant dense<true> : vector<256x256xi1>
    %not3A_474 = arith.xori %or3A_452, %not3A_473 : vector<256x256xi1>
    %and3A_475 = arith.andi %eq3A_472, %not3A_474 : vector<256x256xi1>
    %jit3A_476 = arith.constant 1073741824 : i32
    %broadcast_in_dim3A_477 = vector.broadcast %jit3A_476 : i32 to vector<256x256xi32>
    %select_n3A_478 = arith.select %and3A_475, %iota3A_15, %broadcast_in_dim3A_477 : vector<256x256xi1>, vector<256x256xi32>
    %reduce_min3A_479 = arith.constant dense<2147483647> : vector<256xi32>
    %reduce_min3A_480 = vector.multi_reduction <minsi>, %select_n3A_478, %reduce_min3A_479 [1] : vector<256x256xi32> to vector<256xi32>
    %broadcast_in_dim3A_481 = vector.shape_cast %reduce_min3A_480 : vector<256xi32> to vector<256x1xi32>
    %eq3A_482 = vector.broadcast %broadcast_in_dim3A_481 : vector<256x1xi32> to vector<256x256xi32>
    %eq3A_483 = arith.cmpi eq, %iota3A_15, %eq3A_482 : vector<256x256xi32>
    %or3A_484 = arith.ori %or3A_452, %eq3A_483 : vector<256x256xi1>
    %eq3A_485 = arith.constant 14 : i32
    %eq3A_486 = vector.broadcast %eq3A_485 : i32 to vector<256x64xi32>
    %eq3A_487 = arith.cmpi eq, %iota3A_16, %eq3A_486 : vector<256x64xi32>
    %broadcast_in_dim3A_488 = vector.shape_cast %broadcast_in_dim3A_470 : vector<256x1xf32> to vector<256x1xf32>
    %broadcast_in_dim3A_489 = vector.broadcast %broadcast_in_dim3A_488 : vector<256x1xf32> to vector<256x64xf32>
    %select_n3A_490 = arith.select %eq3A_487, %broadcast_in_dim3A_489, %select_n3A_458 : vector<256x64xi1>, vector<256x64xf32>
    %eq3A_491 = arith.constant 14 : i32
    %eq3A_492 = vector.broadcast %eq3A_491 : i32 to vector<256x64xi32>
    %eq3A_493 = arith.cmpi eq, %iota3A_16, %eq3A_492 : vector<256x64xi32>
    %broadcast_in_dim3A_494 = vector.shape_cast %broadcast_in_dim3A_481 : vector<256x1xi32> to vector<256x1xi32>
    %broadcast_in_dim3A_495 = vector.broadcast %broadcast_in_dim3A_494 : vector<256x1xi32> to vector<256x64xi32>
    %select_n3A_496 = arith.select %eq3A_493, %broadcast_in_dim3A_495, %select_n3A_464 : vector<256x64xi1>, vector<256x64xi32>
    %jit3A_497 = arith.constant 0xFF800000 : f32
    %broadcast_in_dim3A_498 = vector.broadcast %jit3A_497 : f32 to vector<256x256xf32>
    %select_n3A_499 = arith.select %or3A_484, %broadcast_in_dim3A_498, %select_n3A : vector<256x256xi1>, vector<256x256xf32>
    %reduce_max3A_500 = arith.constant dense<0xFF800000> : vector<256xf32>
    %reduce_max3A_501 = vector.multi_reduction <maximumf>, %select_n3A_499, %reduce_max3A_500 [1] : vector<256x256xf32> to vector<256xf32>
    %broadcast_in_dim3A_502 = vector.shape_cast %reduce_max3A_501 : vector<256xf32> to vector<256x1xf32>
    %eq3A_503 = vector.broadcast %broadcast_in_dim3A_502 : vector<256x1xf32> to vector<256x256xf32>
    %eq3A_504 = arith.cmpf oeq, %select_n3A_499, %eq3A_503 : vector<256x256xf32>
    %not3A_505 = arith.constant dense<true> : vector<256x256xi1>
    %not3A_506 = arith.xori %or3A_484, %not3A_505 : vector<256x256xi1>
    %and3A_507 = arith.andi %eq3A_504, %not3A_506 : vector<256x256xi1>
    %jit3A_508 = arith.constant 1073741824 : i32
    %broadcast_in_dim3A_509 = vector.broadcast %jit3A_508 : i32 to vector<256x256xi32>
    %select_n3A_510 = arith.select %and3A_507, %iota3A_15, %broadcast_in_dim3A_509 : vector<256x256xi1>, vector<256x256xi32>
    %reduce_min3A_511 = arith.constant dense<2147483647> : vector<256xi32>
    %reduce_min3A_512 = vector.multi_reduction <minsi>, %select_n3A_510, %reduce_min3A_511 [1] : vector<256x256xi32> to vector<256xi32>
    %broadcast_in_dim3A_513 = vector.shape_cast %reduce_min3A_512 : vector<256xi32> to vector<256x1xi32>
    %eq3A_514 = vector.broadcast %broadcast_in_dim3A_513 : vector<256x1xi32> to vector<256x256xi32>
    %eq3A_515 = arith.cmpi eq, %iota3A_15, %eq3A_514 : vector<256x256xi32>
    %or3A_516 = arith.ori %or3A_484, %eq3A_515 : vector<256x256xi1>
    %eq3A_517 = arith.constant 15 : i32
    %eq3A_518 = vector.broadcast %eq3A_517 : i32 to vector<256x64xi32>
    %eq3A_519 = arith.cmpi eq, %iota3A_16, %eq3A_518 : vector<256x64xi32>
    %broadcast_in_dim3A_520 = vector.shape_cast %broadcast_in_dim3A_502 : vector<256x1xf32> to vector<256x1xf32>
    %broadcast_in_dim3A_521 = vector.broadcast %broadcast_in_dim3A_520 : vector<256x1xf32> to vector<256x64xf32>
    %select_n3A_522 = arith.select %eq3A_519, %broadcast_in_dim3A_521, %select_n3A_490 : vector<256x64xi1>, vector<256x64xf32>
    %eq3A_523 = arith.constant 15 : i32
    %eq3A_524 = vector.broadcast %eq3A_523 : i32 to vector<256x64xi32>
    %eq3A_525 = arith.cmpi eq, %iota3A_16, %eq3A_524 : vector<256x64xi32>
    %broadcast_in_dim3A_526 = vector.shape_cast %broadcast_in_dim3A_513 : vector<256x1xi32> to vector<256x1xi32>
    %broadcast_in_dim3A_527 = vector.broadcast %broadcast_in_dim3A_526 : vector<256x1xi32> to vector<256x64xi32>
    %select_n3A_528 = arith.select %eq3A_525, %broadcast_in_dim3A_527, %select_n3A_496 : vector<256x64xi1>, vector<256x64xi32>
    %jit3A_529 = arith.constant 0xFF800000 : f32
    %broadcast_in_dim3A_530 = vector.broadcast %jit3A_529 : f32 to vector<256x256xf32>
    %select_n3A_531 = arith.select %or3A_516, %broadcast_in_dim3A_530, %select_n3A : vector<256x256xi1>, vector<256x256xf32>
    %reduce_max3A_532 = arith.constant dense<0xFF800000> : vector<256xf32>
    %reduce_max3A_533 = vector.multi_reduction <maximumf>, %select_n3A_531, %reduce_max3A_532 [1] : vector<256x256xf32> to vector<256xf32>
    %broadcast_in_dim3A_534 = vector.shape_cast %reduce_max3A_533 : vector<256xf32> to vector<256x1xf32>
    %eq3A_535 = vector.broadcast %broadcast_in_dim3A_534 : vector<256x1xf32> to vector<256x256xf32>
    %eq3A_536 = arith.cmpf oeq, %select_n3A_531, %eq3A_535 : vector<256x256xf32>
    %not3A_537 = arith.constant dense<true> : vector<256x256xi1>
    %not3A_538 = arith.xori %or3A_516, %not3A_537 : vector<256x256xi1>
    %and3A_539 = arith.andi %eq3A_536, %not3A_538 : vector<256x256xi1>
    %jit3A_540 = arith.constant 1073741824 : i32
    %broadcast_in_dim3A_541 = vector.broadcast %jit3A_540 : i32 to vector<256x256xi32>
    %select_n3A_542 = arith.select %and3A_539, %iota3A_15, %broadcast_in_dim3A_541 : vector<256x256xi1>, vector<256x256xi32>
    %reduce_min3A_543 = arith.constant dense<2147483647> : vector<256xi32>
    %reduce_min3A_544 = vector.multi_reduction <minsi>, %select_n3A_542, %reduce_min3A_543 [1] : vector<256x256xi32> to vector<256xi32>
    %broadcast_in_dim3A_545 = vector.shape_cast %reduce_min3A_544 : vector<256xi32> to vector<256x1xi32>
    %eq3A_546 = vector.broadcast %broadcast_in_dim3A_545 : vector<256x1xi32> to vector<256x256xi32>
    %eq3A_547 = arith.cmpi eq, %iota3A_15, %eq3A_546 : vector<256x256xi32>
    %or3A_548 = arith.ori %or3A_516, %eq3A_547 : vector<256x256xi1>
    %eq3A_549 = arith.constant 16 : i32
    %eq3A_550 = vector.broadcast %eq3A_549 : i32 to vector<256x64xi32>
    %eq3A_551 = arith.cmpi eq, %iota3A_16, %eq3A_550 : vector<256x64xi32>
    %broadcast_in_dim3A_552 = vector.shape_cast %broadcast_in_dim3A_534 : vector<256x1xf32> to vector<256x1xf32>
    %broadcast_in_dim3A_553 = vector.broadcast %broadcast_in_dim3A_552 : vector<256x1xf32> to vector<256x64xf32>
    %select_n3A_554 = arith.select %eq3A_551, %broadcast_in_dim3A_553, %select_n3A_522 : vector<256x64xi1>, vector<256x64xf32>
    %eq3A_555 = arith.constant 16 : i32
    %eq3A_556 = vector.broadcast %eq3A_555 : i32 to vector<256x64xi32>
    %eq3A_557 = arith.cmpi eq, %iota3A_16, %eq3A_556 : vector<256x64xi32>
    %broadcast_in_dim3A_558 = vector.shape_cast %broadcast_in_dim3A_545 : vector<256x1xi32> to vector<256x1xi32>
    %broadcast_in_dim3A_559 = vector.broadcast %broadcast_in_dim3A_558 : vector<256x1xi32> to vector<256x64xi32>
    %select_n3A_560 = arith.select %eq3A_557, %broadcast_in_dim3A_559, %select_n3A_528 : vector<256x64xi1>, vector<256x64xi32>
    %jit3A_561 = arith.constant 0xFF800000 : f32
    %broadcast_in_dim3A_562 = vector.broadcast %jit3A_561 : f32 to vector<256x256xf32>
    %select_n3A_563 = arith.select %or3A_548, %broadcast_in_dim3A_562, %select_n3A : vector<256x256xi1>, vector<256x256xf32>
    %reduce_max3A_564 = arith.constant dense<0xFF800000> : vector<256xf32>
    %reduce_max3A_565 = vector.multi_reduction <maximumf>, %select_n3A_563, %reduce_max3A_564 [1] : vector<256x256xf32> to vector<256xf32>
    %broadcast_in_dim3A_566 = vector.shape_cast %reduce_max3A_565 : vector<256xf32> to vector<256x1xf32>
    %eq3A_567 = vector.broadcast %broadcast_in_dim3A_566 : vector<256x1xf32> to vector<256x256xf32>
    %eq3A_568 = arith.cmpf oeq, %select_n3A_563, %eq3A_567 : vector<256x256xf32>
    %not3A_569 = arith.constant dense<true> : vector<256x256xi1>
    %not3A_570 = arith.xori %or3A_548, %not3A_569 : vector<256x256xi1>
    %and3A_571 = arith.andi %eq3A_568, %not3A_570 : vector<256x256xi1>
    %jit3A_572 = arith.constant 1073741824 : i32
    %broadcast_in_dim3A_573 = vector.broadcast %jit3A_572 : i32 to vector<256x256xi32>
    %select_n3A_574 = arith.select %and3A_571, %iota3A_15, %broadcast_in_dim3A_573 : vector<256x256xi1>, vector<256x256xi32>
    %reduce_min3A_575 = arith.constant dense<2147483647> : vector<256xi32>
    %reduce_min3A_576 = vector.multi_reduction <minsi>, %select_n3A_574, %reduce_min3A_575 [1] : vector<256x256xi32> to vector<256xi32>
    %broadcast_in_dim3A_577 = vector.shape_cast %reduce_min3A_576 : vector<256xi32> to vector<256x1xi32>
    %eq3A_578 = vector.broadcast %broadcast_in_dim3A_577 : vector<256x1xi32> to vector<256x256xi32>
    %eq3A_579 = arith.cmpi eq, %iota3A_15, %eq3A_578 : vector<256x256xi32>
    %or3A_580 = arith.ori %or3A_548, %eq3A_579 : vector<256x256xi1>
    %eq3A_581 = arith.constant 17 : i32
    %eq3A_582 = vector.broadcast %eq3A_581 : i32 to vector<256x64xi32>
    %eq3A_583 = arith.cmpi eq, %iota3A_16, %eq3A_582 : vector<256x64xi32>
    %broadcast_in_dim3A_584 = vector.shape_cast %broadcast_in_dim3A_566 : vector<256x1xf32> to vector<256x1xf32>
    %broadcast_in_dim3A_585 = vector.broadcast %broadcast_in_dim3A_584 : vector<256x1xf32> to vector<256x64xf32>
    %select_n3A_586 = arith.select %eq3A_583, %broadcast_in_dim3A_585, %select_n3A_554 : vector<256x64xi1>, vector<256x64xf32>
    %eq3A_587 = arith.constant 17 : i32
    %eq3A_588 = vector.broadcast %eq3A_587 : i32 to vector<256x64xi32>
    %eq3A_589 = arith.cmpi eq, %iota3A_16, %eq3A_588 : vector<256x64xi32>
    %broadcast_in_dim3A_590 = vector.shape_cast %broadcast_in_dim3A_577 : vector<256x1xi32> to vector<256x1xi32>
    %broadcast_in_dim3A_591 = vector.broadcast %broadcast_in_dim3A_590 : vector<256x1xi32> to vector<256x64xi32>
    %select_n3A_592 = arith.select %eq3A_589, %broadcast_in_dim3A_591, %select_n3A_560 : vector<256x64xi1>, vector<256x64xi32>
    %jit3A_593 = arith.constant 0xFF800000 : f32
    %broadcast_in_dim3A_594 = vector.broadcast %jit3A_593 : f32 to vector<256x256xf32>
    %select_n3A_595 = arith.select %or3A_580, %broadcast_in_dim3A_594, %select_n3A : vector<256x256xi1>, vector<256x256xf32>
    %reduce_max3A_596 = arith.constant dense<0xFF800000> : vector<256xf32>
    %reduce_max3A_597 = vector.multi_reduction <maximumf>, %select_n3A_595, %reduce_max3A_596 [1] : vector<256x256xf32> to vector<256xf32>
    %broadcast_in_dim3A_598 = vector.shape_cast %reduce_max3A_597 : vector<256xf32> to vector<256x1xf32>
    %eq3A_599 = vector.broadcast %broadcast_in_dim3A_598 : vector<256x1xf32> to vector<256x256xf32>
    %eq3A_600 = arith.cmpf oeq, %select_n3A_595, %eq3A_599 : vector<256x256xf32>
    %not3A_601 = arith.constant dense<true> : vector<256x256xi1>
    %not3A_602 = arith.xori %or3A_580, %not3A_601 : vector<256x256xi1>
    %and3A_603 = arith.andi %eq3A_600, %not3A_602 : vector<256x256xi1>
    %jit3A_604 = arith.constant 1073741824 : i32
    %broadcast_in_dim3A_605 = vector.broadcast %jit3A_604 : i32 to vector<256x256xi32>
    %select_n3A_606 = arith.select %and3A_603, %iota3A_15, %broadcast_in_dim3A_605 : vector<256x256xi1>, vector<256x256xi32>
    %reduce_min3A_607 = arith.constant dense<2147483647> : vector<256xi32>
    %reduce_min3A_608 = vector.multi_reduction <minsi>, %select_n3A_606, %reduce_min3A_607 [1] : vector<256x256xi32> to vector<256xi32>
    %broadcast_in_dim3A_609 = vector.shape_cast %reduce_min3A_608 : vector<256xi32> to vector<256x1xi32>
    %eq3A_610 = vector.broadcast %broadcast_in_dim3A_609 : vector<256x1xi32> to vector<256x256xi32>
    %eq3A_611 = arith.cmpi eq, %iota3A_15, %eq3A_610 : vector<256x256xi32>
    %or3A_612 = arith.ori %or3A_580, %eq3A_611 : vector<256x256xi1>
    %eq3A_613 = arith.constant 18 : i32
    %eq3A_614 = vector.broadcast %eq3A_613 : i32 to vector<256x64xi32>
    %eq3A_615 = arith.cmpi eq, %iota3A_16, %eq3A_614 : vector<256x64xi32>
    %broadcast_in_dim3A_616 = vector.shape_cast %broadcast_in_dim3A_598 : vector<256x1xf32> to vector<256x1xf32>
    %broadcast_in_dim3A_617 = vector.broadcast %broadcast_in_dim3A_616 : vector<256x1xf32> to vector<256x64xf32>
    %select_n3A_618 = arith.select %eq3A_615, %broadcast_in_dim3A_617, %select_n3A_586 : vector<256x64xi1>, vector<256x64xf32>
    %eq3A_619 = arith.constant 18 : i32
    %eq3A_620 = vector.broadcast %eq3A_619 : i32 to vector<256x64xi32>
    %eq3A_621 = arith.cmpi eq, %iota3A_16, %eq3A_620 : vector<256x64xi32>
    %broadcast_in_dim3A_622 = vector.shape_cast %broadcast_in_dim3A_609 : vector<256x1xi32> to vector<256x1xi32>
    %broadcast_in_dim3A_623 = vector.broadcast %broadcast_in_dim3A_622 : vector<256x1xi32> to vector<256x64xi32>
    %select_n3A_624 = arith.select %eq3A_621, %broadcast_in_dim3A_623, %select_n3A_592 : vector<256x64xi1>, vector<256x64xi32>
    %jit3A_625 = arith.constant 0xFF800000 : f32
    %broadcast_in_dim3A_626 = vector.broadcast %jit3A_625 : f32 to vector<256x256xf32>
    %select_n3A_627 = arith.select %or3A_612, %broadcast_in_dim3A_626, %select_n3A : vector<256x256xi1>, vector<256x256xf32>
    %reduce_max3A_628 = arith.constant dense<0xFF800000> : vector<256xf32>
    %reduce_max3A_629 = vector.multi_reduction <maximumf>, %select_n3A_627, %reduce_max3A_628 [1] : vector<256x256xf32> to vector<256xf32>
    %broadcast_in_dim3A_630 = vector.shape_cast %reduce_max3A_629 : vector<256xf32> to vector<256x1xf32>
    %eq3A_631 = vector.broadcast %broadcast_in_dim3A_630 : vector<256x1xf32> to vector<256x256xf32>
    %eq3A_632 = arith.cmpf oeq, %select_n3A_627, %eq3A_631 : vector<256x256xf32>
    %not3A_633 = arith.constant dense<true> : vector<256x256xi1>
    %not3A_634 = arith.xori %or3A_612, %not3A_633 : vector<256x256xi1>
    %and3A_635 = arith.andi %eq3A_632, %not3A_634 : vector<256x256xi1>
    %jit3A_636 = arith.constant 1073741824 : i32
    %broadcast_in_dim3A_637 = vector.broadcast %jit3A_636 : i32 to vector<256x256xi32>
    %select_n3A_638 = arith.select %and3A_635, %iota3A_15, %broadcast_in_dim3A_637 : vector<256x256xi1>, vector<256x256xi32>
    %reduce_min3A_639 = arith.constant dense<2147483647> : vector<256xi32>
    %reduce_min3A_640 = vector.multi_reduction <minsi>, %select_n3A_638, %reduce_min3A_639 [1] : vector<256x256xi32> to vector<256xi32>
    %broadcast_in_dim3A_641 = vector.shape_cast %reduce_min3A_640 : vector<256xi32> to vector<256x1xi32>
    %eq3A_642 = vector.broadcast %broadcast_in_dim3A_641 : vector<256x1xi32> to vector<256x256xi32>
    %eq3A_643 = arith.cmpi eq, %iota3A_15, %eq3A_642 : vector<256x256xi32>
    %or3A_644 = arith.ori %or3A_612, %eq3A_643 : vector<256x256xi1>
    %eq3A_645 = arith.constant 19 : i32
    %eq3A_646 = vector.broadcast %eq3A_645 : i32 to vector<256x64xi32>
    %eq3A_647 = arith.cmpi eq, %iota3A_16, %eq3A_646 : vector<256x64xi32>
    %broadcast_in_dim3A_648 = vector.shape_cast %broadcast_in_dim3A_630 : vector<256x1xf32> to vector<256x1xf32>
    %broadcast_in_dim3A_649 = vector.broadcast %broadcast_in_dim3A_648 : vector<256x1xf32> to vector<256x64xf32>
    %select_n3A_650 = arith.select %eq3A_647, %broadcast_in_dim3A_649, %select_n3A_618 : vector<256x64xi1>, vector<256x64xf32>
    %eq3A_651 = arith.constant 19 : i32
    %eq3A_652 = vector.broadcast %eq3A_651 : i32 to vector<256x64xi32>
    %eq3A_653 = arith.cmpi eq, %iota3A_16, %eq3A_652 : vector<256x64xi32>
    %broadcast_in_dim3A_654 = vector.shape_cast %broadcast_in_dim3A_641 : vector<256x1xi32> to vector<256x1xi32>
    %broadcast_in_dim3A_655 = vector.broadcast %broadcast_in_dim3A_654 : vector<256x1xi32> to vector<256x64xi32>
    %select_n3A_656 = arith.select %eq3A_653, %broadcast_in_dim3A_655, %select_n3A_624 : vector<256x64xi1>, vector<256x64xi32>
    %jit3A_657 = arith.constant 0xFF800000 : f32
    %broadcast_in_dim3A_658 = vector.broadcast %jit3A_657 : f32 to vector<256x256xf32>
    %select_n3A_659 = arith.select %or3A_644, %broadcast_in_dim3A_658, %select_n3A : vector<256x256xi1>, vector<256x256xf32>
    %reduce_max3A_660 = arith.constant dense<0xFF800000> : vector<256xf32>
    %reduce_max3A_661 = vector.multi_reduction <maximumf>, %select_n3A_659, %reduce_max3A_660 [1] : vector<256x256xf32> to vector<256xf32>
    %broadcast_in_dim3A_662 = vector.shape_cast %reduce_max3A_661 : vector<256xf32> to vector<256x1xf32>
    %eq3A_663 = vector.broadcast %broadcast_in_dim3A_662 : vector<256x1xf32> to vector<256x256xf32>
    %eq3A_664 = arith.cmpf oeq, %select_n3A_659, %eq3A_663 : vector<256x256xf32>
    %not3A_665 = arith.constant dense<true> : vector<256x256xi1>
    %not3A_666 = arith.xori %or3A_644, %not3A_665 : vector<256x256xi1>
    %and3A_667 = arith.andi %eq3A_664, %not3A_666 : vector<256x256xi1>
    %jit3A_668 = arith.constant 1073741824 : i32
    %broadcast_in_dim3A_669 = vector.broadcast %jit3A_668 : i32 to vector<256x256xi32>
    %select_n3A_670 = arith.select %and3A_667, %iota3A_15, %broadcast_in_dim3A_669 : vector<256x256xi1>, vector<256x256xi32>
    %reduce_min3A_671 = arith.constant dense<2147483647> : vector<256xi32>
    %reduce_min3A_672 = vector.multi_reduction <minsi>, %select_n3A_670, %reduce_min3A_671 [1] : vector<256x256xi32> to vector<256xi32>
    %broadcast_in_dim3A_673 = vector.shape_cast %reduce_min3A_672 : vector<256xi32> to vector<256x1xi32>
    %eq3A_674 = vector.broadcast %broadcast_in_dim3A_673 : vector<256x1xi32> to vector<256x256xi32>
    %eq3A_675 = arith.cmpi eq, %iota3A_15, %eq3A_674 : vector<256x256xi32>
    %or3A_676 = arith.ori %or3A_644, %eq3A_675 : vector<256x256xi1>
    %eq3A_677 = arith.constant 20 : i32
    %eq3A_678 = vector.broadcast %eq3A_677 : i32 to vector<256x64xi32>
    %eq3A_679 = arith.cmpi eq, %iota3A_16, %eq3A_678 : vector<256x64xi32>
    %broadcast_in_dim3A_680 = vector.shape_cast %broadcast_in_dim3A_662 : vector<256x1xf32> to vector<256x1xf32>
    %broadcast_in_dim3A_681 = vector.broadcast %broadcast_in_dim3A_680 : vector<256x1xf32> to vector<256x64xf32>
    %select_n3A_682 = arith.select %eq3A_679, %broadcast_in_dim3A_681, %select_n3A_650 : vector<256x64xi1>, vector<256x64xf32>
    %eq3A_683 = arith.constant 20 : i32
    %eq3A_684 = vector.broadcast %eq3A_683 : i32 to vector<256x64xi32>
    %eq3A_685 = arith.cmpi eq, %iota3A_16, %eq3A_684 : vector<256x64xi32>
    %broadcast_in_dim3A_686 = vector.shape_cast %broadcast_in_dim3A_673 : vector<256x1xi32> to vector<256x1xi32>
    %broadcast_in_dim3A_687 = vector.broadcast %broadcast_in_dim3A_686 : vector<256x1xi32> to vector<256x64xi32>
    %select_n3A_688 = arith.select %eq3A_685, %broadcast_in_dim3A_687, %select_n3A_656 : vector<256x64xi1>, vector<256x64xi32>
    %jit3A_689 = arith.constant 0xFF800000 : f32
    %broadcast_in_dim3A_690 = vector.broadcast %jit3A_689 : f32 to vector<256x256xf32>
    %select_n3A_691 = arith.select %or3A_676, %broadcast_in_dim3A_690, %select_n3A : vector<256x256xi1>, vector<256x256xf32>
    %reduce_max3A_692 = arith.constant dense<0xFF800000> : vector<256xf32>
    %reduce_max3A_693 = vector.multi_reduction <maximumf>, %select_n3A_691, %reduce_max3A_692 [1] : vector<256x256xf32> to vector<256xf32>
    %broadcast_in_dim3A_694 = vector.shape_cast %reduce_max3A_693 : vector<256xf32> to vector<256x1xf32>
    %eq3A_695 = vector.broadcast %broadcast_in_dim3A_694 : vector<256x1xf32> to vector<256x256xf32>
    %eq3A_696 = arith.cmpf oeq, %select_n3A_691, %eq3A_695 : vector<256x256xf32>
    %not3A_697 = arith.constant dense<true> : vector<256x256xi1>
    %not3A_698 = arith.xori %or3A_676, %not3A_697 : vector<256x256xi1>
    %and3A_699 = arith.andi %eq3A_696, %not3A_698 : vector<256x256xi1>
    %jit3A_700 = arith.constant 1073741824 : i32
    %broadcast_in_dim3A_701 = vector.broadcast %jit3A_700 : i32 to vector<256x256xi32>
    %select_n3A_702 = arith.select %and3A_699, %iota3A_15, %broadcast_in_dim3A_701 : vector<256x256xi1>, vector<256x256xi32>
    %reduce_min3A_703 = arith.constant dense<2147483647> : vector<256xi32>
    %reduce_min3A_704 = vector.multi_reduction <minsi>, %select_n3A_702, %reduce_min3A_703 [1] : vector<256x256xi32> to vector<256xi32>
    %broadcast_in_dim3A_705 = vector.shape_cast %reduce_min3A_704 : vector<256xi32> to vector<256x1xi32>
    %eq3A_706 = vector.broadcast %broadcast_in_dim3A_705 : vector<256x1xi32> to vector<256x256xi32>
    %eq3A_707 = arith.cmpi eq, %iota3A_15, %eq3A_706 : vector<256x256xi32>
    %or3A_708 = arith.ori %or3A_676, %eq3A_707 : vector<256x256xi1>
    %eq3A_709 = arith.constant 21 : i32
    %eq3A_710 = vector.broadcast %eq3A_709 : i32 to vector<256x64xi32>
    %eq3A_711 = arith.cmpi eq, %iota3A_16, %eq3A_710 : vector<256x64xi32>
    %broadcast_in_dim3A_712 = vector.shape_cast %broadcast_in_dim3A_694 : vector<256x1xf32> to vector<256x1xf32>
    %broadcast_in_dim3A_713 = vector.broadcast %broadcast_in_dim3A_712 : vector<256x1xf32> to vector<256x64xf32>
    %select_n3A_714 = arith.select %eq3A_711, %broadcast_in_dim3A_713, %select_n3A_682 : vector<256x64xi1>, vector<256x64xf32>
    %eq3A_715 = arith.constant 21 : i32
    %eq3A_716 = vector.broadcast %eq3A_715 : i32 to vector<256x64xi32>
    %eq3A_717 = arith.cmpi eq, %iota3A_16, %eq3A_716 : vector<256x64xi32>
    %broadcast_in_dim3A_718 = vector.shape_cast %broadcast_in_dim3A_705 : vector<256x1xi32> to vector<256x1xi32>
    %broadcast_in_dim3A_719 = vector.broadcast %broadcast_in_dim3A_718 : vector<256x1xi32> to vector<256x64xi32>
    %select_n3A_720 = arith.select %eq3A_717, %broadcast_in_dim3A_719, %select_n3A_688 : vector<256x64xi1>, vector<256x64xi32>
    %jit3A_721 = arith.constant 0xFF800000 : f32
    %broadcast_in_dim3A_722 = vector.broadcast %jit3A_721 : f32 to vector<256x256xf32>
    %select_n3A_723 = arith.select %or3A_708, %broadcast_in_dim3A_722, %select_n3A : vector<256x256xi1>, vector<256x256xf32>
    %reduce_max3A_724 = arith.constant dense<0xFF800000> : vector<256xf32>
    %reduce_max3A_725 = vector.multi_reduction <maximumf>, %select_n3A_723, %reduce_max3A_724 [1] : vector<256x256xf32> to vector<256xf32>
    %broadcast_in_dim3A_726 = vector.shape_cast %reduce_max3A_725 : vector<256xf32> to vector<256x1xf32>
    %eq3A_727 = vector.broadcast %broadcast_in_dim3A_726 : vector<256x1xf32> to vector<256x256xf32>
    %eq3A_728 = arith.cmpf oeq, %select_n3A_723, %eq3A_727 : vector<256x256xf32>
    %not3A_729 = arith.constant dense<true> : vector<256x256xi1>
    %not3A_730 = arith.xori %or3A_708, %not3A_729 : vector<256x256xi1>
    %and3A_731 = arith.andi %eq3A_728, %not3A_730 : vector<256x256xi1>
    %jit3A_732 = arith.constant 1073741824 : i32
    %broadcast_in_dim3A_733 = vector.broadcast %jit3A_732 : i32 to vector<256x256xi32>
    %select_n3A_734 = arith.select %and3A_731, %iota3A_15, %broadcast_in_dim3A_733 : vector<256x256xi1>, vector<256x256xi32>
    %reduce_min3A_735 = arith.constant dense<2147483647> : vector<256xi32>
    %reduce_min3A_736 = vector.multi_reduction <minsi>, %select_n3A_734, %reduce_min3A_735 [1] : vector<256x256xi32> to vector<256xi32>
    %broadcast_in_dim3A_737 = vector.shape_cast %reduce_min3A_736 : vector<256xi32> to vector<256x1xi32>
    %eq3A_738 = vector.broadcast %broadcast_in_dim3A_737 : vector<256x1xi32> to vector<256x256xi32>
    %eq3A_739 = arith.cmpi eq, %iota3A_15, %eq3A_738 : vector<256x256xi32>
    %or3A_740 = arith.ori %or3A_708, %eq3A_739 : vector<256x256xi1>
    %eq3A_741 = arith.constant 22 : i32
    %eq3A_742 = vector.broadcast %eq3A_741 : i32 to vector<256x64xi32>
    %eq3A_743 = arith.cmpi eq, %iota3A_16, %eq3A_742 : vector<256x64xi32>
    %broadcast_in_dim3A_744 = vector.shape_cast %broadcast_in_dim3A_726 : vector<256x1xf32> to vector<256x1xf32>
    %broadcast_in_dim3A_745 = vector.broadcast %broadcast_in_dim3A_744 : vector<256x1xf32> to vector<256x64xf32>
    %select_n3A_746 = arith.select %eq3A_743, %broadcast_in_dim3A_745, %select_n3A_714 : vector<256x64xi1>, vector<256x64xf32>
    %eq3A_747 = arith.constant 22 : i32
    %eq3A_748 = vector.broadcast %eq3A_747 : i32 to vector<256x64xi32>
    %eq3A_749 = arith.cmpi eq, %iota3A_16, %eq3A_748 : vector<256x64xi32>
    %broadcast_in_dim3A_750 = vector.shape_cast %broadcast_in_dim3A_737 : vector<256x1xi32> to vector<256x1xi32>
    %broadcast_in_dim3A_751 = vector.broadcast %broadcast_in_dim3A_750 : vector<256x1xi32> to vector<256x64xi32>
    %select_n3A_752 = arith.select %eq3A_749, %broadcast_in_dim3A_751, %select_n3A_720 : vector<256x64xi1>, vector<256x64xi32>
    %jit3A_753 = arith.constant 0xFF800000 : f32
    %broadcast_in_dim3A_754 = vector.broadcast %jit3A_753 : f32 to vector<256x256xf32>
    %select_n3A_755 = arith.select %or3A_740, %broadcast_in_dim3A_754, %select_n3A : vector<256x256xi1>, vector<256x256xf32>
    %reduce_max3A_756 = arith.constant dense<0xFF800000> : vector<256xf32>
    %reduce_max3A_757 = vector.multi_reduction <maximumf>, %select_n3A_755, %reduce_max3A_756 [1] : vector<256x256xf32> to vector<256xf32>
    %broadcast_in_dim3A_758 = vector.shape_cast %reduce_max3A_757 : vector<256xf32> to vector<256x1xf32>
    %eq3A_759 = vector.broadcast %broadcast_in_dim3A_758 : vector<256x1xf32> to vector<256x256xf32>
    %eq3A_760 = arith.cmpf oeq, %select_n3A_755, %eq3A_759 : vector<256x256xf32>
    %not3A_761 = arith.constant dense<true> : vector<256x256xi1>
    %not3A_762 = arith.xori %or3A_740, %not3A_761 : vector<256x256xi1>
    %and3A_763 = arith.andi %eq3A_760, %not3A_762 : vector<256x256xi1>
    %jit3A_764 = arith.constant 1073741824 : i32
    %broadcast_in_dim3A_765 = vector.broadcast %jit3A_764 : i32 to vector<256x256xi32>
    %select_n3A_766 = arith.select %and3A_763, %iota3A_15, %broadcast_in_dim3A_765 : vector<256x256xi1>, vector<256x256xi32>
    %reduce_min3A_767 = arith.constant dense<2147483647> : vector<256xi32>
    %reduce_min3A_768 = vector.multi_reduction <minsi>, %select_n3A_766, %reduce_min3A_767 [1] : vector<256x256xi32> to vector<256xi32>
    %broadcast_in_dim3A_769 = vector.shape_cast %reduce_min3A_768 : vector<256xi32> to vector<256x1xi32>
    %eq3A_770 = vector.broadcast %broadcast_in_dim3A_769 : vector<256x1xi32> to vector<256x256xi32>
    %eq3A_771 = arith.cmpi eq, %iota3A_15, %eq3A_770 : vector<256x256xi32>
    %or3A_772 = arith.ori %or3A_740, %eq3A_771 : vector<256x256xi1>
    %eq3A_773 = arith.constant 23 : i32
    %eq3A_774 = vector.broadcast %eq3A_773 : i32 to vector<256x64xi32>
    %eq3A_775 = arith.cmpi eq, %iota3A_16, %eq3A_774 : vector<256x64xi32>
    %broadcast_in_dim3A_776 = vector.shape_cast %broadcast_in_dim3A_758 : vector<256x1xf32> to vector<256x1xf32>
    %broadcast_in_dim3A_777 = vector.broadcast %broadcast_in_dim3A_776 : vector<256x1xf32> to vector<256x64xf32>
    %select_n3A_778 = arith.select %eq3A_775, %broadcast_in_dim3A_777, %select_n3A_746 : vector<256x64xi1>, vector<256x64xf32>
    %eq3A_779 = arith.constant 23 : i32
    %eq3A_780 = vector.broadcast %eq3A_779 : i32 to vector<256x64xi32>
    %eq3A_781 = arith.cmpi eq, %iota3A_16, %eq3A_780 : vector<256x64xi32>
    %broadcast_in_dim3A_782 = vector.shape_cast %broadcast_in_dim3A_769 : vector<256x1xi32> to vector<256x1xi32>
    %broadcast_in_dim3A_783 = vector.broadcast %broadcast_in_dim3A_782 : vector<256x1xi32> to vector<256x64xi32>
    %select_n3A_784 = arith.select %eq3A_781, %broadcast_in_dim3A_783, %select_n3A_752 : vector<256x64xi1>, vector<256x64xi32>
    %jit3A_785 = arith.constant 0xFF800000 : f32
    %broadcast_in_dim3A_786 = vector.broadcast %jit3A_785 : f32 to vector<256x256xf32>
    %select_n3A_787 = arith.select %or3A_772, %broadcast_in_dim3A_786, %select_n3A : vector<256x256xi1>, vector<256x256xf32>
    %reduce_max3A_788 = arith.constant dense<0xFF800000> : vector<256xf32>
    %reduce_max3A_789 = vector.multi_reduction <maximumf>, %select_n3A_787, %reduce_max3A_788 [1] : vector<256x256xf32> to vector<256xf32>
    %broadcast_in_dim3A_790 = vector.shape_cast %reduce_max3A_789 : vector<256xf32> to vector<256x1xf32>
    %eq3A_791 = vector.broadcast %broadcast_in_dim3A_790 : vector<256x1xf32> to vector<256x256xf32>
    %eq3A_792 = arith.cmpf oeq, %select_n3A_787, %eq3A_791 : vector<256x256xf32>
    %not3A_793 = arith.constant dense<true> : vector<256x256xi1>
    %not3A_794 = arith.xori %or3A_772, %not3A_793 : vector<256x256xi1>
    %and3A_795 = arith.andi %eq3A_792, %not3A_794 : vector<256x256xi1>
    %jit3A_796 = arith.constant 1073741824 : i32
    %broadcast_in_dim3A_797 = vector.broadcast %jit3A_796 : i32 to vector<256x256xi32>
    %select_n3A_798 = arith.select %and3A_795, %iota3A_15, %broadcast_in_dim3A_797 : vector<256x256xi1>, vector<256x256xi32>
    %reduce_min3A_799 = arith.constant dense<2147483647> : vector<256xi32>
    %reduce_min3A_800 = vector.multi_reduction <minsi>, %select_n3A_798, %reduce_min3A_799 [1] : vector<256x256xi32> to vector<256xi32>
    %broadcast_in_dim3A_801 = vector.shape_cast %reduce_min3A_800 : vector<256xi32> to vector<256x1xi32>
    %eq3A_802 = vector.broadcast %broadcast_in_dim3A_801 : vector<256x1xi32> to vector<256x256xi32>
    %eq3A_803 = arith.cmpi eq, %iota3A_15, %eq3A_802 : vector<256x256xi32>
    %or3A_804 = arith.ori %or3A_772, %eq3A_803 : vector<256x256xi1>
    %eq3A_805 = arith.constant 24 : i32
    %eq3A_806 = vector.broadcast %eq3A_805 : i32 to vector<256x64xi32>
    %eq3A_807 = arith.cmpi eq, %iota3A_16, %eq3A_806 : vector<256x64xi32>
    %broadcast_in_dim3A_808 = vector.shape_cast %broadcast_in_dim3A_790 : vector<256x1xf32> to vector<256x1xf32>
    %broadcast_in_dim3A_809 = vector.broadcast %broadcast_in_dim3A_808 : vector<256x1xf32> to vector<256x64xf32>
    %select_n3A_810 = arith.select %eq3A_807, %broadcast_in_dim3A_809, %select_n3A_778 : vector<256x64xi1>, vector<256x64xf32>
    %eq3A_811 = arith.constant 24 : i32
    %eq3A_812 = vector.broadcast %eq3A_811 : i32 to vector<256x64xi32>
    %eq3A_813 = arith.cmpi eq, %iota3A_16, %eq3A_812 : vector<256x64xi32>
    %broadcast_in_dim3A_814 = vector.shape_cast %broadcast_in_dim3A_801 : vector<256x1xi32> to vector<256x1xi32>
    %broadcast_in_dim3A_815 = vector.broadcast %broadcast_in_dim3A_814 : vector<256x1xi32> to vector<256x64xi32>
    %select_n3A_816 = arith.select %eq3A_813, %broadcast_in_dim3A_815, %select_n3A_784 : vector<256x64xi1>, vector<256x64xi32>
    %jit3A_817 = arith.constant 0xFF800000 : f32
    %broadcast_in_dim3A_818 = vector.broadcast %jit3A_817 : f32 to vector<256x256xf32>
    %select_n3A_819 = arith.select %or3A_804, %broadcast_in_dim3A_818, %select_n3A : vector<256x256xi1>, vector<256x256xf32>
    %reduce_max3A_820 = arith.constant dense<0xFF800000> : vector<256xf32>
    %reduce_max3A_821 = vector.multi_reduction <maximumf>, %select_n3A_819, %reduce_max3A_820 [1] : vector<256x256xf32> to vector<256xf32>
    %broadcast_in_dim3A_822 = vector.shape_cast %reduce_max3A_821 : vector<256xf32> to vector<256x1xf32>
    %eq3A_823 = vector.broadcast %broadcast_in_dim3A_822 : vector<256x1xf32> to vector<256x256xf32>
    %eq3A_824 = arith.cmpf oeq, %select_n3A_819, %eq3A_823 : vector<256x256xf32>
    %not3A_825 = arith.constant dense<true> : vector<256x256xi1>
    %not3A_826 = arith.xori %or3A_804, %not3A_825 : vector<256x256xi1>
    %and3A_827 = arith.andi %eq3A_824, %not3A_826 : vector<256x256xi1>
    %jit3A_828 = arith.constant 1073741824 : i32
    %broadcast_in_dim3A_829 = vector.broadcast %jit3A_828 : i32 to vector<256x256xi32>
    %select_n3A_830 = arith.select %and3A_827, %iota3A_15, %broadcast_in_dim3A_829 : vector<256x256xi1>, vector<256x256xi32>
    %reduce_min3A_831 = arith.constant dense<2147483647> : vector<256xi32>
    %reduce_min3A_832 = vector.multi_reduction <minsi>, %select_n3A_830, %reduce_min3A_831 [1] : vector<256x256xi32> to vector<256xi32>
    %broadcast_in_dim3A_833 = vector.shape_cast %reduce_min3A_832 : vector<256xi32> to vector<256x1xi32>
    %eq3A_834 = vector.broadcast %broadcast_in_dim3A_833 : vector<256x1xi32> to vector<256x256xi32>
    %eq3A_835 = arith.cmpi eq, %iota3A_15, %eq3A_834 : vector<256x256xi32>
    %or3A_836 = arith.ori %or3A_804, %eq3A_835 : vector<256x256xi1>
    %eq3A_837 = arith.constant 25 : i32
    %eq3A_838 = vector.broadcast %eq3A_837 : i32 to vector<256x64xi32>
    %eq3A_839 = arith.cmpi eq, %iota3A_16, %eq3A_838 : vector<256x64xi32>
    %broadcast_in_dim3A_840 = vector.shape_cast %broadcast_in_dim3A_822 : vector<256x1xf32> to vector<256x1xf32>
    %broadcast_in_dim3A_841 = vector.broadcast %broadcast_in_dim3A_840 : vector<256x1xf32> to vector<256x64xf32>
    %select_n3A_842 = arith.select %eq3A_839, %broadcast_in_dim3A_841, %select_n3A_810 : vector<256x64xi1>, vector<256x64xf32>
    %eq3A_843 = arith.constant 25 : i32
    %eq3A_844 = vector.broadcast %eq3A_843 : i32 to vector<256x64xi32>
    %eq3A_845 = arith.cmpi eq, %iota3A_16, %eq3A_844 : vector<256x64xi32>
    %broadcast_in_dim3A_846 = vector.shape_cast %broadcast_in_dim3A_833 : vector<256x1xi32> to vector<256x1xi32>
    %broadcast_in_dim3A_847 = vector.broadcast %broadcast_in_dim3A_846 : vector<256x1xi32> to vector<256x64xi32>
    %select_n3A_848 = arith.select %eq3A_845, %broadcast_in_dim3A_847, %select_n3A_816 : vector<256x64xi1>, vector<256x64xi32>
    %jit3A_849 = arith.constant 0xFF800000 : f32
    %broadcast_in_dim3A_850 = vector.broadcast %jit3A_849 : f32 to vector<256x256xf32>
    %select_n3A_851 = arith.select %or3A_836, %broadcast_in_dim3A_850, %select_n3A : vector<256x256xi1>, vector<256x256xf32>
    %reduce_max3A_852 = arith.constant dense<0xFF800000> : vector<256xf32>
    %reduce_max3A_853 = vector.multi_reduction <maximumf>, %select_n3A_851, %reduce_max3A_852 [1] : vector<256x256xf32> to vector<256xf32>
    %broadcast_in_dim3A_854 = vector.shape_cast %reduce_max3A_853 : vector<256xf32> to vector<256x1xf32>
    %eq3A_855 = vector.broadcast %broadcast_in_dim3A_854 : vector<256x1xf32> to vector<256x256xf32>
    %eq3A_856 = arith.cmpf oeq, %select_n3A_851, %eq3A_855 : vector<256x256xf32>
    %not3A_857 = arith.constant dense<true> : vector<256x256xi1>
    %not3A_858 = arith.xori %or3A_836, %not3A_857 : vector<256x256xi1>
    %and3A_859 = arith.andi %eq3A_856, %not3A_858 : vector<256x256xi1>
    %jit3A_860 = arith.constant 1073741824 : i32
    %broadcast_in_dim3A_861 = vector.broadcast %jit3A_860 : i32 to vector<256x256xi32>
    %select_n3A_862 = arith.select %and3A_859, %iota3A_15, %broadcast_in_dim3A_861 : vector<256x256xi1>, vector<256x256xi32>
    %reduce_min3A_863 = arith.constant dense<2147483647> : vector<256xi32>
    %reduce_min3A_864 = vector.multi_reduction <minsi>, %select_n3A_862, %reduce_min3A_863 [1] : vector<256x256xi32> to vector<256xi32>
    %broadcast_in_dim3A_865 = vector.shape_cast %reduce_min3A_864 : vector<256xi32> to vector<256x1xi32>
    %eq3A_866 = vector.broadcast %broadcast_in_dim3A_865 : vector<256x1xi32> to vector<256x256xi32>
    %eq3A_867 = arith.cmpi eq, %iota3A_15, %eq3A_866 : vector<256x256xi32>
    %or3A_868 = arith.ori %or3A_836, %eq3A_867 : vector<256x256xi1>
    %eq3A_869 = arith.constant 26 : i32
    %eq3A_870 = vector.broadcast %eq3A_869 : i32 to vector<256x64xi32>
    %eq3A_871 = arith.cmpi eq, %iota3A_16, %eq3A_870 : vector<256x64xi32>
    %broadcast_in_dim3A_872 = vector.shape_cast %broadcast_in_dim3A_854 : vector<256x1xf32> to vector<256x1xf32>
    %broadcast_in_dim3A_873 = vector.broadcast %broadcast_in_dim3A_872 : vector<256x1xf32> to vector<256x64xf32>
    %select_n3A_874 = arith.select %eq3A_871, %broadcast_in_dim3A_873, %select_n3A_842 : vector<256x64xi1>, vector<256x64xf32>
    %eq3A_875 = arith.constant 26 : i32
    %eq3A_876 = vector.broadcast %eq3A_875 : i32 to vector<256x64xi32>
    %eq3A_877 = arith.cmpi eq, %iota3A_16, %eq3A_876 : vector<256x64xi32>
    %broadcast_in_dim3A_878 = vector.shape_cast %broadcast_in_dim3A_865 : vector<256x1xi32> to vector<256x1xi32>
    %broadcast_in_dim3A_879 = vector.broadcast %broadcast_in_dim3A_878 : vector<256x1xi32> to vector<256x64xi32>
    %select_n3A_880 = arith.select %eq3A_877, %broadcast_in_dim3A_879, %select_n3A_848 : vector<256x64xi1>, vector<256x64xi32>
    %jit3A_881 = arith.constant 0xFF800000 : f32
    %broadcast_in_dim3A_882 = vector.broadcast %jit3A_881 : f32 to vector<256x256xf32>
    %select_n3A_883 = arith.select %or3A_868, %broadcast_in_dim3A_882, %select_n3A : vector<256x256xi1>, vector<256x256xf32>
    %reduce_max3A_884 = arith.constant dense<0xFF800000> : vector<256xf32>
    %reduce_max3A_885 = vector.multi_reduction <maximumf>, %select_n3A_883, %reduce_max3A_884 [1] : vector<256x256xf32> to vector<256xf32>
    %broadcast_in_dim3A_886 = vector.shape_cast %reduce_max3A_885 : vector<256xf32> to vector<256x1xf32>
    %eq3A_887 = vector.broadcast %broadcast_in_dim3A_886 : vector<256x1xf32> to vector<256x256xf32>
    %eq3A_888 = arith.cmpf oeq, %select_n3A_883, %eq3A_887 : vector<256x256xf32>
    %not3A_889 = arith.constant dense<true> : vector<256x256xi1>
    %not3A_890 = arith.xori %or3A_868, %not3A_889 : vector<256x256xi1>
    %and3A_891 = arith.andi %eq3A_888, %not3A_890 : vector<256x256xi1>
    %jit3A_892 = arith.constant 1073741824 : i32
    %broadcast_in_dim3A_893 = vector.broadcast %jit3A_892 : i32 to vector<256x256xi32>
    %select_n3A_894 = arith.select %and3A_891, %iota3A_15, %broadcast_in_dim3A_893 : vector<256x256xi1>, vector<256x256xi32>
    %reduce_min3A_895 = arith.constant dense<2147483647> : vector<256xi32>
    %reduce_min3A_896 = vector.multi_reduction <minsi>, %select_n3A_894, %reduce_min3A_895 [1] : vector<256x256xi32> to vector<256xi32>
    %broadcast_in_dim3A_897 = vector.shape_cast %reduce_min3A_896 : vector<256xi32> to vector<256x1xi32>
    %eq3A_898 = vector.broadcast %broadcast_in_dim3A_897 : vector<256x1xi32> to vector<256x256xi32>
    %eq3A_899 = arith.cmpi eq, %iota3A_15, %eq3A_898 : vector<256x256xi32>
    %or3A_900 = arith.ori %or3A_868, %eq3A_899 : vector<256x256xi1>
    %eq3A_901 = arith.constant 27 : i32
    %eq3A_902 = vector.broadcast %eq3A_901 : i32 to vector<256x64xi32>
    %eq3A_903 = arith.cmpi eq, %iota3A_16, %eq3A_902 : vector<256x64xi32>
    %broadcast_in_dim3A_904 = vector.shape_cast %broadcast_in_dim3A_886 : vector<256x1xf32> to vector<256x1xf32>
    %broadcast_in_dim3A_905 = vector.broadcast %broadcast_in_dim3A_904 : vector<256x1xf32> to vector<256x64xf32>
    %select_n3A_906 = arith.select %eq3A_903, %broadcast_in_dim3A_905, %select_n3A_874 : vector<256x64xi1>, vector<256x64xf32>
    %eq3A_907 = arith.constant 27 : i32
    %eq3A_908 = vector.broadcast %eq3A_907 : i32 to vector<256x64xi32>
    %eq3A_909 = arith.cmpi eq, %iota3A_16, %eq3A_908 : vector<256x64xi32>
    %broadcast_in_dim3A_910 = vector.shape_cast %broadcast_in_dim3A_897 : vector<256x1xi32> to vector<256x1xi32>
    %broadcast_in_dim3A_911 = vector.broadcast %broadcast_in_dim3A_910 : vector<256x1xi32> to vector<256x64xi32>
    %select_n3A_912 = arith.select %eq3A_909, %broadcast_in_dim3A_911, %select_n3A_880 : vector<256x64xi1>, vector<256x64xi32>
    %jit3A_913 = arith.constant 0xFF800000 : f32
    %broadcast_in_dim3A_914 = vector.broadcast %jit3A_913 : f32 to vector<256x256xf32>
    %select_n3A_915 = arith.select %or3A_900, %broadcast_in_dim3A_914, %select_n3A : vector<256x256xi1>, vector<256x256xf32>
    %reduce_max3A_916 = arith.constant dense<0xFF800000> : vector<256xf32>
    %reduce_max3A_917 = vector.multi_reduction <maximumf>, %select_n3A_915, %reduce_max3A_916 [1] : vector<256x256xf32> to vector<256xf32>
    %broadcast_in_dim3A_918 = vector.shape_cast %reduce_max3A_917 : vector<256xf32> to vector<256x1xf32>
    %eq3A_919 = vector.broadcast %broadcast_in_dim3A_918 : vector<256x1xf32> to vector<256x256xf32>
    %eq3A_920 = arith.cmpf oeq, %select_n3A_915, %eq3A_919 : vector<256x256xf32>
    %not3A_921 = arith.constant dense<true> : vector<256x256xi1>
    %not3A_922 = arith.xori %or3A_900, %not3A_921 : vector<256x256xi1>
    %and3A_923 = arith.andi %eq3A_920, %not3A_922 : vector<256x256xi1>
    %jit3A_924 = arith.constant 1073741824 : i32
    %broadcast_in_dim3A_925 = vector.broadcast %jit3A_924 : i32 to vector<256x256xi32>
    %select_n3A_926 = arith.select %and3A_923, %iota3A_15, %broadcast_in_dim3A_925 : vector<256x256xi1>, vector<256x256xi32>
    %reduce_min3A_927 = arith.constant dense<2147483647> : vector<256xi32>
    %reduce_min3A_928 = vector.multi_reduction <minsi>, %select_n3A_926, %reduce_min3A_927 [1] : vector<256x256xi32> to vector<256xi32>
    %broadcast_in_dim3A_929 = vector.shape_cast %reduce_min3A_928 : vector<256xi32> to vector<256x1xi32>
    %eq3A_930 = vector.broadcast %broadcast_in_dim3A_929 : vector<256x1xi32> to vector<256x256xi32>
    %eq3A_931 = arith.cmpi eq, %iota3A_15, %eq3A_930 : vector<256x256xi32>
    %or3A_932 = arith.ori %or3A_900, %eq3A_931 : vector<256x256xi1>
    %eq3A_933 = arith.constant 28 : i32
    %eq3A_934 = vector.broadcast %eq3A_933 : i32 to vector<256x64xi32>
    %eq3A_935 = arith.cmpi eq, %iota3A_16, %eq3A_934 : vector<256x64xi32>
    %broadcast_in_dim3A_936 = vector.shape_cast %broadcast_in_dim3A_918 : vector<256x1xf32> to vector<256x1xf32>
    %broadcast_in_dim3A_937 = vector.broadcast %broadcast_in_dim3A_936 : vector<256x1xf32> to vector<256x64xf32>
    %select_n3A_938 = arith.select %eq3A_935, %broadcast_in_dim3A_937, %select_n3A_906 : vector<256x64xi1>, vector<256x64xf32>
    %eq3A_939 = arith.constant 28 : i32
    %eq3A_940 = vector.broadcast %eq3A_939 : i32 to vector<256x64xi32>
    %eq3A_941 = arith.cmpi eq, %iota3A_16, %eq3A_940 : vector<256x64xi32>
    %broadcast_in_dim3A_942 = vector.shape_cast %broadcast_in_dim3A_929 : vector<256x1xi32> to vector<256x1xi32>
    %broadcast_in_dim3A_943 = vector.broadcast %broadcast_in_dim3A_942 : vector<256x1xi32> to vector<256x64xi32>
    %select_n3A_944 = arith.select %eq3A_941, %broadcast_in_dim3A_943, %select_n3A_912 : vector<256x64xi1>, vector<256x64xi32>
    %jit3A_945 = arith.constant 0xFF800000 : f32
    %broadcast_in_dim3A_946 = vector.broadcast %jit3A_945 : f32 to vector<256x256xf32>
    %select_n3A_947 = arith.select %or3A_932, %broadcast_in_dim3A_946, %select_n3A : vector<256x256xi1>, vector<256x256xf32>
    %reduce_max3A_948 = arith.constant dense<0xFF800000> : vector<256xf32>
    %reduce_max3A_949 = vector.multi_reduction <maximumf>, %select_n3A_947, %reduce_max3A_948 [1] : vector<256x256xf32> to vector<256xf32>
    %broadcast_in_dim3A_950 = vector.shape_cast %reduce_max3A_949 : vector<256xf32> to vector<256x1xf32>
    %eq3A_951 = vector.broadcast %broadcast_in_dim3A_950 : vector<256x1xf32> to vector<256x256xf32>
    %eq3A_952 = arith.cmpf oeq, %select_n3A_947, %eq3A_951 : vector<256x256xf32>
    %not3A_953 = arith.constant dense<true> : vector<256x256xi1>
    %not3A_954 = arith.xori %or3A_932, %not3A_953 : vector<256x256xi1>
    %and3A_955 = arith.andi %eq3A_952, %not3A_954 : vector<256x256xi1>
    %jit3A_956 = arith.constant 1073741824 : i32
    %broadcast_in_dim3A_957 = vector.broadcast %jit3A_956 : i32 to vector<256x256xi32>
    %select_n3A_958 = arith.select %and3A_955, %iota3A_15, %broadcast_in_dim3A_957 : vector<256x256xi1>, vector<256x256xi32>
    %reduce_min3A_959 = arith.constant dense<2147483647> : vector<256xi32>
    %reduce_min3A_960 = vector.multi_reduction <minsi>, %select_n3A_958, %reduce_min3A_959 [1] : vector<256x256xi32> to vector<256xi32>
    %broadcast_in_dim3A_961 = vector.shape_cast %reduce_min3A_960 : vector<256xi32> to vector<256x1xi32>
    %eq3A_962 = vector.broadcast %broadcast_in_dim3A_961 : vector<256x1xi32> to vector<256x256xi32>
    %eq3A_963 = arith.cmpi eq, %iota3A_15, %eq3A_962 : vector<256x256xi32>
    %or3A_964 = arith.ori %or3A_932, %eq3A_963 : vector<256x256xi1>
    %eq3A_965 = arith.constant 29 : i32
    %eq3A_966 = vector.broadcast %eq3A_965 : i32 to vector<256x64xi32>
    %eq3A_967 = arith.cmpi eq, %iota3A_16, %eq3A_966 : vector<256x64xi32>
    %broadcast_in_dim3A_968 = vector.shape_cast %broadcast_in_dim3A_950 : vector<256x1xf32> to vector<256x1xf32>
    %broadcast_in_dim3A_969 = vector.broadcast %broadcast_in_dim3A_968 : vector<256x1xf32> to vector<256x64xf32>
    %select_n3A_970 = arith.select %eq3A_967, %broadcast_in_dim3A_969, %select_n3A_938 : vector<256x64xi1>, vector<256x64xf32>
    %eq3A_971 = arith.constant 29 : i32
    %eq3A_972 = vector.broadcast %eq3A_971 : i32 to vector<256x64xi32>
    %eq3A_973 = arith.cmpi eq, %iota3A_16, %eq3A_972 : vector<256x64xi32>
    %broadcast_in_dim3A_974 = vector.shape_cast %broadcast_in_dim3A_961 : vector<256x1xi32> to vector<256x1xi32>
    %broadcast_in_dim3A_975 = vector.broadcast %broadcast_in_dim3A_974 : vector<256x1xi32> to vector<256x64xi32>
    %select_n3A_976 = arith.select %eq3A_973, %broadcast_in_dim3A_975, %select_n3A_944 : vector<256x64xi1>, vector<256x64xi32>
    %jit3A_977 = arith.constant 0xFF800000 : f32
    %broadcast_in_dim3A_978 = vector.broadcast %jit3A_977 : f32 to vector<256x256xf32>
    %select_n3A_979 = arith.select %or3A_964, %broadcast_in_dim3A_978, %select_n3A : vector<256x256xi1>, vector<256x256xf32>
    %reduce_max3A_980 = arith.constant dense<0xFF800000> : vector<256xf32>
    %reduce_max3A_981 = vector.multi_reduction <maximumf>, %select_n3A_979, %reduce_max3A_980 [1] : vector<256x256xf32> to vector<256xf32>
    %broadcast_in_dim3A_982 = vector.shape_cast %reduce_max3A_981 : vector<256xf32> to vector<256x1xf32>
    %eq3A_983 = vector.broadcast %broadcast_in_dim3A_982 : vector<256x1xf32> to vector<256x256xf32>
    %eq3A_984 = arith.cmpf oeq, %select_n3A_979, %eq3A_983 : vector<256x256xf32>
    %not3A_985 = arith.constant dense<true> : vector<256x256xi1>
    %not3A_986 = arith.xori %or3A_964, %not3A_985 : vector<256x256xi1>
    %and3A_987 = arith.andi %eq3A_984, %not3A_986 : vector<256x256xi1>
    %jit3A_988 = arith.constant 1073741824 : i32
    %broadcast_in_dim3A_989 = vector.broadcast %jit3A_988 : i32 to vector<256x256xi32>
    %select_n3A_990 = arith.select %and3A_987, %iota3A_15, %broadcast_in_dim3A_989 : vector<256x256xi1>, vector<256x256xi32>
    %reduce_min3A_991 = arith.constant dense<2147483647> : vector<256xi32>
    %reduce_min3A_992 = vector.multi_reduction <minsi>, %select_n3A_990, %reduce_min3A_991 [1] : vector<256x256xi32> to vector<256xi32>
    %broadcast_in_dim3A_993 = vector.shape_cast %reduce_min3A_992 : vector<256xi32> to vector<256x1xi32>
    %eq3A_994 = vector.broadcast %broadcast_in_dim3A_993 : vector<256x1xi32> to vector<256x256xi32>
    %eq3A_995 = arith.cmpi eq, %iota3A_15, %eq3A_994 : vector<256x256xi32>
    %or3A_996 = arith.ori %or3A_964, %eq3A_995 : vector<256x256xi1>
    %eq3A_997 = arith.constant 30 : i32
    %eq3A_998 = vector.broadcast %eq3A_997 : i32 to vector<256x64xi32>
    %eq3A_999 = arith.cmpi eq, %iota3A_16, %eq3A_998 : vector<256x64xi32>
    %broadcast_in_dim3A_1000 = vector.shape_cast %broadcast_in_dim3A_982 : vector<256x1xf32> to vector<256x1xf32>
    %broadcast_in_dim3A_1001 = vector.broadcast %broadcast_in_dim3A_1000 : vector<256x1xf32> to vector<256x64xf32>
    %select_n3A_1002 = arith.select %eq3A_999, %broadcast_in_dim3A_1001, %select_n3A_970 : vector<256x64xi1>, vector<256x64xf32>
    %eq3A_1003 = arith.constant 30 : i32
    %eq3A_1004 = vector.broadcast %eq3A_1003 : i32 to vector<256x64xi32>
    %eq3A_1005 = arith.cmpi eq, %iota3A_16, %eq3A_1004 : vector<256x64xi32>
    %broadcast_in_dim3A_1006 = vector.shape_cast %broadcast_in_dim3A_993 : vector<256x1xi32> to vector<256x1xi32>
    %broadcast_in_dim3A_1007 = vector.broadcast %broadcast_in_dim3A_1006 : vector<256x1xi32> to vector<256x64xi32>
    %select_n3A_1008 = arith.select %eq3A_1005, %broadcast_in_dim3A_1007, %select_n3A_976 : vector<256x64xi1>, vector<256x64xi32>
    %jit3A_1009 = arith.constant 0xFF800000 : f32
    %broadcast_in_dim3A_1010 = vector.broadcast %jit3A_1009 : f32 to vector<256x256xf32>
    %select_n3A_1011 = arith.select %or3A_996, %broadcast_in_dim3A_1010, %select_n3A : vector<256x256xi1>, vector<256x256xf32>
    %reduce_max3A_1012 = arith.constant dense<0xFF800000> : vector<256xf32>
    %reduce_max3A_1013 = vector.multi_reduction <maximumf>, %select_n3A_1011, %reduce_max3A_1012 [1] : vector<256x256xf32> to vector<256xf32>
    %broadcast_in_dim3A_1014 = vector.shape_cast %reduce_max3A_1013 : vector<256xf32> to vector<256x1xf32>
    %eq3A_1015 = vector.broadcast %broadcast_in_dim3A_1014 : vector<256x1xf32> to vector<256x256xf32>
    %eq3A_1016 = arith.cmpf oeq, %select_n3A_1011, %eq3A_1015 : vector<256x256xf32>
    %not3A_1017 = arith.constant dense<true> : vector<256x256xi1>
    %not3A_1018 = arith.xori %or3A_996, %not3A_1017 : vector<256x256xi1>
    %and3A_1019 = arith.andi %eq3A_1016, %not3A_1018 : vector<256x256xi1>
    %jit3A_1020 = arith.constant 1073741824 : i32
    %broadcast_in_dim3A_1021 = vector.broadcast %jit3A_1020 : i32 to vector<256x256xi32>
    %select_n3A_1022 = arith.select %and3A_1019, %iota3A_15, %broadcast_in_dim3A_1021 : vector<256x256xi1>, vector<256x256xi32>
    %reduce_min3A_1023 = arith.constant dense<2147483647> : vector<256xi32>
    %reduce_min3A_1024 = vector.multi_reduction <minsi>, %select_n3A_1022, %reduce_min3A_1023 [1] : vector<256x256xi32> to vector<256xi32>
    %broadcast_in_dim3A_1025 = vector.shape_cast %reduce_min3A_1024 : vector<256xi32> to vector<256x1xi32>
    %eq3A_1026 = vector.broadcast %broadcast_in_dim3A_1025 : vector<256x1xi32> to vector<256x256xi32>
    %eq3A_1027 = arith.cmpi eq, %iota3A_15, %eq3A_1026 : vector<256x256xi32>
    %or3A_1028 = arith.ori %or3A_996, %eq3A_1027 : vector<256x256xi1>
    %eq3A_1029 = arith.constant 31 : i32
    %eq3A_1030 = vector.broadcast %eq3A_1029 : i32 to vector<256x64xi32>
    %eq3A_1031 = arith.cmpi eq, %iota3A_16, %eq3A_1030 : vector<256x64xi32>
    %broadcast_in_dim3A_1032 = vector.shape_cast %broadcast_in_dim3A_1014 : vector<256x1xf32> to vector<256x1xf32>
    %broadcast_in_dim3A_1033 = vector.broadcast %broadcast_in_dim3A_1032 : vector<256x1xf32> to vector<256x64xf32>
    %select_n3A_1034 = arith.select %eq3A_1031, %broadcast_in_dim3A_1033, %select_n3A_1002 : vector<256x64xi1>, vector<256x64xf32>
    %eq3A_1035 = arith.constant 31 : i32
    %eq3A_1036 = vector.broadcast %eq3A_1035 : i32 to vector<256x64xi32>
    %eq3A_1037 = arith.cmpi eq, %iota3A_16, %eq3A_1036 : vector<256x64xi32>
    %broadcast_in_dim3A_1038 = vector.shape_cast %broadcast_in_dim3A_1025 : vector<256x1xi32> to vector<256x1xi32>
    %broadcast_in_dim3A_1039 = vector.broadcast %broadcast_in_dim3A_1038 : vector<256x1xi32> to vector<256x64xi32>
    %select_n3A_1040 = arith.select %eq3A_1037, %broadcast_in_dim3A_1039, %select_n3A_1008 : vector<256x64xi1>, vector<256x64xi32>
    %jit3A_1041 = arith.constant 0xFF800000 : f32
    %broadcast_in_dim3A_1042 = vector.broadcast %jit3A_1041 : f32 to vector<256x256xf32>
    %select_n3A_1043 = arith.select %or3A_1028, %broadcast_in_dim3A_1042, %select_n3A : vector<256x256xi1>, vector<256x256xf32>
    %reduce_max3A_1044 = arith.constant dense<0xFF800000> : vector<256xf32>
    %reduce_max3A_1045 = vector.multi_reduction <maximumf>, %select_n3A_1043, %reduce_max3A_1044 [1] : vector<256x256xf32> to vector<256xf32>
    %broadcast_in_dim3A_1046 = vector.shape_cast %reduce_max3A_1045 : vector<256xf32> to vector<256x1xf32>
    %eq3A_1047 = vector.broadcast %broadcast_in_dim3A_1046 : vector<256x1xf32> to vector<256x256xf32>
    %eq3A_1048 = arith.cmpf oeq, %select_n3A_1043, %eq3A_1047 : vector<256x256xf32>
    %not3A_1049 = arith.constant dense<true> : vector<256x256xi1>
    %not3A_1050 = arith.xori %or3A_1028, %not3A_1049 : vector<256x256xi1>
    %and3A_1051 = arith.andi %eq3A_1048, %not3A_1050 : vector<256x256xi1>
    %jit3A_1052 = arith.constant 1073741824 : i32
    %broadcast_in_dim3A_1053 = vector.broadcast %jit3A_1052 : i32 to vector<256x256xi32>
    %select_n3A_1054 = arith.select %and3A_1051, %iota3A_15, %broadcast_in_dim3A_1053 : vector<256x256xi1>, vector<256x256xi32>
    %reduce_min3A_1055 = arith.constant dense<2147483647> : vector<256xi32>
    %reduce_min3A_1056 = vector.multi_reduction <minsi>, %select_n3A_1054, %reduce_min3A_1055 [1] : vector<256x256xi32> to vector<256xi32>
    %broadcast_in_dim3A_1057 = vector.shape_cast %reduce_min3A_1056 : vector<256xi32> to vector<256x1xi32>
    %eq3A_1058 = vector.broadcast %broadcast_in_dim3A_1057 : vector<256x1xi32> to vector<256x256xi32>
    %eq3A_1059 = arith.cmpi eq, %iota3A_15, %eq3A_1058 : vector<256x256xi32>
    %or3A_1060 = arith.ori %or3A_1028, %eq3A_1059 : vector<256x256xi1>
    %eq3A_1061 = arith.constant 32 : i32
    %eq3A_1062 = vector.broadcast %eq3A_1061 : i32 to vector<256x64xi32>
    %eq3A_1063 = arith.cmpi eq, %iota3A_16, %eq3A_1062 : vector<256x64xi32>
    %broadcast_in_dim3A_1064 = vector.shape_cast %broadcast_in_dim3A_1046 : vector<256x1xf32> to vector<256x1xf32>
    %broadcast_in_dim3A_1065 = vector.broadcast %broadcast_in_dim3A_1064 : vector<256x1xf32> to vector<256x64xf32>
    %select_n3A_1066 = arith.select %eq3A_1063, %broadcast_in_dim3A_1065, %select_n3A_1034 : vector<256x64xi1>, vector<256x64xf32>
    %eq3A_1067 = arith.constant 32 : i32
    %eq3A_1068 = vector.broadcast %eq3A_1067 : i32 to vector<256x64xi32>
    %eq3A_1069 = arith.cmpi eq, %iota3A_16, %eq3A_1068 : vector<256x64xi32>
    %broadcast_in_dim3A_1070 = vector.shape_cast %broadcast_in_dim3A_1057 : vector<256x1xi32> to vector<256x1xi32>
    %broadcast_in_dim3A_1071 = vector.broadcast %broadcast_in_dim3A_1070 : vector<256x1xi32> to vector<256x64xi32>
    %select_n3A_1072 = arith.select %eq3A_1069, %broadcast_in_dim3A_1071, %select_n3A_1040 : vector<256x64xi1>, vector<256x64xi32>
    %jit3A_1073 = arith.constant 0xFF800000 : f32
    %broadcast_in_dim3A_1074 = vector.broadcast %jit3A_1073 : f32 to vector<256x256xf32>
    %select_n3A_1075 = arith.select %or3A_1060, %broadcast_in_dim3A_1074, %select_n3A : vector<256x256xi1>, vector<256x256xf32>
    %reduce_max3A_1076 = arith.constant dense<0xFF800000> : vector<256xf32>
    %reduce_max3A_1077 = vector.multi_reduction <maximumf>, %select_n3A_1075, %reduce_max3A_1076 [1] : vector<256x256xf32> to vector<256xf32>
    %broadcast_in_dim3A_1078 = vector.shape_cast %reduce_max3A_1077 : vector<256xf32> to vector<256x1xf32>
    %eq3A_1079 = vector.broadcast %broadcast_in_dim3A_1078 : vector<256x1xf32> to vector<256x256xf32>
    %eq3A_1080 = arith.cmpf oeq, %select_n3A_1075, %eq3A_1079 : vector<256x256xf32>
    %not3A_1081 = arith.constant dense<true> : vector<256x256xi1>
    %not3A_1082 = arith.xori %or3A_1060, %not3A_1081 : vector<256x256xi1>
    %and3A_1083 = arith.andi %eq3A_1080, %not3A_1082 : vector<256x256xi1>
    %jit3A_1084 = arith.constant 1073741824 : i32
    %broadcast_in_dim3A_1085 = vector.broadcast %jit3A_1084 : i32 to vector<256x256xi32>
    %select_n3A_1086 = arith.select %and3A_1083, %iota3A_15, %broadcast_in_dim3A_1085 : vector<256x256xi1>, vector<256x256xi32>
    %reduce_min3A_1087 = arith.constant dense<2147483647> : vector<256xi32>
    %reduce_min3A_1088 = vector.multi_reduction <minsi>, %select_n3A_1086, %reduce_min3A_1087 [1] : vector<256x256xi32> to vector<256xi32>
    %broadcast_in_dim3A_1089 = vector.shape_cast %reduce_min3A_1088 : vector<256xi32> to vector<256x1xi32>
    %eq3A_1090 = vector.broadcast %broadcast_in_dim3A_1089 : vector<256x1xi32> to vector<256x256xi32>
    %eq3A_1091 = arith.cmpi eq, %iota3A_15, %eq3A_1090 : vector<256x256xi32>
    %or3A_1092 = arith.ori %or3A_1060, %eq3A_1091 : vector<256x256xi1>
    %eq3A_1093 = arith.constant 33 : i32
    %eq3A_1094 = vector.broadcast %eq3A_1093 : i32 to vector<256x64xi32>
    %eq3A_1095 = arith.cmpi eq, %iota3A_16, %eq3A_1094 : vector<256x64xi32>
    %broadcast_in_dim3A_1096 = vector.shape_cast %broadcast_in_dim3A_1078 : vector<256x1xf32> to vector<256x1xf32>
    %broadcast_in_dim3A_1097 = vector.broadcast %broadcast_in_dim3A_1096 : vector<256x1xf32> to vector<256x64xf32>
    %select_n3A_1098 = arith.select %eq3A_1095, %broadcast_in_dim3A_1097, %select_n3A_1066 : vector<256x64xi1>, vector<256x64xf32>
    %eq3A_1099 = arith.constant 33 : i32
    %eq3A_1100 = vector.broadcast %eq3A_1099 : i32 to vector<256x64xi32>
    %eq3A_1101 = arith.cmpi eq, %iota3A_16, %eq3A_1100 : vector<256x64xi32>
    %broadcast_in_dim3A_1102 = vector.shape_cast %broadcast_in_dim3A_1089 : vector<256x1xi32> to vector<256x1xi32>
    %broadcast_in_dim3A_1103 = vector.broadcast %broadcast_in_dim3A_1102 : vector<256x1xi32> to vector<256x64xi32>
    %select_n3A_1104 = arith.select %eq3A_1101, %broadcast_in_dim3A_1103, %select_n3A_1072 : vector<256x64xi1>, vector<256x64xi32>
    %jit3A_1105 = arith.constant 0xFF800000 : f32
    %broadcast_in_dim3A_1106 = vector.broadcast %jit3A_1105 : f32 to vector<256x256xf32>
    %select_n3A_1107 = arith.select %or3A_1092, %broadcast_in_dim3A_1106, %select_n3A : vector<256x256xi1>, vector<256x256xf32>
    %reduce_max3A_1108 = arith.constant dense<0xFF800000> : vector<256xf32>
    %reduce_max3A_1109 = vector.multi_reduction <maximumf>, %select_n3A_1107, %reduce_max3A_1108 [1] : vector<256x256xf32> to vector<256xf32>
    %broadcast_in_dim3A_1110 = vector.shape_cast %reduce_max3A_1109 : vector<256xf32> to vector<256x1xf32>
    %eq3A_1111 = vector.broadcast %broadcast_in_dim3A_1110 : vector<256x1xf32> to vector<256x256xf32>
    %eq3A_1112 = arith.cmpf oeq, %select_n3A_1107, %eq3A_1111 : vector<256x256xf32>
    %not3A_1113 = arith.constant dense<true> : vector<256x256xi1>
    %not3A_1114 = arith.xori %or3A_1092, %not3A_1113 : vector<256x256xi1>
    %and3A_1115 = arith.andi %eq3A_1112, %not3A_1114 : vector<256x256xi1>
    %jit3A_1116 = arith.constant 1073741824 : i32
    %broadcast_in_dim3A_1117 = vector.broadcast %jit3A_1116 : i32 to vector<256x256xi32>
    %select_n3A_1118 = arith.select %and3A_1115, %iota3A_15, %broadcast_in_dim3A_1117 : vector<256x256xi1>, vector<256x256xi32>
    %reduce_min3A_1119 = arith.constant dense<2147483647> : vector<256xi32>
    %reduce_min3A_1120 = vector.multi_reduction <minsi>, %select_n3A_1118, %reduce_min3A_1119 [1] : vector<256x256xi32> to vector<256xi32>
    %broadcast_in_dim3A_1121 = vector.shape_cast %reduce_min3A_1120 : vector<256xi32> to vector<256x1xi32>
    %eq3A_1122 = vector.broadcast %broadcast_in_dim3A_1121 : vector<256x1xi32> to vector<256x256xi32>
    %eq3A_1123 = arith.cmpi eq, %iota3A_15, %eq3A_1122 : vector<256x256xi32>
    %or3A_1124 = arith.ori %or3A_1092, %eq3A_1123 : vector<256x256xi1>
    %eq3A_1125 = arith.constant 34 : i32
    %eq3A_1126 = vector.broadcast %eq3A_1125 : i32 to vector<256x64xi32>
    %eq3A_1127 = arith.cmpi eq, %iota3A_16, %eq3A_1126 : vector<256x64xi32>
    %broadcast_in_dim3A_1128 = vector.shape_cast %broadcast_in_dim3A_1110 : vector<256x1xf32> to vector<256x1xf32>
    %broadcast_in_dim3A_1129 = vector.broadcast %broadcast_in_dim3A_1128 : vector<256x1xf32> to vector<256x64xf32>
    %select_n3A_1130 = arith.select %eq3A_1127, %broadcast_in_dim3A_1129, %select_n3A_1098 : vector<256x64xi1>, vector<256x64xf32>
    %eq3A_1131 = arith.constant 34 : i32
    %eq3A_1132 = vector.broadcast %eq3A_1131 : i32 to vector<256x64xi32>
    %eq3A_1133 = arith.cmpi eq, %iota3A_16, %eq3A_1132 : vector<256x64xi32>
    %broadcast_in_dim3A_1134 = vector.shape_cast %broadcast_in_dim3A_1121 : vector<256x1xi32> to vector<256x1xi32>
    %broadcast_in_dim3A_1135 = vector.broadcast %broadcast_in_dim3A_1134 : vector<256x1xi32> to vector<256x64xi32>
    %select_n3A_1136 = arith.select %eq3A_1133, %broadcast_in_dim3A_1135, %select_n3A_1104 : vector<256x64xi1>, vector<256x64xi32>
    %jit3A_1137 = arith.constant 0xFF800000 : f32
    %broadcast_in_dim3A_1138 = vector.broadcast %jit3A_1137 : f32 to vector<256x256xf32>
    %select_n3A_1139 = arith.select %or3A_1124, %broadcast_in_dim3A_1138, %select_n3A : vector<256x256xi1>, vector<256x256xf32>
    %reduce_max3A_1140 = arith.constant dense<0xFF800000> : vector<256xf32>
    %reduce_max3A_1141 = vector.multi_reduction <maximumf>, %select_n3A_1139, %reduce_max3A_1140 [1] : vector<256x256xf32> to vector<256xf32>
    %broadcast_in_dim3A_1142 = vector.shape_cast %reduce_max3A_1141 : vector<256xf32> to vector<256x1xf32>
    %eq3A_1143 = vector.broadcast %broadcast_in_dim3A_1142 : vector<256x1xf32> to vector<256x256xf32>
    %eq3A_1144 = arith.cmpf oeq, %select_n3A_1139, %eq3A_1143 : vector<256x256xf32>
    %not3A_1145 = arith.constant dense<true> : vector<256x256xi1>
    %not3A_1146 = arith.xori %or3A_1124, %not3A_1145 : vector<256x256xi1>
    %and3A_1147 = arith.andi %eq3A_1144, %not3A_1146 : vector<256x256xi1>
    %jit3A_1148 = arith.constant 1073741824 : i32
    %broadcast_in_dim3A_1149 = vector.broadcast %jit3A_1148 : i32 to vector<256x256xi32>
    %select_n3A_1150 = arith.select %and3A_1147, %iota3A_15, %broadcast_in_dim3A_1149 : vector<256x256xi1>, vector<256x256xi32>
    %reduce_min3A_1151 = arith.constant dense<2147483647> : vector<256xi32>
    %reduce_min3A_1152 = vector.multi_reduction <minsi>, %select_n3A_1150, %reduce_min3A_1151 [1] : vector<256x256xi32> to vector<256xi32>
    %broadcast_in_dim3A_1153 = vector.shape_cast %reduce_min3A_1152 : vector<256xi32> to vector<256x1xi32>
    %eq3A_1154 = vector.broadcast %broadcast_in_dim3A_1153 : vector<256x1xi32> to vector<256x256xi32>
    %eq3A_1155 = arith.cmpi eq, %iota3A_15, %eq3A_1154 : vector<256x256xi32>
    %or3A_1156 = arith.ori %or3A_1124, %eq3A_1155 : vector<256x256xi1>
    %eq3A_1157 = arith.constant 35 : i32
    %eq3A_1158 = vector.broadcast %eq3A_1157 : i32 to vector<256x64xi32>
    %eq3A_1159 = arith.cmpi eq, %iota3A_16, %eq3A_1158 : vector<256x64xi32>
    %broadcast_in_dim3A_1160 = vector.shape_cast %broadcast_in_dim3A_1142 : vector<256x1xf32> to vector<256x1xf32>
    %broadcast_in_dim3A_1161 = vector.broadcast %broadcast_in_dim3A_1160 : vector<256x1xf32> to vector<256x64xf32>
    %select_n3A_1162 = arith.select %eq3A_1159, %broadcast_in_dim3A_1161, %select_n3A_1130 : vector<256x64xi1>, vector<256x64xf32>
    %eq3A_1163 = arith.constant 35 : i32
    %eq3A_1164 = vector.broadcast %eq3A_1163 : i32 to vector<256x64xi32>
    %eq3A_1165 = arith.cmpi eq, %iota3A_16, %eq3A_1164 : vector<256x64xi32>
    %broadcast_in_dim3A_1166 = vector.shape_cast %broadcast_in_dim3A_1153 : vector<256x1xi32> to vector<256x1xi32>
    %broadcast_in_dim3A_1167 = vector.broadcast %broadcast_in_dim3A_1166 : vector<256x1xi32> to vector<256x64xi32>
    %select_n3A_1168 = arith.select %eq3A_1165, %broadcast_in_dim3A_1167, %select_n3A_1136 : vector<256x64xi1>, vector<256x64xi32>
    %jit3A_1169 = arith.constant 0xFF800000 : f32
    %broadcast_in_dim3A_1170 = vector.broadcast %jit3A_1169 : f32 to vector<256x256xf32>
    %select_n3A_1171 = arith.select %or3A_1156, %broadcast_in_dim3A_1170, %select_n3A : vector<256x256xi1>, vector<256x256xf32>
    %reduce_max3A_1172 = arith.constant dense<0xFF800000> : vector<256xf32>
    %reduce_max3A_1173 = vector.multi_reduction <maximumf>, %select_n3A_1171, %reduce_max3A_1172 [1] : vector<256x256xf32> to vector<256xf32>
    %broadcast_in_dim3A_1174 = vector.shape_cast %reduce_max3A_1173 : vector<256xf32> to vector<256x1xf32>
    %eq3A_1175 = vector.broadcast %broadcast_in_dim3A_1174 : vector<256x1xf32> to vector<256x256xf32>
    %eq3A_1176 = arith.cmpf oeq, %select_n3A_1171, %eq3A_1175 : vector<256x256xf32>
    %not3A_1177 = arith.constant dense<true> : vector<256x256xi1>
    %not3A_1178 = arith.xori %or3A_1156, %not3A_1177 : vector<256x256xi1>
    %and3A_1179 = arith.andi %eq3A_1176, %not3A_1178 : vector<256x256xi1>
    %jit3A_1180 = arith.constant 1073741824 : i32
    %broadcast_in_dim3A_1181 = vector.broadcast %jit3A_1180 : i32 to vector<256x256xi32>
    %select_n3A_1182 = arith.select %and3A_1179, %iota3A_15, %broadcast_in_dim3A_1181 : vector<256x256xi1>, vector<256x256xi32>
    %reduce_min3A_1183 = arith.constant dense<2147483647> : vector<256xi32>
    %reduce_min3A_1184 = vector.multi_reduction <minsi>, %select_n3A_1182, %reduce_min3A_1183 [1] : vector<256x256xi32> to vector<256xi32>
    %broadcast_in_dim3A_1185 = vector.shape_cast %reduce_min3A_1184 : vector<256xi32> to vector<256x1xi32>
    %eq3A_1186 = vector.broadcast %broadcast_in_dim3A_1185 : vector<256x1xi32> to vector<256x256xi32>
    %eq3A_1187 = arith.cmpi eq, %iota3A_15, %eq3A_1186 : vector<256x256xi32>
    %or3A_1188 = arith.ori %or3A_1156, %eq3A_1187 : vector<256x256xi1>
    %eq3A_1189 = arith.constant 36 : i32
    %eq3A_1190 = vector.broadcast %eq3A_1189 : i32 to vector<256x64xi32>
    %eq3A_1191 = arith.cmpi eq, %iota3A_16, %eq3A_1190 : vector<256x64xi32>
    %broadcast_in_dim3A_1192 = vector.shape_cast %broadcast_in_dim3A_1174 : vector<256x1xf32> to vector<256x1xf32>
    %broadcast_in_dim3A_1193 = vector.broadcast %broadcast_in_dim3A_1192 : vector<256x1xf32> to vector<256x64xf32>
    %select_n3A_1194 = arith.select %eq3A_1191, %broadcast_in_dim3A_1193, %select_n3A_1162 : vector<256x64xi1>, vector<256x64xf32>
    %eq3A_1195 = arith.constant 36 : i32
    %eq3A_1196 = vector.broadcast %eq3A_1195 : i32 to vector<256x64xi32>
    %eq3A_1197 = arith.cmpi eq, %iota3A_16, %eq3A_1196 : vector<256x64xi32>
    %broadcast_in_dim3A_1198 = vector.shape_cast %broadcast_in_dim3A_1185 : vector<256x1xi32> to vector<256x1xi32>
    %broadcast_in_dim3A_1199 = vector.broadcast %broadcast_in_dim3A_1198 : vector<256x1xi32> to vector<256x64xi32>
    %select_n3A_1200 = arith.select %eq3A_1197, %broadcast_in_dim3A_1199, %select_n3A_1168 : vector<256x64xi1>, vector<256x64xi32>
    %jit3A_1201 = arith.constant 0xFF800000 : f32
    %broadcast_in_dim3A_1202 = vector.broadcast %jit3A_1201 : f32 to vector<256x256xf32>
    %select_n3A_1203 = arith.select %or3A_1188, %broadcast_in_dim3A_1202, %select_n3A : vector<256x256xi1>, vector<256x256xf32>
    %reduce_max3A_1204 = arith.constant dense<0xFF800000> : vector<256xf32>
    %reduce_max3A_1205 = vector.multi_reduction <maximumf>, %select_n3A_1203, %reduce_max3A_1204 [1] : vector<256x256xf32> to vector<256xf32>
    %broadcast_in_dim3A_1206 = vector.shape_cast %reduce_max3A_1205 : vector<256xf32> to vector<256x1xf32>
    %eq3A_1207 = vector.broadcast %broadcast_in_dim3A_1206 : vector<256x1xf32> to vector<256x256xf32>
    %eq3A_1208 = arith.cmpf oeq, %select_n3A_1203, %eq3A_1207 : vector<256x256xf32>
    %not3A_1209 = arith.constant dense<true> : vector<256x256xi1>
    %not3A_1210 = arith.xori %or3A_1188, %not3A_1209 : vector<256x256xi1>
    %and3A_1211 = arith.andi %eq3A_1208, %not3A_1210 : vector<256x256xi1>
    %jit3A_1212 = arith.constant 1073741824 : i32
    %broadcast_in_dim3A_1213 = vector.broadcast %jit3A_1212 : i32 to vector<256x256xi32>
    %select_n3A_1214 = arith.select %and3A_1211, %iota3A_15, %broadcast_in_dim3A_1213 : vector<256x256xi1>, vector<256x256xi32>
    %reduce_min3A_1215 = arith.constant dense<2147483647> : vector<256xi32>
    %reduce_min3A_1216 = vector.multi_reduction <minsi>, %select_n3A_1214, %reduce_min3A_1215 [1] : vector<256x256xi32> to vector<256xi32>
    %broadcast_in_dim3A_1217 = vector.shape_cast %reduce_min3A_1216 : vector<256xi32> to vector<256x1xi32>
    %eq3A_1218 = vector.broadcast %broadcast_in_dim3A_1217 : vector<256x1xi32> to vector<256x256xi32>
    %eq3A_1219 = arith.cmpi eq, %iota3A_15, %eq3A_1218 : vector<256x256xi32>
    %or3A_1220 = arith.ori %or3A_1188, %eq3A_1219 : vector<256x256xi1>
    %eq3A_1221 = arith.constant 37 : i32
    %eq3A_1222 = vector.broadcast %eq3A_1221 : i32 to vector<256x64xi32>
    %eq3A_1223 = arith.cmpi eq, %iota3A_16, %eq3A_1222 : vector<256x64xi32>
    %broadcast_in_dim3A_1224 = vector.shape_cast %broadcast_in_dim3A_1206 : vector<256x1xf32> to vector<256x1xf32>
    %broadcast_in_dim3A_1225 = vector.broadcast %broadcast_in_dim3A_1224 : vector<256x1xf32> to vector<256x64xf32>
    %select_n3A_1226 = arith.select %eq3A_1223, %broadcast_in_dim3A_1225, %select_n3A_1194 : vector<256x64xi1>, vector<256x64xf32>
    %eq3A_1227 = arith.constant 37 : i32
    %eq3A_1228 = vector.broadcast %eq3A_1227 : i32 to vector<256x64xi32>
    %eq3A_1229 = arith.cmpi eq, %iota3A_16, %eq3A_1228 : vector<256x64xi32>
    %broadcast_in_dim3A_1230 = vector.shape_cast %broadcast_in_dim3A_1217 : vector<256x1xi32> to vector<256x1xi32>
    %broadcast_in_dim3A_1231 = vector.broadcast %broadcast_in_dim3A_1230 : vector<256x1xi32> to vector<256x64xi32>
    %select_n3A_1232 = arith.select %eq3A_1229, %broadcast_in_dim3A_1231, %select_n3A_1200 : vector<256x64xi1>, vector<256x64xi32>
    %jit3A_1233 = arith.constant 0xFF800000 : f32
    %broadcast_in_dim3A_1234 = vector.broadcast %jit3A_1233 : f32 to vector<256x256xf32>
    %select_n3A_1235 = arith.select %or3A_1220, %broadcast_in_dim3A_1234, %select_n3A : vector<256x256xi1>, vector<256x256xf32>
    %reduce_max3A_1236 = arith.constant dense<0xFF800000> : vector<256xf32>
    %reduce_max3A_1237 = vector.multi_reduction <maximumf>, %select_n3A_1235, %reduce_max3A_1236 [1] : vector<256x256xf32> to vector<256xf32>
    %broadcast_in_dim3A_1238 = vector.shape_cast %reduce_max3A_1237 : vector<256xf32> to vector<256x1xf32>
    %eq3A_1239 = vector.broadcast %broadcast_in_dim3A_1238 : vector<256x1xf32> to vector<256x256xf32>
    %eq3A_1240 = arith.cmpf oeq, %select_n3A_1235, %eq3A_1239 : vector<256x256xf32>
    %not3A_1241 = arith.constant dense<true> : vector<256x256xi1>
    %not3A_1242 = arith.xori %or3A_1220, %not3A_1241 : vector<256x256xi1>
    %and3A_1243 = arith.andi %eq3A_1240, %not3A_1242 : vector<256x256xi1>
    %jit3A_1244 = arith.constant 1073741824 : i32
    %broadcast_in_dim3A_1245 = vector.broadcast %jit3A_1244 : i32 to vector<256x256xi32>
    %select_n3A_1246 = arith.select %and3A_1243, %iota3A_15, %broadcast_in_dim3A_1245 : vector<256x256xi1>, vector<256x256xi32>
    %reduce_min3A_1247 = arith.constant dense<2147483647> : vector<256xi32>
    %reduce_min3A_1248 = vector.multi_reduction <minsi>, %select_n3A_1246, %reduce_min3A_1247 [1] : vector<256x256xi32> to vector<256xi32>
    %broadcast_in_dim3A_1249 = vector.shape_cast %reduce_min3A_1248 : vector<256xi32> to vector<256x1xi32>
    %eq3A_1250 = vector.broadcast %broadcast_in_dim3A_1249 : vector<256x1xi32> to vector<256x256xi32>
    %eq3A_1251 = arith.cmpi eq, %iota3A_15, %eq3A_1250 : vector<256x256xi32>
    %or3A_1252 = arith.ori %or3A_1220, %eq3A_1251 : vector<256x256xi1>
    %eq3A_1253 = arith.constant 38 : i32
    %eq3A_1254 = vector.broadcast %eq3A_1253 : i32 to vector<256x64xi32>
    %eq3A_1255 = arith.cmpi eq, %iota3A_16, %eq3A_1254 : vector<256x64xi32>
    %broadcast_in_dim3A_1256 = vector.shape_cast %broadcast_in_dim3A_1238 : vector<256x1xf32> to vector<256x1xf32>
    %broadcast_in_dim3A_1257 = vector.broadcast %broadcast_in_dim3A_1256 : vector<256x1xf32> to vector<256x64xf32>
    %select_n3A_1258 = arith.select %eq3A_1255, %broadcast_in_dim3A_1257, %select_n3A_1226 : vector<256x64xi1>, vector<256x64xf32>
    %eq3A_1259 = arith.constant 38 : i32
    %eq3A_1260 = vector.broadcast %eq3A_1259 : i32 to vector<256x64xi32>
    %eq3A_1261 = arith.cmpi eq, %iota3A_16, %eq3A_1260 : vector<256x64xi32>
    %broadcast_in_dim3A_1262 = vector.shape_cast %broadcast_in_dim3A_1249 : vector<256x1xi32> to vector<256x1xi32>
    %broadcast_in_dim3A_1263 = vector.broadcast %broadcast_in_dim3A_1262 : vector<256x1xi32> to vector<256x64xi32>
    %select_n3A_1264 = arith.select %eq3A_1261, %broadcast_in_dim3A_1263, %select_n3A_1232 : vector<256x64xi1>, vector<256x64xi32>
    %jit3A_1265 = arith.constant 0xFF800000 : f32
    %broadcast_in_dim3A_1266 = vector.broadcast %jit3A_1265 : f32 to vector<256x256xf32>
    %select_n3A_1267 = arith.select %or3A_1252, %broadcast_in_dim3A_1266, %select_n3A : vector<256x256xi1>, vector<256x256xf32>
    %reduce_max3A_1268 = arith.constant dense<0xFF800000> : vector<256xf32>
    %reduce_max3A_1269 = vector.multi_reduction <maximumf>, %select_n3A_1267, %reduce_max3A_1268 [1] : vector<256x256xf32> to vector<256xf32>
    %broadcast_in_dim3A_1270 = vector.shape_cast %reduce_max3A_1269 : vector<256xf32> to vector<256x1xf32>
    %eq3A_1271 = vector.broadcast %broadcast_in_dim3A_1270 : vector<256x1xf32> to vector<256x256xf32>
    %eq3A_1272 = arith.cmpf oeq, %select_n3A_1267, %eq3A_1271 : vector<256x256xf32>
    %not3A_1273 = arith.constant dense<true> : vector<256x256xi1>
    %not3A_1274 = arith.xori %or3A_1252, %not3A_1273 : vector<256x256xi1>
    %and3A_1275 = arith.andi %eq3A_1272, %not3A_1274 : vector<256x256xi1>
    %jit3A_1276 = arith.constant 1073741824 : i32
    %broadcast_in_dim3A_1277 = vector.broadcast %jit3A_1276 : i32 to vector<256x256xi32>
    %select_n3A_1278 = arith.select %and3A_1275, %iota3A_15, %broadcast_in_dim3A_1277 : vector<256x256xi1>, vector<256x256xi32>
    %reduce_min3A_1279 = arith.constant dense<2147483647> : vector<256xi32>
    %reduce_min3A_1280 = vector.multi_reduction <minsi>, %select_n3A_1278, %reduce_min3A_1279 [1] : vector<256x256xi32> to vector<256xi32>
    %broadcast_in_dim3A_1281 = vector.shape_cast %reduce_min3A_1280 : vector<256xi32> to vector<256x1xi32>
    %eq3A_1282 = vector.broadcast %broadcast_in_dim3A_1281 : vector<256x1xi32> to vector<256x256xi32>
    %eq3A_1283 = arith.cmpi eq, %iota3A_15, %eq3A_1282 : vector<256x256xi32>
    %or3A_1284 = arith.ori %or3A_1252, %eq3A_1283 : vector<256x256xi1>
    %eq3A_1285 = arith.constant 39 : i32
    %eq3A_1286 = vector.broadcast %eq3A_1285 : i32 to vector<256x64xi32>
    %eq3A_1287 = arith.cmpi eq, %iota3A_16, %eq3A_1286 : vector<256x64xi32>
    %broadcast_in_dim3A_1288 = vector.shape_cast %broadcast_in_dim3A_1270 : vector<256x1xf32> to vector<256x1xf32>
    %broadcast_in_dim3A_1289 = vector.broadcast %broadcast_in_dim3A_1288 : vector<256x1xf32> to vector<256x64xf32>
    %select_n3A_1290 = arith.select %eq3A_1287, %broadcast_in_dim3A_1289, %select_n3A_1258 : vector<256x64xi1>, vector<256x64xf32>
    %eq3A_1291 = arith.constant 39 : i32
    %eq3A_1292 = vector.broadcast %eq3A_1291 : i32 to vector<256x64xi32>
    %eq3A_1293 = arith.cmpi eq, %iota3A_16, %eq3A_1292 : vector<256x64xi32>
    %broadcast_in_dim3A_1294 = vector.shape_cast %broadcast_in_dim3A_1281 : vector<256x1xi32> to vector<256x1xi32>
    %broadcast_in_dim3A_1295 = vector.broadcast %broadcast_in_dim3A_1294 : vector<256x1xi32> to vector<256x64xi32>
    %select_n3A_1296 = arith.select %eq3A_1293, %broadcast_in_dim3A_1295, %select_n3A_1264 : vector<256x64xi1>, vector<256x64xi32>
    %jit3A_1297 = arith.constant 0xFF800000 : f32
    %broadcast_in_dim3A_1298 = vector.broadcast %jit3A_1297 : f32 to vector<256x256xf32>
    %select_n3A_1299 = arith.select %or3A_1284, %broadcast_in_dim3A_1298, %select_n3A : vector<256x256xi1>, vector<256x256xf32>
    %reduce_max3A_1300 = arith.constant dense<0xFF800000> : vector<256xf32>
    %reduce_max3A_1301 = vector.multi_reduction <maximumf>, %select_n3A_1299, %reduce_max3A_1300 [1] : vector<256x256xf32> to vector<256xf32>
    %broadcast_in_dim3A_1302 = vector.shape_cast %reduce_max3A_1301 : vector<256xf32> to vector<256x1xf32>
    %eq3A_1303 = vector.broadcast %broadcast_in_dim3A_1302 : vector<256x1xf32> to vector<256x256xf32>
    %eq3A_1304 = arith.cmpf oeq, %select_n3A_1299, %eq3A_1303 : vector<256x256xf32>
    %not3A_1305 = arith.constant dense<true> : vector<256x256xi1>
    %not3A_1306 = arith.xori %or3A_1284, %not3A_1305 : vector<256x256xi1>
    %and3A_1307 = arith.andi %eq3A_1304, %not3A_1306 : vector<256x256xi1>
    %jit3A_1308 = arith.constant 1073741824 : i32
    %broadcast_in_dim3A_1309 = vector.broadcast %jit3A_1308 : i32 to vector<256x256xi32>
    %select_n3A_1310 = arith.select %and3A_1307, %iota3A_15, %broadcast_in_dim3A_1309 : vector<256x256xi1>, vector<256x256xi32>
    %reduce_min3A_1311 = arith.constant dense<2147483647> : vector<256xi32>
    %reduce_min3A_1312 = vector.multi_reduction <minsi>, %select_n3A_1310, %reduce_min3A_1311 [1] : vector<256x256xi32> to vector<256xi32>
    %broadcast_in_dim3A_1313 = vector.shape_cast %reduce_min3A_1312 : vector<256xi32> to vector<256x1xi32>
    %eq3A_1314 = vector.broadcast %broadcast_in_dim3A_1313 : vector<256x1xi32> to vector<256x256xi32>
    %eq3A_1315 = arith.cmpi eq, %iota3A_15, %eq3A_1314 : vector<256x256xi32>
    %or3A_1316 = arith.ori %or3A_1284, %eq3A_1315 : vector<256x256xi1>
    %eq3A_1317 = arith.constant 40 : i32
    %eq3A_1318 = vector.broadcast %eq3A_1317 : i32 to vector<256x64xi32>
    %eq3A_1319 = arith.cmpi eq, %iota3A_16, %eq3A_1318 : vector<256x64xi32>
    %broadcast_in_dim3A_1320 = vector.shape_cast %broadcast_in_dim3A_1302 : vector<256x1xf32> to vector<256x1xf32>
    %broadcast_in_dim3A_1321 = vector.broadcast %broadcast_in_dim3A_1320 : vector<256x1xf32> to vector<256x64xf32>
    %select_n3A_1322 = arith.select %eq3A_1319, %broadcast_in_dim3A_1321, %select_n3A_1290 : vector<256x64xi1>, vector<256x64xf32>
    %eq3A_1323 = arith.constant 40 : i32
    %eq3A_1324 = vector.broadcast %eq3A_1323 : i32 to vector<256x64xi32>
    %eq3A_1325 = arith.cmpi eq, %iota3A_16, %eq3A_1324 : vector<256x64xi32>
    %broadcast_in_dim3A_1326 = vector.shape_cast %broadcast_in_dim3A_1313 : vector<256x1xi32> to vector<256x1xi32>
    %broadcast_in_dim3A_1327 = vector.broadcast %broadcast_in_dim3A_1326 : vector<256x1xi32> to vector<256x64xi32>
    %select_n3A_1328 = arith.select %eq3A_1325, %broadcast_in_dim3A_1327, %select_n3A_1296 : vector<256x64xi1>, vector<256x64xi32>
    %jit3A_1329 = arith.constant 0xFF800000 : f32
    %broadcast_in_dim3A_1330 = vector.broadcast %jit3A_1329 : f32 to vector<256x256xf32>
    %select_n3A_1331 = arith.select %or3A_1316, %broadcast_in_dim3A_1330, %select_n3A : vector<256x256xi1>, vector<256x256xf32>
    %reduce_max3A_1332 = arith.constant dense<0xFF800000> : vector<256xf32>
    %reduce_max3A_1333 = vector.multi_reduction <maximumf>, %select_n3A_1331, %reduce_max3A_1332 [1] : vector<256x256xf32> to vector<256xf32>
    %broadcast_in_dim3A_1334 = vector.shape_cast %reduce_max3A_1333 : vector<256xf32> to vector<256x1xf32>
    %eq3A_1335 = vector.broadcast %broadcast_in_dim3A_1334 : vector<256x1xf32> to vector<256x256xf32>
    %eq3A_1336 = arith.cmpf oeq, %select_n3A_1331, %eq3A_1335 : vector<256x256xf32>
    %not3A_1337 = arith.constant dense<true> : vector<256x256xi1>
    %not3A_1338 = arith.xori %or3A_1316, %not3A_1337 : vector<256x256xi1>
    %and3A_1339 = arith.andi %eq3A_1336, %not3A_1338 : vector<256x256xi1>
    %jit3A_1340 = arith.constant 1073741824 : i32
    %broadcast_in_dim3A_1341 = vector.broadcast %jit3A_1340 : i32 to vector<256x256xi32>
    %select_n3A_1342 = arith.select %and3A_1339, %iota3A_15, %broadcast_in_dim3A_1341 : vector<256x256xi1>, vector<256x256xi32>
    %reduce_min3A_1343 = arith.constant dense<2147483647> : vector<256xi32>
    %reduce_min3A_1344 = vector.multi_reduction <minsi>, %select_n3A_1342, %reduce_min3A_1343 [1] : vector<256x256xi32> to vector<256xi32>
    %broadcast_in_dim3A_1345 = vector.shape_cast %reduce_min3A_1344 : vector<256xi32> to vector<256x1xi32>
    %eq3A_1346 = vector.broadcast %broadcast_in_dim3A_1345 : vector<256x1xi32> to vector<256x256xi32>
    %eq3A_1347 = arith.cmpi eq, %iota3A_15, %eq3A_1346 : vector<256x256xi32>
    %or3A_1348 = arith.ori %or3A_1316, %eq3A_1347 : vector<256x256xi1>
    %eq3A_1349 = arith.constant 41 : i32
    %eq3A_1350 = vector.broadcast %eq3A_1349 : i32 to vector<256x64xi32>
    %eq3A_1351 = arith.cmpi eq, %iota3A_16, %eq3A_1350 : vector<256x64xi32>
    %broadcast_in_dim3A_1352 = vector.shape_cast %broadcast_in_dim3A_1334 : vector<256x1xf32> to vector<256x1xf32>
    %broadcast_in_dim3A_1353 = vector.broadcast %broadcast_in_dim3A_1352 : vector<256x1xf32> to vector<256x64xf32>
    %select_n3A_1354 = arith.select %eq3A_1351, %broadcast_in_dim3A_1353, %select_n3A_1322 : vector<256x64xi1>, vector<256x64xf32>
    %eq3A_1355 = arith.constant 41 : i32
    %eq3A_1356 = vector.broadcast %eq3A_1355 : i32 to vector<256x64xi32>
    %eq3A_1357 = arith.cmpi eq, %iota3A_16, %eq3A_1356 : vector<256x64xi32>
    %broadcast_in_dim3A_1358 = vector.shape_cast %broadcast_in_dim3A_1345 : vector<256x1xi32> to vector<256x1xi32>
    %broadcast_in_dim3A_1359 = vector.broadcast %broadcast_in_dim3A_1358 : vector<256x1xi32> to vector<256x64xi32>
    %select_n3A_1360 = arith.select %eq3A_1357, %broadcast_in_dim3A_1359, %select_n3A_1328 : vector<256x64xi1>, vector<256x64xi32>
    %jit3A_1361 = arith.constant 0xFF800000 : f32
    %broadcast_in_dim3A_1362 = vector.broadcast %jit3A_1361 : f32 to vector<256x256xf32>
    %select_n3A_1363 = arith.select %or3A_1348, %broadcast_in_dim3A_1362, %select_n3A : vector<256x256xi1>, vector<256x256xf32>
    %reduce_max3A_1364 = arith.constant dense<0xFF800000> : vector<256xf32>
    %reduce_max3A_1365 = vector.multi_reduction <maximumf>, %select_n3A_1363, %reduce_max3A_1364 [1] : vector<256x256xf32> to vector<256xf32>
    %broadcast_in_dim3A_1366 = vector.shape_cast %reduce_max3A_1365 : vector<256xf32> to vector<256x1xf32>
    %eq3A_1367 = vector.broadcast %broadcast_in_dim3A_1366 : vector<256x1xf32> to vector<256x256xf32>
    %eq3A_1368 = arith.cmpf oeq, %select_n3A_1363, %eq3A_1367 : vector<256x256xf32>
    %not3A_1369 = arith.constant dense<true> : vector<256x256xi1>
    %not3A_1370 = arith.xori %or3A_1348, %not3A_1369 : vector<256x256xi1>
    %and3A_1371 = arith.andi %eq3A_1368, %not3A_1370 : vector<256x256xi1>
    %jit3A_1372 = arith.constant 1073741824 : i32
    %broadcast_in_dim3A_1373 = vector.broadcast %jit3A_1372 : i32 to vector<256x256xi32>
    %select_n3A_1374 = arith.select %and3A_1371, %iota3A_15, %broadcast_in_dim3A_1373 : vector<256x256xi1>, vector<256x256xi32>
    %reduce_min3A_1375 = arith.constant dense<2147483647> : vector<256xi32>
    %reduce_min3A_1376 = vector.multi_reduction <minsi>, %select_n3A_1374, %reduce_min3A_1375 [1] : vector<256x256xi32> to vector<256xi32>
    %broadcast_in_dim3A_1377 = vector.shape_cast %reduce_min3A_1376 : vector<256xi32> to vector<256x1xi32>
    %eq3A_1378 = vector.broadcast %broadcast_in_dim3A_1377 : vector<256x1xi32> to vector<256x256xi32>
    %eq3A_1379 = arith.cmpi eq, %iota3A_15, %eq3A_1378 : vector<256x256xi32>
    %or3A_1380 = arith.ori %or3A_1348, %eq3A_1379 : vector<256x256xi1>
    %eq3A_1381 = arith.constant 42 : i32
    %eq3A_1382 = vector.broadcast %eq3A_1381 : i32 to vector<256x64xi32>
    %eq3A_1383 = arith.cmpi eq, %iota3A_16, %eq3A_1382 : vector<256x64xi32>
    %broadcast_in_dim3A_1384 = vector.shape_cast %broadcast_in_dim3A_1366 : vector<256x1xf32> to vector<256x1xf32>
    %broadcast_in_dim3A_1385 = vector.broadcast %broadcast_in_dim3A_1384 : vector<256x1xf32> to vector<256x64xf32>
    %select_n3A_1386 = arith.select %eq3A_1383, %broadcast_in_dim3A_1385, %select_n3A_1354 : vector<256x64xi1>, vector<256x64xf32>
    %eq3A_1387 = arith.constant 42 : i32
    %eq3A_1388 = vector.broadcast %eq3A_1387 : i32 to vector<256x64xi32>
    %eq3A_1389 = arith.cmpi eq, %iota3A_16, %eq3A_1388 : vector<256x64xi32>
    %broadcast_in_dim3A_1390 = vector.shape_cast %broadcast_in_dim3A_1377 : vector<256x1xi32> to vector<256x1xi32>
    %broadcast_in_dim3A_1391 = vector.broadcast %broadcast_in_dim3A_1390 : vector<256x1xi32> to vector<256x64xi32>
    %select_n3A_1392 = arith.select %eq3A_1389, %broadcast_in_dim3A_1391, %select_n3A_1360 : vector<256x64xi1>, vector<256x64xi32>
    %jit3A_1393 = arith.constant 0xFF800000 : f32
    %broadcast_in_dim3A_1394 = vector.broadcast %jit3A_1393 : f32 to vector<256x256xf32>
    %select_n3A_1395 = arith.select %or3A_1380, %broadcast_in_dim3A_1394, %select_n3A : vector<256x256xi1>, vector<256x256xf32>
    %reduce_max3A_1396 = arith.constant dense<0xFF800000> : vector<256xf32>
    %reduce_max3A_1397 = vector.multi_reduction <maximumf>, %select_n3A_1395, %reduce_max3A_1396 [1] : vector<256x256xf32> to vector<256xf32>
    %broadcast_in_dim3A_1398 = vector.shape_cast %reduce_max3A_1397 : vector<256xf32> to vector<256x1xf32>
    %eq3A_1399 = vector.broadcast %broadcast_in_dim3A_1398 : vector<256x1xf32> to vector<256x256xf32>
    %eq3A_1400 = arith.cmpf oeq, %select_n3A_1395, %eq3A_1399 : vector<256x256xf32>
    %not3A_1401 = arith.constant dense<true> : vector<256x256xi1>
    %not3A_1402 = arith.xori %or3A_1380, %not3A_1401 : vector<256x256xi1>
    %and3A_1403 = arith.andi %eq3A_1400, %not3A_1402 : vector<256x256xi1>
    %jit3A_1404 = arith.constant 1073741824 : i32
    %broadcast_in_dim3A_1405 = vector.broadcast %jit3A_1404 : i32 to vector<256x256xi32>
    %select_n3A_1406 = arith.select %and3A_1403, %iota3A_15, %broadcast_in_dim3A_1405 : vector<256x256xi1>, vector<256x256xi32>
    %reduce_min3A_1407 = arith.constant dense<2147483647> : vector<256xi32>
    %reduce_min3A_1408 = vector.multi_reduction <minsi>, %select_n3A_1406, %reduce_min3A_1407 [1] : vector<256x256xi32> to vector<256xi32>
    %broadcast_in_dim3A_1409 = vector.shape_cast %reduce_min3A_1408 : vector<256xi32> to vector<256x1xi32>
    %eq3A_1410 = vector.broadcast %broadcast_in_dim3A_1409 : vector<256x1xi32> to vector<256x256xi32>
    %eq3A_1411 = arith.cmpi eq, %iota3A_15, %eq3A_1410 : vector<256x256xi32>
    %or3A_1412 = arith.ori %or3A_1380, %eq3A_1411 : vector<256x256xi1>
    %eq3A_1413 = arith.constant 43 : i32
    %eq3A_1414 = vector.broadcast %eq3A_1413 : i32 to vector<256x64xi32>
    %eq3A_1415 = arith.cmpi eq, %iota3A_16, %eq3A_1414 : vector<256x64xi32>
    %broadcast_in_dim3A_1416 = vector.shape_cast %broadcast_in_dim3A_1398 : vector<256x1xf32> to vector<256x1xf32>
    %broadcast_in_dim3A_1417 = vector.broadcast %broadcast_in_dim3A_1416 : vector<256x1xf32> to vector<256x64xf32>
    %select_n3A_1418 = arith.select %eq3A_1415, %broadcast_in_dim3A_1417, %select_n3A_1386 : vector<256x64xi1>, vector<256x64xf32>
    %eq3A_1419 = arith.constant 43 : i32
    %eq3A_1420 = vector.broadcast %eq3A_1419 : i32 to vector<256x64xi32>
    %eq3A_1421 = arith.cmpi eq, %iota3A_16, %eq3A_1420 : vector<256x64xi32>
    %broadcast_in_dim3A_1422 = vector.shape_cast %broadcast_in_dim3A_1409 : vector<256x1xi32> to vector<256x1xi32>
    %broadcast_in_dim3A_1423 = vector.broadcast %broadcast_in_dim3A_1422 : vector<256x1xi32> to vector<256x64xi32>
    %select_n3A_1424 = arith.select %eq3A_1421, %broadcast_in_dim3A_1423, %select_n3A_1392 : vector<256x64xi1>, vector<256x64xi32>
    %jit3A_1425 = arith.constant 0xFF800000 : f32
    %broadcast_in_dim3A_1426 = vector.broadcast %jit3A_1425 : f32 to vector<256x256xf32>
    %select_n3A_1427 = arith.select %or3A_1412, %broadcast_in_dim3A_1426, %select_n3A : vector<256x256xi1>, vector<256x256xf32>
    %reduce_max3A_1428 = arith.constant dense<0xFF800000> : vector<256xf32>
    %reduce_max3A_1429 = vector.multi_reduction <maximumf>, %select_n3A_1427, %reduce_max3A_1428 [1] : vector<256x256xf32> to vector<256xf32>
    %broadcast_in_dim3A_1430 = vector.shape_cast %reduce_max3A_1429 : vector<256xf32> to vector<256x1xf32>
    %eq3A_1431 = vector.broadcast %broadcast_in_dim3A_1430 : vector<256x1xf32> to vector<256x256xf32>
    %eq3A_1432 = arith.cmpf oeq, %select_n3A_1427, %eq3A_1431 : vector<256x256xf32>
    %not3A_1433 = arith.constant dense<true> : vector<256x256xi1>
    %not3A_1434 = arith.xori %or3A_1412, %not3A_1433 : vector<256x256xi1>
    %and3A_1435 = arith.andi %eq3A_1432, %not3A_1434 : vector<256x256xi1>
    %jit3A_1436 = arith.constant 1073741824 : i32
    %broadcast_in_dim3A_1437 = vector.broadcast %jit3A_1436 : i32 to vector<256x256xi32>
    %select_n3A_1438 = arith.select %and3A_1435, %iota3A_15, %broadcast_in_dim3A_1437 : vector<256x256xi1>, vector<256x256xi32>
    %reduce_min3A_1439 = arith.constant dense<2147483647> : vector<256xi32>
    %reduce_min3A_1440 = vector.multi_reduction <minsi>, %select_n3A_1438, %reduce_min3A_1439 [1] : vector<256x256xi32> to vector<256xi32>
    %broadcast_in_dim3A_1441 = vector.shape_cast %reduce_min3A_1440 : vector<256xi32> to vector<256x1xi32>
    %eq3A_1442 = vector.broadcast %broadcast_in_dim3A_1441 : vector<256x1xi32> to vector<256x256xi32>
    %eq3A_1443 = arith.cmpi eq, %iota3A_15, %eq3A_1442 : vector<256x256xi32>
    %or3A_1444 = arith.ori %or3A_1412, %eq3A_1443 : vector<256x256xi1>
    %eq3A_1445 = arith.constant 44 : i32
    %eq3A_1446 = vector.broadcast %eq3A_1445 : i32 to vector<256x64xi32>
    %eq3A_1447 = arith.cmpi eq, %iota3A_16, %eq3A_1446 : vector<256x64xi32>
    %broadcast_in_dim3A_1448 = vector.shape_cast %broadcast_in_dim3A_1430 : vector<256x1xf32> to vector<256x1xf32>
    %broadcast_in_dim3A_1449 = vector.broadcast %broadcast_in_dim3A_1448 : vector<256x1xf32> to vector<256x64xf32>
    %select_n3A_1450 = arith.select %eq3A_1447, %broadcast_in_dim3A_1449, %select_n3A_1418 : vector<256x64xi1>, vector<256x64xf32>
    %eq3A_1451 = arith.constant 44 : i32
    %eq3A_1452 = vector.broadcast %eq3A_1451 : i32 to vector<256x64xi32>
    %eq3A_1453 = arith.cmpi eq, %iota3A_16, %eq3A_1452 : vector<256x64xi32>
    %broadcast_in_dim3A_1454 = vector.shape_cast %broadcast_in_dim3A_1441 : vector<256x1xi32> to vector<256x1xi32>
    %broadcast_in_dim3A_1455 = vector.broadcast %broadcast_in_dim3A_1454 : vector<256x1xi32> to vector<256x64xi32>
    %select_n3A_1456 = arith.select %eq3A_1453, %broadcast_in_dim3A_1455, %select_n3A_1424 : vector<256x64xi1>, vector<256x64xi32>
    %jit3A_1457 = arith.constant 0xFF800000 : f32
    %broadcast_in_dim3A_1458 = vector.broadcast %jit3A_1457 : f32 to vector<256x256xf32>
    %select_n3A_1459 = arith.select %or3A_1444, %broadcast_in_dim3A_1458, %select_n3A : vector<256x256xi1>, vector<256x256xf32>
    %reduce_max3A_1460 = arith.constant dense<0xFF800000> : vector<256xf32>
    %reduce_max3A_1461 = vector.multi_reduction <maximumf>, %select_n3A_1459, %reduce_max3A_1460 [1] : vector<256x256xf32> to vector<256xf32>
    %broadcast_in_dim3A_1462 = vector.shape_cast %reduce_max3A_1461 : vector<256xf32> to vector<256x1xf32>
    %eq3A_1463 = vector.broadcast %broadcast_in_dim3A_1462 : vector<256x1xf32> to vector<256x256xf32>
    %eq3A_1464 = arith.cmpf oeq, %select_n3A_1459, %eq3A_1463 : vector<256x256xf32>
    %not3A_1465 = arith.constant dense<true> : vector<256x256xi1>
    %not3A_1466 = arith.xori %or3A_1444, %not3A_1465 : vector<256x256xi1>
    %and3A_1467 = arith.andi %eq3A_1464, %not3A_1466 : vector<256x256xi1>
    %jit3A_1468 = arith.constant 1073741824 : i32
    %broadcast_in_dim3A_1469 = vector.broadcast %jit3A_1468 : i32 to vector<256x256xi32>
    %select_n3A_1470 = arith.select %and3A_1467, %iota3A_15, %broadcast_in_dim3A_1469 : vector<256x256xi1>, vector<256x256xi32>
    %reduce_min3A_1471 = arith.constant dense<2147483647> : vector<256xi32>
    %reduce_min3A_1472 = vector.multi_reduction <minsi>, %select_n3A_1470, %reduce_min3A_1471 [1] : vector<256x256xi32> to vector<256xi32>
    %broadcast_in_dim3A_1473 = vector.shape_cast %reduce_min3A_1472 : vector<256xi32> to vector<256x1xi32>
    %eq3A_1474 = vector.broadcast %broadcast_in_dim3A_1473 : vector<256x1xi32> to vector<256x256xi32>
    %eq3A_1475 = arith.cmpi eq, %iota3A_15, %eq3A_1474 : vector<256x256xi32>
    %or3A_1476 = arith.ori %or3A_1444, %eq3A_1475 : vector<256x256xi1>
    %eq3A_1477 = arith.constant 45 : i32
    %eq3A_1478 = vector.broadcast %eq3A_1477 : i32 to vector<256x64xi32>
    %eq3A_1479 = arith.cmpi eq, %iota3A_16, %eq3A_1478 : vector<256x64xi32>
    %broadcast_in_dim3A_1480 = vector.shape_cast %broadcast_in_dim3A_1462 : vector<256x1xf32> to vector<256x1xf32>
    %broadcast_in_dim3A_1481 = vector.broadcast %broadcast_in_dim3A_1480 : vector<256x1xf32> to vector<256x64xf32>
    %select_n3A_1482 = arith.select %eq3A_1479, %broadcast_in_dim3A_1481, %select_n3A_1450 : vector<256x64xi1>, vector<256x64xf32>
    %eq3A_1483 = arith.constant 45 : i32
    %eq3A_1484 = vector.broadcast %eq3A_1483 : i32 to vector<256x64xi32>
    %eq3A_1485 = arith.cmpi eq, %iota3A_16, %eq3A_1484 : vector<256x64xi32>
    %broadcast_in_dim3A_1486 = vector.shape_cast %broadcast_in_dim3A_1473 : vector<256x1xi32> to vector<256x1xi32>
    %broadcast_in_dim3A_1487 = vector.broadcast %broadcast_in_dim3A_1486 : vector<256x1xi32> to vector<256x64xi32>
    %select_n3A_1488 = arith.select %eq3A_1485, %broadcast_in_dim3A_1487, %select_n3A_1456 : vector<256x64xi1>, vector<256x64xi32>
    %jit3A_1489 = arith.constant 0xFF800000 : f32
    %broadcast_in_dim3A_1490 = vector.broadcast %jit3A_1489 : f32 to vector<256x256xf32>
    %select_n3A_1491 = arith.select %or3A_1476, %broadcast_in_dim3A_1490, %select_n3A : vector<256x256xi1>, vector<256x256xf32>
    %reduce_max3A_1492 = arith.constant dense<0xFF800000> : vector<256xf32>
    %reduce_max3A_1493 = vector.multi_reduction <maximumf>, %select_n3A_1491, %reduce_max3A_1492 [1] : vector<256x256xf32> to vector<256xf32>
    %broadcast_in_dim3A_1494 = vector.shape_cast %reduce_max3A_1493 : vector<256xf32> to vector<256x1xf32>
    %eq3A_1495 = vector.broadcast %broadcast_in_dim3A_1494 : vector<256x1xf32> to vector<256x256xf32>
    %eq3A_1496 = arith.cmpf oeq, %select_n3A_1491, %eq3A_1495 : vector<256x256xf32>
    %not3A_1497 = arith.constant dense<true> : vector<256x256xi1>
    %not3A_1498 = arith.xori %or3A_1476, %not3A_1497 : vector<256x256xi1>
    %and3A_1499 = arith.andi %eq3A_1496, %not3A_1498 : vector<256x256xi1>
    %jit3A_1500 = arith.constant 1073741824 : i32
    %broadcast_in_dim3A_1501 = vector.broadcast %jit3A_1500 : i32 to vector<256x256xi32>
    %select_n3A_1502 = arith.select %and3A_1499, %iota3A_15, %broadcast_in_dim3A_1501 : vector<256x256xi1>, vector<256x256xi32>
    %reduce_min3A_1503 = arith.constant dense<2147483647> : vector<256xi32>
    %reduce_min3A_1504 = vector.multi_reduction <minsi>, %select_n3A_1502, %reduce_min3A_1503 [1] : vector<256x256xi32> to vector<256xi32>
    %broadcast_in_dim3A_1505 = vector.shape_cast %reduce_min3A_1504 : vector<256xi32> to vector<256x1xi32>
    %eq3A_1506 = vector.broadcast %broadcast_in_dim3A_1505 : vector<256x1xi32> to vector<256x256xi32>
    %eq3A_1507 = arith.cmpi eq, %iota3A_15, %eq3A_1506 : vector<256x256xi32>
    %or3A_1508 = arith.ori %or3A_1476, %eq3A_1507 : vector<256x256xi1>
    %eq3A_1509 = arith.constant 46 : i32
    %eq3A_1510 = vector.broadcast %eq3A_1509 : i32 to vector<256x64xi32>
    %eq3A_1511 = arith.cmpi eq, %iota3A_16, %eq3A_1510 : vector<256x64xi32>
    %broadcast_in_dim3A_1512 = vector.shape_cast %broadcast_in_dim3A_1494 : vector<256x1xf32> to vector<256x1xf32>
    %broadcast_in_dim3A_1513 = vector.broadcast %broadcast_in_dim3A_1512 : vector<256x1xf32> to vector<256x64xf32>
    %select_n3A_1514 = arith.select %eq3A_1511, %broadcast_in_dim3A_1513, %select_n3A_1482 : vector<256x64xi1>, vector<256x64xf32>
    %eq3A_1515 = arith.constant 46 : i32
    %eq3A_1516 = vector.broadcast %eq3A_1515 : i32 to vector<256x64xi32>
    %eq3A_1517 = arith.cmpi eq, %iota3A_16, %eq3A_1516 : vector<256x64xi32>
    %broadcast_in_dim3A_1518 = vector.shape_cast %broadcast_in_dim3A_1505 : vector<256x1xi32> to vector<256x1xi32>
    %broadcast_in_dim3A_1519 = vector.broadcast %broadcast_in_dim3A_1518 : vector<256x1xi32> to vector<256x64xi32>
    %select_n3A_1520 = arith.select %eq3A_1517, %broadcast_in_dim3A_1519, %select_n3A_1488 : vector<256x64xi1>, vector<256x64xi32>
    %jit3A_1521 = arith.constant 0xFF800000 : f32
    %broadcast_in_dim3A_1522 = vector.broadcast %jit3A_1521 : f32 to vector<256x256xf32>
    %select_n3A_1523 = arith.select %or3A_1508, %broadcast_in_dim3A_1522, %select_n3A : vector<256x256xi1>, vector<256x256xf32>
    %reduce_max3A_1524 = arith.constant dense<0xFF800000> : vector<256xf32>
    %reduce_max3A_1525 = vector.multi_reduction <maximumf>, %select_n3A_1523, %reduce_max3A_1524 [1] : vector<256x256xf32> to vector<256xf32>
    %broadcast_in_dim3A_1526 = vector.shape_cast %reduce_max3A_1525 : vector<256xf32> to vector<256x1xf32>
    %eq3A_1527 = vector.broadcast %broadcast_in_dim3A_1526 : vector<256x1xf32> to vector<256x256xf32>
    %eq3A_1528 = arith.cmpf oeq, %select_n3A_1523, %eq3A_1527 : vector<256x256xf32>
    %not3A_1529 = arith.constant dense<true> : vector<256x256xi1>
    %not3A_1530 = arith.xori %or3A_1508, %not3A_1529 : vector<256x256xi1>
    %and3A_1531 = arith.andi %eq3A_1528, %not3A_1530 : vector<256x256xi1>
    %jit3A_1532 = arith.constant 1073741824 : i32
    %broadcast_in_dim3A_1533 = vector.broadcast %jit3A_1532 : i32 to vector<256x256xi32>
    %select_n3A_1534 = arith.select %and3A_1531, %iota3A_15, %broadcast_in_dim3A_1533 : vector<256x256xi1>, vector<256x256xi32>
    %reduce_min3A_1535 = arith.constant dense<2147483647> : vector<256xi32>
    %reduce_min3A_1536 = vector.multi_reduction <minsi>, %select_n3A_1534, %reduce_min3A_1535 [1] : vector<256x256xi32> to vector<256xi32>
    %broadcast_in_dim3A_1537 = vector.shape_cast %reduce_min3A_1536 : vector<256xi32> to vector<256x1xi32>
    %eq3A_1538 = vector.broadcast %broadcast_in_dim3A_1537 : vector<256x1xi32> to vector<256x256xi32>
    %eq3A_1539 = arith.cmpi eq, %iota3A_15, %eq3A_1538 : vector<256x256xi32>
    %or3A_1540 = arith.ori %or3A_1508, %eq3A_1539 : vector<256x256xi1>
    %eq3A_1541 = arith.constant 47 : i32
    %eq3A_1542 = vector.broadcast %eq3A_1541 : i32 to vector<256x64xi32>
    %eq3A_1543 = arith.cmpi eq, %iota3A_16, %eq3A_1542 : vector<256x64xi32>
    %broadcast_in_dim3A_1544 = vector.shape_cast %broadcast_in_dim3A_1526 : vector<256x1xf32> to vector<256x1xf32>
    %broadcast_in_dim3A_1545 = vector.broadcast %broadcast_in_dim3A_1544 : vector<256x1xf32> to vector<256x64xf32>
    %select_n3A_1546 = arith.select %eq3A_1543, %broadcast_in_dim3A_1545, %select_n3A_1514 : vector<256x64xi1>, vector<256x64xf32>
    %eq3A_1547 = arith.constant 47 : i32
    %eq3A_1548 = vector.broadcast %eq3A_1547 : i32 to vector<256x64xi32>
    %eq3A_1549 = arith.cmpi eq, %iota3A_16, %eq3A_1548 : vector<256x64xi32>
    %broadcast_in_dim3A_1550 = vector.shape_cast %broadcast_in_dim3A_1537 : vector<256x1xi32> to vector<256x1xi32>
    %broadcast_in_dim3A_1551 = vector.broadcast %broadcast_in_dim3A_1550 : vector<256x1xi32> to vector<256x64xi32>
    %select_n3A_1552 = arith.select %eq3A_1549, %broadcast_in_dim3A_1551, %select_n3A_1520 : vector<256x64xi1>, vector<256x64xi32>
    %jit3A_1553 = arith.constant 0xFF800000 : f32
    %broadcast_in_dim3A_1554 = vector.broadcast %jit3A_1553 : f32 to vector<256x256xf32>
    %select_n3A_1555 = arith.select %or3A_1540, %broadcast_in_dim3A_1554, %select_n3A : vector<256x256xi1>, vector<256x256xf32>
    %reduce_max3A_1556 = arith.constant dense<0xFF800000> : vector<256xf32>
    %reduce_max3A_1557 = vector.multi_reduction <maximumf>, %select_n3A_1555, %reduce_max3A_1556 [1] : vector<256x256xf32> to vector<256xf32>
    %broadcast_in_dim3A_1558 = vector.shape_cast %reduce_max3A_1557 : vector<256xf32> to vector<256x1xf32>
    %eq3A_1559 = vector.broadcast %broadcast_in_dim3A_1558 : vector<256x1xf32> to vector<256x256xf32>
    %eq3A_1560 = arith.cmpf oeq, %select_n3A_1555, %eq3A_1559 : vector<256x256xf32>
    %not3A_1561 = arith.constant dense<true> : vector<256x256xi1>
    %not3A_1562 = arith.xori %or3A_1540, %not3A_1561 : vector<256x256xi1>
    %and3A_1563 = arith.andi %eq3A_1560, %not3A_1562 : vector<256x256xi1>
    %jit3A_1564 = arith.constant 1073741824 : i32
    %broadcast_in_dim3A_1565 = vector.broadcast %jit3A_1564 : i32 to vector<256x256xi32>
    %select_n3A_1566 = arith.select %and3A_1563, %iota3A_15, %broadcast_in_dim3A_1565 : vector<256x256xi1>, vector<256x256xi32>
    %reduce_min3A_1567 = arith.constant dense<2147483647> : vector<256xi32>
    %reduce_min3A_1568 = vector.multi_reduction <minsi>, %select_n3A_1566, %reduce_min3A_1567 [1] : vector<256x256xi32> to vector<256xi32>
    %broadcast_in_dim3A_1569 = vector.shape_cast %reduce_min3A_1568 : vector<256xi32> to vector<256x1xi32>
    %eq3A_1570 = vector.broadcast %broadcast_in_dim3A_1569 : vector<256x1xi32> to vector<256x256xi32>
    %eq3A_1571 = arith.cmpi eq, %iota3A_15, %eq3A_1570 : vector<256x256xi32>
    %or3A_1572 = arith.ori %or3A_1540, %eq3A_1571 : vector<256x256xi1>
    %eq3A_1573 = arith.constant 48 : i32
    %eq3A_1574 = vector.broadcast %eq3A_1573 : i32 to vector<256x64xi32>
    %eq3A_1575 = arith.cmpi eq, %iota3A_16, %eq3A_1574 : vector<256x64xi32>
    %broadcast_in_dim3A_1576 = vector.shape_cast %broadcast_in_dim3A_1558 : vector<256x1xf32> to vector<256x1xf32>
    %broadcast_in_dim3A_1577 = vector.broadcast %broadcast_in_dim3A_1576 : vector<256x1xf32> to vector<256x64xf32>
    %select_n3A_1578 = arith.select %eq3A_1575, %broadcast_in_dim3A_1577, %select_n3A_1546 : vector<256x64xi1>, vector<256x64xf32>
    %eq3A_1579 = arith.constant 48 : i32
    %eq3A_1580 = vector.broadcast %eq3A_1579 : i32 to vector<256x64xi32>
    %eq3A_1581 = arith.cmpi eq, %iota3A_16, %eq3A_1580 : vector<256x64xi32>
    %broadcast_in_dim3A_1582 = vector.shape_cast %broadcast_in_dim3A_1569 : vector<256x1xi32> to vector<256x1xi32>
    %broadcast_in_dim3A_1583 = vector.broadcast %broadcast_in_dim3A_1582 : vector<256x1xi32> to vector<256x64xi32>
    %select_n3A_1584 = arith.select %eq3A_1581, %broadcast_in_dim3A_1583, %select_n3A_1552 : vector<256x64xi1>, vector<256x64xi32>
    %jit3A_1585 = arith.constant 0xFF800000 : f32
    %broadcast_in_dim3A_1586 = vector.broadcast %jit3A_1585 : f32 to vector<256x256xf32>
    %select_n3A_1587 = arith.select %or3A_1572, %broadcast_in_dim3A_1586, %select_n3A : vector<256x256xi1>, vector<256x256xf32>
    %reduce_max3A_1588 = arith.constant dense<0xFF800000> : vector<256xf32>
    %reduce_max3A_1589 = vector.multi_reduction <maximumf>, %select_n3A_1587, %reduce_max3A_1588 [1] : vector<256x256xf32> to vector<256xf32>
    %broadcast_in_dim3A_1590 = vector.shape_cast %reduce_max3A_1589 : vector<256xf32> to vector<256x1xf32>
    %eq3A_1591 = vector.broadcast %broadcast_in_dim3A_1590 : vector<256x1xf32> to vector<256x256xf32>
    %eq3A_1592 = arith.cmpf oeq, %select_n3A_1587, %eq3A_1591 : vector<256x256xf32>
    %not3A_1593 = arith.constant dense<true> : vector<256x256xi1>
    %not3A_1594 = arith.xori %or3A_1572, %not3A_1593 : vector<256x256xi1>
    %and3A_1595 = arith.andi %eq3A_1592, %not3A_1594 : vector<256x256xi1>
    %jit3A_1596 = arith.constant 1073741824 : i32
    %broadcast_in_dim3A_1597 = vector.broadcast %jit3A_1596 : i32 to vector<256x256xi32>
    %select_n3A_1598 = arith.select %and3A_1595, %iota3A_15, %broadcast_in_dim3A_1597 : vector<256x256xi1>, vector<256x256xi32>
    %reduce_min3A_1599 = arith.constant dense<2147483647> : vector<256xi32>
    %reduce_min3A_1600 = vector.multi_reduction <minsi>, %select_n3A_1598, %reduce_min3A_1599 [1] : vector<256x256xi32> to vector<256xi32>
    %broadcast_in_dim3A_1601 = vector.shape_cast %reduce_min3A_1600 : vector<256xi32> to vector<256x1xi32>
    %eq3A_1602 = arith.constant 49 : i32
    %eq3A_1603 = vector.broadcast %eq3A_1602 : i32 to vector<256x64xi32>
    %eq3A_1604 = arith.cmpi eq, %iota3A_16, %eq3A_1603 : vector<256x64xi32>
    %broadcast_in_dim3A_1605 = vector.shape_cast %broadcast_in_dim3A_1590 : vector<256x1xf32> to vector<256x1xf32>
    %broadcast_in_dim3A_1606 = vector.broadcast %broadcast_in_dim3A_1605 : vector<256x1xf32> to vector<256x64xf32>
    %select_n3A_1607 = arith.select %eq3A_1604, %broadcast_in_dim3A_1606, %select_n3A_1578 : vector<256x64xi1>, vector<256x64xf32>
    %eq3A_1608 = arith.constant 49 : i32
    %eq3A_1609 = vector.broadcast %eq3A_1608 : i32 to vector<256x64xi32>
    %eq3A_1610 = arith.cmpi eq, %iota3A_16, %eq3A_1609 : vector<256x64xi32>
    %broadcast_in_dim3A_1611 = vector.shape_cast %broadcast_in_dim3A_1601 : vector<256x1xi32> to vector<256x1xi32>
    %broadcast_in_dim3A_1612 = vector.broadcast %broadcast_in_dim3A_1611 : vector<256x1xi32> to vector<256x64xi32>
    %select_n3A_1613 = arith.select %eq3A_1610, %broadcast_in_dim3A_1612, %select_n3A_1584 : vector<256x64xi1>, vector<256x64xi32>
    %get3A_1614 = arith.constant 0 : index
    %get3A_1615 = arith.constant 0 : index
    %get3A_1616 = vector.load %arg4[%get3A_1614, %get3A_1615] : memref<256x1xf32, #tpu.memory_space<vmem>>, vector<256x1xf32>
    %eq3A_1617 = arith.constant 0xFF800000 : f32
    %eq3A_1618 = vector.broadcast %eq3A_1617 : f32 to vector<256x64xf32>
    %eq3A_1619 = arith.cmpf oeq, %select_n3A_1607, %eq3A_1618 : vector<256x64xf32>
    %add3A_1620 = vector.broadcast %get3A_1616 : vector<256x1xf32> to vector<256x64xf32>
    %add3A_1621 = arith.addf %select_n3A_1607, %add3A_1620 : vector<256x64xf32>
    %jit3A_1622 = arith.constant 0xFF800000 : f32
    %broadcast_in_dim3A_1623 = vector.broadcast %jit3A_1622 : f32 to vector<256x64xf32>
    %select_n3A_1624 = arith.select %eq3A_1619, %broadcast_in_dim3A_1623, %add3A_1621 : vector<256x64xi1>, vector<256x64xf32>
    %get3A_1625 = arith.constant 0 : index
    %get3A_1626 = memref.load %arg5[%get3A_1625] : memref<1xi32, #tpu.memory_space<smem>>
    %lt3A_1627 = vector.broadcast %get3A_1626 : i32 to vector<256x64xi32>
    %lt3A_1628 = arith.cmpi slt, %iota3A_16, %lt3A_1627 : vector<256x64xi32>
    %jit3A_1629 = arith.constant 0xFF800000 : f32
    %broadcast_in_dim3A_1630 = vector.broadcast %jit3A_1629 : f32 to vector<256x64xf32>
    %select_n3A_1631 = arith.select %lt3A_1628, %select_n3A_1624, %broadcast_in_dim3A_1630 : vector<256x64xi1>, vector<256x64xf32>
    %iota3A_1632 = tpu.iota {dimensions = array<i32: 0>} : vector<256x64xi32>
    %swap3A = arith.constant 0 : index
    %swap3A_1633 = arith.constant 0 : index
    %swap3A_1634 = vector.load %arg6[%swap3A, %swap3A_1633] : memref<256x64xf32, #tpu.memory_space<vmem>>, vector<256x64xf32>
    tpu.vector_store %arg6[%swap3A, %swap3A_1633], %select_n3A_1631 {strides = array<i32>} : memref<256x64xf32, #tpu.memory_space<vmem>>, vector<256x64xf32>,
    %swap3A_1635 = arith.constant 0 : index
    %swap3A_1636 = arith.constant 0 : index
    %swap3A_1637 = vector.load %arg7[%swap3A_1635, %swap3A_1636] : memref<256x64xi32, #tpu.memory_space<vmem>>, vector<256x64xi32>
    tpu.vector_store %arg7[%swap3A_1635, %swap3A_1636], %select_n3A_1613 {strides = array<i32>} : memref<256x64xi32, #tpu.memory_space<vmem>>, vector<256x64xi32>,
    %sub3A = arith.subi %iota3A_1632, %select_n3A_1613 : vector<256x64xi32>
    %swap3A_1638 = arith.constant 0 : index
    %swap3A_1639 = arith.constant 0 : index
    %swap3A_1640 = vector.load %arg8[%swap3A_1638, %swap3A_1639] : memref<256x64xi32, #tpu.memory_space<vmem>>, vector<256x64xi32>
    tpu.vector_store %arg8[%swap3A_1638, %swap3A_1639], %sub3A {strides = array<i32>} : memref<256x64xi32, #tpu.memory_space<vmem>>, vector<256x64xi32>,
    return
  }
}

</mosaic_0001>

<sc_bundles>
// kernel: kernel.6.cloned.1.call-start
scs
__scs_entry_jumppad:
0x0: {  	(pc) =	sbr.rel $0x88, $3  }
0x1: {  	(tag) =	ssettag $0x0;
	lr =	simm.s32 $0x1  }
0x2: {  	[smem:$0x3F96] =	sst lr;
	_ =	strace $0xD0000000  }
0x3: {  	_ = 	snop  }
0x4: {  	_ = 	snop  }
0x5: {  	_ = 	snop  }
0x6: {  	_ = 	snop  }
0x7: {  	_ = 	snop  }
__scs_overlays_trampoline_lowered:
0x8: {  	[smem:$0x3FA5] =	sst s0  }
0x9: {  	[smem:$0x3FA6] =	sst s1  }
0xa: {  	[smem:$0x3FA7] =	sst s2  }
0xb: {  	[smem:$0x3FA8] =	sst s3  }
0xc: {  	[smem:$0x3FA9] =	sst s4  }
0xd: {  	[smem:$0x3FAA] =	sst s5  }
0xe: {  	[smem:$0x3FAB] =	sst s6  }
0xf: {  	[smem:$0x3FAC] =	sst s7  }
0x10: {  	[smem:$0x3FAD] =	sst s8  }
0x11: {  	[smem:$0x3FAE] =	sst s9;
	s0 =	simm.s32 @!p0 $0x0  }
0x12: {  	s1 =	sld [smem:$0x3F94];
	s0 =	simm.s32 @p0 $0x1  }
0x13: {  	[smem:$0x3FAF] =	sst s0;
	s0 =	simm.s32 @!p1 $0x0  }
0x14: {  	s2 =	sld [smem:$0x3F93];
	s0 =	simm.s32 @p1 $0x1  }
0x15: {  	[smem:$0x3FB0] =	sst s0;
	s0 =	simm.s32 @!p2 $0x0  }
0x16: {  	s3 =	sld [smem:$0x3FDB];
	s0 =	simm.s32 @p2 $0x1  }
0x17: {  	s4 =	simm.s32 $0x1BF5;
	[smem:$0x3FB2] =	sst s0  }
0x18: {  	s0 =	sld [smem:$0x3F95];
	_ =	swait.ge [sflag:s4], $0x0  }
0x19: {  	s7 =	sld [smem:$0x3F96]  }
0x1a: {  	s8 =	sadd.s32 $0xFFFFE003, lr  }
0x1b: {  	s9 =	sadd.s32 $0xFFFFFEF7, lr;
	s5 =	simm.s32 $0xFFFFFFFF;
	p2 =	slt.u32 s8, $0xFFFFF086  }
0x1c: {  	p1 =	slt.u32 s9, $0xF7A;
	s5 =	simm.s32 @!p2 $0x0  }
0x1d: {  	s5 =	simm.s32 @p1 $0x1;
	p0 =	seq.s32 s7, s2  }
0x1e: {  	s7 =	smul.u32 @!p0 $0xF7A, s2;
	p2 =	seq.s32 @!p0 s5, $0x0  }
0x1f: {  	s9 =	smul.u32 $0xF7A, s1;
	s8 =	simm.s32 @!p0 $0x1BF5;
	p2 =	por !p2, p0  }
0x20: {  	[sflag:s8] =	ssyncset.s32 @!p0 $0xFFFFF086;
	s6 =	sadd.s32 @!p0 s3, s7;
	s7 =	simm.s32 @!p0 $0x108  }
0x21: {  	s3 =	sadd.s32 s3, s9;
	s6 =	sadd.s32 @!p0 $0x88, s6;
	s7 =	simm.s32 @p2 $0x1082  }
0x22: {  	[simem:s7], [sflag:s8] =	dma.local @!p0 [hbm:s6], $0xF7A  }
0x23: {  	s9 =	sor.u32 $0xD0000000, s2;
	s6 =	simm.s32 $0x108;
	_ =	swait.ge @!p0 [sflag:s8], $0x0  }
0x24: {  	s3 =	sadd.s32 $0x88, s3;
	s6 =	simm.s32 @!p1 $0x1082;
	[sflag:s4] =	ssyncset.s32 $0xFFFFF086  }
0x25: {  	[simem:s6], [sflag:s4] =	dma.local [hbm:s3], $0xF7A  }
0x26: {  	[smem:$0x3F96] =	sst s1;
	(tag) =	ssettag s2;
	_ =	strace s9  }
0x27: {  	s1 =	sld [smem:$0x3FA6]  }
0x28: {  	s2 =	sld [smem:$0x3FA7]  }
0x29: {  	s4 =	sld [smem:$0x3FA9]  }
0x2a: {  	p0 =	seq.s32 s5, $0x0;
	s5 =	sld [smem:$0x3FAA]  }
0x2b: {  	s6 =	sld [smem:$0x3FAB]  }
0x2c: {  	s7 =	sld [smem:$0x3FAC]  }
0x2d: {  	s3 =	simm.s32 $0x108;
	s8 =	sld [smem:$0x3FAD]  }
0x2e: {  	s3 =	simm.s32 @!p0 $0x1082;
	s9 =	sld [smem:$0x3FAE]  }
0x2f: {  	lr =	sadd.s32 s0, s3;
	s0 =	sld [smem:$0x3FA5]  }
0x30: {  	s3 =	sld [smem:$0x3FA8]  }
0x31: {  	[smem:$0x3FB1] =	sst s10  }
0x32: {  	s10 =	sld [smem:$0x3FAF];
	_ =	sdelay $0x3  }
0x33: {  	p0 =	seq.s32 s10, $0x1;
	s10 =	sld [smem:$0x3FB1];
	_ =	sdelay $0x3  }
0x34: {  	[smem:$0x3FB1] =	sst s10  }
0x35: {  	s10 =	sld [smem:$0x3FB0];
	_ =	sdelay $0x3  }
0x36: {  	p1 =	seq.s32 s10, $0x1;
	s10 =	sld [smem:$0x3FB1];
	_ =	sdelay $0x3  }
0x37: {  	[smem:$0x3FB1] =	sst s10  }
0x38: {  	s10 =	sld [smem:$0x3FB2]  }
0x39: {  	_ = 	snop;
	(pc) =	sbr.ind lr, $3  }
0x3a: {  	_ = 	snop  }
0x3b: {  	_ = 	snop  }
0x3c: {  	p2 =	seq.s32 s10, $0x1;
	s10 =	sld [smem:$0x3FB1]  }
0x3d: {  	_ =	shalt  }
0x3e: {  	_ =	shalt  }
0x3f: {  	_ =	shalt  }
0x40: {  	_ =	shalt  }
0x41: {  	_ =	shalt  }
0x42: {  	_ =	shalt  }
0x43: {  	_ =	shalt  }
0x44: {  	_ =	shalt  }
0x45: {  	_ =	shalt  }
0x46: {  	_ =	shalt  }
0x47: {  	_ =	shalt  }
0x48: {  	_ =	shalt  }
0x49: {  	_ =	shalt  }
0x4a: {  	_ =	shalt  }
0x4b: {  	_ =	shalt  }
0x4c: {  	_ =	shalt  }
0x4d: {  	_ =	shalt  }
0x4e: {  	_ =	shalt  }
0x4f: {  	_ =	shalt  }
0x50: {  	_ =	shalt  }
0x51: {  	_ =	shalt  }
0x52: {  	_ =	shalt  }
0x53: {  	_ =	shalt  }
0x54: {  	_ =	shalt  }
0x55: {  	_ =	shalt  }
0x56: {  	_ =	shalt  }
0x57: {  	_ =	shalt  }
0x58: {  	_ =	shalt  }
0x59: {  	_ =	shalt  }
0x5a: {  	_ =	shalt  }
0x5b: {  	_ =	shalt  }
0x5c: {  	_ =	shalt  }
0x5d: {  	_ =	shalt  }
0x5e: {  	_ =	shalt  }
0x5f: {  	_ =	shalt  }
0x60: {  	_ =	shalt  }
0x61: {  	_ =	shalt  }
0x62: {  	_ =	shalt  }
0x63: {  	_ =	shalt  }
0x64: {  	_ =	shalt  }
0x65: {  	_ =	shalt  }
0x66: {  	_ =	shalt  }
0x67: {  	_ =	shalt  }
0x68: {  	_ =	shalt  }
0x69: {  	_ =	shalt  }
0x6a: {  	_ =	shalt  }
0x6b: {  	_ =	shalt  }
0x6c: {  	_ =	shalt  }
0x6d: {  	_ =	shalt  }
0x6e: {  	_ =	shalt  }
0x6f: {  	_ =	shalt  }
0x70: {  	_ =	shalt  }
0x71: {  	_ =	shalt  }
0x72: {  	_ =	shalt  }
0x73: {  	_ =	shalt  }
0x74: {  	_ =	shalt  }
0x75: {  	_ =	shalt  }
0x76: {  	_ =	shalt  }
0x77: {  	_ =	shalt  }
0x78: {  	_ =	shalt  }
0x79: {  	_ =	shalt  }
0x7a: {  	_ =	shalt  }
0x7b: {  	_ =	shalt  }
0x7c: {  	_ =	shalt  }
0x7d: {  	_ =	shalt  }
0x7e: {  	_ =	shalt  }
0x7f: {  	_ =	shalt  }
0x80: {  	_ =	shalt  }
0x81: {  	_ =	shalt  }
0x82: {  	_ =	shalt  }
0x83: {  	_ =	shalt  }
0x84: {  	_ =	shalt  }
0x85: {  	_ =	shalt  }
0x86: {  	_ =	shalt  }
0x87: {  	_ =	shalt  }
.Lfunc_end0:
.L_simem_size_0:
called_computation_lowered:
.L_overlay_start_0:
0x88: {  	s2 =	sld [smem:$0x3FD9]  }
0x89: {  	s3 =	sld [smem:$0x3FFE];
	_ =	sdelay $0x1  }
0x8a: {  	s1 =	srdreg.scid  }
0x8b: {  	s0 =	sand.u32 $0x1, s1  }
0x8c: {  	s16 =	sshll.u32 s0, $0xA;
	s2 =	sadd.s32 s3, s2  }
0x8d: {  	s2 =	sadd.s32 s2, s16  }
0x8e: {  	[smem:$0x3FBD] =	sst s2  }
0x8f: {  	_ = 	snop  }
0x90: {  	(tm) =	ssettm $0x1  }
0x91: {  	s17 =	sld [smem:$0x3FFB];
	_ =	sdelay $0x3  }
0x92: {  	_ =	strace s17  }
0x93: {  	s2 =	sld [smem:$0x3FFC];
	_ =	sdelay $0x3  }
0x94: {  	_ =	strace s2  }
0x95: {  	s2 =	sld [smem:$0x3FFD];
	_ =	sdelay $0x3  }
0x96: {  	_ =	strace s2  }
0x97: {  	_ =	strace $0x8FFFFFFF  }
0x98: {  	s18 =	sld [smem:$0x3FDB];
	_ =	sdelay $0x1  }
0x99: {  	s19 =	simm.s32 $_scs_section_size  }
0x9a: {  	s4 =	simm.s32 $_size__tile_overlayer_lowered;
	s5 =	simm.s32 $_tile_overlayer_lowered  }
0x9b: {  	s22 =	simm.s32 $0x1BFF;
	s21 =	sshll.u32 s5, $0x1;
	s2 =	sadd.s32 s19, s18  }
0x9c: {  	s6 =	simm.s32 $0x0;
	s20 =	sshll.u32 s4, $0x1;
	s4 =	sadd.s32 s21, s2  }
0x9d: {  	[timem:s6], [sflag:s22] =	dma.local [hbm:s4], s20  }
0x9e: {  	_ =	swait.ge [sflag:s22], s20  }
0x9f: {  	s3 =	ssub.s32 $0x0, s20;
	[sflag:s22] =	ssyncset.done $0x0  }
0xa0: {  	[sflag:s22] =	ssyncadd.s32 s3;
	_ =	sdelay $0x1  }
0xa1: {  	s23 =	simm.s32 $0x1B8B  }
0xa2: {  	_ =	swait.ge [sflag:s23], $0x1  }
0xa3: {  	[sflag:s23] =	ssyncset.done $0x0  }
0xa4: {  	s25 =	simm.s32 $0x1B8E;
	s24 =	sld [smem:$0x3FFE];
	[sflag:s23] =	ssyncadd.s32 $0xFFFFFFFF  }
0xa5: {  	s26 =	simm.s32 $execute0_lowered;
	[smem:$0x3FD2] =	sst s25  }
0xa6: {  	s4 =	sshll.u32 s26, $0x1;
	_ =	strace $0x80000046;
	[dreg:$0x1] =	wrdreg $0xFFFFFFFF  }
0xa7: {  	s28 =	simm.s32 $_size_execute0_lowered;
	s2 =	sadd.s32 s2, s4;
	[dreg:$0x0] =	wrdreg $0x0  }
0xa8: {  	s4 =	sshll.u32 s28, $0x1;
	[dreg:$0x2] =	wrdreg s2  }
0xa9: {  	[dreg:$0x3] =	wrdreg s4  }
0xaa: {  	[dreg:$0x4] =	wrdreg $0xC0  }
0xab: {  	_ =	task [dreg:s6], $0x5FFFF  }
0xac: {  	[dreg:$0x1] =	wrdreg $0xFFFFFFFF  }
0xad: {  	[dreg:$0x0] =	wrdreg $0x60  }
0xae: {  	[dreg:$0x2] =	wrdreg s24  }
0xaf: {  	[dreg:$0x3] =	wrdreg $0x9  }
0xb0: {  	_ =	task.clear_ibuf [dreg:s6], $0x4FFFF;
	_ =	strace $0x90000046  }
0xb1: {  	s29 =	simm.s32 $0x9;
	_ =	strace $0x80000048  }
0xb2: {  	_ =	swait.ge [sflag:s29], $0x1  }
0xb3: {  	[sflag:s29] =	ssyncadd.s32 $0xFFFFFFFF  }
0xb4: {  	_ =	strace $0x90000048  }
0xb5: {  	_ =	sfence  }
0xb6: {  	s30 =	sld [smem:$0x0];
	_ =	sdelay $0x2  }
0xb7: {  	s31 =	sshll.u32 s1, $0xD;
	s1 =	sshrl.u32 s1, $0x2  }
0xb8: {  	s3 =	sand.u32 $0x4000, s31;
	s1 =	sadd.s32 s1, s30  }
0xb9: {  	s0 =	sor.u32 s3, s0;
	s1 =	sshll.u32 s1, $0x11  }
0xba: {  	s0 =	sor.u32 s1, s0  }
0xbb: {  	s0 =	sadd.s32 $0x8F2B, s0  }
0xbc: {  	[sflag:s0] =	ssyncadd.remote.s32 $0x1  }
0xbd: {  	_ =	sfence.sel $0xFFFF  }
0xbe: {  	[dreg:$0x0] =	wrdreg $0xFFFFFFFF;
	(pc) =	sbr.abs _section_cstart, $3  }
0xbf: {  	[dreg:$0x1] =	wrdreg $0xFFFFFFFF  }
0xc0: {  	_ =	task.clear_ibuf [dreg:s6], $0x2FFFF;
	_ =	strace $0x9FFFFFFF  }
0xc1: {  	(tm) =	ssettm $0x7FFFFFFF  }
tec
execute0_lowered:
.L_overlay_start_1:
0x0: {  	(tag) =	ssettag $0x1  }
0x1: {  	s1 =	srdreg.scid  }
0x2: {  	s0 =	stileid.u32;
	s2 =	rddreg [dreg:$0x0]  }
0x3: {  	s9 =	simm.s32 $0x280;
	s10 =	simm.s32 $0x80;
	s11 =	simm.s32 $0x500  }
0x4: {  	s12 =	simm.s32 $0x780;
	s13 =	simm.s32 $0x580;
	s14 =	simm.s32 $0x800  }
0x5: {  	s15 =	simm.s32 $0x600;
	s16 =	simm.s32 $0x880;
	s17 =	simm.s32 $0x680  }
0x6: {  	s18 =	simm.s32 $0x900;
	s4 =	sand.u32 $0x1, s1;
	s3 =	sshll.u32 s0, $0x1  }
0x7: {  	s19 =	simm.s32 $0x700;
	s20 =	simm.s32 $0x980;
	s5 =	sor.u32 s4, s3  }
0x8: {  	s1 =	rddreg [dreg:$0x1];
	s3 =	simm.s32 $0x0;
	s5 =	smul.u32 $0x50, s5  }
0x9: {  	s21 =	simm.s32 $0x1;
	s4 =	ssub.s32 $0x2, s4;
	[smem:$0x7FF] =	sst s3  }
0xa: {  	s6 =	sshrl.u32 s4, $0x1;
	_ =	strace $0x80000047;
	s7 =	sadd.s32 s5, s2  }
0xb: {  	s8 =	ssub.s32 s4, s6;
	s4 =	sadd.s32 $0x4000, s7;
	s5 =	sadd.s32 $0x4A00, s7  }
0xc: {  	s6 =	sadd.s32 $0x5400, s7;
	s7 =	smax.u32 s8, $0x1;
	s8 =	simm.s32 $0x2  }
.LBB2_1:
0xd: {  	[tilespmem:s3], [sflag:$0x2] =	stream.linear.gather [hbm4b:s4+s3], $0x280, $0x38;
	[tilespmem:$0xA00] =	vst v63  }
0xe: {  	_ =	swait.ge [sflag:s8], $0x280  }
0xf: {  	[sflag:s8] =	ssyncset.done $0x0  }
0x10: {  	[sflag:s8] =	ssyncadd.s32 $0xFFFFFD80  }
0x11: {  	[tilespmem:s9], [sflag:$0x2] =	stream.linear.gather [hbm4b:s5+s3], $0x280, $0x38;
	[tilespmem:$0xA00] =	vst v63  }
0x12: {  	_ =	swait.ge [sflag:s8], $0x280  }
0x13: {  	[sflag:s8] =	ssyncset.done $0x0  }
0x14: {  	[sflag:s8] =	ssyncadd.s32 $0xFFFFFD80  }
0x15: {  	v0 =	vld [tilespmem:$0x0]  }
0x16: {  	v1 =	vld [tilespmem:$0x280]  }
0x17: {  	v2 =	vld [tilespmem:$0x10]  }
0x18: {  	v3 =	vld [tilespmem:$0x290]  }
0x19: {  	v4 =	vld [tilespmem:$0x20]  }
0x1a: {  	v5 =	vld [tilespmem:$0x2A0]  }
0x1b: {  	v6 =	vld [tilespmem:$0x30]  }
0x1c: {  	v7 =	vld [tilespmem:$0x2B0]  }
0x1d: {  	v8 =	vld [tilespmem:$0x40]  }
0x1e: {  	v9 =	vld [tilespmem:$0x2C0]  }
0x1f: {  	v10 =	vld [tilespmem:$0x50]  }
0x20: {  	v11 =	vld [tilespmem:$0x2D0]  }
0x21: {  	v12 =	vld [tilespmem:$0x60]  }
0x22: {  	v13 =	vld [tilespmem:$0x2E0]  }
0x23: {  	v14 =	vld [tilespmem:$0x70]  }
0x24: {  	v15 =	vld [tilespmem:$0x2F0]  }
0x25: {  	v16 =	vld [tilespmem:$0x80]  }
0x26: {  	v17 =	vld [tilespmem:$0x300]  }
0x27: {  	v18 =	vld [tilespmem:$0x90]  }
0x28: {  	v19 =	vld [tilespmem:$0x310]  }
0x29: {  	v20 =	vld [tilespmem:$0xA0]  }
0x2a: {  	v21 =	vld [tilespmem:$0x320]  }
0x2b: {  	v22 =	vld [tilespmem:$0xB0]  }
0x2c: {  	v23 =	vld [tilespmem:$0x330]  }
0x2d: {  	v24 =	vld [tilespmem:$0xC0]  }
0x2e: {  	v25 =	vld [tilespmem:$0x340]  }
0x2f: {  	v26 =	vld [tilespmem:$0xD0]  }
0x30: {  	v27 =	vld [tilespmem:$0x350]  }
0x31: {  	v28 =	vld [tilespmem:$0xE0]  }
0x32: {  	v29 =	vld [tilespmem:$0x360]  }
0x33: {  	v30 =	vld [tilespmem:$0xF0]  }
0x34: {  	v31 =	vld [tilespmem:$0x370]  }
0x35: {  	v32 =	vld [tilespmem:$0x100]  }
0x36: {  	v33 =	vld [tilespmem:$0x380]  }
0x37: {  	v34 =	vld [tilespmem:$0x110]  }
0x38: {  	v35 =	vld [tilespmem:$0x390]  }
0x39: {  	v36 =	vld [tilespmem:$0x120]  }
0x3a: {  	v37 =	vld [tilespmem:$0x3A0]  }
0x3b: {  	v38 =	vld [tilespmem:$0x130]  }
0x3c: {  	v39 =	vld [tilespmem:$0x3B0]  }
0x3d: {  	v40 =	vld [tilespmem:$0x140]  }
0x3e: {  	v41 =	vld [tilespmem:$0x3C0]  }
0x3f: {  	v42 =	vld [tilespmem:$0x150]  }
0x40: {  	v43 =	vld [tilespmem:$0x3D0]  }
0x41: {  	v44 =	vld [tilespmem:$0x160];
	v0 =	vshll.u32 v0, $0x5  }
0x42: {  	v63 =	vld [tilespmem:$0x190];
	v52 =	vshll.u32 v2, $0x5;
	v0 =	vadd.s32 v1, v0  }
0x43: {  	v46 =	vld [tilespmem:$0x470];
	v54 =	vshll.u32 v4, $0x5;
	v53 =	vadd.s32 v3, v52;
	[tilespmem:$0x500] =	vst v0  }
0x44: {  	v49 =	vld [tilespmem:$0x200];
	v56 =	vshll.u32 v6, $0x5;
	v55 =	vadd.s32 v5, v54;
	[tilespmem:$0x510] =	vst v53  }
0x45: {  	v2 =	vld [tilespmem:$0x3E0];
	v58 =	vshll.u32 v8, $0x5;
	v57 =	vadd.s32 v7, v56;
	[tilespmem:$0x520] =	vst v55  }
0x46: {  	v4 =	vld [tilespmem:$0x3F0];
	v60 =	vshll.u32 v10, $0x5;
	v59 =	vadd.s32 v9, v58;
	[tilespmem:$0x530] =	vst v57  }
0x47: {  	v6 =	vld [tilespmem:$0x400];
	v62 =	vshll.u32 v12, $0x5;
	v61 =	vadd.s32 v11, v60;
	[tilespmem:$0x540] =	vst v59  }
0x48: {  	v14 =	vshll.u32 v14, $0x5;
	v8 =	vld [tilespmem:$0x410];
	v13 =	vadd.s32 v13, v62;
	[tilespmem:$0x550] =	vst v61  }
0x49: {  	v16 =	vshll.u32 v16, $0x5;
	v10 =	vld [tilespmem:$0x420];
	v15 =	vadd.s32 v15, v14;
	[tilespmem:$0x560] =	vst v13  }
0x4a: {  	v18 =	vshll.u32 v18, $0x5;
	v12 =	vld [tilespmem:$0x430];
	v17 =	vadd.s32 v17, v16;
	[tilespmem:$0x570] =	vst v15  }
0x4b: {  	v20 =	vshll.u32 v20, $0x5;
	v51 =	vshll.u32 v42, $0x5;
	v42 =	vld [tilespmem:$0x4D0];
	v19 =	vadd.s32 v19, v18;
	[tilespmem:$0x580] =	vst v17  }
0x4c: {  	v22 =	vshll.u32 v22, $0x5;
	v3 =	vld [tilespmem:$0x170];
	v21 =	vadd.s32 v21, v20;
	[tilespmem:$0x590] =	vst v19  }
0x4d: {  	v24 =	vshll.u32 v24, $0x5;
	v5 =	vld [tilespmem:$0x180];
	v23 =	vadd.s32 v23, v22;
	[tilespmem:$0x5A0] =	vst v21  }
0x4e: {  	v26 =	vshll.u32 v26, $0x5;
	v9 =	vld [tilespmem:$0x1A0];
	v25 =	vadd.s32 v25, v24;
	[tilespmem:$0x5B0] =	vst v23  }
0x4f: {  	v28 =	vshll.u32 v28, $0x5;
	v11 =	vld [tilespmem:$0x1B0];
	v27 =	vadd.s32 v27, v26;
	[tilespmem:$0x5C0] =	vst v25  }
0x50: {  	v30 =	vshll.u32 v30, $0x5;
	v14 =	vld [tilespmem:$0x440];
	v29 =	vadd.s32 v29, v28;
	[tilespmem:$0x5D0] =	vst v27  }
0x51: {  	v32 =	vshll.u32 v32, $0x5;
	v16 =	vld [tilespmem:$0x450];
	v31 =	vadd.s32 v31, v30;
	[tilespmem:$0x5E0] =	vst v29  }
0x52: {  	v34 =	vshll.u32 v34, $0x5;
	v33 =	vadd.s32 v33, v32;
	v18 =	vld [tilespmem:$0x460];
	[tilespmem:$0x5F0] =	vst v31  }
0x53: {  	v36 =	vshll.u32 v36, $0x5;
	v35 =	vadd.s32 v35, v34;
	v52 =	vld [tilespmem:$0x480];
	[tilespmem:$0x600] =	vst v33  }
0x54: {  	v45 =	vshll.u32 v38, $0x5;
	v37 =	vadd.s32 v37, v36;
	v58 =	vld [tilespmem:$0x490];
	[tilespmem:$0x610] =	vst v35  }
0x55: {  	v48 =	vshll.u32 v40, $0x5;
	v47 =	vadd.s32 v39, v45;
	v24 =	vld [tilespmem:$0x4A0];
	[tilespmem:$0x620] =	vst v37  }
0x56: {  	v50 =	vadd.s32 v41, v48;
	v30 =	vld [tilespmem:$0x4B0];
	[tilespmem:$0x630] =	vst v47  }
0x57: {  	v54 =	vshll.u32 v44, $0x5;
	v36 =	vld [tilespmem:$0x4C0];
	[tilespmem:$0x640] =	vst v50;
	v53 =	vadd.s32 v43, v51  }
0x58: {  	v63 =	vshll.u32 v63, $0x5;
	v13 =	vld [tilespmem:$0x1C0];
	[tilespmem:$0x650] =	vst v53;
	v56 =	vadd.s32 v2, v54  }
0x59: {  	v15 =	vld [tilespmem:$0x1D0];
	v25 =	vadd.s32 v8, v63;
	v57 =	vshll.u32 v3, $0x5;
	[tilespmem:$0x660] =	vst v56  }
0x5a: {  	v17 =	vld [tilespmem:$0x1E0];
	v60 =	vshll.u32 v5, $0x5;
	[tilespmem:$0x690] =	vst v25;
	v59 =	vadd.s32 v4, v57  }
0x5b: {  	v19 =	vld [tilespmem:$0x1F0];
	v26 =	vshll.u32 v9, $0x5;
	v62 =	vadd.s32 v6, v60;
	[tilespmem:$0x670] =	vst v59  }
0x5c: {  	v39 =	vld [tilespmem:$0x250];
	v29 =	vshll.u32 v11, $0x5;
	v28 =	vadd.s32 v10, v26;
	[tilespmem:$0x680] =	vst v62  }
0x5d: {  	v55 =	vld [tilespmem:$0x210];
	v31 =	vadd.s32 v12, v29;
	v32 =	vshll.u32 v13, $0x5;
	[tilespmem:$0x6A0] =	vst v28  }
0x5e: {  	v61 =	vld [tilespmem:$0x220];
	v35 =	vshll.u32 v15, $0x5;
	[tilespmem:$0x6B0] =	vst v31;
	v34 =	vadd.s32 v14, v32  }
0x5f: {  	v27 =	vld [tilespmem:$0x230];
	v38 =	vshll.u32 v17, $0x5;
	v37 =	vadd.s32 v16, v35;
	[tilespmem:$0x6C0] =	vst v34  }
0x60: {  	v33 =	vld [tilespmem:$0x240];
	v41 =	vshll.u32 v19, $0x5;
	v40 =	vadd.s32 v18, v38;
	[tilespmem:$0x6D0] =	vst v37  }
0x61: {  	v44 =	vshll.u32 v49, $0x5;
	v45 =	vld [tilespmem:$0x260];
	v43 =	vadd.s32 v46, v41;
	[tilespmem:$0x6E0] =	vst v40  }
0x62: {  	v48 =	vld [tilespmem:$0x4E0];
	v47 =	vshll.u32 v55, $0x5;
	v46 =	vadd.s32 v52, v44;
	[tilespmem:$0x6F0] =	vst v43  }
0x63: {  	v51 =	vld [tilespmem:$0x270];
	v50 =	vshll.u32 v61, $0x5;
	v49 =	vadd.s32 v58, v47;
	[tilespmem:$0x700] =	vst v46  }
0x64: {  	v54 =	vld [tilespmem:$0x4F0];
	v53 =	vshll.u32 v27, $0x5;
	v52 =	vadd.s32 v24, v50;
	[tilespmem:$0x710] =	vst v49  }
0x65: {  	v56 =	vshll.u32 v33, $0x5;
	v55 =	vadd.s32 v30, v53;
	[tilespmem:$0x720] =	vst v52  }
0x66: {  	v60 =	vshll.u32 v45, $0x5;
	v57 =	vadd.s32 v36, v56;
	[tilespmem:$0x730] =	vst v55  }
0x67: {  	v58 =	vshll.u32 v39, $0x5;
	v61 =	vadd.s32 v48, v60;
	[tilespmem:$0x740] =	vst v57  }
0x68: {  	v62 =	vshll.u32 v51, $0x5;
	v59 =	vadd.s32 v42, v58;
	[tilespmem:$0x760] =	vst v61  }
0x69: {  	[tilespmem:$0x750] =	vst v59;
	v63 =	vadd.s32 v54, v62  }
0x6a: {  	[tilespmem:$0x770] =	vst v63  }
0x6b: {  	[tilespmem:s12], [sflag:$0x1] =	stream.indirect.gather [hbm4b:s2+s10], $0x1, s11, s10, $0xb8;
	[tilespmem:$0xA00] =	vst v63  }
0x6c: {  	_ = 	snop  }
0x6d: {  	[tilespmem:s14], [sflag:$0x1] =	stream.indirect.gather [hbm4b:s2+s10], $0x1, s13, s10, $0xb8;
	[tilespmem:$0xA00] =	vst v63  }
0x6e: {  	_ = 	snop  }
0x6f: {  	[tilespmem:s16], [sflag:$0x1] =	stream.indirect.gather [hbm4b:s2+s10], $0x1, s15, s10, $0xb8;
	[tilespmem:$0xA00] =	vst v63  }
0x70: {  	_ = 	snop  }
0x71: {  	[tilespmem:s18], [sflag:$0x1] =	stream.indirect.gather [hbm4b:s2+s10], $0x1, s17, s10, $0xb8;
	[tilespmem:$0xA00] =	vst v63  }
0x72: {  	_ = 	snop  }
0x73: {  	[tilespmem:s20], [sflag:$0x1] =	stream.indirect.gather [hbm4b:s2+s10], $0x1, s19, s10, $0xb8;
	[tilespmem:$0xA00] =	vst v63  }
0x74: {  	_ =	swait.ge [sflag:s21], $0x80  }
0x75: {  	[sflag:s21] =	ssyncset.done $0x0  }
0x76: {  	[sflag:s21] =	ssyncadd.s32 $0xFFFFFF80  }
0x77: {  	_ =	swait.ge [sflag:s21], $0x80  }
0x78: {  	[sflag:s21] =	ssyncset.done $0x0  }
0x79: {  	[sflag:s21] =	ssyncadd.s32 $0xFFFFFF80  }
0x7a: {  	_ =	swait.ge [sflag:s21], $0x80  }
0x7b: {  	[sflag:s21] =	ssyncset.done $0x0  }
0x7c: {  	[sflag:s21] =	ssyncadd.s32 $0xFFFFFF80  }
0x7d: {  	_ =	swait.ge [sflag:s21], $0x80  }
0x7e: {  	[sflag:s21] =	ssyncset.done $0x0  }
0x7f: {  	[sflag:s21] =	ssyncadd.s32 $0xFFFFFF80  }
0x80: {  	_ =	swait.ge [sflag:s21], $0x80  }
0x81: {  	p0 =	sne.s32 s7, $0x1;
	[sflag:s21] =	ssyncset.done $0x0  }
.Ltmp0:
0x82: {  	[sflag:s21] =	ssyncadd.s32 $0xFFFFFF80;
	(pc) =	sbr.rel @p0 .LBB2_1-.Ltmp0, $4  }
0x83: {  	[hbm4b:s6+s3] =	stream.linear.scatter [tilespmem:s12], [sflag:$0x2], $0x280, $0x38;
	[tilespmem:$0xA00] =	vst v63  }
0x84: {  	_ =	swait.ge [sflag:s8], $0x280  }
0x85: {  	[sflag:s8] =	ssyncset.done $0x0  }
0x86: {  	s7 =	sadd.s32 $0xFFFFFFFF, s7;
	[sflag:s8] =	ssyncadd.s32 $0xFFFFFD80  }
0x87: {  	_ =	sfence.sel $0x180000  }
0x88: {  	[bflag:$0x0] =	sbarrier.arrive $0xFFFF  }
0x89: {  	p0 =	sne.s32 s0, $0x0;
	_ =	strace $0x90000047  }
0x8a: {  	s0 =	sadd.s32 @!p0 $0x100000, s1;
	[bflag:$0x2] =	sbarrier.arrive $0xFFFF  }
0x8b: {  	[sflag:s0] =	ssyncadd.tile.s32 @!p0 $0x1;
	_ =	shalt  }
.Lfunc_end2:
_tile_overlayer_lowered:
.L_overlay_start_2:
0x8c: {  	(tag) =	ssettag $0x2  }
0x8d: {  	s0 =	rddreg [dreg:$0x0];
	s2 =	stileid.u32  }
0x8e: {  	s1 =	rddreg [dreg:$0x1];
	p0 =	sne.s32 s2, $0x0  }
0x8f: {  	s3 =	rddreg [dreg:$0x2];
	[bflag:$0x3] =	sbarrier.arrive $0xFFFF;
	s2 =	simm.s32 @!p0 $0x1C02  }
0x90: {  	[timem:s3], [sflag:s2] =	dma.local @!p0 [hbm:s0], s1  }
0x91: {  	s0 =	simm.s32 @!p0 $0x2  }
0x92: {  	_ =	swait.ge @!p0 [sflag:s0], s1  }
0x93: {  	s1 =	ssub.s32 @!p0 $0x0, s1;
	[sflag:s0] =	ssyncset.done @!p0 $0x0  }
0x94: {  	[sflag:s0] =	ssyncadd.s32 @!p0 s1  }
0x95: {  	[bflag:$0x3] =	sbarrier.arrive $0xFFFF  }
0x96: {  	_ =	shalt  }

</sc_bundles>
